<compile_context>
chip_gen: v7x
topology: tpu7x:2x2x1
jax: 0.10.2.dev20260603
libtpu: 0.0.44.dev20260713+nightly
codegen_flags: <defaults>
</compile_context>

<pallas_src>
import jax
import jax.numpy as jnp
from jax.experimental import pallas as pl
from jax.experimental.pallas import tpu as pltpu

_N = 10000
_E = 320000
_F = 128
_C = 64
_H = 4
_DK = 32
_VC = 32
_SH = 9
_G = 16
_RH = 64
_TE = 1600
_NE = _E // _TE
_TN = 1000
_NN = _N // _TN
_SCALE = 1.0 / (32.0 ** 0.5)


def _sh_l2(u):
    x = u[:, 0:1]
    y = u[:, 1:2]
    z = u[:, 2:3]
    s3 = 3.0 ** 0.5
    return jnp.concatenate([
        jnp.ones_like(x), x, y, z,
        s3 * x * y, s3 * y * z, 0.5 * (3.0 * z * z - 1.0),
        s3 * x * z, 0.5 * s3 * (x * x - y * y)], axis=1)


def _dist_sh(rel):
    d2 = jnp.sum(rel * rel, axis=1, keepdims=True)
    dist = jnp.sqrt(d2) + 1e-9
    return dist, _sh_l2(rel / dist)


def _logits_w(dist, qe, ke_raw, wr1, br1, wr2, br2):
    rt = jnp.tanh(dist * wr1 + br1)
    r = jnp.dot(rt, wr2, preferred_element_type=jnp.float32) + br2
    qk = qe * ke_raw * r
    lgs = []
    for hi in range(_H):
        lgs.append(jnp.sum(qk[:, hi * _DK:(hi + 1) * _DK], axis=1, keepdims=True))
    return jnp.exp(jnp.concatenate(lgs, axis=1) * _SCALE)


def _node0_kernel(x_ref, wemb_ref, bemb_ref, wcat_ref, o_ref):
    h = jnp.dot(x_ref[...], wemb_ref[...], preferred_element_type=jnp.float32) + bemb_ref[...]
    o_ref[...] = jnp.dot(h, wcat_ref[...], preferred_element_type=jnp.float32)


def _node1_kernel(nm_ref, denr_ref, wcat_ref, o_ref):
    h = jnp.tanh(nm_ref[...] / denr_ref[...])
    o_ref[...] = jnp.dot(h, wcat_ref[...], preferred_element_type=jnp.float32)


def _edge0_kernel(rel_ref, qe_ref, kv_ref, wr1_ref, br1_ref, wr2_ref, br2_ref,
                  wp_ref, pme_ref, we_ref):
    rel = rel_ref[...]
    dist, sh = _dist_sh(rel)
    qe = qe_ref[...]
    kv = kv_ref[...]
    w = _logits_w(dist, qe, kv[:, :_H * _DK], wr1_ref[...], br1_ref[...],
                  wr2_ref[...], br2_ref[...])
    we_ref[...] = w
    pms = []
    for hi in range(_H):
        v = kv[:, _H * _DK + hi * _VC: _H * _DK + (hi + 1) * _VC]
        pm = jnp.zeros((rel.shape[0], _C), jnp.float32)
        for s in range(_SH):
            pm = pm + sh[:, s:s + 1] * jnp.dot(v, wp_ref[hi, s],
                                               preferred_element_type=jnp.float32)
        pms.append(pm * w[:, hi:hi + 1])
    pme_ref[...] = jnp.concatenate(pms, axis=1)


def _edge1a_kernel(rel_ref, qe_ref, ke_ref, wr1_ref, br1_ref, wr2_ref, br2_ref,
                   we_ref):
    dist, _ = _dist_sh(rel_ref[...])
    we_ref[...] = _logits_w(dist, qe_ref[...], ke_ref[...], wr1_ref[...],
                            br1_ref[...], wr2_ref[...], br2_ref[...])


def _edge1b_kernel(rel_ref, ve_ref, we_ref, dend_ref, ge_ref, wout_ref,
                   o_ref, acc_ref):
    i = pl.program_id(0)

    @pl.when(i == 0)
    def _init():
        acc_ref[...] = jnp.zeros_like(acc_ref)
        o_ref[...] = jnp.zeros_like(o_ref)

    rel = rel_ref[...]
    _, sh = _dist_sh(rel)
    alpha = we_ref[...] / dend_ref[...]
    onehot = (jax.lax.broadcasted_iota(jnp.int32, (rel.shape[0], _G), 1)
              == ge_ref[...]).astype(jnp.float32)
    for hi in range(_H):
        vw = ve_ref[:, hi * _VC:(hi + 1) * _VC] * alpha[:, hi:hi + 1]
        for s in range(_SH):
            x = vw * sh[:, s:s + 1]
            p = jax.lax.dot_general(onehot, x, (((0,), (0,)), ((), ())),
                                    preferred_element_type=jnp.float32)
            col = hi * _VC * _SH + s * _VC
            acc_ref[:, col:col + _VC] = acc_ref[:, col:col + _VC] + p

    @pl.when(i == _NE - 1)
    def _fin():
        o_ref[...] = jnp.dot(acc_ref[...], wout_ref[...],
                             preferred_element_type=jnp.float32)


def _full(shape):
    nd = len(shape)
    return pl.BlockSpec(shape, lambda i: (0,) * nd)


_PAR = pltpu.CompilerParams(dimension_semantics=("parallel",))


def kernel(node_features, pos, edge_index, batch, W_emb, b_emb, Wq, Wk, Wv,
           Wr1, br1, Wr2, br2, Wp, Wout):
    f32 = jnp.float32
    src = edge_index[0]
    dst = edge_index[1]
    bd = jax.scipy.linalg.block_diag

    wcat0 = jnp.concatenate([
        jnp.transpose(Wq[:, 0], (1, 0, 2)).reshape(_C, _H * _DK),
        jnp.transpose(Wk[:, 0], (1, 0, 2)).reshape(_C, _H * _DK),
        jnp.transpose(Wv[:, 0], (1, 0, 2)).reshape(_C, _H * _VC)], axis=1)
    wcat1 = jnp.concatenate([
        bd(*[Wq[h, 1] for h in range(_H)]),
        bd(*[Wk[h, 1] for h in range(_H)]),
        bd(*[Wv[h, 1] for h in range(_H)])], axis=1)
    wr1r = [Wr1[:, li, 0, :].reshape(1, _H * _RH) for li in range(2)]
    br1r = [br1[:, li].reshape(1, _H * _RH) for li in range(2)]
    wr2b = [bd(*[Wr2[h, li] for h in range(_H)]) for li in range(2)]
    br2r = [br2[:, li].reshape(1, _H * _DK) for li in range(2)]
    wp0 = jnp.transpose(Wp[:, 0].reshape(_H, _VC, _SH, _C), (0, 2, 1, 3))
    wout_perm = Wout.reshape(_H, _VC, _SH, -1).transpose(0, 2, 1, 3).reshape(
        _H * _VC * _SH, -1)

    qkv0 = pl.pallas_call(
        _node0_kernel,
        grid=(_NN,),
        in_specs=[pl.BlockSpec((_TN, _F), lambda i: (i, 0)),
                  _full((_F, _C)), _full((1, _C)), _full((_C, 3 * _H * _DK))],
        out_specs=pl.BlockSpec((_TN, 3 * _H * _DK), lambda i: (i, 0)),
        out_shape=jax.ShapeDtypeStruct((_N, 3 * _H * _DK), f32),
        compiler_params=_PAR,
    )(node_features, W_emb, b_emb.reshape(1, _C), wcat0)

    rel = jnp.take(pos, dst, axis=0) - jnp.take(pos, src, axis=0)
    qe0 = jnp.take(qkv0[:, :_H * _DK], dst, axis=0)
    kv0 = jnp.take(qkv0[:, _H * _DK:], src, axis=0)

    pme, we0 = pl.pallas_call(
        _edge0_kernel,
        grid=(_NE,),
        in_specs=[pl.BlockSpec((_TE, 3), lambda i: (i, 0)),
                  pl.BlockSpec((_TE, _H * _DK), lambda i: (i, 0)),
                  pl.BlockSpec((_TE, 2 * _H * _DK), lambda i: (i, 0)),
                  _full((1, _H * _RH)), _full((1, _H * _RH)),
                  _full((_H * _RH, _H * _DK)), _full((1, _H * _DK)),
                  _full((_H, _SH, _VC, _C))],
        out_specs=(pl.BlockSpec((_TE, _H * _C), lambda i: (i, 0)),
                   pl.BlockSpec((_TE, _H), lambda i: (i, 0))),
        out_shape=(jax.ShapeDtypeStruct((_E, _H * _C), f32),
                   jax.ShapeDtypeStruct((_E, _H), f32)),
        compiler_params=_PAR,
    )(rel, qe0, kv0, wr1r[0], br1r[0], wr2b[0], br2r[0], wp0)

    nm = jax.ops.segment_sum(pme, dst, num_segments=_N)
    den0 = jax.ops.segment_sum(we0, dst, num_segments=_N) + 1e-9
    den0r = jnp.repeat(den0, _C, axis=1)

    qkv1 = pl.pallas_call(
        _node1_kernel,
        grid=(_NN,),
        in_specs=[pl.BlockSpec((_TN, _H * _C), lambda i: (i, 0)),
                  pl.BlockSpec((_TN, _H * _C), lambda i: (i, 0)),
                  _full((_H * _C, 3 * _H * _DK))],
        out_specs=pl.BlockSpec((_TN, 3 * _H * _DK), lambda i: (i, 0)),
        out_shape=jax.ShapeDtypeStruct((_N, 3 * _H * _DK), f32),
        compiler_params=_PAR,
    )(nm, den0r, wcat1)

    qe1 = jnp.take(qkv1[:, :_H * _DK], dst, axis=0)
    kv1 = jnp.take(qkv1[:, _H * _DK:], src, axis=0)
    ke1 = kv1[:, :_H * _DK]
    ve1 = kv1[:, _H * _DK:]

    we1 = pl.pallas_call(
        _edge1a_kernel,
        grid=(_NE,),
        in_specs=[pl.BlockSpec((_TE, 3), lambda i: (i, 0)),
                  pl.BlockSpec((_TE, _H * _DK), lambda i: (i, 0)),
                  pl.BlockSpec((_TE, _H * _DK), lambda i: (i, 0)),
                  _full((1, _H * _RH)), _full((1, _H * _RH)),
                  _full((_H * _RH, _H * _DK)), _full((1, _H * _DK))],
        out_specs=pl.BlockSpec((_TE, _H), lambda i: (i, 0)),
        out_shape=jax.ShapeDtypeStruct((_E, _H), f32),
        compiler_params=_PAR,
    )(rel, qe1, ke1, wr1r[1], br1r[1], wr2b[1], br2r[1])

    den1 = jax.ops.segment_sum(we1, dst, num_segments=_N) + 1e-9
    dend = jnp.take(den1, dst, axis=0)
    ge = jnp.take(batch, dst, axis=0).astype(jnp.int32).reshape(_E, 1)

    out = pl.pallas_call(
        _edge1b_kernel,
        grid=(_NE,),
        in_specs=[pl.BlockSpec((_TE, 3), lambda i: (i, 0)),
                  pl.BlockSpec((_TE, _H * _VC), lambda i: (i, 0)),
                  pl.BlockSpec((_TE, _H), lambda i: (i, 0)),
                  pl.BlockSpec((_TE, _H), lambda i: (i, 0)),
                  pl.BlockSpec((_TE, 1), lambda i: (i, 0)),
                  _full((_H * _VC * _SH, Wout.shape[1]))],
        out_specs=pl.BlockSpec((_G, Wout.shape[1]), lambda i: (0, 0)),
        out_shape=jax.ShapeDtypeStruct((_G, Wout.shape[1]), f32),
        scratch_shapes=[pltpu.VMEM((_G, _H * _VC * _SH), f32)],
    )(rel, ve1, we1, dend, ge, wout_perm)
    return out

# --- scband reference (transcript-rebuilt; emitter-appended) ---
"""Pipeline reference for scband-se3-equivariant-transformer-9225589751904 (READ-ONLY COPY).

The authoritative reference and input builder live on the scoring server;
editing this copy changes nothing except your own understanding.
"""

import jax, jax.numpy as jnp
import numpy as np

N = 10000
E = 320000
F = 128
C = 64
H = 4
L = 2
DK = 32
VC = 32
SH = 9
G = 16
DOUT = 64
HEAD_DIM = VC * SH
RH = 64


def spherical_harmonics_l2(u):
    # real spherical harmonics up to l=2 for unit vectors u [E,3] (component basis)
    x, y, z = u[:, 0], u[:, 1], u[:, 2]
    s3 = jnp.sqrt(3.0)
    l0 = jnp.ones_like(x)
    return jnp.stack([
        l0,
        x, y, z,
        s3 * x * y,
        s3 * y * z,
        0.5 * (3.0 * z * z - 1.0),
        s3 * x * z,
        0.5 * s3 * (x * x - y * y),
    ], axis=1)


def setup_inputs(seed: int = 0) -> dict:
    key = jax.random.key(seed)
    ks = jax.random.split(key, 16)
    node_features = jax.random.normal(ks[0], (N, F), dtype=jnp.float32)
    pos = jax.random.normal(ks[1], (N, 3), dtype=jnp.float32)
    edge_index = jax.random.randint(ks[2], (2, E), 0, N)
    batch = jnp.sort(jax.random.randint(ks[3], (N,), 0, G))
    W_emb = jax.random.normal(ks[4], (F, C), dtype=jnp.float32) * 0.05
    b_emb = jnp.zeros((C,), dtype=jnp.float32)
    Wq = jax.random.normal(ks[5], (H, L, C, DK), dtype=jnp.float32) * 0.1
    Wk = jax.random.normal(ks[6], (H, L, C, DK), dtype=jnp.float32) * 0.1
    Wv = jax.random.normal(ks[7], (H, L, C, VC), dtype=jnp.float32) * 0.1
    Wr1 = jax.random.normal(ks[8], (H, L, 1, RH), dtype=jnp.float32) * 0.1
    br1 = jnp.zeros((H, L, RH), dtype=jnp.float32)
    Wr2 = jax.random.normal(ks[9], (H, L, RH, DK), dtype=jnp.float32) * 0.1
    br2 = jnp.zeros((H, L, DK), dtype=jnp.float32)
    Wp = jax.random.normal(ks[10], (H, L, HEAD_DIM, C), dtype=jnp.float32) * 0.05
    Wout = jax.random.normal(ks[11], (H * HEAD_DIM, DOUT), dtype=jnp.float32) * 0.02
    return {
        'node_features': node_features, 'pos': pos, 'edge_index': edge_index, 'batch': batch,
        'W_emb': W_emb, 'b_emb': b_emb, 'Wq': Wq, 'Wk': Wk, 'Wv': Wv,
        'Wr1': Wr1, 'br1': br1, 'Wr2': Wr2, 'br2': br2, 'Wp': Wp, 'Wout': Wout,
    }


def reference(node_features, pos, edge_index, batch, W_emb, b_emb, Wq, Wk, Wv, Wr1, br1, Wr2, br2, Wp, Wout):
    src = edge_index[0]
    dst = edge_index[1]
    rel = pos[dst] - pos[src]
    dist = jnp.linalg.norm(rel, axis=-1, keepdims=True) + 1e-9
    u = rel / dist
    sh = spherical_harmonics_l2(u)  # [E, 9]
    h0 = node_features @ W_emb + b_emb  # initial scalar embedding [N, C]
    head_outputs = []
    for hi in range(H):
        h = h0
        out = None
        for li in range(L):
            # radial network on distances -> key modulation weights
            r = jnp.tanh(dist @ Wr1[hi, li] + br1[hi, li]) @ Wr2[hi, li] + br2[hi, li]  # [E, DK]
            q = (h @ Wq[hi, li])[dst]            # [E, DK]
            k = (h @ Wk[hi, li])[src] * r        # [E, DK]
            logits = jnp.sum(q * k, axis=-1) / jnp.sqrt(float(DK))  # [E]
            m = jax.ops.segment_max(logits, dst, num_segments=N)
            m = jnp.where(jnp.isfinite(m), m, 0.0)
            ex = jnp.exp(logits - m[dst])
            denom = jax.ops.segment_sum(ex, dst, num_segments=N) + 1e-9
            alpha = ex / denom[dst]              # segment softmax over incoming edges
            v = (h @ Wv[hi, li])[src]            # [E, VC]
            # tensor-product-style message: value channels x spherical harmonics
            msg = (v[:, :, None] * sh[:, None, :]).reshape(E, HEAD_DIM) * alpha[:, None]
            out = jax.ops.segment_sum(msg, dst, num_segments=N)  # [N, HEAD_DIM]
            if li < L - 1:
                h = jnp.tanh(out @ Wp[hi, li])   # project back to scalar channels
        head_outputs.append(out)
    feat = jnp.concatenate(head_outputs, axis=1)  # [N, H*HEAD_DIM]
    pooled = jax.ops.segment_sum(feat, batch, num_segments=G)  # global add pool
    return pooled @ Wout  # [G, DOUT]

if __name__ == "__main__":
    import jax
    _d = setup_inputs()
    print(jax.jit(kernel)(*tuple(_d.values())))

</pallas_src>

<mosaic_0001>
module attributes {stable_mosaic.version = 14 : i64} {
  func.func @_node0_kernel(%arg0: i32, %arg1: memref<1000x128xf32, #tpu.memory_space<vmem>>, %arg2: memref<128x64xf32, #tpu.memory_space<vmem>>, %arg3: memref<1x64xf32, #tpu.memory_space<vmem>>, %arg4: memref<64x384xf32, #tpu.memory_space<vmem>>, %arg5: memref<1000x384xf32, #tpu.memory_space<vmem>>) attributes {dimension_semantics = [#tpu.dimension_semantics<parallel>], iteration_bounds = array<i64: 10>, scalar_prefetch = 0 : i64, scratch_operands = 0 : i64, tpu.core_type = #tpu.core_type<tc>, window_params = [{transform_indices = @transform_0, window_bounds = array<i64: 1000, 128>}, {pipeline_mode = #tpu.pipeline_mode<synchronous>, transform_indices = @transform_1, window_bounds = array<i64: 128, 64>}, {pipeline_mode = #tpu.pipeline_mode<synchronous>, transform_indices = @transform_2, window_bounds = array<i64: 1, 64>}, {pipeline_mode = #tpu.pipeline_mode<synchronous>, transform_indices = @transform_3, window_bounds = array<i64: 64, 384>}, {transform_indices = @transform_4, window_bounds = array<i64: 1000, 384>}]} {
    %get3A = arith.constant 0 : index
    %get3A_0 = arith.constant 0 : index
    %get3A_1 = vector.load %arg1[%get3A, %get3A_0] : memref<1000x128xf32, #tpu.memory_space<vmem>>, vector<1000x128xf32>
    %get3A_2 = arith.constant 0 : index
    %get3A_3 = arith.constant 0 : index
    %get3A_4 = vector.load %arg2[%get3A_2, %get3A_3] : memref<128x64xf32, #tpu.memory_space<vmem>>, vector<128x64xf32>
    %dot_general3A = arith.constant dense<0.000000e+00> : vector<1000x64xf32>
    %dot_general3A_5 = tpu.matmul %get3A_1, %get3A_4, %dot_general3A {dimension_numbers = #tpu.dot_dimension_numbers<[1], [0], [0], [1], [0, 0, 1, 1], [], []>, transpose_lhs_hint = false} : vector<1000x128xf32>, vector<128x64xf32>, vector<1000x64xf32> -> vector<1000x64xf32>
    %get3A_6 = arith.constant 0 : index
    %get3A_7 = arith.constant 0 : index
    %get3A_8 = vector.load %arg3[%get3A_6, %get3A_7] : memref<1x64xf32, #tpu.memory_space<vmem>>, vector<1x64xf32>
    %add3A = vector.broadcast %get3A_8 : vector<1x64xf32> to vector<1000x64xf32>
    %add3A_9 = arith.addf %dot_general3A_5, %add3A : vector<1000x64xf32>
    %get3A_10 = arith.constant 0 : index
    %get3A_11 = arith.constant 0 : index
    %get3A_12 = vector.load %arg4[%get3A_10, %get3A_11] : memref<64x384xf32, #tpu.memory_space<vmem>>, vector<64x384xf32>
    %dot_general3A_13 = arith.constant dense<0.000000e+00> : vector<1000x384xf32>
    %dot_general3A_14 = tpu.matmul %add3A_9, %get3A_12, %dot_general3A_13 {dimension_numbers = #tpu.dot_dimension_numbers<[1], [0], [0], [1], [0, 0, 1, 1], [], []>, transpose_lhs_hint = false} : vector<1000x64xf32>, vector<64x384xf32>, vector<1000x384xf32> -> vector<1000x384xf32>
    %swap3A = arith.constant 0 : index
    %swap3A_15 = arith.constant 0 : index
    %swap3A_16 = vector.load %arg5[%swap3A, %swap3A_15] : memref<1000x384xf32, #tpu.memory_space<vmem>>, vector<1000x384xf32>
    tpu.vector_store %arg5[%swap3A, %swap3A_15], %dot_general3A_14 {strides = array<i32>} : memref<1000x384xf32, #tpu.memory_space<vmem>>, vector<1000x384xf32>,
    return
  }
  func.func @transform_0(%arg0: i32) -> (i32, i32) {
    %c0_i32 = arith.constant 0 : i32
    %c0_i32_0 = arith.constant 0 : i32
    return %arg0, %c0_i32 : i32, i32
  }
  func.func @transform_1(%arg0: i32) -> (i32, i32) {
    %c0_i32 = arith.constant 0 : i32
    %c0_i32_0 = arith.constant 0 : i32
    %c0_i32_1 = arith.constant 0 : i32
    return %c0_i32, %c0_i32_0 : i32, i32
  }
  func.func @transform_2(%arg0: i32) -> (i32, i32) {
    %c0_i32 = arith.constant 0 : i32
    %c0_i32_0 = arith.constant 0 : i32
    %c0_i32_1 = arith.constant 0 : i32
    return %c0_i32, %c0_i32_0 : i32, i32
  }
  func.func @transform_3(%arg0: i32) -> (i32, i32) {
    %c0_i32 = arith.constant 0 : i32
    %c0_i32_0 = arith.constant 0 : i32
    %c0_i32_1 = arith.constant 0 : i32
    return %c0_i32, %c0_i32_0 : i32, i32
  }
  func.func @transform_4(%arg0: i32) -> (i32, i32) {
    %c0_i32 = arith.constant 0 : i32
    %c0_i32_0 = arith.constant 0 : i32
    return %arg0, %c0_i32 : i32, i32
  }
}

module attributes {stable_mosaic.version = 14 : i64} {
  func.func @_edge0_kernel(%arg0: i32, %arg1: memref<1600x3xf32, #tpu.memory_space<vmem>>, %arg2: memref<1600x128xf32, #tpu.memory_space<vmem>>, %arg3: memref<1600x256xf32, #tpu.memory_space<vmem>>, %arg4: memref<1x256xf32, #tpu.memory_space<vmem>>, %arg5: memref<1x256xf32, #tpu.memory_space<vmem>>, %arg6: memref<256x128xf32, #tpu.memory_space<vmem>>, %arg7: memref<1x128xf32, #tpu.memory_space<vmem>>, %arg8: memref<4x9x32x64xf32, #tpu.memory_space<vmem>>, %arg9: memref<1600x256xf32, #tpu.memory_space<vmem>>, %arg10: memref<1600x4xf32, #tpu.memory_space<vmem>>) attributes {dimension_semantics = [#tpu.dimension_semantics<parallel>], iteration_bounds = array<i64: 200>, scalar_prefetch = 0 : i64, scratch_operands = 0 : i64, tpu.core_type = #tpu.core_type<tc>, window_params = [{transform_indices = @transform_0, window_bounds = array<i64: 1600, 3>}, {transform_indices = @transform_1, window_bounds = array<i64: 1600, 128>}, {transform_indices = @transform_2, window_bounds = array<i64: 1600, 256>}, {pipeline_mode = #tpu.pipeline_mode<synchronous>, transform_indices = @transform_3, window_bounds = array<i64: 1, 256>}, {pipeline_mode = #tpu.pipeline_mode<synchronous>, transform_indices = @transform_4, window_bounds = array<i64: 1, 256>}, {pipeline_mode = #tpu.pipeline_mode<synchronous>, transform_indices = @transform_5, window_bounds = array<i64: 256, 128>}, {pipeline_mode = #tpu.pipeline_mode<synchronous>, transform_indices = @transform_6, window_bounds = array<i64: 1, 128>}, {pipeline_mode = #tpu.pipeline_mode<synchronous>, transform_indices = @transform_7, window_bounds = array<i64: 4, 9, 32, 64>}, {transform_indices = @transform_8, window_bounds = array<i64: 1600, 256>}, {transform_indices = @transform_9, window_bounds = array<i64: 1600, 4>}]} {
    %get3A = arith.constant 0 : index
    %get3A_0 = arith.constant 0 : index
    %get3A_1 = vector.load %arg1[%get3A, %get3A_0] : memref<1600x3xf32, #tpu.memory_space<vmem>>, vector<1600x3xf32>
    %mul3A = arith.mulf %get3A_1, %get3A_1 : vector<1600x3xf32>
    %reduce_sum3A = arith.constant dense<0.000000e+00> : vector<1600xf32>
    %reduce_sum3A_2 = vector.multi_reduction <add>, %mul3A, %reduce_sum3A [1] : vector<1600x3xf32> to vector<1600xf32>
    %broadcast_in_dim3A = vector.shape_cast %reduce_sum3A_2 : vector<1600xf32> to vector<1600x1xf32>
    %sqrt3A = math.sqrt %broadcast_in_dim3A : vector<1600x1xf32>
    %add3A = arith.constant 9.99999971E-10 : f32
    %add3A_3 = vector.broadcast %add3A : f32 to vector<1600x1xf32>
    %add3A_4 = arith.addf %sqrt3A, %add3A_3 : vector<1600x1xf32>
    %div3A = vector.broadcast %add3A_4 : vector<1600x1xf32> to vector<1600x3xf32>
    %div3A_5 = arith.divf %get3A_1, %div3A : vector<1600x3xf32>
    %slice3A = vector.extract_strided_slice %div3A_5 {offsets = [0, 0], sizes = [1600, 1], strides = [1, 1]} : vector<1600x3xf32> to vector<1600x1xf32>
    %slice3A_6 = vector.extract_strided_slice %div3A_5 {offsets = [0, 1], sizes = [1600, 1], strides = [1, 1]} : vector<1600x3xf32> to vector<1600x1xf32>
    %slice3A_7 = vector.extract_strided_slice %div3A_5 {offsets = [0, 2], sizes = [1600, 1], strides = [1, 1]} : vector<1600x3xf32> to vector<1600x1xf32>
    %broadcast_in_dim3A_8 = arith.constant 1.000000e+00 : f32
    %broadcast_in_dim3A_9 = vector.broadcast %broadcast_in_dim3A_8 : f32 to vector<1600x1xf32>
    %mul3A_10 = arith.constant 1.73205078 : f32
    %mul3A_11 = vector.broadcast %mul3A_10 : f32 to vector<1600x1xf32>
    %mul3A_12 = arith.mulf %mul3A_11, %slice3A : vector<1600x1xf32>
    %mul3A_13 = arith.mulf %mul3A_12, %slice3A_6 : vector<1600x1xf32>
    %mul3A_14 = arith.constant 1.73205078 : f32
    %mul3A_15 = vector.broadcast %mul3A_14 : f32 to vector<1600x1xf32>
    %mul3A_16 = arith.mulf %mul3A_15, %slice3A_6 : vector<1600x1xf32>
    %mul3A_17 = arith.mulf %mul3A_16, %slice3A_7 : vector<1600x1xf32>
    %mul3A_18 = arith.constant 3.000000e+00 : f32
    %mul3A_19 = vector.broadcast %mul3A_18 : f32 to vector<1600x1xf32>
    %mul3A_20 = arith.mulf %mul3A_19, %slice3A_7 : vector<1600x1xf32>
    %mul3A_21 = arith.mulf %mul3A_20, %slice3A_7 : vector<1600x1xf32>
    %sub3A = arith.constant 1.000000e+00 : f32
    %sub3A_22 = vector.broadcast %sub3A : f32 to vector<1600x1xf32>
    %sub3A_23 = arith.subf %mul3A_21, %sub3A_22 : vector<1600x1xf32>
    %mul3A_24 = arith.constant 5.000000e-01 : f32
    %mul3A_25 = vector.broadcast %mul3A_24 : f32 to vector<1600x1xf32>
    %mul3A_26 = arith.mulf %mul3A_25, %sub3A_23 : vector<1600x1xf32>
    %mul3A_27 = arith.constant 1.73205078 : f32
    %mul3A_28 = vector.broadcast %mul3A_27 : f32 to vector<1600x1xf32>
    %mul3A_29 = arith.mulf %mul3A_28, %slice3A : vector<1600x1xf32>
    %mul3A_30 = arith.mulf %mul3A_29, %slice3A_7 : vector<1600x1xf32>
    %mul3A_31 = arith.mulf %slice3A, %slice3A : vector<1600x1xf32>
    %mul3A_32 = arith.mulf %slice3A_6, %slice3A_6 : vector<1600x1xf32>
    %sub3A_33 = arith.subf %mul3A_31, %mul3A_32 : vector<1600x1xf32>
    %mul3A_34 = arith.constant 0.866025388 : f32
    %mul3A_35 = vector.broadcast %mul3A_34 : f32 to vector<1600x1xf32>
    %mul3A_36 = arith.mulf %mul3A_35, %sub3A_33 : vector<1600x1xf32>
    %concatenate3A = tpu.concatenate %broadcast_in_dim3A_9, %slice3A, %slice3A_6, %slice3A_7, %mul3A_13, %mul3A_17, %mul3A_26, %mul3A_30, %mul3A_36 in 1 : vector<1600x1xf32>, vector<1600x1xf32>, vector<1600x1xf32>, vector<1600x1xf32>, vector<1600x1xf32>, vector<1600x1xf32>, vector<1600x1xf32>, vector<1600x1xf32>, vector<1600x1xf32> -> vector<1600x9xf32>
    %get3A_37 = arith.constant 0 : index
    %get3A_38 = arith.constant 0 : index
    %get3A_39 = vector.load %arg2[%get3A_37, %get3A_38] : memref<1600x128xf32, #tpu.memory_space<vmem>>, vector<1600x128xf32>
    %get3A_40 = arith.constant 0 : index
    %get3A_41 = arith.constant 0 : index
    %get3A_42 = vector.load %arg3[%get3A_40, %get3A_41] : memref<1600x256xf32, #tpu.memory_space<vmem>>, vector<1600x256xf32>
    %slice3A_43 = vector.extract_strided_slice %get3A_42 {offsets = [0, 0], sizes = [1600, 128], strides = [1, 1]} : vector<1600x256xf32> to vector<1600x128xf32>
    %get3A_44 = arith.constant 0 : index
    %get3A_45 = arith.constant 0 : index
    %get3A_46 = vector.load %arg4[%get3A_44, %get3A_45] : memref<1x256xf32, #tpu.memory_space<vmem>>, vector<1x256xf32>
    %get3A_47 = arith.constant 0 : index
    %get3A_48 = arith.constant 0 : index
    %get3A_49 = vector.load %arg5[%get3A_47, %get3A_48] : memref<1x256xf32, #tpu.memory_space<vmem>>, vector<1x256xf32>
    %get3A_50 = arith.constant 0 : index
    %get3A_51 = arith.constant 0 : index
    %get3A_52 = vector.load %arg6[%get3A_50, %get3A_51] : memref<256x128xf32, #tpu.memory_space<vmem>>, vector<256x128xf32>
    %get3A_53 = arith.constant 0 : index
    %get3A_54 = arith.constant 0 : index
    %get3A_55 = vector.load %arg7[%get3A_53, %get3A_54] : memref<1x128xf32, #tpu.memory_space<vmem>>, vector<1x128xf32>
    %mul3A_56 = vector.broadcast %add3A_4 : vector<1600x1xf32> to vector<1600x256xf32>
    %mul3A_57 = vector.broadcast %get3A_46 : vector<1x256xf32> to vector<1600x256xf32>
    %mul3A_58 = arith.mulf %mul3A_56, %mul3A_57 : vector<1600x256xf32>
    %add3A_59 = vector.broadcast %get3A_49 : vector<1x256xf32> to vector<1600x256xf32>
    %add3A_60 = arith.addf %mul3A_58, %add3A_59 : vector<1600x256xf32>
    %tanh3A = math.tanh %add3A_60 : vector<1600x256xf32>
    %dot_general3A = arith.constant dense<0.000000e+00> : vector<1600x128xf32>
    %dot_general3A_61 = tpu.matmul %tanh3A, %get3A_52, %dot_general3A {dimension_numbers = #tpu.dot_dimension_numbers<[1], [0], [0], [1], [0, 0, 1, 1], [], []>, transpose_lhs_hint = false} : vector<1600x256xf32>, vector<256x128xf32>, vector<1600x128xf32> -> vector<1600x128xf32>
    %add3A_62 = vector.broadcast %get3A_55 : vector<1x128xf32> to vector<1600x128xf32>
    %add3A_63 = arith.addf %dot_general3A_61, %add3A_62 : vector<1600x128xf32>
    %mul3A_64 = arith.mulf %get3A_39, %slice3A_43 : vector<1600x128xf32>
    %mul3A_65 = arith.mulf %mul3A_64, %add3A_63 : vector<1600x128xf32>
    %slice3A_66 = vector.extract_strided_slice %mul3A_65 {offsets = [0, 0], sizes = [1600, 32], strides = [1, 1]} : vector<1600x128xf32> to vector<1600x32xf32>
    %reduce_sum3A_67 = arith.constant dense<0.000000e+00> : vector<1600xf32>
    %reduce_sum3A_68 = vector.multi_reduction <add>, %slice3A_66, %reduce_sum3A_67 [1] : vector<1600x32xf32> to vector<1600xf32>
    %broadcast_in_dim3A_69 = vector.shape_cast %reduce_sum3A_68 : vector<1600xf32> to vector<1600x1xf32>
    %slice3A_70 = vector.extract_strided_slice %mul3A_65 {offsets = [0, 32], sizes = [1600, 32], strides = [1, 1]} : vector<1600x128xf32> to vector<1600x32xf32>
    %reduce_sum3A_71 = arith.constant dense<0.000000e+00> : vector<1600xf32>
    %reduce_sum3A_72 = vector.multi_reduction <add>, %slice3A_70, %reduce_sum3A_71 [1] : vector<1600x32xf32> to vector<1600xf32>
    %broadcast_in_dim3A_73 = vector.shape_cast %reduce_sum3A_72 : vector<1600xf32> to vector<1600x1xf32>
    %slice3A_74 = vector.extract_strided_slice %mul3A_65 {offsets = [0, 64], sizes = [1600, 32], strides = [1, 1]} : vector<1600x128xf32> to vector<1600x32xf32>
    %reduce_sum3A_75 = arith.constant dense<0.000000e+00> : vector<1600xf32>
    %reduce_sum3A_76 = vector.multi_reduction <add>, %slice3A_74, %reduce_sum3A_75 [1] : vector<1600x32xf32> to vector<1600xf32>
    %broadcast_in_dim3A_77 = vector.shape_cast %reduce_sum3A_76 : vector<1600xf32> to vector<1600x1xf32>
    %slice3A_78 = vector.extract_strided_slice %mul3A_65 {offsets = [0, 96], sizes = [1600, 32], strides = [1, 1]} : vector<1600x128xf32> to vector<1600x32xf32>
    %reduce_sum3A_79 = arith.constant dense<0.000000e+00> : vector<1600xf32>
    %reduce_sum3A_80 = vector.multi_reduction <add>, %slice3A_78, %reduce_sum3A_79 [1] : vector<1600x32xf32> to vector<1600xf32>
    %broadcast_in_dim3A_81 = vector.shape_cast %reduce_sum3A_80 : vector<1600xf32> to vector<1600x1xf32>
    %concatenate3A_82 = tpu.concatenate %broadcast_in_dim3A_69, %broadcast_in_dim3A_73, %broadcast_in_dim3A_77, %broadcast_in_dim3A_81 in 1 : vector<1600x1xf32>, vector<1600x1xf32>, vector<1600x1xf32>, vector<1600x1xf32> -> vector<1600x4xf32>
    %mul3A_83 = arith.constant 0.176776692 : f32
    %mul3A_84 = vector.broadcast %mul3A_83 : f32 to vector<1600x4xf32>
    %mul3A_85 = arith.mulf %concatenate3A_82, %mul3A_84 : vector<1600x4xf32>
    %exp3A = math.exp %mul3A_85 : vector<1600x4xf32>
    %swap3A = arith.constant 0 : index
    %swap3A_86 = arith.constant 0 : index
    %swap3A_87 = vector.load %arg10[%swap3A, %swap3A_86] : memref<1600x4xf32, #tpu.memory_space<vmem>>, vector<1600x4xf32>
    tpu.vector_store %arg10[%swap3A, %swap3A_86], %exp3A {strides = array<i32>} : memref<1600x4xf32, #tpu.memory_space<vmem>>, vector<1600x4xf32>,
    %slice3A_88 = vector.extract_strided_slice %get3A_42 {offsets = [0, 128], sizes = [1600, 32], strides = [1, 1]} : vector<1600x256xf32> to vector<1600x32xf32>
    %broadcast_in_dim3A_89 = arith.constant 0.000000e+00 : f32
    %broadcast_in_dim3A_90 = vector.broadcast %broadcast_in_dim3A_89 : f32 to vector<1600x64xf32>
    %slice3A_91 = vector.extract_strided_slice %concatenate3A {offsets = [0, 0], sizes = [1600, 1], strides = [1, 1]} : vector<1600x9xf32> to vector<1600x1xf32>
    %get3A_92 = arith.constant 0 : index
    %get3A_93 = arith.constant 0 : index
    %get3A_94 = arith.constant 0 : index
    %get3A_95 = arith.constant 0 : index
    %get3A_96 = vector.load %arg8[%get3A_92, %get3A_93, %get3A_94, %get3A_95] : memref<4x9x32x64xf32, #tpu.memory_space<vmem>>, vector<1x1x32x64xf32>
    %get3A_97 = vector.shape_cast %get3A_96 : vector<1x1x32x64xf32> to vector<32x64xf32>
    %dot_general3A_98 = arith.constant dense<0.000000e+00> : vector<1600x64xf32>
    %dot_general3A_99 = tpu.matmul %slice3A_88, %get3A_97, %dot_general3A_98 {dimension_numbers = #tpu.dot_dimension_numbers<[1], [0], [0], [1], [0, 0, 1, 1], [], []>, transpose_lhs_hint = false} : vector<1600x32xf32>, vector<32x64xf32>, vector<1600x64xf32> -> vector<1600x64xf32>
    %mul3A_100 = vector.broadcast %slice3A_91 : vector<1600x1xf32> to vector<1600x64xf32>
    %mul3A_101 = arith.mulf %mul3A_100, %dot_general3A_99 : vector<1600x64xf32>
    %add3A_102 = arith.addf %broadcast_in_dim3A_90, %mul3A_101 : vector<1600x64xf32>
    %slice3A_103 = vector.extract_strided_slice %concatenate3A {offsets = [0, 1], sizes = [1600, 1], strides = [1, 1]} : vector<1600x9xf32> to vector<1600x1xf32>
    %get3A_104 = arith.constant 0 : index
    %get3A_105 = arith.constant 1 : index
    %get3A_106 = arith.constant 0 : index
    %get3A_107 = arith.constant 0 : index
    %get3A_108 = vector.load %arg8[%get3A_104, %get3A_105, %get3A_106, %get3A_107] : memref<4x9x32x64xf32, #tpu.memory_space<vmem>>, vector<1x1x32x64xf32>
    %get3A_109 = vector.shape_cast %get3A_108 : vector<1x1x32x64xf32> to vector<32x64xf32>
    %dot_general3A_110 = arith.constant dense<0.000000e+00> : vector<1600x64xf32>
    %dot_general3A_111 = tpu.matmul %slice3A_88, %get3A_109, %dot_general3A_110 {dimension_numbers = #tpu.dot_dimension_numbers<[1], [0], [0], [1], [0, 0, 1, 1], [], []>, transpose_lhs_hint = false} : vector<1600x32xf32>, vector<32x64xf32>, vector<1600x64xf32> -> vector<1600x64xf32>
    %mul3A_112 = vector.broadcast %slice3A_103 : vector<1600x1xf32> to vector<1600x64xf32>
    %mul3A_113 = arith.mulf %mul3A_112, %dot_general3A_111 : vector<1600x64xf32>
    %add3A_114 = arith.addf %add3A_102, %mul3A_113 : vector<1600x64xf32>
    %slice3A_115 = vector.extract_strided_slice %concatenate3A {offsets = [0, 2], sizes = [1600, 1], strides = [1, 1]} : vector<1600x9xf32> to vector<1600x1xf32>
    %get3A_116 = arith.constant 0 : index
    %get3A_117 = arith.constant 2 : index
    %get3A_118 = arith.constant 0 : index
    %get3A_119 = arith.constant 0 : index
    %get3A_120 = vector.load %arg8[%get3A_116, %get3A_117, %get3A_118, %get3A_119] : memref<4x9x32x64xf32, #tpu.memory_space<vmem>>, vector<1x1x32x64xf32>
    %get3A_121 = vector.shape_cast %get3A_120 : vector<1x1x32x64xf32> to vector<32x64xf32>
    %dot_general3A_122 = arith.constant dense<0.000000e+00> : vector<1600x64xf32>
    %dot_general3A_123 = tpu.matmul %slice3A_88, %get3A_121, %dot_general3A_122 {dimension_numbers = #tpu.dot_dimension_numbers<[1], [0], [0], [1], [0, 0, 1, 1], [], []>, transpose_lhs_hint = false} : vector<1600x32xf32>, vector<32x64xf32>, vector<1600x64xf32> -> vector<1600x64xf32>
    %mul3A_124 = vector.broadcast %slice3A_115 : vector<1600x1xf32> to vector<1600x64xf32>
    %mul3A_125 = arith.mulf %mul3A_124, %dot_general3A_123 : vector<1600x64xf32>
    %add3A_126 = arith.addf %add3A_114, %mul3A_125 : vector<1600x64xf32>
    %slice3A_127 = vector.extract_strided_slice %concatenate3A {offsets = [0, 3], sizes = [1600, 1], strides = [1, 1]} : vector<1600x9xf32> to vector<1600x1xf32>
    %get3A_128 = arith.constant 0 : index
    %get3A_129 = arith.constant 3 : index
    %get3A_130 = arith.constant 0 : index
    %get3A_131 = arith.constant 0 : index
    %get3A_132 = vector.load %arg8[%get3A_128, %get3A_129, %get3A_130, %get3A_131] : memref<4x9x32x64xf32, #tpu.memory_space<vmem>>, vector<1x1x32x64xf32>
    %get3A_133 = vector.shape_cast %get3A_132 : vector<1x1x32x64xf32> to vector<32x64xf32>
    %dot_general3A_134 = arith.constant dense<0.000000e+00> : vector<1600x64xf32>
    %dot_general3A_135 = tpu.matmul %slice3A_88, %get3A_133, %dot_general3A_134 {dimension_numbers = #tpu.dot_dimension_numbers<[1], [0], [0], [1], [0, 0, 1, 1], [], []>, transpose_lhs_hint = false} : vector<1600x32xf32>, vector<32x64xf32>, vector<1600x64xf32> -> vector<1600x64xf32>
    %mul3A_136 = vector.broadcast %slice3A_127 : vector<1600x1xf32> to vector<1600x64xf32>
    %mul3A_137 = arith.mulf %mul3A_136, %dot_general3A_135 : vector<1600x64xf32>
    %add3A_138 = arith.addf %add3A_126, %mul3A_137 : vector<1600x64xf32>
    %slice3A_139 = vector.extract_strided_slice %concatenate3A {offsets = [0, 4], sizes = [1600, 1], strides = [1, 1]} : vector<1600x9xf32> to vector<1600x1xf32>
    %get3A_140 = arith.constant 0 : index
    %get3A_141 = arith.constant 4 : index
    %get3A_142 = arith.constant 0 : index
    %get3A_143 = arith.constant 0 : index
    %get3A_144 = vector.load %arg8[%get3A_140, %get3A_141, %get3A_142, %get3A_143] : memref<4x9x32x64xf32, #tpu.memory_space<vmem>>, vector<1x1x32x64xf32>
    %get3A_145 = vector.shape_cast %get3A_144 : vector<1x1x32x64xf32> to vector<32x64xf32>
    %dot_general3A_146 = arith.constant dense<0.000000e+00> : vector<1600x64xf32>
    %dot_general3A_147 = tpu.matmul %slice3A_88, %get3A_145, %dot_general3A_146 {dimension_numbers = #tpu.dot_dimension_numbers<[1], [0], [0], [1], [0, 0, 1, 1], [], []>, transpose_lhs_hint = false} : vector<1600x32xf32>, vector<32x64xf32>, vector<1600x64xf32> -> vector<1600x64xf32>
    %mul3A_148 = vector.broadcast %slice3A_139 : vector<1600x1xf32> to vector<1600x64xf32>
    %mul3A_149 = arith.mulf %mul3A_148, %dot_general3A_147 : vector<1600x64xf32>
    %add3A_150 = arith.addf %add3A_138, %mul3A_149 : vector<1600x64xf32>
    %slice3A_151 = vector.extract_strided_slice %concatenate3A {offsets = [0, 5], sizes = [1600, 1], strides = [1, 1]} : vector<1600x9xf32> to vector<1600x1xf32>
    %get3A_152 = arith.constant 0 : index
    %get3A_153 = arith.constant 5 : index
    %get3A_154 = arith.constant 0 : index
    %get3A_155 = arith.constant 0 : index
    %get3A_156 = vector.load %arg8[%get3A_152, %get3A_153, %get3A_154, %get3A_155] : memref<4x9x32x64xf32, #tpu.memory_space<vmem>>, vector<1x1x32x64xf32>
    %get3A_157 = vector.shape_cast %get3A_156 : vector<1x1x32x64xf32> to vector<32x64xf32>
    %dot_general3A_158 = arith.constant dense<0.000000e+00> : vector<1600x64xf32>
    %dot_general3A_159 = tpu.matmul %slice3A_88, %get3A_157, %dot_general3A_158 {dimension_numbers = #tpu.dot_dimension_numbers<[1], [0], [0], [1], [0, 0, 1, 1], [], []>, transpose_lhs_hint = false} : vector<1600x32xf32>, vector<32x64xf32>, vector<1600x64xf32> -> vector<1600x64xf32>
    %mul3A_160 = vector.broadcast %slice3A_151 : vector<1600x1xf32> to vector<1600x64xf32>
    %mul3A_161 = arith.mulf %mul3A_160, %dot_general3A_159 : vector<1600x64xf32>
    %add3A_162 = arith.addf %add3A_150, %mul3A_161 : vector<1600x64xf32>
    %slice3A_163 = vector.extract_strided_slice %concatenate3A {offsets = [0, 6], sizes = [1600, 1], strides = [1, 1]} : vector<1600x9xf32> to vector<1600x1xf32>
    %get3A_164 = arith.constant 0 : index
    %get3A_165 = arith.constant 6 : index
    %get3A_166 = arith.constant 0 : index
    %get3A_167 = arith.constant 0 : index
    %get3A_168 = vector.load %arg8[%get3A_164, %get3A_165, %get3A_166, %get3A_167] : memref<4x9x32x64xf32, #tpu.memory_space<vmem>>, vector<1x1x32x64xf32>
    %get3A_169 = vector.shape_cast %get3A_168 : vector<1x1x32x64xf32> to vector<32x64xf32>
    %dot_general3A_170 = arith.constant dense<0.000000e+00> : vector<1600x64xf32>
    %dot_general3A_171 = tpu.matmul %slice3A_88, %get3A_169, %dot_general3A_170 {dimension_numbers = #tpu.dot_dimension_numbers<[1], [0], [0], [1], [0, 0, 1, 1], [], []>, transpose_lhs_hint = false} : vector<1600x32xf32>, vector<32x64xf32>, vector<1600x64xf32> -> vector<1600x64xf32>
    %mul3A_172 = vector.broadcast %slice3A_163 : vector<1600x1xf32> to vector<1600x64xf32>
    %mul3A_173 = arith.mulf %mul3A_172, %dot_general3A_171 : vector<1600x64xf32>
    %add3A_174 = arith.addf %add3A_162, %mul3A_173 : vector<1600x64xf32>
    %slice3A_175 = vector.extract_strided_slice %concatenate3A {offsets = [0, 7], sizes = [1600, 1], strides = [1, 1]} : vector<1600x9xf32> to vector<1600x1xf32>
    %get3A_176 = arith.constant 0 : index
    %get3A_177 = arith.constant 7 : index
    %get3A_178 = arith.constant 0 : index
    %get3A_179 = arith.constant 0 : index
    %get3A_180 = vector.load %arg8[%get3A_176, %get3A_177, %get3A_178, %get3A_179] : memref<4x9x32x64xf32, #tpu.memory_space<vmem>>, vector<1x1x32x64xf32>
    %get3A_181 = vector.shape_cast %get3A_180 : vector<1x1x32x64xf32> to vector<32x64xf32>
    %dot_general3A_182 = arith.constant dense<0.000000e+00> : vector<1600x64xf32>
    %dot_general3A_183 = tpu.matmul %slice3A_88, %get3A_181, %dot_general3A_182 {dimension_numbers = #tpu.dot_dimension_numbers<[1], [0], [0], [1], [0, 0, 1, 1], [], []>, transpose_lhs_hint = false} : vector<1600x32xf32>, vector<32x64xf32>, vector<1600x64xf32> -> vector<1600x64xf32>
    %mul3A_184 = vector.broadcast %slice3A_175 : vector<1600x1xf32> to vector<1600x64xf32>
    %mul3A_185 = arith.mulf %mul3A_184, %dot_general3A_183 : vector<1600x64xf32>
    %add3A_186 = arith.addf %add3A_174, %mul3A_185 : vector<1600x64xf32>
    %slice3A_187 = vector.extract_strided_slice %concatenate3A {offsets = [0, 8], sizes = [1600, 1], strides = [1, 1]} : vector<1600x9xf32> to vector<1600x1xf32>
    %get3A_188 = arith.constant 0 : index
    %get3A_189 = arith.constant 8 : index
    %get3A_190 = arith.constant 0 : index
    %get3A_191 = arith.constant 0 : index
    %get3A_192 = vector.load %arg8[%get3A_188, %get3A_189, %get3A_190, %get3A_191] : memref<4x9x32x64xf32, #tpu.memory_space<vmem>>, vector<1x1x32x64xf32>
    %get3A_193 = vector.shape_cast %get3A_192 : vector<1x1x32x64xf32> to vector<32x64xf32>
    %dot_general3A_194 = arith.constant dense<0.000000e+00> : vector<1600x64xf32>
    %dot_general3A_195 = tpu.matmul %slice3A_88, %get3A_193, %dot_general3A_194 {dimension_numbers = #tpu.dot_dimension_numbers<[1], [0], [0], [1], [0, 0, 1, 1], [], []>, transpose_lhs_hint = false} : vector<1600x32xf32>, vector<32x64xf32>, vector<1600x64xf32> -> vector<1600x64xf32>
    %mul3A_196 = vector.broadcast %slice3A_187 : vector<1600x1xf32> to vector<1600x64xf32>
    %mul3A_197 = arith.mulf %mul3A_196, %dot_general3A_195 : vector<1600x64xf32>
    %add3A_198 = arith.addf %add3A_186, %mul3A_197 : vector<1600x64xf32>
    %slice3A_199 = vector.extract_strided_slice %exp3A {offsets = [0, 0], sizes = [1600, 1], strides = [1, 1]} : vector<1600x4xf32> to vector<1600x1xf32>
    %mul3A_200 = vector.broadcast %slice3A_199 : vector<1600x1xf32> to vector<1600x64xf32>
    %mul3A_201 = arith.mulf %add3A_198, %mul3A_200 : vector<1600x64xf32>
    %slice3A_202 = vector.extract_strided_slice %get3A_42 {offsets = [0, 160], sizes = [1600, 32], strides = [1, 1]} : vector<1600x256xf32> to vector<1600x32xf32>
    %broadcast_in_dim3A_203 = arith.constant 0.000000e+00 : f32
    %broadcast_in_dim3A_204 = vector.broadcast %broadcast_in_dim3A_203 : f32 to vector<1600x64xf32>
    %slice3A_205 = vector.extract_strided_slice %concatenate3A {offsets = [0, 0], sizes = [1600, 1], strides = [1, 1]} : vector<1600x9xf32> to vector<1600x1xf32>
    %get3A_206 = arith.constant 1 : index
    %get3A_207 = arith.constant 0 : index
    %get3A_208 = arith.constant 0 : index
    %get3A_209 = arith.constant 0 : index
    %get3A_210 = vector.load %arg8[%get3A_206, %get3A_207, %get3A_208, %get3A_209] : memref<4x9x32x64xf32, #tpu.memory_space<vmem>>, vector<1x1x32x64xf32>
    %get3A_211 = vector.shape_cast %get3A_210 : vector<1x1x32x64xf32> to vector<32x64xf32>
    %dot_general3A_212 = arith.constant dense<0.000000e+00> : vector<1600x64xf32>
    %dot_general3A_213 = tpu.matmul %slice3A_202, %get3A_211, %dot_general3A_212 {dimension_numbers = #tpu.dot_dimension_numbers<[1], [0], [0], [1], [0, 0, 1, 1], [], []>, transpose_lhs_hint = false} : vector<1600x32xf32>, vector<32x64xf32>, vector<1600x64xf32> -> vector<1600x64xf32>
    %mul3A_214 = vector.broadcast %slice3A_205 : vector<1600x1xf32> to vector<1600x64xf32>
    %mul3A_215 = arith.mulf %mul3A_214, %dot_general3A_213 : vector<1600x64xf32>
    %add3A_216 = arith.addf %broadcast_in_dim3A_204, %mul3A_215 : vector<1600x64xf32>
    %slice3A_217 = vector.extract_strided_slice %concatenate3A {offsets = [0, 1], sizes = [1600, 1], strides = [1, 1]} : vector<1600x9xf32> to vector<1600x1xf32>
    %get3A_218 = arith.constant 1 : index
    %get3A_219 = arith.constant 1 : index
    %get3A_220 = arith.constant 0 : index
    %get3A_221 = arith.constant 0 : index
    %get3A_222 = vector.load %arg8[%get3A_218, %get3A_219, %get3A_220, %get3A_221] : memref<4x9x32x64xf32, #tpu.memory_space<vmem>>, vector<1x1x32x64xf32>
    %get3A_223 = vector.shape_cast %get3A_222 : vector<1x1x32x64xf32> to vector<32x64xf32>
    %dot_general3A_224 = arith.constant dense<0.000000e+00> : vector<1600x64xf32>
    %dot_general3A_225 = tpu.matmul %slice3A_202, %get3A_223, %dot_general3A_224 {dimension_numbers = #tpu.dot_dimension_numbers<[1], [0], [0], [1], [0, 0, 1, 1], [], []>, transpose_lhs_hint = false} : vector<1600x32xf32>, vector<32x64xf32>, vector<1600x64xf32> -> vector<1600x64xf32>
    %mul3A_226 = vector.broadcast %slice3A_217 : vector<1600x1xf32> to vector<1600x64xf32>
    %mul3A_227 = arith.mulf %mul3A_226, %dot_general3A_225 : vector<1600x64xf32>
    %add3A_228 = arith.addf %add3A_216, %mul3A_227 : vector<1600x64xf32>
    %slice3A_229 = vector.extract_strided_slice %concatenate3A {offsets = [0, 2], sizes = [1600, 1], strides = [1, 1]} : vector<1600x9xf32> to vector<1600x1xf32>
    %get3A_230 = arith.constant 1 : index
    %get3A_231 = arith.constant 2 : index
    %get3A_232 = arith.constant 0 : index
    %get3A_233 = arith.constant 0 : index
    %get3A_234 = vector.load %arg8[%get3A_230, %get3A_231, %get3A_232, %get3A_233] : memref<4x9x32x64xf32, #tpu.memory_space<vmem>>, vector<1x1x32x64xf32>
    %get3A_235 = vector.shape_cast %get3A_234 : vector<1x1x32x64xf32> to vector<32x64xf32>
    %dot_general3A_236 = arith.constant dense<0.000000e+00> : vector<1600x64xf32>
    %dot_general3A_237 = tpu.matmul %slice3A_202, %get3A_235, %dot_general3A_236 {dimension_numbers = #tpu.dot_dimension_numbers<[1], [0], [0], [1], [0, 0, 1, 1], [], []>, transpose_lhs_hint = false} : vector<1600x32xf32>, vector<32x64xf32>, vector<1600x64xf32> -> vector<1600x64xf32>
    %mul3A_238 = vector.broadcast %slice3A_229 : vector<1600x1xf32> to vector<1600x64xf32>
    %mul3A_239 = arith.mulf %mul3A_238, %dot_general3A_237 : vector<1600x64xf32>
    %add3A_240 = arith.addf %add3A_228, %mul3A_239 : vector<1600x64xf32>
    %slice3A_241 = vector.extract_strided_slice %concatenate3A {offsets = [0, 3], sizes = [1600, 1], strides = [1, 1]} : vector<1600x9xf32> to vector<1600x1xf32>
    %get3A_242 = arith.constant 1 : index
    %get3A_243 = arith.constant 3 : index
    %get3A_244 = arith.constant 0 : index
    %get3A_245 = arith.constant 0 : index
    %get3A_246 = vector.load %arg8[%get3A_242, %get3A_243, %get3A_244, %get3A_245] : memref<4x9x32x64xf32, #tpu.memory_space<vmem>>, vector<1x1x32x64xf32>
    %get3A_247 = vector.shape_cast %get3A_246 : vector<1x1x32x64xf32> to vector<32x64xf32>
    %dot_general3A_248 = arith.constant dense<0.000000e+00> : vector<1600x64xf32>
    %dot_general3A_249 = tpu.matmul %slice3A_202, %get3A_247, %dot_general3A_248 {dimension_numbers = #tpu.dot_dimension_numbers<[1], [0], [0], [1], [0, 0, 1, 1], [], []>, transpose_lhs_hint = false} : vector<1600x32xf32>, vector<32x64xf32>, vector<1600x64xf32> -> vector<1600x64xf32>
    %mul3A_250 = vector.broadcast %slice3A_241 : vector<1600x1xf32> to vector<1600x64xf32>
    %mul3A_251 = arith.mulf %mul3A_250, %dot_general3A_249 : vector<1600x64xf32>
    %add3A_252 = arith.addf %add3A_240, %mul3A_251 : vector<1600x64xf32>
    %slice3A_253 = vector.extract_strided_slice %concatenate3A {offsets = [0, 4], sizes = [1600, 1], strides = [1, 1]} : vector<1600x9xf32> to vector<1600x1xf32>
    %get3A_254 = arith.constant 1 : index
    %get3A_255 = arith.constant 4 : index
    %get3A_256 = arith.constant 0 : index
    %get3A_257 = arith.constant 0 : index
    %get3A_258 = vector.load %arg8[%get3A_254, %get3A_255, %get3A_256, %get3A_257] : memref<4x9x32x64xf32, #tpu.memory_space<vmem>>, vector<1x1x32x64xf32>
    %get3A_259 = vector.shape_cast %get3A_258 : vector<1x1x32x64xf32> to vector<32x64xf32>
    %dot_general3A_260 = arith.constant dense<0.000000e+00> : vector<1600x64xf32>
    %dot_general3A_261 = tpu.matmul %slice3A_202, %get3A_259, %dot_general3A_260 {dimension_numbers = #tpu.dot_dimension_numbers<[1], [0], [0], [1], [0, 0, 1, 1], [], []>, transpose_lhs_hint = false} : vector<1600x32xf32>, vector<32x64xf32>, vector<1600x64xf32> -> vector<1600x64xf32>
    %mul3A_262 = vector.broadcast %slice3A_253 : vector<1600x1xf32> to vector<1600x64xf32>
    %mul3A_263 = arith.mulf %mul3A_262, %dot_general3A_261 : vector<1600x64xf32>
    %add3A_264 = arith.addf %add3A_252, %mul3A_263 : vector<1600x64xf32>
    %slice3A_265 = vector.extract_strided_slice %concatenate3A {offsets = [0, 5], sizes = [1600, 1], strides = [1, 1]} : vector<1600x9xf32> to vector<1600x1xf32>
    %get3A_266 = arith.constant 1 : index
    %get3A_267 = arith.constant 5 : index
    %get3A_268 = arith.constant 0 : index
    %get3A_269 = arith.constant 0 : index
    %get3A_270 = vector.load %arg8[%get3A_266, %get3A_267, %get3A_268, %get3A_269] : memref<4x9x32x64xf32, #tpu.memory_space<vmem>>, vector<1x1x32x64xf32>
    %get3A_271 = vector.shape_cast %get3A_270 : vector<1x1x32x64xf32> to vector<32x64xf32>
    %dot_general3A_272 = arith.constant dense<0.000000e+00> : vector<1600x64xf32>
    %dot_general3A_273 = tpu.matmul %slice3A_202, %get3A_271, %dot_general3A_272 {dimension_numbers = #tpu.dot_dimension_numbers<[1], [0], [0], [1], [0, 0, 1, 1], [], []>, transpose_lhs_hint = false} : vector<1600x32xf32>, vector<32x64xf32>, vector<1600x64xf32> -> vector<1600x64xf32>
    %mul3A_274 = vector.broadcast %slice3A_265 : vector<1600x1xf32> to vector<1600x64xf32>
    %mul3A_275 = arith.mulf %mul3A_274, %dot_general3A_273 : vector<1600x64xf32>
    %add3A_276 = arith.addf %add3A_264, %mul3A_275 : vector<1600x64xf32>
    %slice3A_277 = vector.extract_strided_slice %concatenate3A {offsets = [0, 6], sizes = [1600, 1], strides = [1, 1]} : vector<1600x9xf32> to vector<1600x1xf32>
    %get3A_278 = arith.constant 1 : index
    %get3A_279 = arith.constant 6 : index
    %get3A_280 = arith.constant 0 : index
    %get3A_281 = arith.constant 0 : index
    %get3A_282 = vector.load %arg8[%get3A_278, %get3A_279, %get3A_280, %get3A_281] : memref<4x9x32x64xf32, #tpu.memory_space<vmem>>, vector<1x1x32x64xf32>
    %get3A_283 = vector.shape_cast %get3A_282 : vector<1x1x32x64xf32> to vector<32x64xf32>
    %dot_general3A_284 = arith.constant dense<0.000000e+00> : vector<1600x64xf32>
    %dot_general3A_285 = tpu.matmul %slice3A_202, %get3A_283, %dot_general3A_284 {dimension_numbers = #tpu.dot_dimension_numbers<[1], [0], [0], [1], [0, 0, 1, 1], [], []>, transpose_lhs_hint = false} : vector<1600x32xf32>, vector<32x64xf32>, vector<1600x64xf32> -> vector<1600x64xf32>
    %mul3A_286 = vector.broadcast %slice3A_277 : vector<1600x1xf32> to vector<1600x64xf32>
    %mul3A_287 = arith.mulf %mul3A_286, %dot_general3A_285 : vector<1600x64xf32>
    %add3A_288 = arith.addf %add3A_276, %mul3A_287 : vector<1600x64xf32>
    %slice3A_289 = vector.extract_strided_slice %concatenate3A {offsets = [0, 7], sizes = [1600, 1], strides = [1, 1]} : vector<1600x9xf32> to vector<1600x1xf32>
    %get3A_290 = arith.constant 1 : index
    %get3A_291 = arith.constant 7 : index
    %get3A_292 = arith.constant 0 : index
    %get3A_293 = arith.constant 0 : index
    %get3A_294 = vector.load %arg8[%get3A_290, %get3A_291, %get3A_292, %get3A_293] : memref<4x9x32x64xf32, #tpu.memory_space<vmem>>, vector<1x1x32x64xf32>
    %get3A_295 = vector.shape_cast %get3A_294 : vector<1x1x32x64xf32> to vector<32x64xf32>
    %dot_general3A_296 = arith.constant dense<0.000000e+00> : vector<1600x64xf32>
    %dot_general3A_297 = tpu.matmul %slice3A_202, %get3A_295, %dot_general3A_296 {dimension_numbers = #tpu.dot_dimension_numbers<[1], [0], [0], [1], [0, 0, 1, 1], [], []>, transpose_lhs_hint = false} : vector<1600x32xf32>, vector<32x64xf32>, vector<1600x64xf32> -> vector<1600x64xf32>
    %mul3A_298 = vector.broadcast %slice3A_289 : vector<1600x1xf32> to vector<1600x64xf32>
    %mul3A_299 = arith.mulf %mul3A_298, %dot_general3A_297 : vector<1600x64xf32>
    %add3A_300 = arith.addf %add3A_288, %mul3A_299 : vector<1600x64xf32>
    %slice3A_301 = vector.extract_strided_slice %concatenate3A {offsets = [0, 8], sizes = [1600, 1], strides = [1, 1]} : vector<1600x9xf32> to vector<1600x1xf32>
    %get3A_302 = arith.constant 1 : index
    %get3A_303 = arith.constant 8 : index
    %get3A_304 = arith.constant 0 : index
    %get3A_305 = arith.constant 0 : index
    %get3A_306 = vector.load %arg8[%get3A_302, %get3A_303, %get3A_304, %get3A_305] : memref<4x9x32x64xf32, #tpu.memory_space<vmem>>, vector<1x1x32x64xf32>
    %get3A_307 = vector.shape_cast %get3A_306 : vector<1x1x32x64xf32> to vector<32x64xf32>
    %dot_general3A_308 = arith.constant dense<0.000000e+00> : vector<1600x64xf32>
    %dot_general3A_309 = tpu.matmul %slice3A_202, %get3A_307, %dot_general3A_308 {dimension_numbers = #tpu.dot_dimension_numbers<[1], [0], [0], [1], [0, 0, 1, 1], [], []>, transpose_lhs_hint = false} : vector<1600x32xf32>, vector<32x64xf32>, vector<1600x64xf32> -> vector<1600x64xf32>
    %mul3A_310 = vector.broadcast %slice3A_301 : vector<1600x1xf32> to vector<1600x64xf32>
    %mul3A_311 = arith.mulf %mul3A_310, %dot_general3A_309 : vector<1600x64xf32>
    %add3A_312 = arith.addf %add3A_300, %mul3A_311 : vector<1600x64xf32>
    %slice3A_313 = vector.extract_strided_slice %exp3A {offsets = [0, 1], sizes = [1600, 1], strides = [1, 1]} : vector<1600x4xf32> to vector<1600x1xf32>
    %mul3A_314 = vector.broadcast %slice3A_313 : vector<1600x1xf32> to vector<1600x64xf32>
    %mul3A_315 = arith.mulf %add3A_312, %mul3A_314 : vector<1600x64xf32>
    %slice3A_316 = vector.extract_strided_slice %get3A_42 {offsets = [0, 192], sizes = [1600, 32], strides = [1, 1]} : vector<1600x256xf32> to vector<1600x32xf32>
    %broadcast_in_dim3A_317 = arith.constant 0.000000e+00 : f32
    %broadcast_in_dim3A_318 = vector.broadcast %broadcast_in_dim3A_317 : f32 to vector<1600x64xf32>
    %slice3A_319 = vector.extract_strided_slice %concatenate3A {offsets = [0, 0], sizes = [1600, 1], strides = [1, 1]} : vector<1600x9xf32> to vector<1600x1xf32>
    %get3A_320 = arith.constant 2 : index
    %get3A_321 = arith.constant 0 : index
    %get3A_322 = arith.constant 0 : index
    %get3A_323 = arith.constant 0 : index
    %get3A_324 = vector.load %arg8[%get3A_320, %get3A_321, %get3A_322, %get3A_323] : memref<4x9x32x64xf32, #tpu.memory_space<vmem>>, vector<1x1x32x64xf32>
    %get3A_325 = vector.shape_cast %get3A_324 : vector<1x1x32x64xf32> to vector<32x64xf32>
    %dot_general3A_326 = arith.constant dense<0.000000e+00> : vector<1600x64xf32>
    %dot_general3A_327 = tpu.matmul %slice3A_316, %get3A_325, %dot_general3A_326 {dimension_numbers = #tpu.dot_dimension_numbers<[1], [0], [0], [1], [0, 0, 1, 1], [], []>, transpose_lhs_hint = false} : vector<1600x32xf32>, vector<32x64xf32>, vector<1600x64xf32> -> vector<1600x64xf32>
    %mul3A_328 = vector.broadcast %slice3A_319 : vector<1600x1xf32> to vector<1600x64xf32>
    %mul3A_329 = arith.mulf %mul3A_328, %dot_general3A_327 : vector<1600x64xf32>
    %add3A_330 = arith.addf %broadcast_in_dim3A_318, %mul3A_329 : vector<1600x64xf32>
    %slice3A_331 = vector.extract_strided_slice %concatenate3A {offsets = [0, 1], sizes = [1600, 1], strides = [1, 1]} : vector<1600x9xf32> to vector<1600x1xf32>
    %get3A_332 = arith.constant 2 : index
    %get3A_333 = arith.constant 1 : index
    %get3A_334 = arith.constant 0 : index
    %get3A_335 = arith.constant 0 : index
    %get3A_336 = vector.load %arg8[%get3A_332, %get3A_333, %get3A_334, %get3A_335] : memref<4x9x32x64xf32, #tpu.memory_space<vmem>>, vector<1x1x32x64xf32>
    %get3A_337 = vector.shape_cast %get3A_336 : vector<1x1x32x64xf32> to vector<32x64xf32>
    %dot_general3A_338 = arith.constant dense<0.000000e+00> : vector<1600x64xf32>
    %dot_general3A_339 = tpu.matmul %slice3A_316, %get3A_337, %dot_general3A_338 {dimension_numbers = #tpu.dot_dimension_numbers<[1], [0], [0], [1], [0, 0, 1, 1], [], []>, transpose_lhs_hint = false} : vector<1600x32xf32>, vector<32x64xf32>, vector<1600x64xf32> -> vector<1600x64xf32>
    %mul3A_340 = vector.broadcast %slice3A_331 : vector<1600x1xf32> to vector<1600x64xf32>
    %mul3A_341 = arith.mulf %mul3A_340, %dot_general3A_339 : vector<1600x64xf32>
    %add3A_342 = arith.addf %add3A_330, %mul3A_341 : vector<1600x64xf32>
    %slice3A_343 = vector.extract_strided_slice %concatenate3A {offsets = [0, 2], sizes = [1600, 1], strides = [1, 1]} : vector<1600x9xf32> to vector<1600x1xf32>
    %get3A_344 = arith.constant 2 : index
    %get3A_345 = arith.constant 2 : index
    %get3A_346 = arith.constant 0 : index
    %get3A_347 = arith.constant 0 : index
    %get3A_348 = vector.load %arg8[%get3A_344, %get3A_345, %get3A_346, %get3A_347] : memref<4x9x32x64xf32, #tpu.memory_space<vmem>>, vector<1x1x32x64xf32>
    %get3A_349 = vector.shape_cast %get3A_348 : vector<1x1x32x64xf32> to vector<32x64xf32>
    %dot_general3A_350 = arith.constant dense<0.000000e+00> : vector<1600x64xf32>
    %dot_general3A_351 = tpu.matmul %slice3A_316, %get3A_349, %dot_general3A_350 {dimension_numbers = #tpu.dot_dimension_numbers<[1], [0], [0], [1], [0, 0, 1, 1], [], []>, transpose_lhs_hint = false} : vector<1600x32xf32>, vector<32x64xf32>, vector<1600x64xf32> -> vector<1600x64xf32>
    %mul3A_352 = vector.broadcast %slice3A_343 : vector<1600x1xf32> to vector<1600x64xf32>
    %mul3A_353 = arith.mulf %mul3A_352, %dot_general3A_351 : vector<1600x64xf32>
    %add3A_354 = arith.addf %add3A_342, %mul3A_353 : vector<1600x64xf32>
    %slice3A_355 = vector.extract_strided_slice %concatenate3A {offsets = [0, 3], sizes = [1600, 1], strides = [1, 1]} : vector<1600x9xf32> to vector<1600x1xf32>
    %get3A_356 = arith.constant 2 : index
    %get3A_357 = arith.constant 3 : index
    %get3A_358 = arith.constant 0 : index
    %get3A_359 = arith.constant 0 : index
    %get3A_360 = vector.load %arg8[%get3A_356, %get3A_357, %get3A_358, %get3A_359] : memref<4x9x32x64xf32, #tpu.memory_space<vmem>>, vector<1x1x32x64xf32>
    %get3A_361 = vector.shape_cast %get3A_360 : vector<1x1x32x64xf32> to vector<32x64xf32>
    %dot_general3A_362 = arith.constant dense<0.000000e+00> : vector<1600x64xf32>
    %dot_general3A_363 = tpu.matmul %slice3A_316, %get3A_361, %dot_general3A_362 {dimension_numbers = #tpu.dot_dimension_numbers<[1], [0], [0], [1], [0, 0, 1, 1], [], []>, transpose_lhs_hint = false} : vector<1600x32xf32>, vector<32x64xf32>, vector<1600x64xf32> -> vector<1600x64xf32>
    %mul3A_364 = vector.broadcast %slice3A_355 : vector<1600x1xf32> to vector<1600x64xf32>
    %mul3A_365 = arith.mulf %mul3A_364, %dot_general3A_363 : vector<1600x64xf32>
    %add3A_366 = arith.addf %add3A_354, %mul3A_365 : vector<1600x64xf32>
    %slice3A_367 = vector.extract_strided_slice %concatenate3A {offsets = [0, 4], sizes = [1600, 1], strides = [1, 1]} : vector<1600x9xf32> to vector<1600x1xf32>
    %get3A_368 = arith.constant 2 : index
    %get3A_369 = arith.constant 4 : index
    %get3A_370 = arith.constant 0 : index
    %get3A_371 = arith.constant 0 : index
    %get3A_372 = vector.load %arg8[%get3A_368, %get3A_369, %get3A_370, %get3A_371] : memref<4x9x32x64xf32, #tpu.memory_space<vmem>>, vector<1x1x32x64xf32>
    %get3A_373 = vector.shape_cast %get3A_372 : vector<1x1x32x64xf32> to vector<32x64xf32>
    %dot_general3A_374 = arith.constant dense<0.000000e+00> : vector<1600x64xf32>
    %dot_general3A_375 = tpu.matmul %slice3A_316, %get3A_373, %dot_general3A_374 {dimension_numbers = #tpu.dot_dimension_numbers<[1], [0], [0], [1], [0, 0, 1, 1], [], []>, transpose_lhs_hint = false} : vector<1600x32xf32>, vector<32x64xf32>, vector<1600x64xf32> -> vector<1600x64xf32>
    %mul3A_376 = vector.broadcast %slice3A_367 : vector<1600x1xf32> to vector<1600x64xf32>
    %mul3A_377 = arith.mulf %mul3A_376, %dot_general3A_375 : vector<1600x64xf32>
    %add3A_378 = arith.addf %add3A_366, %mul3A_377 : vector<1600x64xf32>
    %slice3A_379 = vector.extract_strided_slice %concatenate3A {offsets = [0, 5], sizes = [1600, 1], strides = [1, 1]} : vector<1600x9xf32> to vector<1600x1xf32>
    %get3A_380 = arith.constant 2 : index
    %get3A_381 = arith.constant 5 : index
    %get3A_382 = arith.constant 0 : index
    %get3A_383 = arith.constant 0 : index
    %get3A_384 = vector.load %arg8[%get3A_380, %get3A_381, %get3A_382, %get3A_383] : memref<4x9x32x64xf32, #tpu.memory_space<vmem>>, vector<1x1x32x64xf32>
    %get3A_385 = vector.shape_cast %get3A_384 : vector<1x1x32x64xf32> to vector<32x64xf32>
    %dot_general3A_386 = arith.constant dense<0.000000e+00> : vector<1600x64xf32>
    %dot_general3A_387 = tpu.matmul %slice3A_316, %get3A_385, %dot_general3A_386 {dimension_numbers = #tpu.dot_dimension_numbers<[1], [0], [0], [1], [0, 0, 1, 1], [], []>, transpose_lhs_hint = false} : vector<1600x32xf32>, vector<32x64xf32>, vector<1600x64xf32> -> vector<1600x64xf32>
    %mul3A_388 = vector.broadcast %slice3A_379 : vector<1600x1xf32> to vector<1600x64xf32>
    %mul3A_389 = arith.mulf %mul3A_388, %dot_general3A_387 : vector<1600x64xf32>
    %add3A_390 = arith.addf %add3A_378, %mul3A_389 : vector<1600x64xf32>
    %slice3A_391 = vector.extract_strided_slice %concatenate3A {offsets = [0, 6], sizes = [1600, 1], strides = [1, 1]} : vector<1600x9xf32> to vector<1600x1xf32>
    %get3A_392 = arith.constant 2 : index
    %get3A_393 = arith.constant 6 : index
    %get3A_394 = arith.constant 0 : index
    %get3A_395 = arith.constant 0 : index
    %get3A_396 = vector.load %arg8[%get3A_392, %get3A_393, %get3A_394, %get3A_395] : memref<4x9x32x64xf32, #tpu.memory_space<vmem>>, vector<1x1x32x64xf32>
    %get3A_397 = vector.shape_cast %get3A_396 : vector<1x1x32x64xf32> to vector<32x64xf32>
    %dot_general3A_398 = arith.constant dense<0.000000e+00> : vector<1600x64xf32>
    %dot_general3A_399 = tpu.matmul %slice3A_316, %get3A_397, %dot_general3A_398 {dimension_numbers = #tpu.dot_dimension_numbers<[1], [0], [0], [1], [0, 0, 1, 1], [], []>, transpose_lhs_hint = false} : vector<1600x32xf32>, vector<32x64xf32>, vector<1600x64xf32> -> vector<1600x64xf32>
    %mul3A_400 = vector.broadcast %slice3A_391 : vector<1600x1xf32> to vector<1600x64xf32>
    %mul3A_401 = arith.mulf %mul3A_400, %dot_general3A_399 : vector<1600x64xf32>
    %add3A_402 = arith.addf %add3A_390, %mul3A_401 : vector<1600x64xf32>
    %slice3A_403 = vector.extract_strided_slice %concatenate3A {offsets = [0, 7], sizes = [1600, 1], strides = [1, 1]} : vector<1600x9xf32> to vector<1600x1xf32>
    %get3A_404 = arith.constant 2 : index
    %get3A_405 = arith.constant 7 : index
    %get3A_406 = arith.constant 0 : index
    %get3A_407 = arith.constant 0 : index
    %get3A_408 = vector.load %arg8[%get3A_404, %get3A_405, %get3A_406, %get3A_407] : memref<4x9x32x64xf32, #tpu.memory_space<vmem>>, vector<1x1x32x64xf32>
    %get3A_409 = vector.shape_cast %get3A_408 : vector<1x1x32x64xf32> to vector<32x64xf32>
    %dot_general3A_410 = arith.constant dense<0.000000e+00> : vector<1600x64xf32>
    %dot_general3A_411 = tpu.matmul %slice3A_316, %get3A_409, %dot_general3A_410 {dimension_numbers = #tpu.dot_dimension_numbers<[1], [0], [0], [1], [0, 0, 1, 1], [], []>, transpose_lhs_hint = false} : vector<1600x32xf32>, vector<32x64xf32>, vector<1600x64xf32> -> vector<1600x64xf32>
    %mul3A_412 = vector.broadcast %slice3A_403 : vector<1600x1xf32> to vector<1600x64xf32>
    %mul3A_413 = arith.mulf %mul3A_412, %dot_general3A_411 : vector<1600x64xf32>
    %add3A_414 = arith.addf %add3A_402, %mul3A_413 : vector<1600x64xf32>
    %slice3A_415 = vector.extract_strided_slice %concatenate3A {offsets = [0, 8], sizes = [1600, 1], strides = [1, 1]} : vector<1600x9xf32> to vector<1600x1xf32>
    %get3A_416 = arith.constant 2 : index
    %get3A_417 = arith.constant 8 : index
    %get3A_418 = arith.constant 0 : index
    %get3A_419 = arith.constant 0 : index
    %get3A_420 = vector.load %arg8[%get3A_416, %get3A_417, %get3A_418, %get3A_419] : memref<4x9x32x64xf32, #tpu.memory_space<vmem>>, vector<1x1x32x64xf32>
    %get3A_421 = vector.shape_cast %get3A_420 : vector<1x1x32x64xf32> to vector<32x64xf32>
    %dot_general3A_422 = arith.constant dense<0.000000e+00> : vector<1600x64xf32>
    %dot_general3A_423 = tpu.matmul %slice3A_316, %get3A_421, %dot_general3A_422 {dimension_numbers = #tpu.dot_dimension_numbers<[1], [0], [0], [1], [0, 0, 1, 1], [], []>, transpose_lhs_hint = false} : vector<1600x32xf32>, vector<32x64xf32>, vector<1600x64xf32> -> vector<1600x64xf32>
    %mul3A_424 = vector.broadcast %slice3A_415 : vector<1600x1xf32> to vector<1600x64xf32>
    %mul3A_425 = arith.mulf %mul3A_424, %dot_general3A_423 : vector<1600x64xf32>
    %add3A_426 = arith.addf %add3A_414, %mul3A_425 : vector<1600x64xf32>
    %slice3A_427 = vector.extract_strided_slice %exp3A {offsets = [0, 2], sizes = [1600, 1], strides = [1, 1]} : vector<1600x4xf32> to vector<1600x1xf32>
    %mul3A_428 = vector.broadcast %slice3A_427 : vector<1600x1xf32> to vector<1600x64xf32>
    %mul3A_429 = arith.mulf %add3A_426, %mul3A_428 : vector<1600x64xf32>
    %slice3A_430 = vector.extract_strided_slice %get3A_42 {offsets = [0, 224], sizes = [1600, 32], strides = [1, 1]} : vector<1600x256xf32> to vector<1600x32xf32>
    %broadcast_in_dim3A_431 = arith.constant 0.000000e+00 : f32
    %broadcast_in_dim3A_432 = vector.broadcast %broadcast_in_dim3A_431 : f32 to vector<1600x64xf32>
    %slice3A_433 = vector.extract_strided_slice %concatenate3A {offsets = [0, 0], sizes = [1600, 1], strides = [1, 1]} : vector<1600x9xf32> to vector<1600x1xf32>
    %get3A_434 = arith.constant 3 : index
    %get3A_435 = arith.constant 0 : index
    %get3A_436 = arith.constant 0 : index
    %get3A_437 = arith.constant 0 : index
    %get3A_438 = vector.load %arg8[%get3A_434, %get3A_435, %get3A_436, %get3A_437] : memref<4x9x32x64xf32, #tpu.memory_space<vmem>>, vector<1x1x32x64xf32>
    %get3A_439 = vector.shape_cast %get3A_438 : vector<1x1x32x64xf32> to vector<32x64xf32>
    %dot_general3A_440 = arith.constant dense<0.000000e+00> : vector<1600x64xf32>
    %dot_general3A_441 = tpu.matmul %slice3A_430, %get3A_439, %dot_general3A_440 {dimension_numbers = #tpu.dot_dimension_numbers<[1], [0], [0], [1], [0, 0, 1, 1], [], []>, transpose_lhs_hint = false} : vector<1600x32xf32>, vector<32x64xf32>, vector<1600x64xf32> -> vector<1600x64xf32>
    %mul3A_442 = vector.broadcast %slice3A_433 : vector<1600x1xf32> to vector<1600x64xf32>
    %mul3A_443 = arith.mulf %mul3A_442, %dot_general3A_441 : vector<1600x64xf32>
    %add3A_444 = arith.addf %broadcast_in_dim3A_432, %mul3A_443 : vector<1600x64xf32>
    %slice3A_445 = vector.extract_strided_slice %concatenate3A {offsets = [0, 1], sizes = [1600, 1], strides = [1, 1]} : vector<1600x9xf32> to vector<1600x1xf32>
    %get3A_446 = arith.constant 3 : index
    %get3A_447 = arith.constant 1 : index
    %get3A_448 = arith.constant 0 : index
    %get3A_449 = arith.constant 0 : index
    %get3A_450 = vector.load %arg8[%get3A_446, %get3A_447, %get3A_448, %get3A_449] : memref<4x9x32x64xf32, #tpu.memory_space<vmem>>, vector<1x1x32x64xf32>
    %get3A_451 = vector.shape_cast %get3A_450 : vector<1x1x32x64xf32> to vector<32x64xf32>
    %dot_general3A_452 = arith.constant dense<0.000000e+00> : vector<1600x64xf32>
    %dot_general3A_453 = tpu.matmul %slice3A_430, %get3A_451, %dot_general3A_452 {dimension_numbers = #tpu.dot_dimension_numbers<[1], [0], [0], [1], [0, 0, 1, 1], [], []>, transpose_lhs_hint = false} : vector<1600x32xf32>, vector<32x64xf32>, vector<1600x64xf32> -> vector<1600x64xf32>
    %mul3A_454 = vector.broadcast %slice3A_445 : vector<1600x1xf32> to vector<1600x64xf32>
    %mul3A_455 = arith.mulf %mul3A_454, %dot_general3A_453 : vector<1600x64xf32>
    %add3A_456 = arith.addf %add3A_444, %mul3A_455 : vector<1600x64xf32>
    %slice3A_457 = vector.extract_strided_slice %concatenate3A {offsets = [0, 2], sizes = [1600, 1], strides = [1, 1]} : vector<1600x9xf32> to vector<1600x1xf32>
    %get3A_458 = arith.constant 3 : index
    %get3A_459 = arith.constant 2 : index
    %get3A_460 = arith.constant 0 : index
    %get3A_461 = arith.constant 0 : index
    %get3A_462 = vector.load %arg8[%get3A_458, %get3A_459, %get3A_460, %get3A_461] : memref<4x9x32x64xf32, #tpu.memory_space<vmem>>, vector<1x1x32x64xf32>
    %get3A_463 = vector.shape_cast %get3A_462 : vector<1x1x32x64xf32> to vector<32x64xf32>
    %dot_general3A_464 = arith.constant dense<0.000000e+00> : vector<1600x64xf32>
    %dot_general3A_465 = tpu.matmul %slice3A_430, %get3A_463, %dot_general3A_464 {dimension_numbers = #tpu.dot_dimension_numbers<[1], [0], [0], [1], [0, 0, 1, 1], [], []>, transpose_lhs_hint = false} : vector<1600x32xf32>, vector<32x64xf32>, vector<1600x64xf32> -> vector<1600x64xf32>
    %mul3A_466 = vector.broadcast %slice3A_457 : vector<1600x1xf32> to vector<1600x64xf32>
    %mul3A_467 = arith.mulf %mul3A_466, %dot_general3A_465 : vector<1600x64xf32>
    %add3A_468 = arith.addf %add3A_456, %mul3A_467 : vector<1600x64xf32>
    %slice3A_469 = vector.extract_strided_slice %concatenate3A {offsets = [0, 3], sizes = [1600, 1], strides = [1, 1]} : vector<1600x9xf32> to vector<1600x1xf32>
    %get3A_470 = arith.constant 3 : index
    %get3A_471 = arith.constant 3 : index
    %get3A_472 = arith.constant 0 : index
    %get3A_473 = arith.constant 0 : index
    %get3A_474 = vector.load %arg8[%get3A_470, %get3A_471, %get3A_472, %get3A_473] : memref<4x9x32x64xf32, #tpu.memory_space<vmem>>, vector<1x1x32x64xf32>
    %get3A_475 = vector.shape_cast %get3A_474 : vector<1x1x32x64xf32> to vector<32x64xf32>
    %dot_general3A_476 = arith.constant dense<0.000000e+00> : vector<1600x64xf32>
    %dot_general3A_477 = tpu.matmul %slice3A_430, %get3A_475, %dot_general3A_476 {dimension_numbers = #tpu.dot_dimension_numbers<[1], [0], [0], [1], [0, 0, 1, 1], [], []>, transpose_lhs_hint = false} : vector<1600x32xf32>, vector<32x64xf32>, vector<1600x64xf32> -> vector<1600x64xf32>
    %mul3A_478 = vector.broadcast %slice3A_469 : vector<1600x1xf32> to vector<1600x64xf32>
    %mul3A_479 = arith.mulf %mul3A_478, %dot_general3A_477 : vector<1600x64xf32>
    %add3A_480 = arith.addf %add3A_468, %mul3A_479 : vector<1600x64xf32>
    %slice3A_481 = vector.extract_strided_slice %concatenate3A {offsets = [0, 4], sizes = [1600, 1], strides = [1, 1]} : vector<1600x9xf32> to vector<1600x1xf32>
    %get3A_482 = arith.constant 3 : index
    %get3A_483 = arith.constant 4 : index
    %get3A_484 = arith.constant 0 : index
    %get3A_485 = arith.constant 0 : index
    %get3A_486 = vector.load %arg8[%get3A_482, %get3A_483, %get3A_484, %get3A_485] : memref<4x9x32x64xf32, #tpu.memory_space<vmem>>, vector<1x1x32x64xf32>
    %get3A_487 = vector.shape_cast %get3A_486 : vector<1x1x32x64xf32> to vector<32x64xf32>
    %dot_general3A_488 = arith.constant dense<0.000000e+00> : vector<1600x64xf32>
    %dot_general3A_489 = tpu.matmul %slice3A_430, %get3A_487, %dot_general3A_488 {dimension_numbers = #tpu.dot_dimension_numbers<[1], [0], [0], [1], [0, 0, 1, 1], [], []>, transpose_lhs_hint = false} : vector<1600x32xf32>, vector<32x64xf32>, vector<1600x64xf32> -> vector<1600x64xf32>
    %mul3A_490 = vector.broadcast %slice3A_481 : vector<1600x1xf32> to vector<1600x64xf32>
    %mul3A_491 = arith.mulf %mul3A_490, %dot_general3A_489 : vector<1600x64xf32>
    %add3A_492 = arith.addf %add3A_480, %mul3A_491 : vector<1600x64xf32>
    %slice3A_493 = vector.extract_strided_slice %concatenate3A {offsets = [0, 5], sizes = [1600, 1], strides = [1, 1]} : vector<1600x9xf32> to vector<1600x1xf32>
    %get3A_494 = arith.constant 3 : index
    %get3A_495 = arith.constant 5 : index
    %get3A_496 = arith.constant 0 : index
    %get3A_497 = arith.constant 0 : index
    %get3A_498 = vector.load %arg8[%get3A_494, %get3A_495, %get3A_496, %get3A_497] : memref<4x9x32x64xf32, #tpu.memory_space<vmem>>, vector<1x1x32x64xf32>
    %get3A_499 = vector.shape_cast %get3A_498 : vector<1x1x32x64xf32> to vector<32x64xf32>
    %dot_general3A_500 = arith.constant dense<0.000000e+00> : vector<1600x64xf32>
    %dot_general3A_501 = tpu.matmul %slice3A_430, %get3A_499, %dot_general3A_500 {dimension_numbers = #tpu.dot_dimension_numbers<[1], [0], [0], [1], [0, 0, 1, 1], [], []>, transpose_lhs_hint = false} : vector<1600x32xf32>, vector<32x64xf32>, vector<1600x64xf32> -> vector<1600x64xf32>
    %mul3A_502 = vector.broadcast %slice3A_493 : vector<1600x1xf32> to vector<1600x64xf32>
    %mul3A_503 = arith.mulf %mul3A_502, %dot_general3A_501 : vector<1600x64xf32>
    %add3A_504 = arith.addf %add3A_492, %mul3A_503 : vector<1600x64xf32>
    %slice3A_505 = vector.extract_strided_slice %concatenate3A {offsets = [0, 6], sizes = [1600, 1], strides = [1, 1]} : vector<1600x9xf32> to vector<1600x1xf32>
    %get3A_506 = arith.constant 3 : index
    %get3A_507 = arith.constant 6 : index
    %get3A_508 = arith.constant 0 : index
    %get3A_509 = arith.constant 0 : index
    %get3A_510 = vector.load %arg8[%get3A_506, %get3A_507, %get3A_508, %get3A_509] : memref<4x9x32x64xf32, #tpu.memory_space<vmem>>, vector<1x1x32x64xf32>
    %get3A_511 = vector.shape_cast %get3A_510 : vector<1x1x32x64xf32> to vector<32x64xf32>
    %dot_general3A_512 = arith.constant dense<0.000000e+00> : vector<1600x64xf32>
    %dot_general3A_513 = tpu.matmul %slice3A_430, %get3A_511, %dot_general3A_512 {dimension_numbers = #tpu.dot_dimension_numbers<[1], [0], [0], [1], [0, 0, 1, 1], [], []>, transpose_lhs_hint = false} : vector<1600x32xf32>, vector<32x64xf32>, vector<1600x64xf32> -> vector<1600x64xf32>
    %mul3A_514 = vector.broadcast %slice3A_505 : vector<1600x1xf32> to vector<1600x64xf32>
    %mul3A_515 = arith.mulf %mul3A_514, %dot_general3A_513 : vector<1600x64xf32>
    %add3A_516 = arith.addf %add3A_504, %mul3A_515 : vector<1600x64xf32>
    %slice3A_517 = vector.extract_strided_slice %concatenate3A {offsets = [0, 7], sizes = [1600, 1], strides = [1, 1]} : vector<1600x9xf32> to vector<1600x1xf32>
    %get3A_518 = arith.constant 3 : index
    %get3A_519 = arith.constant 7 : index
    %get3A_520 = arith.constant 0 : index
    %get3A_521 = arith.constant 0 : index
    %get3A_522 = vector.load %arg8[%get3A_518, %get3A_519, %get3A_520, %get3A_521] : memref<4x9x32x64xf32, #tpu.memory_space<vmem>>, vector<1x1x32x64xf32>
    %get3A_523 = vector.shape_cast %get3A_522 : vector<1x1x32x64xf32> to vector<32x64xf32>
    %dot_general3A_524 = arith.constant dense<0.000000e+00> : vector<1600x64xf32>
    %dot_general3A_525 = tpu.matmul %slice3A_430, %get3A_523, %dot_general3A_524 {dimension_numbers = #tpu.dot_dimension_numbers<[1], [0], [0], [1], [0, 0, 1, 1], [], []>, transpose_lhs_hint = false} : vector<1600x32xf32>, vector<32x64xf32>, vector<1600x64xf32> -> vector<1600x64xf32>
    %mul3A_526 = vector.broadcast %slice3A_517 : vector<1600x1xf32> to vector<1600x64xf32>
    %mul3A_527 = arith.mulf %mul3A_526, %dot_general3A_525 : vector<1600x64xf32>
    %add3A_528 = arith.addf %add3A_516, %mul3A_527 : vector<1600x64xf32>
    %slice3A_529 = vector.extract_strided_slice %concatenate3A {offsets = [0, 8], sizes = [1600, 1], strides = [1, 1]} : vector<1600x9xf32> to vector<1600x1xf32>
    %get3A_530 = arith.constant 3 : index
    %get3A_531 = arith.constant 8 : index
    %get3A_532 = arith.constant 0 : index
    %get3A_533 = arith.constant 0 : index
    %get3A_534 = vector.load %arg8[%get3A_530, %get3A_531, %get3A_532, %get3A_533] : memref<4x9x32x64xf32, #tpu.memory_space<vmem>>, vector<1x1x32x64xf32>
    %get3A_535 = vector.shape_cast %get3A_534 : vector<1x1x32x64xf32> to vector<32x64xf32>
    %dot_general3A_536 = arith.constant dense<0.000000e+00> : vector<1600x64xf32>
    %dot_general3A_537 = tpu.matmul %slice3A_430, %get3A_535, %dot_general3A_536 {dimension_numbers = #tpu.dot_dimension_numbers<[1], [0], [0], [1], [0, 0, 1, 1], [], []>, transpose_lhs_hint = false} : vector<1600x32xf32>, vector<32x64xf32>, vector<1600x64xf32> -> vector<1600x64xf32>
    %mul3A_538 = vector.broadcast %slice3A_529 : vector<1600x1xf32> to vector<1600x64xf32>
    %mul3A_539 = arith.mulf %mul3A_538, %dot_general3A_537 : vector<1600x64xf32>
    %add3A_540 = arith.addf %add3A_528, %mul3A_539 : vector<1600x64xf32>
    %slice3A_541 = vector.extract_strided_slice %exp3A {offsets = [0, 3], sizes = [1600, 1], strides = [1, 1]} : vector<1600x4xf32> to vector<1600x1xf32>
    %mul3A_542 = vector.broadcast %slice3A_541 : vector<1600x1xf32> to vector<1600x64xf32>
    %mul3A_543 = arith.mulf %add3A_540, %mul3A_542 : vector<1600x64xf32>
    %concatenate3A_544 = tpu.concatenate %mul3A_201, %mul3A_315, %mul3A_429, %mul3A_543 in 1 : vector<1600x64xf32>, vector<1600x64xf32>, vector<1600x64xf32>, vector<1600x64xf32> -> vector<1600x256xf32>
    %swap3A_545 = arith.constant 0 : index
    %swap3A_546 = arith.constant 0 : index
    %swap3A_547 = vector.load %arg9[%swap3A_545, %swap3A_546] : memref<1600x256xf32, #tpu.memory_space<vmem>>, vector<1600x256xf32>
    tpu.vector_store %arg9[%swap3A_545, %swap3A_546], %concatenate3A_544 {strides = array<i32>} : memref<1600x256xf32, #tpu.memory_space<vmem>>, vector<1600x256xf32>,
    return
  }
  func.func @transform_0(%arg0: i32) -> (i32, i32) {
    %c0_i32 = arith.constant 0 : i32
    %c0_i32_0 = arith.constant 0 : i32
    return %arg0, %c0_i32 : i32, i32
  }
  func.func @transform_1(%arg0: i32) -> (i32, i32) {
    %c0_i32 = arith.constant 0 : i32
    %c0_i32_0 = arith.constant 0 : i32
    return %arg0, %c0_i32 : i32, i32
  }
  func.func @transform_2(%arg0: i32) -> (i32, i32) {
    %c0_i32 = arith.constant 0 : i32
    %c0_i32_0 = arith.constant 0 : i32
    return %arg0, %c0_i32 : i32, i32
  }
  func.func @transform_3(%arg0: i32) -> (i32, i32) {
    %c0_i32 = arith.constant 0 : i32
    %c0_i32_0 = arith.constant 0 : i32
    %c0_i32_1 = arith.constant 0 : i32
    return %c0_i32, %c0_i32_0 : i32, i32
  }
  func.func @transform_4(%arg0: i32) -> (i32, i32) {
    %c0_i32 = arith.constant 0 : i32
    %c0_i32_0 = arith.constant 0 : i32
    %c0_i32_1 = arith.constant 0 : i32
    return %c0_i32, %c0_i32_0 : i32, i32
  }
  func.func @transform_5(%arg0: i32) -> (i32, i32) {
    %c0_i32 = arith.constant 0 : i32
    %c0_i32_0 = arith.constant 0 : i32
    %c0_i32_1 = arith.constant 0 : i32
    return %c0_i32, %c0_i32_0 : i32, i32
  }
  func.func @transform_6(%arg0: i32) -> (i32, i32) {
    %c0_i32 = arith.constant 0 : i32
    %c0_i32_0 = arith.constant 0 : i32
    %c0_i32_1 = arith.constant 0 : i32
    return %c0_i32, %c0_i32_0 : i32, i32
  }
  func.func @transform_7(%arg0: i32) -> (i32, i32, i32, i32) {
    %c0_i32 = arith.constant 0 : i32
    %c0_i32_0 = arith.constant 0 : i32
    %c0_i32_1 = arith.constant 0 : i32
    %c0_i32_2 = arith.constant 0 : i32
    %c0_i32_3 = arith.constant 0 : i32
    return %c0_i32, %c0_i32_0, %c0_i32_1, %c0_i32_2 : i32, i32, i32, i32
  }
  func.func @transform_8(%arg0: i32) -> (i32, i32) {
    %c0_i32 = arith.constant 0 : i32
    %c0_i32_0 = arith.constant 0 : i32
    return %arg0, %c0_i32 : i32, i32
  }
  func.func @transform_9(%arg0: i32) -> (i32, i32) {
    %c0_i32 = arith.constant 0 : i32
    %c0_i32_0 = arith.constant 0 : i32
    return %arg0, %c0_i32 : i32, i32
  }
}

module attributes {stable_mosaic.version = 14 : i64} {
  func.func @_node1_kernel(%arg0: i32, %arg1: memref<1000x256xf32, #tpu.memory_space<vmem>>, %arg2: memref<1000x256xf32, #tpu.memory_space<vmem>>, %arg3: memref<256x384xf32, #tpu.memory_space<vmem>>, %arg4: memref<1000x384xf32, #tpu.memory_space<vmem>>) attributes {dimension_semantics = [#tpu.dimension_semantics<parallel>], iteration_bounds = array<i64: 10>, scalar_prefetch = 0 : i64, scratch_operands = 0 : i64, tpu.core_type = #tpu.core_type<tc>, window_params = [{transform_indices = @transform_0, window_bounds = array<i64: 1000, 256>}, {transform_indices = @transform_1, window_bounds = array<i64: 1000, 256>}, {pipeline_mode = #tpu.pipeline_mode<synchronous>, transform_indices = @transform_2, window_bounds = array<i64: 256, 384>}, {transform_indices = @transform_3, window_bounds = array<i64: 1000, 384>}]} {
    %get3A = arith.constant 0 : index
    %get3A_0 = arith.constant 0 : index
    %get3A_1 = vector.load %arg1[%get3A, %get3A_0] : memref<1000x256xf32, #tpu.memory_space<vmem>>, vector<1000x256xf32>
    %get3A_2 = arith.constant 0 : index
    %get3A_3 = arith.constant 0 : index
    %get3A_4 = vector.load %arg2[%get3A_2, %get3A_3] : memref<1000x256xf32, #tpu.memory_space<vmem>>, vector<1000x256xf32>
    %div3A = arith.divf %get3A_1, %get3A_4 : vector<1000x256xf32>
    %tanh3A = math.tanh %div3A : vector<1000x256xf32>
    %get3A_5 = arith.constant 0 : index
    %get3A_6 = arith.constant 0 : index
    %get3A_7 = vector.load %arg3[%get3A_5, %get3A_6] : memref<256x384xf32, #tpu.memory_space<vmem>>, vector<256x384xf32>
    %dot_general3A = arith.constant dense<0.000000e+00> : vector<1000x384xf32>
    %dot_general3A_8 = tpu.matmul %tanh3A, %get3A_7, %dot_general3A {dimension_numbers = #tpu.dot_dimension_numbers<[1], [0], [0], [1], [0, 0, 1, 1], [], []>, transpose_lhs_hint = false} : vector<1000x256xf32>, vector<256x384xf32>, vector<1000x384xf32> -> vector<1000x384xf32>
    %swap3A = arith.constant 0 : index
    %swap3A_9 = arith.constant 0 : index
    %swap3A_10 = vector.load %arg4[%swap3A, %swap3A_9] : memref<1000x384xf32, #tpu.memory_space<vmem>>, vector<1000x384xf32>
    tpu.vector_store %arg4[%swap3A, %swap3A_9], %dot_general3A_8 {strides = array<i32>} : memref<1000x384xf32, #tpu.memory_space<vmem>>, vector<1000x384xf32>,
    return
  }
  func.func @transform_0(%arg0: i32) -> (i32, i32) {
    %c0_i32 = arith.constant 0 : i32
    %c0_i32_0 = arith.constant 0 : i32
    return %arg0, %c0_i32 : i32, i32
  }
  func.func @transform_1(%arg0: i32) -> (i32, i32) {
    %c0_i32 = arith.constant 0 : i32
    %c0_i32_0 = arith.constant 0 : i32
    return %arg0, %c0_i32 : i32, i32
  }
  func.func @transform_2(%arg0: i32) -> (i32, i32) {
    %c0_i32 = arith.constant 0 : i32
    %c0_i32_0 = arith.constant 0 : i32
    %c0_i32_1 = arith.constant 0 : i32
    return %c0_i32, %c0_i32_0 : i32, i32
  }
  func.func @transform_3(%arg0: i32) -> (i32, i32) {
    %c0_i32 = arith.constant 0 : i32
    %c0_i32_0 = arith.constant 0 : i32
    return %arg0, %c0_i32 : i32, i32
  }
}

module attributes {stable_mosaic.version = 14 : i64} {
  func.func @_edge1a_kernel(%arg0: i32, %arg1: memref<1600x3xf32, #tpu.memory_space<vmem>>, %arg2: memref<1600x128xf32, #tpu.memory_space<vmem>>, %arg3: memref<1600x128xf32, #tpu.memory_space<vmem>>, %arg4: memref<1x256xf32, #tpu.memory_space<vmem>>, %arg5: memref<1x256xf32, #tpu.memory_space<vmem>>, %arg6: memref<256x128xf32, #tpu.memory_space<vmem>>, %arg7: memref<1x128xf32, #tpu.memory_space<vmem>>, %arg8: memref<1600x4xf32, #tpu.memory_space<vmem>>) attributes {dimension_semantics = [#tpu.dimension_semantics<parallel>], iteration_bounds = array<i64: 200>, scalar_prefetch = 0 : i64, scratch_operands = 0 : i64, tpu.core_type = #tpu.core_type<tc>, window_params = [{transform_indices = @transform_0, window_bounds = array<i64: 1600, 3>}, {transform_indices = @transform_1, window_bounds = array<i64: 1600, 128>}, {transform_indices = @transform_2, window_bounds = array<i64: 1600, 128>}, {pipeline_mode = #tpu.pipeline_mode<synchronous>, transform_indices = @transform_3, window_bounds = array<i64: 1, 256>}, {pipeline_mode = #tpu.pipeline_mode<synchronous>, transform_indices = @transform_4, window_bounds = array<i64: 1, 256>}, {pipeline_mode = #tpu.pipeline_mode<synchronous>, transform_indices = @transform_5, window_bounds = array<i64: 256, 128>}, {pipeline_mode = #tpu.pipeline_mode<synchronous>, transform_indices = @transform_6, window_bounds = array<i64: 1, 128>}, {transform_indices = @transform_7, window_bounds = array<i64: 1600, 4>}]} {
    %get3A = arith.constant 0 : index
    %get3A_0 = arith.constant 0 : index
    %get3A_1 = vector.load %arg1[%get3A, %get3A_0] : memref<1600x3xf32, #tpu.memory_space<vmem>>, vector<1600x3xf32>
    %mul3A = arith.mulf %get3A_1, %get3A_1 : vector<1600x3xf32>
    %reduce_sum3A = arith.constant dense<0.000000e+00> : vector<1600xf32>
    %reduce_sum3A_2 = vector.multi_reduction <add>, %mul3A, %reduce_sum3A [1] : vector<1600x3xf32> to vector<1600xf32>
    %broadcast_in_dim3A = vector.shape_cast %reduce_sum3A_2 : vector<1600xf32> to vector<1600x1xf32>
    %sqrt3A = math.sqrt %broadcast_in_dim3A : vector<1600x1xf32>
    %add3A = arith.constant 9.99999971E-10 : f32
    %add3A_3 = vector.broadcast %add3A : f32 to vector<1600x1xf32>
    %add3A_4 = arith.addf %sqrt3A, %add3A_3 : vector<1600x1xf32>
    %get3A_5 = arith.constant 0 : index
    %get3A_6 = arith.constant 0 : index
    %get3A_7 = vector.load %arg2[%get3A_5, %get3A_6] : memref<1600x128xf32, #tpu.memory_space<vmem>>, vector<1600x128xf32>
    %get3A_8 = arith.constant 0 : index
    %get3A_9 = arith.constant 0 : index
    %get3A_10 = vector.load %arg3[%get3A_8, %get3A_9] : memref<1600x128xf32, #tpu.memory_space<vmem>>, vector<1600x128xf32>
    %get3A_11 = arith.constant 0 : index
    %get3A_12 = arith.constant 0 : index
    %get3A_13 = vector.load %arg4[%get3A_11, %get3A_12] : memref<1x256xf32, #tpu.memory_space<vmem>>, vector<1x256xf32>
    %get3A_14 = arith.constant 0 : index
    %get3A_15 = arith.constant 0 : index
    %get3A_16 = vector.load %arg5[%get3A_14, %get3A_15] : memref<1x256xf32, #tpu.memory_space<vmem>>, vector<1x256xf32>
    %get3A_17 = arith.constant 0 : index
    %get3A_18 = arith.constant 0 : index
    %get3A_19 = vector.load %arg6[%get3A_17, %get3A_18] : memref<256x128xf32, #tpu.memory_space<vmem>>, vector<256x128xf32>
    %get3A_20 = arith.constant 0 : index
    %get3A_21 = arith.constant 0 : index
    %get3A_22 = vector.load %arg7[%get3A_20, %get3A_21] : memref<1x128xf32, #tpu.memory_space<vmem>>, vector<1x128xf32>
    %mul3A_23 = vector.broadcast %add3A_4 : vector<1600x1xf32> to vector<1600x256xf32>
    %mul3A_24 = vector.broadcast %get3A_13 : vector<1x256xf32> to vector<1600x256xf32>
    %mul3A_25 = arith.mulf %mul3A_23, %mul3A_24 : vector<1600x256xf32>
    %add3A_26 = vector.broadcast %get3A_16 : vector<1x256xf32> to vector<1600x256xf32>
    %add3A_27 = arith.addf %mul3A_25, %add3A_26 : vector<1600x256xf32>
    %tanh3A = math.tanh %add3A_27 : vector<1600x256xf32>
    %dot_general3A = arith.constant dense<0.000000e+00> : vector<1600x128xf32>
    %dot_general3A_28 = tpu.matmul %tanh3A, %get3A_19, %dot_general3A {dimension_numbers = #tpu.dot_dimension_numbers<[1], [0], [0], [1], [0, 0, 1, 1], [], []>, transpose_lhs_hint = false} : vector<1600x256xf32>, vector<256x128xf32>, vector<1600x128xf32> -> vector<1600x128xf32>
    %add3A_29 = vector.broadcast %get3A_22 : vector<1x128xf32> to vector<1600x128xf32>
    %add3A_30 = arith.addf %dot_general3A_28, %add3A_29 : vector<1600x128xf32>
    %mul3A_31 = arith.mulf %get3A_7, %get3A_10 : vector<1600x128xf32>
    %mul3A_32 = arith.mulf %mul3A_31, %add3A_30 : vector<1600x128xf32>
    %slice3A = vector.extract_strided_slice %mul3A_32 {offsets = [0, 0], sizes = [1600, 32], strides = [1, 1]} : vector<1600x128xf32> to vector<1600x32xf32>
    %reduce_sum3A_33 = arith.constant dense<0.000000e+00> : vector<1600xf32>
    %reduce_sum3A_34 = vector.multi_reduction <add>, %slice3A, %reduce_sum3A_33 [1] : vector<1600x32xf32> to vector<1600xf32>
    %broadcast_in_dim3A_35 = vector.shape_cast %reduce_sum3A_34 : vector<1600xf32> to vector<1600x1xf32>
    %slice3A_36 = vector.extract_strided_slice %mul3A_32 {offsets = [0, 32], sizes = [1600, 32], strides = [1, 1]} : vector<1600x128xf32> to vector<1600x32xf32>
    %reduce_sum3A_37 = arith.constant dense<0.000000e+00> : vector<1600xf32>
    %reduce_sum3A_38 = vector.multi_reduction <add>, %slice3A_36, %reduce_sum3A_37 [1] : vector<1600x32xf32> to vector<1600xf32>
    %broadcast_in_dim3A_39 = vector.shape_cast %reduce_sum3A_38 : vector<1600xf32> to vector<1600x1xf32>
    %slice3A_40 = vector.extract_strided_slice %mul3A_32 {offsets = [0, 64], sizes = [1600, 32], strides = [1, 1]} : vector<1600x128xf32> to vector<1600x32xf32>
    %reduce_sum3A_41 = arith.constant dense<0.000000e+00> : vector<1600xf32>
    %reduce_sum3A_42 = vector.multi_reduction <add>, %slice3A_40, %reduce_sum3A_41 [1] : vector<1600x32xf32> to vector<1600xf32>
    %broadcast_in_dim3A_43 = vector.shape_cast %reduce_sum3A_42 : vector<1600xf32> to vector<1600x1xf32>
    %slice3A_44 = vector.extract_strided_slice %mul3A_32 {offsets = [0, 96], sizes = [1600, 32], strides = [1, 1]} : vector<1600x128xf32> to vector<1600x32xf32>
    %reduce_sum3A_45 = arith.constant dense<0.000000e+00> : vector<1600xf32>
    %reduce_sum3A_46 = vector.multi_reduction <add>, %slice3A_44, %reduce_sum3A_45 [1] : vector<1600x32xf32> to vector<1600xf32>
    %broadcast_in_dim3A_47 = vector.shape_cast %reduce_sum3A_46 : vector<1600xf32> to vector<1600x1xf32>
    %concatenate3A = tpu.concatenate %broadcast_in_dim3A_35, %broadcast_in_dim3A_39, %broadcast_in_dim3A_43, %broadcast_in_dim3A_47 in 1 : vector<1600x1xf32>, vector<1600x1xf32>, vector<1600x1xf32>, vector<1600x1xf32> -> vector<1600x4xf32>
    %mul3A_48 = arith.constant 0.176776692 : f32
    %mul3A_49 = vector.broadcast %mul3A_48 : f32 to vector<1600x4xf32>
    %mul3A_50 = arith.mulf %concatenate3A, %mul3A_49 : vector<1600x4xf32>
    %exp3A = math.exp %mul3A_50 : vector<1600x4xf32>
    %swap3A = arith.constant 0 : index
    %swap3A_51 = arith.constant 0 : index
    %swap3A_52 = vector.load %arg8[%swap3A, %swap3A_51] : memref<1600x4xf32, #tpu.memory_space<vmem>>, vector<1600x4xf32>
    tpu.vector_store %arg8[%swap3A, %swap3A_51], %exp3A {strides = array<i32>} : memref<1600x4xf32, #tpu.memory_space<vmem>>, vector<1600x4xf32>,
    return
  }
  func.func @transform_0(%arg0: i32) -> (i32, i32) {
    %c0_i32 = arith.constant 0 : i32
    %c0_i32_0 = arith.constant 0 : i32
    return %arg0, %c0_i32 : i32, i32
  }
  func.func @transform_1(%arg0: i32) -> (i32, i32) {
    %c0_i32 = arith.constant 0 : i32
    %c0_i32_0 = arith.constant 0 : i32
    return %arg0, %c0_i32 : i32, i32
  }
  func.func @transform_2(%arg0: i32) -> (i32, i32) {
    %c0_i32 = arith.constant 0 : i32
    %c0_i32_0 = arith.constant 0 : i32
    return %arg0, %c0_i32 : i32, i32
  }
  func.func @transform_3(%arg0: i32) -> (i32, i32) {
    %c0_i32 = arith.constant 0 : i32
    %c0_i32_0 = arith.constant 0 : i32
    %c0_i32_1 = arith.constant 0 : i32
    return %c0_i32, %c0_i32_0 : i32, i32
  }
  func.func @transform_4(%arg0: i32) -> (i32, i32) {
    %c0_i32 = arith.constant 0 : i32
    %c0_i32_0 = arith.constant 0 : i32
    %c0_i32_1 = arith.constant 0 : i32
    return %c0_i32, %c0_i32_0 : i32, i32
  }
  func.func @transform_5(%arg0: i32) -> (i32, i32) {
    %c0_i32 = arith.constant 0 : i32
    %c0_i32_0 = arith.constant 0 : i32
    %c0_i32_1 = arith.constant 0 : i32
    return %c0_i32, %c0_i32_0 : i32, i32
  }
  func.func @transform_6(%arg0: i32) -> (i32, i32) {
    %c0_i32 = arith.constant 0 : i32
    %c0_i32_0 = arith.constant 0 : i32
    %c0_i32_1 = arith.constant 0 : i32
    return %c0_i32, %c0_i32_0 : i32, i32
  }
  func.func @transform_7(%arg0: i32) -> (i32, i32) {
    %c0_i32 = arith.constant 0 : i32
    %c0_i32_0 = arith.constant 0 : i32
    return %arg0, %c0_i32 : i32, i32
  }
}

module attributes {stable_mosaic.version = 14 : i64} {
  func.func @_edge1b_kernel(%arg0: i32, %arg1: memref<1600x3xf32, #tpu.memory_space<vmem>>, %arg2: memref<1600x128xf32, #tpu.memory_space<vmem>>, %arg3: memref<1600x4xf32, #tpu.memory_space<vmem>>, %arg4: memref<1600x4xf32, #tpu.memory_space<vmem>>, %arg5: memref<1600x1xi32, #tpu.memory_space<vmem>>, %arg6: memref<1152x64xf32, #tpu.memory_space<vmem>>, %arg7: memref<16x64xf32, #tpu.memory_space<vmem>>, %arg8: memref<16x1152xf32, #tpu.memory_space<vmem>>) attributes {dimension_semantics = [#tpu.dimension_semantics<arbitrary>], iteration_bounds = array<i64: 200>, scalar_prefetch = 0 : i64, scratch_operands = 1 : i64, tpu.core_type = #tpu.core_type<tc>, window_params = [{transform_indices = @transform_0, window_bounds = array<i64: 1600, 3>}, {transform_indices = @transform_1, window_bounds = array<i64: 1600, 128>}, {transform_indices = @transform_2, window_bounds = array<i64: 1600, 4>}, {transform_indices = @transform_3, window_bounds = array<i64: 1600, 4>}, {transform_indices = @transform_4, window_bounds = array<i64: 1600, 1>}, {pipeline_mode = #tpu.pipeline_mode<synchronous>, transform_indices = @transform_5, window_bounds = array<i64: 1152, 64>}, {pipeline_mode = #tpu.pipeline_mode<synchronous>, transform_indices = @transform_6, window_bounds = array<i64: 16, 64>}]} {
    %eq3A = arith.constant 0 : i32
    %eq3A_0 = arith.cmpi eq, %arg0, %eq3A : i32
    %convert_element_type3A = arith.extui %eq3A_0 : i1 to i32
    %cond3A = arith.constant 0 : i32
    %cond3A_1 = arith.cmpi ne, %convert_element_type3A, %cond3A : i32
    scf.if %cond3A_1 {
      %broadcast_in_dim3A_512 = arith.constant 0.000000e+00 : f32
      %broadcast_in_dim3A_513 = vector.broadcast %broadcast_in_dim3A_512 : f32 to vector<16x1152xf32>
      %swap3A_514 = arith.constant 0 : index
      %swap3A_515 = arith.constant 0 : index
      %swap3A_516 = vector.load %arg8[%swap3A_514, %swap3A_515] : memref<16x1152xf32, #tpu.memory_space<vmem>>, vector<16x1152xf32>
      tpu.vector_store %arg8[%swap3A_514, %swap3A_515], %broadcast_in_dim3A_513 {strides = array<i32>} : memref<16x1152xf32, #tpu.memory_space<vmem>>, vector<16x1152xf32>,
      %broadcast_in_dim3A_517 = arith.constant 0.000000e+00 : f32
      %broadcast_in_dim3A_518 = vector.broadcast %broadcast_in_dim3A_517 : f32 to vector<16x64xf32>
      %swap3A_519 = arith.constant 0 : index
      %swap3A_520 = arith.constant 0 : index
      %swap3A_521 = vector.load %arg7[%swap3A_519, %swap3A_520] : memref<16x64xf32, #tpu.memory_space<vmem>>, vector<16x64xf32>
      tpu.vector_store %arg7[%swap3A_519, %swap3A_520], %broadcast_in_dim3A_518 {strides = array<i32>} : memref<16x64xf32, #tpu.memory_space<vmem>>, vector<16x64xf32>,
    } else {
    }
    %get3A = arith.constant 0 : index
    %get3A_2 = arith.constant 0 : index
    %get3A_3 = vector.load %arg1[%get3A, %get3A_2] : memref<1600x3xf32, #tpu.memory_space<vmem>>, vector<1600x3xf32>
    %mul3A = arith.mulf %get3A_3, %get3A_3 : vector<1600x3xf32>
    %reduce_sum3A = arith.constant dense<0.000000e+00> : vector<1600xf32>
    %reduce_sum3A_4 = vector.multi_reduction <add>, %mul3A, %reduce_sum3A [1] : vector<1600x3xf32> to vector<1600xf32>
    %broadcast_in_dim3A = vector.shape_cast %reduce_sum3A_4 : vector<1600xf32> to vector<1600x1xf32>
    %sqrt3A = math.sqrt %broadcast_in_dim3A : vector<1600x1xf32>
    %add3A = arith.constant 9.99999971E-10 : f32
    %add3A_5 = vector.broadcast %add3A : f32 to vector<1600x1xf32>
    %add3A_6 = arith.addf %sqrt3A, %add3A_5 : vector<1600x1xf32>
    %div3A = vector.broadcast %add3A_6 : vector<1600x1xf32> to vector<1600x3xf32>
    %div3A_7 = arith.divf %get3A_3, %div3A : vector<1600x3xf32>
    %slice3A = vector.extract_strided_slice %div3A_7 {offsets = [0, 0], sizes = [1600, 1], strides = [1, 1]} : vector<1600x3xf32> to vector<1600x1xf32>
    %slice3A_8 = vector.extract_strided_slice %div3A_7 {offsets = [0, 1], sizes = [1600, 1], strides = [1, 1]} : vector<1600x3xf32> to vector<1600x1xf32>
    %slice3A_9 = vector.extract_strided_slice %div3A_7 {offsets = [0, 2], sizes = [1600, 1], strides = [1, 1]} : vector<1600x3xf32> to vector<1600x1xf32>
    %broadcast_in_dim3A_10 = arith.constant 1.000000e+00 : f32
    %broadcast_in_dim3A_11 = vector.broadcast %broadcast_in_dim3A_10 : f32 to vector<1600x1xf32>
    %mul3A_12 = arith.constant 1.73205078 : f32
    %mul3A_13 = vector.broadcast %mul3A_12 : f32 to vector<1600x1xf32>
    %mul3A_14 = arith.mulf %mul3A_13, %slice3A : vector<1600x1xf32>
    %mul3A_15 = arith.mulf %mul3A_14, %slice3A_8 : vector<1600x1xf32>
    %mul3A_16 = arith.constant 1.73205078 : f32
    %mul3A_17 = vector.broadcast %mul3A_16 : f32 to vector<1600x1xf32>
    %mul3A_18 = arith.mulf %mul3A_17, %slice3A_8 : vector<1600x1xf32>
    %mul3A_19 = arith.mulf %mul3A_18, %slice3A_9 : vector<1600x1xf32>
    %mul3A_20 = arith.constant 3.000000e+00 : f32
    %mul3A_21 = vector.broadcast %mul3A_20 : f32 to vector<1600x1xf32>
    %mul3A_22 = arith.mulf %mul3A_21, %slice3A_9 : vector<1600x1xf32>
    %mul3A_23 = arith.mulf %mul3A_22, %slice3A_9 : vector<1600x1xf32>
    %sub3A = arith.constant 1.000000e+00 : f32
    %sub3A_24 = vector.broadcast %sub3A : f32 to vector<1600x1xf32>
    %sub3A_25 = arith.subf %mul3A_23, %sub3A_24 : vector<1600x1xf32>
    %mul3A_26 = arith.constant 5.000000e-01 : f32
    %mul3A_27 = vector.broadcast %mul3A_26 : f32 to vector<1600x1xf32>
    %mul3A_28 = arith.mulf %mul3A_27, %sub3A_25 : vector<1600x1xf32>
    %mul3A_29 = arith.constant 1.73205078 : f32
    %mul3A_30 = vector.broadcast %mul3A_29 : f32 to vector<1600x1xf32>
    %mul3A_31 = arith.mulf %mul3A_30, %slice3A : vector<1600x1xf32>
    %mul3A_32 = arith.mulf %mul3A_31, %slice3A_9 : vector<1600x1xf32>
    %mul3A_33 = arith.mulf %slice3A, %slice3A : vector<1600x1xf32>
    %mul3A_34 = arith.mulf %slice3A_8, %slice3A_8 : vector<1600x1xf32>
    %sub3A_35 = arith.subf %mul3A_33, %mul3A_34 : vector<1600x1xf32>
    %mul3A_36 = arith.constant 0.866025388 : f32
    %mul3A_37 = vector.broadcast %mul3A_36 : f32 to vector<1600x1xf32>
    %mul3A_38 = arith.mulf %mul3A_37, %sub3A_35 : vector<1600x1xf32>
    %concatenate3A = tpu.concatenate %broadcast_in_dim3A_11, %slice3A, %slice3A_8, %slice3A_9, %mul3A_15, %mul3A_19, %mul3A_28, %mul3A_32, %mul3A_38 in 1 : vector<1600x1xf32>, vector<1600x1xf32>, vector<1600x1xf32>, vector<1600x1xf32>, vector<1600x1xf32>, vector<1600x1xf32>, vector<1600x1xf32>, vector<1600x1xf32>, vector<1600x1xf32> -> vector<1600x9xf32>
    %get3A_39 = arith.constant 0 : index
    %get3A_40 = arith.constant 0 : index
    %get3A_41 = vector.load %arg3[%get3A_39, %get3A_40] : memref<1600x4xf32, #tpu.memory_space<vmem>>, vector<1600x4xf32>
    %get3A_42 = arith.constant 0 : index
    %get3A_43 = arith.constant 0 : index
    %get3A_44 = vector.load %arg4[%get3A_42, %get3A_43] : memref<1600x4xf32, #tpu.memory_space<vmem>>, vector<1600x4xf32>
    %div3A_45 = arith.divf %get3A_41, %get3A_44 : vector<1600x4xf32>
    %iota3A = tpu.iota {dimensions = array<i32: 1>} : vector<1600x16xi32>
    %get3A_46 = arith.constant 0 : index
    %get3A_47 = arith.constant 0 : index
    %get3A_48 = vector.load %arg5[%get3A_46, %get3A_47] : memref<1600x1xi32, #tpu.memory_space<vmem>>, vector<1600x1xi32>
    %eq3A_49 = vector.broadcast %get3A_48 : vector<1600x1xi32> to vector<1600x16xi32>
    %eq3A_50 = arith.cmpi eq, %iota3A, %eq3A_49 : vector<1600x16xi32>
    %convert_element_type3A_51 = arith.extui %eq3A_50 : vector<1600x16xi1> to vector<1600x16xi32>
    %convert_element_type3A_52 = arith.sitofp %convert_element_type3A_51 : vector<1600x16xi32> to vector<1600x16xf32>
    %get3A_53 = arith.constant 0 : index
    %get3A_54 = arith.constant 0 : index
    %get3A_55 = vector.load %arg2[%get3A_53, %get3A_54] : memref<1600x128xf32, #tpu.memory_space<vmem>>, vector<1600x32xf32>
    %slice3A_56 = vector.extract_strided_slice %div3A_45 {offsets = [0, 0], sizes = [1600, 1], strides = [1, 1]} : vector<1600x4xf32> to vector<1600x1xf32>
    %mul3A_57 = vector.broadcast %slice3A_56 : vector<1600x1xf32> to vector<1600x32xf32>
    %mul3A_58 = arith.mulf %get3A_55, %mul3A_57 : vector<1600x32xf32>
    %slice3A_59 = vector.extract_strided_slice %concatenate3A {offsets = [0, 0], sizes = [1600, 1], strides = [1, 1]} : vector<1600x9xf32> to vector<1600x1xf32>
    %mul3A_60 = vector.broadcast %slice3A_59 : vector<1600x1xf32> to vector<1600x32xf32>
    %mul3A_61 = arith.mulf %mul3A_58, %mul3A_60 : vector<1600x32xf32>
    %dot_general3A = arith.constant dense<0.000000e+00> : vector<16x32xf32>
    %dot_general3A_62 = tpu.matmul %convert_element_type3A_52, %mul3A_61, %dot_general3A {dimension_numbers = #tpu.dot_dimension_numbers<[0], [0], [1], [1], [0, 1, 1, 1], [], []>, transpose_lhs_hint = false} : vector<1600x16xf32>, vector<1600x32xf32>, vector<16x32xf32> -> vector<16x32xf32>
    %get3A_63 = arith.constant 0 : index
    %get3A_64 = arith.constant 0 : index
    %get3A_65 = vector.load %arg8[%get3A_63, %get3A_64] : memref<16x1152xf32, #tpu.memory_space<vmem>>, vector<16x32xf32>
    %add3A_66 = arith.addf %get3A_65, %dot_general3A_62 : vector<16x32xf32>
    %swap3A = arith.constant 0 : index
    %swap3A_67 = arith.constant 0 : index
    %swap3A_68 = vector.load %arg8[%swap3A, %swap3A_67] : memref<16x1152xf32, #tpu.memory_space<vmem>>, vector<16x32xf32>
    tpu.vector_store %arg8[%swap3A, %swap3A_67], %add3A_66 {strides = array<i32>} : memref<16x1152xf32, #tpu.memory_space<vmem>>, vector<16x32xf32>,
    %slice3A_69 = vector.extract_strided_slice %concatenate3A {offsets = [0, 1], sizes = [1600, 1], strides = [1, 1]} : vector<1600x9xf32> to vector<1600x1xf32>
    %mul3A_70 = vector.broadcast %slice3A_69 : vector<1600x1xf32> to vector<1600x32xf32>
    %mul3A_71 = arith.mulf %mul3A_58, %mul3A_70 : vector<1600x32xf32>
    %dot_general3A_72 = arith.constant dense<0.000000e+00> : vector<16x32xf32>
    %dot_general3A_73 = tpu.matmul %convert_element_type3A_52, %mul3A_71, %dot_general3A_72 {dimension_numbers = #tpu.dot_dimension_numbers<[0], [0], [1], [1], [0, 1, 1, 1], [], []>, transpose_lhs_hint = false} : vector<1600x16xf32>, vector<1600x32xf32>, vector<16x32xf32> -> vector<16x32xf32>
    %get3A_74 = arith.constant 0 : index
    %get3A_75 = arith.constant 32 : index
    %get3A_76 = vector.load %arg8[%get3A_74, %get3A_75] : memref<16x1152xf32, #tpu.memory_space<vmem>>, vector<16x32xf32>
    %add3A_77 = arith.addf %get3A_76, %dot_general3A_73 : vector<16x32xf32>
    %swap3A_78 = arith.constant 0 : index
    %swap3A_79 = arith.constant 32 : index
    %swap3A_80 = vector.load %arg8[%swap3A_78, %swap3A_79] : memref<16x1152xf32, #tpu.memory_space<vmem>>, vector<16x32xf32>
    tpu.vector_store %arg8[%swap3A_78, %swap3A_79], %add3A_77 {strides = array<i32>} : memref<16x1152xf32, #tpu.memory_space<vmem>>, vector<16x32xf32>,
    %slice3A_81 = vector.extract_strided_slice %concatenate3A {offsets = [0, 2], sizes = [1600, 1], strides = [1, 1]} : vector<1600x9xf32> to vector<1600x1xf32>
    %mul3A_82 = vector.broadcast %slice3A_81 : vector<1600x1xf32> to vector<1600x32xf32>
    %mul3A_83 = arith.mulf %mul3A_58, %mul3A_82 : vector<1600x32xf32>
    %dot_general3A_84 = arith.constant dense<0.000000e+00> : vector<16x32xf32>
    %dot_general3A_85 = tpu.matmul %convert_element_type3A_52, %mul3A_83, %dot_general3A_84 {dimension_numbers = #tpu.dot_dimension_numbers<[0], [0], [1], [1], [0, 1, 1, 1], [], []>, transpose_lhs_hint = false} : vector<1600x16xf32>, vector<1600x32xf32>, vector<16x32xf32> -> vector<16x32xf32>
    %get3A_86 = arith.constant 0 : index
    %get3A_87 = arith.constant 64 : index
    %get3A_88 = vector.load %arg8[%get3A_86, %get3A_87] : memref<16x1152xf32, #tpu.memory_space<vmem>>, vector<16x32xf32>
    %add3A_89 = arith.addf %get3A_88, %dot_general3A_85 : vector<16x32xf32>
    %swap3A_90 = arith.constant 0 : index
    %swap3A_91 = arith.constant 64 : index
    %swap3A_92 = vector.load %arg8[%swap3A_90, %swap3A_91] : memref<16x1152xf32, #tpu.memory_space<vmem>>, vector<16x32xf32>
    tpu.vector_store %arg8[%swap3A_90, %swap3A_91], %add3A_89 {strides = array<i32>} : memref<16x1152xf32, #tpu.memory_space<vmem>>, vector<16x32xf32>,
    %slice3A_93 = vector.extract_strided_slice %concatenate3A {offsets = [0, 3], sizes = [1600, 1], strides = [1, 1]} : vector<1600x9xf32> to vector<1600x1xf32>
    %mul3A_94 = vector.broadcast %slice3A_93 : vector<1600x1xf32> to vector<1600x32xf32>
    %mul3A_95 = arith.mulf %mul3A_58, %mul3A_94 : vector<1600x32xf32>
    %dot_general3A_96 = arith.constant dense<0.000000e+00> : vector<16x32xf32>
    %dot_general3A_97 = tpu.matmul %convert_element_type3A_52, %mul3A_95, %dot_general3A_96 {dimension_numbers = #tpu.dot_dimension_numbers<[0], [0], [1], [1], [0, 1, 1, 1], [], []>, transpose_lhs_hint = false} : vector<1600x16xf32>, vector<1600x32xf32>, vector<16x32xf32> -> vector<16x32xf32>
    %get3A_98 = arith.constant 0 : index
    %get3A_99 = arith.constant 96 : index
    %get3A_100 = vector.load %arg8[%get3A_98, %get3A_99] : memref<16x1152xf32, #tpu.memory_space<vmem>>, vector<16x32xf32>
    %add3A_101 = arith.addf %get3A_100, %dot_general3A_97 : vector<16x32xf32>
    %swap3A_102 = arith.constant 0 : index
    %swap3A_103 = arith.constant 96 : index
    %swap3A_104 = vector.load %arg8[%swap3A_102, %swap3A_103] : memref<16x1152xf32, #tpu.memory_space<vmem>>, vector<16x32xf32>
    tpu.vector_store %arg8[%swap3A_102, %swap3A_103], %add3A_101 {strides = array<i32>} : memref<16x1152xf32, #tpu.memory_space<vmem>>, vector<16x32xf32>,
    %slice3A_105 = vector.extract_strided_slice %concatenate3A {offsets = [0, 4], sizes = [1600, 1], strides = [1, 1]} : vector<1600x9xf32> to vector<1600x1xf32>
    %mul3A_106 = vector.broadcast %slice3A_105 : vector<1600x1xf32> to vector<1600x32xf32>
    %mul3A_107 = arith.mulf %mul3A_58, %mul3A_106 : vector<1600x32xf32>
    %dot_general3A_108 = arith.constant dense<0.000000e+00> : vector<16x32xf32>
    %dot_general3A_109 = tpu.matmul %convert_element_type3A_52, %mul3A_107, %dot_general3A_108 {dimension_numbers = #tpu.dot_dimension_numbers<[0], [0], [1], [1], [0, 1, 1, 1], [], []>, transpose_lhs_hint = false} : vector<1600x16xf32>, vector<1600x32xf32>, vector<16x32xf32> -> vector<16x32xf32>
    %get3A_110 = arith.constant 0 : index
    %get3A_111 = arith.constant 128 : index
    %get3A_112 = vector.load %arg8[%get3A_110, %get3A_111] : memref<16x1152xf32, #tpu.memory_space<vmem>>, vector<16x32xf32>
    %add3A_113 = arith.addf %get3A_112, %dot_general3A_109 : vector<16x32xf32>
    %swap3A_114 = arith.constant 0 : index
    %swap3A_115 = arith.constant 128 : index
    %swap3A_116 = vector.load %arg8[%swap3A_114, %swap3A_115] : memref<16x1152xf32, #tpu.memory_space<vmem>>, vector<16x32xf32>
    tpu.vector_store %arg8[%swap3A_114, %swap3A_115], %add3A_113 {strides = array<i32>} : memref<16x1152xf32, #tpu.memory_space<vmem>>, vector<16x32xf32>,
    %slice3A_117 = vector.extract_strided_slice %concatenate3A {offsets = [0, 5], sizes = [1600, 1], strides = [1, 1]} : vector<1600x9xf32> to vector<1600x1xf32>
    %mul3A_118 = vector.broadcast %slice3A_117 : vector<1600x1xf32> to vector<1600x32xf32>
    %mul3A_119 = arith.mulf %mul3A_58, %mul3A_118 : vector<1600x32xf32>
    %dot_general3A_120 = arith.constant dense<0.000000e+00> : vector<16x32xf32>
    %dot_general3A_121 = tpu.matmul %convert_element_type3A_52, %mul3A_119, %dot_general3A_120 {dimension_numbers = #tpu.dot_dimension_numbers<[0], [0], [1], [1], [0, 1, 1, 1], [], []>, transpose_lhs_hint = false} : vector<1600x16xf32>, vector<1600x32xf32>, vector<16x32xf32> -> vector<16x32xf32>
    %get3A_122 = arith.constant 0 : index
    %get3A_123 = arith.constant 160 : index
    %get3A_124 = vector.load %arg8[%get3A_122, %get3A_123] : memref<16x1152xf32, #tpu.memory_space<vmem>>, vector<16x32xf32>
    %add3A_125 = arith.addf %get3A_124, %dot_general3A_121 : vector<16x32xf32>
    %swap3A_126 = arith.constant 0 : index
    %swap3A_127 = arith.constant 160 : index
    %swap3A_128 = vector.load %arg8[%swap3A_126, %swap3A_127] : memref<16x1152xf32, #tpu.memory_space<vmem>>, vector<16x32xf32>
    tpu.vector_store %arg8[%swap3A_126, %swap3A_127], %add3A_125 {strides = array<i32>} : memref<16x1152xf32, #tpu.memory_space<vmem>>, vector<16x32xf32>,
    %slice3A_129 = vector.extract_strided_slice %concatenate3A {offsets = [0, 6], sizes = [1600, 1], strides = [1, 1]} : vector<1600x9xf32> to vector<1600x1xf32>
    %mul3A_130 = vector.broadcast %slice3A_129 : vector<1600x1xf32> to vector<1600x32xf32>
    %mul3A_131 = arith.mulf %mul3A_58, %mul3A_130 : vector<1600x32xf32>
    %dot_general3A_132 = arith.constant dense<0.000000e+00> : vector<16x32xf32>
    %dot_general3A_133 = tpu.matmul %convert_element_type3A_52, %mul3A_131, %dot_general3A_132 {dimension_numbers = #tpu.dot_dimension_numbers<[0], [0], [1], [1], [0, 1, 1, 1], [], []>, transpose_lhs_hint = false} : vector<1600x16xf32>, vector<1600x32xf32>, vector<16x32xf32> -> vector<16x32xf32>
    %get3A_134 = arith.constant 0 : index
    %get3A_135 = arith.constant 192 : index
    %get3A_136 = vector.load %arg8[%get3A_134, %get3A_135] : memref<16x1152xf32, #tpu.memory_space<vmem>>, vector<16x32xf32>
    %add3A_137 = arith.addf %get3A_136, %dot_general3A_133 : vector<16x32xf32>
    %swap3A_138 = arith.constant 0 : index
    %swap3A_139 = arith.constant 192 : index
    %swap3A_140 = vector.load %arg8[%swap3A_138, %swap3A_139] : memref<16x1152xf32, #tpu.memory_space<vmem>>, vector<16x32xf32>
    tpu.vector_store %arg8[%swap3A_138, %swap3A_139], %add3A_137 {strides = array<i32>} : memref<16x1152xf32, #tpu.memory_space<vmem>>, vector<16x32xf32>,
    %slice3A_141 = vector.extract_strided_slice %concatenate3A {offsets = [0, 7], sizes = [1600, 1], strides = [1, 1]} : vector<1600x9xf32> to vector<1600x1xf32>
    %mul3A_142 = vector.broadcast %slice3A_141 : vector<1600x1xf32> to vector<1600x32xf32>
    %mul3A_143 = arith.mulf %mul3A_58, %mul3A_142 : vector<1600x32xf32>
    %dot_general3A_144 = arith.constant dense<0.000000e+00> : vector<16x32xf32>
    %dot_general3A_145 = tpu.matmul %convert_element_type3A_52, %mul3A_143, %dot_general3A_144 {dimension_numbers = #tpu.dot_dimension_numbers<[0], [0], [1], [1], [0, 1, 1, 1], [], []>, transpose_lhs_hint = false} : vector<1600x16xf32>, vector<1600x32xf32>, vector<16x32xf32> -> vector<16x32xf32>
    %get3A_146 = arith.constant 0 : index
    %get3A_147 = arith.constant 224 : index
    %get3A_148 = vector.load %arg8[%get3A_146, %get3A_147] : memref<16x1152xf32, #tpu.memory_space<vmem>>, vector<16x32xf32>
    %add3A_149 = arith.addf %get3A_148, %dot_general3A_145 : vector<16x32xf32>
    %swap3A_150 = arith.constant 0 : index
    %swap3A_151 = arith.constant 224 : index
    %swap3A_152 = vector.load %arg8[%swap3A_150, %swap3A_151] : memref<16x1152xf32, #tpu.memory_space<vmem>>, vector<16x32xf32>
    tpu.vector_store %arg8[%swap3A_150, %swap3A_151], %add3A_149 {strides = array<i32>} : memref<16x1152xf32, #tpu.memory_space<vmem>>, vector<16x32xf32>,
    %slice3A_153 = vector.extract_strided_slice %concatenate3A {offsets = [0, 8], sizes = [1600, 1], strides = [1, 1]} : vector<1600x9xf32> to vector<1600x1xf32>
    %mul3A_154 = vector.broadcast %slice3A_153 : vector<1600x1xf32> to vector<1600x32xf32>
    %mul3A_155 = arith.mulf %mul3A_58, %mul3A_154 : vector<1600x32xf32>
    %dot_general3A_156 = arith.constant dense<0.000000e+00> : vector<16x32xf32>
    %dot_general3A_157 = tpu.matmul %convert_element_type3A_52, %mul3A_155, %dot_general3A_156 {dimension_numbers = #tpu.dot_dimension_numbers<[0], [0], [1], [1], [0, 1, 1, 1], [], []>, transpose_lhs_hint = false} : vector<1600x16xf32>, vector<1600x32xf32>, vector<16x32xf32> -> vector<16x32xf32>
    %get3A_158 = arith.constant 0 : index
    %get3A_159 = arith.constant 256 : index
    %get3A_160 = vector.load %arg8[%get3A_158, %get3A_159] : memref<16x1152xf32, #tpu.memory_space<vmem>>, vector<16x32xf32>
    %add3A_161 = arith.addf %get3A_160, %dot_general3A_157 : vector<16x32xf32>
    %swap3A_162 = arith.constant 0 : index
    %swap3A_163 = arith.constant 256 : index
    %swap3A_164 = vector.load %arg8[%swap3A_162, %swap3A_163] : memref<16x1152xf32, #tpu.memory_space<vmem>>, vector<16x32xf32>
    tpu.vector_store %arg8[%swap3A_162, %swap3A_163], %add3A_161 {strides = array<i32>} : memref<16x1152xf32, #tpu.memory_space<vmem>>, vector<16x32xf32>,
    %get3A_165 = arith.constant 0 : index
    %get3A_166 = arith.constant 32 : index
    %get3A_167 = vector.load %arg2[%get3A_165, %get3A_166] : memref<1600x128xf32, #tpu.memory_space<vmem>>, vector<1600x32xf32>
    %slice3A_168 = vector.extract_strided_slice %div3A_45 {offsets = [0, 1], sizes = [1600, 1], strides = [1, 1]} : vector<1600x4xf32> to vector<1600x1xf32>
    %mul3A_169 = vector.broadcast %slice3A_168 : vector<1600x1xf32> to vector<1600x32xf32>
    %mul3A_170 = arith.mulf %get3A_167, %mul3A_169 : vector<1600x32xf32>
    %slice3A_171 = vector.extract_strided_slice %concatenate3A {offsets = [0, 0], sizes = [1600, 1], strides = [1, 1]} : vector<1600x9xf32> to vector<1600x1xf32>
    %mul3A_172 = vector.broadcast %slice3A_171 : vector<1600x1xf32> to vector<1600x32xf32>
    %mul3A_173 = arith.mulf %mul3A_170, %mul3A_172 : vector<1600x32xf32>
    %dot_general3A_174 = arith.constant dense<0.000000e+00> : vector<16x32xf32>
    %dot_general3A_175 = tpu.matmul %convert_element_type3A_52, %mul3A_173, %dot_general3A_174 {dimension_numbers = #tpu.dot_dimension_numbers<[0], [0], [1], [1], [0, 1, 1, 1], [], []>, transpose_lhs_hint = false} : vector<1600x16xf32>, vector<1600x32xf32>, vector<16x32xf32> -> vector<16x32xf32>
    %get3A_176 = arith.constant 0 : index
    %get3A_177 = arith.constant 288 : index
    %get3A_178 = vector.load %arg8[%get3A_176, %get3A_177] : memref<16x1152xf32, #tpu.memory_space<vmem>>, vector<16x32xf32>
    %add3A_179 = arith.addf %get3A_178, %dot_general3A_175 : vector<16x32xf32>
    %swap3A_180 = arith.constant 0 : index
    %swap3A_181 = arith.constant 288 : index
    %swap3A_182 = vector.load %arg8[%swap3A_180, %swap3A_181] : memref<16x1152xf32, #tpu.memory_space<vmem>>, vector<16x32xf32>
    tpu.vector_store %arg8[%swap3A_180, %swap3A_181], %add3A_179 {strides = array<i32>} : memref<16x1152xf32, #tpu.memory_space<vmem>>, vector<16x32xf32>,
    %slice3A_183 = vector.extract_strided_slice %concatenate3A {offsets = [0, 1], sizes = [1600, 1], strides = [1, 1]} : vector<1600x9xf32> to vector<1600x1xf32>
    %mul3A_184 = vector.broadcast %slice3A_183 : vector<1600x1xf32> to vector<1600x32xf32>
    %mul3A_185 = arith.mulf %mul3A_170, %mul3A_184 : vector<1600x32xf32>
    %dot_general3A_186 = arith.constant dense<0.000000e+00> : vector<16x32xf32>
    %dot_general3A_187 = tpu.matmul %convert_element_type3A_52, %mul3A_185, %dot_general3A_186 {dimension_numbers = #tpu.dot_dimension_numbers<[0], [0], [1], [1], [0, 1, 1, 1], [], []>, transpose_lhs_hint = false} : vector<1600x16xf32>, vector<1600x32xf32>, vector<16x32xf32> -> vector<16x32xf32>
    %get3A_188 = arith.constant 0 : index
    %get3A_189 = arith.constant 320 : index
    %get3A_190 = vector.load %arg8[%get3A_188, %get3A_189] : memref<16x1152xf32, #tpu.memory_space<vmem>>, vector<16x32xf32>
    %add3A_191 = arith.addf %get3A_190, %dot_general3A_187 : vector<16x32xf32>
    %swap3A_192 = arith.constant 0 : index
    %swap3A_193 = arith.constant 320 : index
    %swap3A_194 = vector.load %arg8[%swap3A_192, %swap3A_193] : memref<16x1152xf32, #tpu.memory_space<vmem>>, vector<16x32xf32>
    tpu.vector_store %arg8[%swap3A_192, %swap3A_193], %add3A_191 {strides = array<i32>} : memref<16x1152xf32, #tpu.memory_space<vmem>>, vector<16x32xf32>,
    %slice3A_195 = vector.extract_strided_slice %concatenate3A {offsets = [0, 2], sizes = [1600, 1], strides = [1, 1]} : vector<1600x9xf32> to vector<1600x1xf32>
    %mul3A_196 = vector.broadcast %slice3A_195 : vector<1600x1xf32> to vector<1600x32xf32>
    %mul3A_197 = arith.mulf %mul3A_170, %mul3A_196 : vector<1600x32xf32>
    %dot_general3A_198 = arith.constant dense<0.000000e+00> : vector<16x32xf32>
    %dot_general3A_199 = tpu.matmul %convert_element_type3A_52, %mul3A_197, %dot_general3A_198 {dimension_numbers = #tpu.dot_dimension_numbers<[0], [0], [1], [1], [0, 1, 1, 1], [], []>, transpose_lhs_hint = false} : vector<1600x16xf32>, vector<1600x32xf32>, vector<16x32xf32> -> vector<16x32xf32>
    %get3A_200 = arith.constant 0 : index
    %get3A_201 = arith.constant 352 : index
    %get3A_202 = vector.load %arg8[%get3A_200, %get3A_201] : memref<16x1152xf32, #tpu.memory_space<vmem>>, vector<16x32xf32>
    %add3A_203 = arith.addf %get3A_202, %dot_general3A_199 : vector<16x32xf32>
    %swap3A_204 = arith.constant 0 : index
    %swap3A_205 = arith.constant 352 : index
    %swap3A_206 = vector.load %arg8[%swap3A_204, %swap3A_205] : memref<16x1152xf32, #tpu.memory_space<vmem>>, vector<16x32xf32>
    tpu.vector_store %arg8[%swap3A_204, %swap3A_205], %add3A_203 {strides = array<i32>} : memref<16x1152xf32, #tpu.memory_space<vmem>>, vector<16x32xf32>,
    %slice3A_207 = vector.extract_strided_slice %concatenate3A {offsets = [0, 3], sizes = [1600, 1], strides = [1, 1]} : vector<1600x9xf32> to vector<1600x1xf32>
    %mul3A_208 = vector.broadcast %slice3A_207 : vector<1600x1xf32> to vector<1600x32xf32>
    %mul3A_209 = arith.mulf %mul3A_170, %mul3A_208 : vector<1600x32xf32>
    %dot_general3A_210 = arith.constant dense<0.000000e+00> : vector<16x32xf32>
    %dot_general3A_211 = tpu.matmul %convert_element_type3A_52, %mul3A_209, %dot_general3A_210 {dimension_numbers = #tpu.dot_dimension_numbers<[0], [0], [1], [1], [0, 1, 1, 1], [], []>, transpose_lhs_hint = false} : vector<1600x16xf32>, vector<1600x32xf32>, vector<16x32xf32> -> vector<16x32xf32>
    %get3A_212 = arith.constant 0 : index
    %get3A_213 = arith.constant 384 : index
    %get3A_214 = vector.load %arg8[%get3A_212, %get3A_213] : memref<16x1152xf32, #tpu.memory_space<vmem>>, vector<16x32xf32>
    %add3A_215 = arith.addf %get3A_214, %dot_general3A_211 : vector<16x32xf32>
    %swap3A_216 = arith.constant 0 : index
    %swap3A_217 = arith.constant 384 : index
    %swap3A_218 = vector.load %arg8[%swap3A_216, %swap3A_217] : memref<16x1152xf32, #tpu.memory_space<vmem>>, vector<16x32xf32>
    tpu.vector_store %arg8[%swap3A_216, %swap3A_217], %add3A_215 {strides = array<i32>} : memref<16x1152xf32, #tpu.memory_space<vmem>>, vector<16x32xf32>,
    %slice3A_219 = vector.extract_strided_slice %concatenate3A {offsets = [0, 4], sizes = [1600, 1], strides = [1, 1]} : vector<1600x9xf32> to vector<1600x1xf32>
    %mul3A_220 = vector.broadcast %slice3A_219 : vector<1600x1xf32> to vector<1600x32xf32>
    %mul3A_221 = arith.mulf %mul3A_170, %mul3A_220 : vector<1600x32xf32>
    %dot_general3A_222 = arith.constant dense<0.000000e+00> : vector<16x32xf32>
    %dot_general3A_223 = tpu.matmul %convert_element_type3A_52, %mul3A_221, %dot_general3A_222 {dimension_numbers = #tpu.dot_dimension_numbers<[0], [0], [1], [1], [0, 1, 1, 1], [], []>, transpose_lhs_hint = false} : vector<1600x16xf32>, vector<1600x32xf32>, vector<16x32xf32> -> vector<16x32xf32>
    %get3A_224 = arith.constant 0 : index
    %get3A_225 = arith.constant 416 : index
    %get3A_226 = vector.load %arg8[%get3A_224, %get3A_225] : memref<16x1152xf32, #tpu.memory_space<vmem>>, vector<16x32xf32>
    %add3A_227 = arith.addf %get3A_226, %dot_general3A_223 : vector<16x32xf32>
    %swap3A_228 = arith.constant 0 : index
    %swap3A_229 = arith.constant 416 : index
    %swap3A_230 = vector.load %arg8[%swap3A_228, %swap3A_229] : memref<16x1152xf32, #tpu.memory_space<vmem>>, vector<16x32xf32>
    tpu.vector_store %arg8[%swap3A_228, %swap3A_229], %add3A_227 {strides = array<i32>} : memref<16x1152xf32, #tpu.memory_space<vmem>>, vector<16x32xf32>,
    %slice3A_231 = vector.extract_strided_slice %concatenate3A {offsets = [0, 5], sizes = [1600, 1], strides = [1, 1]} : vector<1600x9xf32> to vector<1600x1xf32>
    %mul3A_232 = vector.broadcast %slice3A_231 : vector<1600x1xf32> to vector<1600x32xf32>
    %mul3A_233 = arith.mulf %mul3A_170, %mul3A_232 : vector<1600x32xf32>
    %dot_general3A_234 = arith.constant dense<0.000000e+00> : vector<16x32xf32>
    %dot_general3A_235 = tpu.matmul %convert_element_type3A_52, %mul3A_233, %dot_general3A_234 {dimension_numbers = #tpu.dot_dimension_numbers<[0], [0], [1], [1], [0, 1, 1, 1], [], []>, transpose_lhs_hint = false} : vector<1600x16xf32>, vector<1600x32xf32>, vector<16x32xf32> -> vector<16x32xf32>
    %get3A_236 = arith.constant 0 : index
    %get3A_237 = arith.constant 448 : index
    %get3A_238 = vector.load %arg8[%get3A_236, %get3A_237] : memref<16x1152xf32, #tpu.memory_space<vmem>>, vector<16x32xf32>
    %add3A_239 = arith.addf %get3A_238, %dot_general3A_235 : vector<16x32xf32>
    %swap3A_240 = arith.constant 0 : index
    %swap3A_241 = arith.constant 448 : index
    %swap3A_242 = vector.load %arg8[%swap3A_240, %swap3A_241] : memref<16x1152xf32, #tpu.memory_space<vmem>>, vector<16x32xf32>
    tpu.vector_store %arg8[%swap3A_240, %swap3A_241], %add3A_239 {strides = array<i32>} : memref<16x1152xf32, #tpu.memory_space<vmem>>, vector<16x32xf32>,
    %slice3A_243 = vector.extract_strided_slice %concatenate3A {offsets = [0, 6], sizes = [1600, 1], strides = [1, 1]} : vector<1600x9xf32> to vector<1600x1xf32>
    %mul3A_244 = vector.broadcast %slice3A_243 : vector<1600x1xf32> to vector<1600x32xf32>
    %mul3A_245 = arith.mulf %mul3A_170, %mul3A_244 : vector<1600x32xf32>
    %dot_general3A_246 = arith.constant dense<0.000000e+00> : vector<16x32xf32>
    %dot_general3A_247 = tpu.matmul %convert_element_type3A_52, %mul3A_245, %dot_general3A_246 {dimension_numbers = #tpu.dot_dimension_numbers<[0], [0], [1], [1], [0, 1, 1, 1], [], []>, transpose_lhs_hint = false} : vector<1600x16xf32>, vector<1600x32xf32>, vector<16x32xf32> -> vector<16x32xf32>
    %get3A_248 = arith.constant 0 : index
    %get3A_249 = arith.constant 480 : index
    %get3A_250 = vector.load %arg8[%get3A_248, %get3A_249] : memref<16x1152xf32, #tpu.memory_space<vmem>>, vector<16x32xf32>
    %add3A_251 = arith.addf %get3A_250, %dot_general3A_247 : vector<16x32xf32>
    %swap3A_252 = arith.constant 0 : index
    %swap3A_253 = arith.constant 480 : index
    %swap3A_254 = vector.load %arg8[%swap3A_252, %swap3A_253] : memref<16x1152xf32, #tpu.memory_space<vmem>>, vector<16x32xf32>
    tpu.vector_store %arg8[%swap3A_252, %swap3A_253], %add3A_251 {strides = array<i32>} : memref<16x1152xf32, #tpu.memory_space<vmem>>, vector<16x32xf32>,
    %slice3A_255 = vector.extract_strided_slice %concatenate3A {offsets = [0, 7], sizes = [1600, 1], strides = [1, 1]} : vector<1600x9xf32> to vector<1600x1xf32>
    %mul3A_256 = vector.broadcast %slice3A_255 : vector<1600x1xf32> to vector<1600x32xf32>
    %mul3A_257 = arith.mulf %mul3A_170, %mul3A_256 : vector<1600x32xf32>
    %dot_general3A_258 = arith.constant dense<0.000000e+00> : vector<16x32xf32>
    %dot_general3A_259 = tpu.matmul %convert_element_type3A_52, %mul3A_257, %dot_general3A_258 {dimension_numbers = #tpu.dot_dimension_numbers<[0], [0], [1], [1], [0, 1, 1, 1], [], []>, transpose_lhs_hint = false} : vector<1600x16xf32>, vector<1600x32xf32>, vector<16x32xf32> -> vector<16x32xf32>
    %get3A_260 = arith.constant 0 : index
    %get3A_261 = arith.constant 512 : index
    %get3A_262 = vector.load %arg8[%get3A_260, %get3A_261] : memref<16x1152xf32, #tpu.memory_space<vmem>>, vector<16x32xf32>
    %add3A_263 = arith.addf %get3A_262, %dot_general3A_259 : vector<16x32xf32>
    %swap3A_264 = arith.constant 0 : index
    %swap3A_265 = arith.constant 512 : index
    %swap3A_266 = vector.load %arg8[%swap3A_264, %swap3A_265] : memref<16x1152xf32, #tpu.memory_space<vmem>>, vector<16x32xf32>
    tpu.vector_store %arg8[%swap3A_264, %swap3A_265], %add3A_263 {strides = array<i32>} : memref<16x1152xf32, #tpu.memory_space<vmem>>, vector<16x32xf32>,
    %slice3A_267 = vector.extract_strided_slice %concatenate3A {offsets = [0, 8], sizes = [1600, 1], strides = [1, 1]} : vector<1600x9xf32> to vector<1600x1xf32>
    %mul3A_268 = vector.broadcast %slice3A_267 : vector<1600x1xf32> to vector<1600x32xf32>
    %mul3A_269 = arith.mulf %mul3A_170, %mul3A_268 : vector<1600x32xf32>
    %dot_general3A_270 = arith.constant dense<0.000000e+00> : vector<16x32xf32>
    %dot_general3A_271 = tpu.matmul %convert_element_type3A_52, %mul3A_269, %dot_general3A_270 {dimension_numbers = #tpu.dot_dimension_numbers<[0], [0], [1], [1], [0, 1, 1, 1], [], []>, transpose_lhs_hint = false} : vector<1600x16xf32>, vector<1600x32xf32>, vector<16x32xf32> -> vector<16x32xf32>
    %get3A_272 = arith.constant 0 : index
    %get3A_273 = arith.constant 544 : index
    %get3A_274 = vector.load %arg8[%get3A_272, %get3A_273] : memref<16x1152xf32, #tpu.memory_space<vmem>>, vector<16x32xf32>
    %add3A_275 = arith.addf %get3A_274, %dot_general3A_271 : vector<16x32xf32>
    %swap3A_276 = arith.constant 0 : index
    %swap3A_277 = arith.constant 544 : index
    %swap3A_278 = vector.load %arg8[%swap3A_276, %swap3A_277] : memref<16x1152xf32, #tpu.memory_space<vmem>>, vector<16x32xf32>
    tpu.vector_store %arg8[%swap3A_276, %swap3A_277], %add3A_275 {strides = array<i32>} : memref<16x1152xf32, #tpu.memory_space<vmem>>, vector<16x32xf32>,
    %get3A_279 = arith.constant 0 : index
    %get3A_280 = arith.constant 64 : index
    %get3A_281 = vector.load %arg2[%get3A_279, %get3A_280] : memref<1600x128xf32, #tpu.memory_space<vmem>>, vector<1600x32xf32>
    %slice3A_282 = vector.extract_strided_slice %div3A_45 {offsets = [0, 2], sizes = [1600, 1], strides = [1, 1]} : vector<1600x4xf32> to vector<1600x1xf32>
    %mul3A_283 = vector.broadcast %slice3A_282 : vector<1600x1xf32> to vector<1600x32xf32>
    %mul3A_284 = arith.mulf %get3A_281, %mul3A_283 : vector<1600x32xf32>
    %slice3A_285 = vector.extract_strided_slice %concatenate3A {offsets = [0, 0], sizes = [1600, 1], strides = [1, 1]} : vector<1600x9xf32> to vector<1600x1xf32>
    %mul3A_286 = vector.broadcast %slice3A_285 : vector<1600x1xf32> to vector<1600x32xf32>
    %mul3A_287 = arith.mulf %mul3A_284, %mul3A_286 : vector<1600x32xf32>
    %dot_general3A_288 = arith.constant dense<0.000000e+00> : vector<16x32xf32>
    %dot_general3A_289 = tpu.matmul %convert_element_type3A_52, %mul3A_287, %dot_general3A_288 {dimension_numbers = #tpu.dot_dimension_numbers<[0], [0], [1], [1], [0, 1, 1, 1], [], []>, transpose_lhs_hint = false} : vector<1600x16xf32>, vector<1600x32xf32>, vector<16x32xf32> -> vector<16x32xf32>
    %get3A_290 = arith.constant 0 : index
    %get3A_291 = arith.constant 576 : index
    %get3A_292 = vector.load %arg8[%get3A_290, %get3A_291] : memref<16x1152xf32, #tpu.memory_space<vmem>>, vector<16x32xf32>
    %add3A_293 = arith.addf %get3A_292, %dot_general3A_289 : vector<16x32xf32>
    %swap3A_294 = arith.constant 0 : index
    %swap3A_295 = arith.constant 576 : index
    %swap3A_296 = vector.load %arg8[%swap3A_294, %swap3A_295] : memref<16x1152xf32, #tpu.memory_space<vmem>>, vector<16x32xf32>
    tpu.vector_store %arg8[%swap3A_294, %swap3A_295], %add3A_293 {strides = array<i32>} : memref<16x1152xf32, #tpu.memory_space<vmem>>, vector<16x32xf32>,
    %slice3A_297 = vector.extract_strided_slice %concatenate3A {offsets = [0, 1], sizes = [1600, 1], strides = [1, 1]} : vector<1600x9xf32> to vector<1600x1xf32>
    %mul3A_298 = vector.broadcast %slice3A_297 : vector<1600x1xf32> to vector<1600x32xf32>
    %mul3A_299 = arith.mulf %mul3A_284, %mul3A_298 : vector<1600x32xf32>
    %dot_general3A_300 = arith.constant dense<0.000000e+00> : vector<16x32xf32>
    %dot_general3A_301 = tpu.matmul %convert_element_type3A_52, %mul3A_299, %dot_general3A_300 {dimension_numbers = #tpu.dot_dimension_numbers<[0], [0], [1], [1], [0, 1, 1, 1], [], []>, transpose_lhs_hint = false} : vector<1600x16xf32>, vector<1600x32xf32>, vector<16x32xf32> -> vector<16x32xf32>
    %get3A_302 = arith.constant 0 : index
    %get3A_303 = arith.constant 608 : index
    %get3A_304 = vector.load %arg8[%get3A_302, %get3A_303] : memref<16x1152xf32, #tpu.memory_space<vmem>>, vector<16x32xf32>
    %add3A_305 = arith.addf %get3A_304, %dot_general3A_301 : vector<16x32xf32>
    %swap3A_306 = arith.constant 0 : index
    %swap3A_307 = arith.constant 608 : index
    %swap3A_308 = vector.load %arg8[%swap3A_306, %swap3A_307] : memref<16x1152xf32, #tpu.memory_space<vmem>>, vector<16x32xf32>
    tpu.vector_store %arg8[%swap3A_306, %swap3A_307], %add3A_305 {strides = array<i32>} : memref<16x1152xf32, #tpu.memory_space<vmem>>, vector<16x32xf32>,
    %slice3A_309 = vector.extract_strided_slice %concatenate3A {offsets = [0, 2], sizes = [1600, 1], strides = [1, 1]} : vector<1600x9xf32> to vector<1600x1xf32>
    %mul3A_310 = vector.broadcast %slice3A_309 : vector<1600x1xf32> to vector<1600x32xf32>
    %mul3A_311 = arith.mulf %mul3A_284, %mul3A_310 : vector<1600x32xf32>
    %dot_general3A_312 = arith.constant dense<0.000000e+00> : vector<16x32xf32>
    %dot_general3A_313 = tpu.matmul %convert_element_type3A_52, %mul3A_311, %dot_general3A_312 {dimension_numbers = #tpu.dot_dimension_numbers<[0], [0], [1], [1], [0, 1, 1, 1], [], []>, transpose_lhs_hint = false} : vector<1600x16xf32>, vector<1600x32xf32>, vector<16x32xf32> -> vector<16x32xf32>
    %get3A_314 = arith.constant 0 : index
    %get3A_315 = arith.constant 640 : index
    %get3A_316 = vector.load %arg8[%get3A_314, %get3A_315] : memref<16x1152xf32, #tpu.memory_space<vmem>>, vector<16x32xf32>
    %add3A_317 = arith.addf %get3A_316, %dot_general3A_313 : vector<16x32xf32>
    %swap3A_318 = arith.constant 0 : index
    %swap3A_319 = arith.constant 640 : index
    %swap3A_320 = vector.load %arg8[%swap3A_318, %swap3A_319] : memref<16x1152xf32, #tpu.memory_space<vmem>>, vector<16x32xf32>
    tpu.vector_store %arg8[%swap3A_318, %swap3A_319], %add3A_317 {strides = array<i32>} : memref<16x1152xf32, #tpu.memory_space<vmem>>, vector<16x32xf32>,
    %slice3A_321 = vector.extract_strided_slice %concatenate3A {offsets = [0, 3], sizes = [1600, 1], strides = [1, 1]} : vector<1600x9xf32> to vector<1600x1xf32>
    %mul3A_322 = vector.broadcast %slice3A_321 : vector<1600x1xf32> to vector<1600x32xf32>
    %mul3A_323 = arith.mulf %mul3A_284, %mul3A_322 : vector<1600x32xf32>
    %dot_general3A_324 = arith.constant dense<0.000000e+00> : vector<16x32xf32>
    %dot_general3A_325 = tpu.matmul %convert_element_type3A_52, %mul3A_323, %dot_general3A_324 {dimension_numbers = #tpu.dot_dimension_numbers<[0], [0], [1], [1], [0, 1, 1, 1], [], []>, transpose_lhs_hint = false} : vector<1600x16xf32>, vector<1600x32xf32>, vector<16x32xf32> -> vector<16x32xf32>
    %get3A_326 = arith.constant 0 : index
    %get3A_327 = arith.constant 672 : index
    %get3A_328 = vector.load %arg8[%get3A_326, %get3A_327] : memref<16x1152xf32, #tpu.memory_space<vmem>>, vector<16x32xf32>
    %add3A_329 = arith.addf %get3A_328, %dot_general3A_325 : vector<16x32xf32>
    %swap3A_330 = arith.constant 0 : index
    %swap3A_331 = arith.constant 672 : index
    %swap3A_332 = vector.load %arg8[%swap3A_330, %swap3A_331] : memref<16x1152xf32, #tpu.memory_space<vmem>>, vector<16x32xf32>
    tpu.vector_store %arg8[%swap3A_330, %swap3A_331], %add3A_329 {strides = array<i32>} : memref<16x1152xf32, #tpu.memory_space<vmem>>, vector<16x32xf32>,
    %slice3A_333 = vector.extract_strided_slice %concatenate3A {offsets = [0, 4], sizes = [1600, 1], strides = [1, 1]} : vector<1600x9xf32> to vector<1600x1xf32>
    %mul3A_334 = vector.broadcast %slice3A_333 : vector<1600x1xf32> to vector<1600x32xf32>
    %mul3A_335 = arith.mulf %mul3A_284, %mul3A_334 : vector<1600x32xf32>
    %dot_general3A_336 = arith.constant dense<0.000000e+00> : vector<16x32xf32>
    %dot_general3A_337 = tpu.matmul %convert_element_type3A_52, %mul3A_335, %dot_general3A_336 {dimension_numbers = #tpu.dot_dimension_numbers<[0], [0], [1], [1], [0, 1, 1, 1], [], []>, transpose_lhs_hint = false} : vector<1600x16xf32>, vector<1600x32xf32>, vector<16x32xf32> -> vector<16x32xf32>
    %get3A_338 = arith.constant 0 : index
    %get3A_339 = arith.constant 704 : index
    %get3A_340 = vector.load %arg8[%get3A_338, %get3A_339] : memref<16x1152xf32, #tpu.memory_space<vmem>>, vector<16x32xf32>
    %add3A_341 = arith.addf %get3A_340, %dot_general3A_337 : vector<16x32xf32>
    %swap3A_342 = arith.constant 0 : index
    %swap3A_343 = arith.constant 704 : index
    %swap3A_344 = vector.load %arg8[%swap3A_342, %swap3A_343] : memref<16x1152xf32, #tpu.memory_space<vmem>>, vector<16x32xf32>
    tpu.vector_store %arg8[%swap3A_342, %swap3A_343], %add3A_341 {strides = array<i32>} : memref<16x1152xf32, #tpu.memory_space<vmem>>, vector<16x32xf32>,
    %slice3A_345 = vector.extract_strided_slice %concatenate3A {offsets = [0, 5], sizes = [1600, 1], strides = [1, 1]} : vector<1600x9xf32> to vector<1600x1xf32>
    %mul3A_346 = vector.broadcast %slice3A_345 : vector<1600x1xf32> to vector<1600x32xf32>
    %mul3A_347 = arith.mulf %mul3A_284, %mul3A_346 : vector<1600x32xf32>
    %dot_general3A_348 = arith.constant dense<0.000000e+00> : vector<16x32xf32>
    %dot_general3A_349 = tpu.matmul %convert_element_type3A_52, %mul3A_347, %dot_general3A_348 {dimension_numbers = #tpu.dot_dimension_numbers<[0], [0], [1], [1], [0, 1, 1, 1], [], []>, transpose_lhs_hint = false} : vector<1600x16xf32>, vector<1600x32xf32>, vector<16x32xf32> -> vector<16x32xf32>
    %get3A_350 = arith.constant 0 : index
    %get3A_351 = arith.constant 736 : index
    %get3A_352 = vector.load %arg8[%get3A_350, %get3A_351] : memref<16x1152xf32, #tpu.memory_space<vmem>>, vector<16x32xf32>
    %add3A_353 = arith.addf %get3A_352, %dot_general3A_349 : vector<16x32xf32>
    %swap3A_354 = arith.constant 0 : index
    %swap3A_355 = arith.constant 736 : index
    %swap3A_356 = vector.load %arg8[%swap3A_354, %swap3A_355] : memref<16x1152xf32, #tpu.memory_space<vmem>>, vector<16x32xf32>
    tpu.vector_store %arg8[%swap3A_354, %swap3A_355], %add3A_353 {strides = array<i32>} : memref<16x1152xf32, #tpu.memory_space<vmem>>, vector<16x32xf32>,
    %slice3A_357 = vector.extract_strided_slice %concatenate3A {offsets = [0, 6], sizes = [1600, 1], strides = [1, 1]} : vector<1600x9xf32> to vector<1600x1xf32>
    %mul3A_358 = vector.broadcast %slice3A_357 : vector<1600x1xf32> to vector<1600x32xf32>
    %mul3A_359 = arith.mulf %mul3A_284, %mul3A_358 : vector<1600x32xf32>
    %dot_general3A_360 = arith.constant dense<0.000000e+00> : vector<16x32xf32>
    %dot_general3A_361 = tpu.matmul %convert_element_type3A_52, %mul3A_359, %dot_general3A_360 {dimension_numbers = #tpu.dot_dimension_numbers<[0], [0], [1], [1], [0, 1, 1, 1], [], []>, transpose_lhs_hint = false} : vector<1600x16xf32>, vector<1600x32xf32>, vector<16x32xf32> -> vector<16x32xf32>
    %get3A_362 = arith.constant 0 : index
    %get3A_363 = arith.constant 768 : index
    %get3A_364 = vector.load %arg8[%get3A_362, %get3A_363] : memref<16x1152xf32, #tpu.memory_space<vmem>>, vector<16x32xf32>
    %add3A_365 = arith.addf %get3A_364, %dot_general3A_361 : vector<16x32xf32>
    %swap3A_366 = arith.constant 0 : index
    %swap3A_367 = arith.constant 768 : index
    %swap3A_368 = vector.load %arg8[%swap3A_366, %swap3A_367] : memref<16x1152xf32, #tpu.memory_space<vmem>>, vector<16x32xf32>
    tpu.vector_store %arg8[%swap3A_366, %swap3A_367], %add3A_365 {strides = array<i32>} : memref<16x1152xf32, #tpu.memory_space<vmem>>, vector<16x32xf32>,
    %slice3A_369 = vector.extract_strided_slice %concatenate3A {offsets = [0, 7], sizes = [1600, 1], strides = [1, 1]} : vector<1600x9xf32> to vector<1600x1xf32>
    %mul3A_370 = vector.broadcast %slice3A_369 : vector<1600x1xf32> to vector<1600x32xf32>
    %mul3A_371 = arith.mulf %mul3A_284, %mul3A_370 : vector<1600x32xf32>
    %dot_general3A_372 = arith.constant dense<0.000000e+00> : vector<16x32xf32>
    %dot_general3A_373 = tpu.matmul %convert_element_type3A_52, %mul3A_371, %dot_general3A_372 {dimension_numbers = #tpu.dot_dimension_numbers<[0], [0], [1], [1], [0, 1, 1, 1], [], []>, transpose_lhs_hint = false} : vector<1600x16xf32>, vector<1600x32xf32>, vector<16x32xf32> -> vector<16x32xf32>
    %get3A_374 = arith.constant 0 : index
    %get3A_375 = arith.constant 800 : index
    %get3A_376 = vector.load %arg8[%get3A_374, %get3A_375] : memref<16x1152xf32, #tpu.memory_space<vmem>>, vector<16x32xf32>
    %add3A_377 = arith.addf %get3A_376, %dot_general3A_373 : vector<16x32xf32>
    %swap3A_378 = arith.constant 0 : index
    %swap3A_379 = arith.constant 800 : index
    %swap3A_380 = vector.load %arg8[%swap3A_378, %swap3A_379] : memref<16x1152xf32, #tpu.memory_space<vmem>>, vector<16x32xf32>
    tpu.vector_store %arg8[%swap3A_378, %swap3A_379], %add3A_377 {strides = array<i32>} : memref<16x1152xf32, #tpu.memory_space<vmem>>, vector<16x32xf32>,
    %slice3A_381 = vector.extract_strided_slice %concatenate3A {offsets = [0, 8], sizes = [1600, 1], strides = [1, 1]} : vector<1600x9xf32> to vector<1600x1xf32>
    %mul3A_382 = vector.broadcast %slice3A_381 : vector<1600x1xf32> to vector<1600x32xf32>
    %mul3A_383 = arith.mulf %mul3A_284, %mul3A_382 : vector<1600x32xf32>
    %dot_general3A_384 = arith.constant dense<0.000000e+00> : vector<16x32xf32>
    %dot_general3A_385 = tpu.matmul %convert_element_type3A_52, %mul3A_383, %dot_general3A_384 {dimension_numbers = #tpu.dot_dimension_numbers<[0], [0], [1], [1], [0, 1, 1, 1], [], []>, transpose_lhs_hint = false} : vector<1600x16xf32>, vector<1600x32xf32>, vector<16x32xf32> -> vector<16x32xf32>
    %get3A_386 = arith.constant 0 : index
    %get3A_387 = arith.constant 832 : index
    %get3A_388 = vector.load %arg8[%get3A_386, %get3A_387] : memref<16x1152xf32, #tpu.memory_space<vmem>>, vector<16x32xf32>
    %add3A_389 = arith.addf %get3A_388, %dot_general3A_385 : vector<16x32xf32>
    %swap3A_390 = arith.constant 0 : index
    %swap3A_391 = arith.constant 832 : index
    %swap3A_392 = vector.load %arg8[%swap3A_390, %swap3A_391] : memref<16x1152xf32, #tpu.memory_space<vmem>>, vector<16x32xf32>
    tpu.vector_store %arg8[%swap3A_390, %swap3A_391], %add3A_389 {strides = array<i32>} : memref<16x1152xf32, #tpu.memory_space<vmem>>, vector<16x32xf32>,
    %get3A_393 = arith.constant 0 : index
    %get3A_394 = arith.constant 96 : index
    %get3A_395 = vector.load %arg2[%get3A_393, %get3A_394] : memref<1600x128xf32, #tpu.memory_space<vmem>>, vector<1600x32xf32>
    %slice3A_396 = vector.extract_strided_slice %div3A_45 {offsets = [0, 3], sizes = [1600, 1], strides = [1, 1]} : vector<1600x4xf32> to vector<1600x1xf32>
    %mul3A_397 = vector.broadcast %slice3A_396 : vector<1600x1xf32> to vector<1600x32xf32>
    %mul3A_398 = arith.mulf %get3A_395, %mul3A_397 : vector<1600x32xf32>
    %slice3A_399 = vector.extract_strided_slice %concatenate3A {offsets = [0, 0], sizes = [1600, 1], strides = [1, 1]} : vector<1600x9xf32> to vector<1600x1xf32>
    %mul3A_400 = vector.broadcast %slice3A_399 : vector<1600x1xf32> to vector<1600x32xf32>
    %mul3A_401 = arith.mulf %mul3A_398, %mul3A_400 : vector<1600x32xf32>
    %dot_general3A_402 = arith.constant dense<0.000000e+00> : vector<16x32xf32>
    %dot_general3A_403 = tpu.matmul %convert_element_type3A_52, %mul3A_401, %dot_general3A_402 {dimension_numbers = #tpu.dot_dimension_numbers<[0], [0], [1], [1], [0, 1, 1, 1], [], []>, transpose_lhs_hint = false} : vector<1600x16xf32>, vector<1600x32xf32>, vector<16x32xf32> -> vector<16x32xf32>
    %get3A_404 = arith.constant 0 : index
    %get3A_405 = arith.constant 864 : index
    %get3A_406 = vector.load %arg8[%get3A_404, %get3A_405] : memref<16x1152xf32, #tpu.memory_space<vmem>>, vector<16x32xf32>
    %add3A_407 = arith.addf %get3A_406, %dot_general3A_403 : vector<16x32xf32>
    %swap3A_408 = arith.constant 0 : index
    %swap3A_409 = arith.constant 864 : index
    %swap3A_410 = vector.load %arg8[%swap3A_408, %swap3A_409] : memref<16x1152xf32, #tpu.memory_space<vmem>>, vector<16x32xf32>
    tpu.vector_store %arg8[%swap3A_408, %swap3A_409], %add3A_407 {strides = array<i32>} : memref<16x1152xf32, #tpu.memory_space<vmem>>, vector<16x32xf32>,
    %slice3A_411 = vector.extract_strided_slice %concatenate3A {offsets = [0, 1], sizes = [1600, 1], strides = [1, 1]} : vector<1600x9xf32> to vector<1600x1xf32>
    %mul3A_412 = vector.broadcast %slice3A_411 : vector<1600x1xf32> to vector<1600x32xf32>
    %mul3A_413 = arith.mulf %mul3A_398, %mul3A_412 : vector<1600x32xf32>
    %dot_general3A_414 = arith.constant dense<0.000000e+00> : vector<16x32xf32>
    %dot_general3A_415 = tpu.matmul %convert_element_type3A_52, %mul3A_413, %dot_general3A_414 {dimension_numbers = #tpu.dot_dimension_numbers<[0], [0], [1], [1], [0, 1, 1, 1], [], []>, transpose_lhs_hint = false} : vector<1600x16xf32>, vector<1600x32xf32>, vector<16x32xf32> -> vector<16x32xf32>
    %get3A_416 = arith.constant 0 : index
    %get3A_417 = arith.constant 896 : index
    %get3A_418 = vector.load %arg8[%get3A_416, %get3A_417] : memref<16x1152xf32, #tpu.memory_space<vmem>>, vector<16x32xf32>
    %add3A_419 = arith.addf %get3A_418, %dot_general3A_415 : vector<16x32xf32>
    %swap3A_420 = arith.constant 0 : index
    %swap3A_421 = arith.constant 896 : index
    %swap3A_422 = vector.load %arg8[%swap3A_420, %swap3A_421] : memref<16x1152xf32, #tpu.memory_space<vmem>>, vector<16x32xf32>
    tpu.vector_store %arg8[%swap3A_420, %swap3A_421], %add3A_419 {strides = array<i32>} : memref<16x1152xf32, #tpu.memory_space<vmem>>, vector<16x32xf32>,
    %slice3A_423 = vector.extract_strided_slice %concatenate3A {offsets = [0, 2], sizes = [1600, 1], strides = [1, 1]} : vector<1600x9xf32> to vector<1600x1xf32>
    %mul3A_424 = vector.broadcast %slice3A_423 : vector<1600x1xf32> to vector<1600x32xf32>
    %mul3A_425 = arith.mulf %mul3A_398, %mul3A_424 : vector<1600x32xf32>
    %dot_general3A_426 = arith.constant dense<0.000000e+00> : vector<16x32xf32>
    %dot_general3A_427 = tpu.matmul %convert_element_type3A_52, %mul3A_425, %dot_general3A_426 {dimension_numbers = #tpu.dot_dimension_numbers<[0], [0], [1], [1], [0, 1, 1, 1], [], []>, transpose_lhs_hint = false} : vector<1600x16xf32>, vector<1600x32xf32>, vector<16x32xf32> -> vector<16x32xf32>
    %get3A_428 = arith.constant 0 : index
    %get3A_429 = arith.constant 928 : index
    %get3A_430 = vector.load %arg8[%get3A_428, %get3A_429] : memref<16x1152xf32, #tpu.memory_space<vmem>>, vector<16x32xf32>
    %add3A_431 = arith.addf %get3A_430, %dot_general3A_427 : vector<16x32xf32>
    %swap3A_432 = arith.constant 0 : index
    %swap3A_433 = arith.constant 928 : index
    %swap3A_434 = vector.load %arg8[%swap3A_432, %swap3A_433] : memref<16x1152xf32, #tpu.memory_space<vmem>>, vector<16x32xf32>
    tpu.vector_store %arg8[%swap3A_432, %swap3A_433], %add3A_431 {strides = array<i32>} : memref<16x1152xf32, #tpu.memory_space<vmem>>, vector<16x32xf32>,
    %slice3A_435 = vector.extract_strided_slice %concatenate3A {offsets = [0, 3], sizes = [1600, 1], strides = [1, 1]} : vector<1600x9xf32> to vector<1600x1xf32>
    %mul3A_436 = vector.broadcast %slice3A_435 : vector<1600x1xf32> to vector<1600x32xf32>
    %mul3A_437 = arith.mulf %mul3A_398, %mul3A_436 : vector<1600x32xf32>
    %dot_general3A_438 = arith.constant dense<0.000000e+00> : vector<16x32xf32>
    %dot_general3A_439 = tpu.matmul %convert_element_type3A_52, %mul3A_437, %dot_general3A_438 {dimension_numbers = #tpu.dot_dimension_numbers<[0], [0], [1], [1], [0, 1, 1, 1], [], []>, transpose_lhs_hint = false} : vector<1600x16xf32>, vector<1600x32xf32>, vector<16x32xf32> -> vector<16x32xf32>
    %get3A_440 = arith.constant 0 : index
    %get3A_441 = arith.constant 960 : index
    %get3A_442 = vector.load %arg8[%get3A_440, %get3A_441] : memref<16x1152xf32, #tpu.memory_space<vmem>>, vector<16x32xf32>
    %add3A_443 = arith.addf %get3A_442, %dot_general3A_439 : vector<16x32xf32>
    %swap3A_444 = arith.constant 0 : index
    %swap3A_445 = arith.constant 960 : index
    %swap3A_446 = vector.load %arg8[%swap3A_444, %swap3A_445] : memref<16x1152xf32, #tpu.memory_space<vmem>>, vector<16x32xf32>
    tpu.vector_store %arg8[%swap3A_444, %swap3A_445], %add3A_443 {strides = array<i32>} : memref<16x1152xf32, #tpu.memory_space<vmem>>, vector<16x32xf32>,
    %slice3A_447 = vector.extract_strided_slice %concatenate3A {offsets = [0, 4], sizes = [1600, 1], strides = [1, 1]} : vector<1600x9xf32> to vector<1600x1xf32>
    %mul3A_448 = vector.broadcast %slice3A_447 : vector<1600x1xf32> to vector<1600x32xf32>
    %mul3A_449 = arith.mulf %mul3A_398, %mul3A_448 : vector<1600x32xf32>
    %dot_general3A_450 = arith.constant dense<0.000000e+00> : vector<16x32xf32>
    %dot_general3A_451 = tpu.matmul %convert_element_type3A_52, %mul3A_449, %dot_general3A_450 {dimension_numbers = #tpu.dot_dimension_numbers<[0], [0], [1], [1], [0, 1, 1, 1], [], []>, transpose_lhs_hint = false} : vector<1600x16xf32>, vector<1600x32xf32>, vector<16x32xf32> -> vector<16x32xf32>
    %get3A_452 = arith.constant 0 : index
    %get3A_453 = arith.constant 992 : index
    %get3A_454 = vector.load %arg8[%get3A_452, %get3A_453] : memref<16x1152xf32, #tpu.memory_space<vmem>>, vector<16x32xf32>
    %add3A_455 = arith.addf %get3A_454, %dot_general3A_451 : vector<16x32xf32>
    %swap3A_456 = arith.constant 0 : index
    %swap3A_457 = arith.constant 992 : index
    %swap3A_458 = vector.load %arg8[%swap3A_456, %swap3A_457] : memref<16x1152xf32, #tpu.memory_space<vmem>>, vector<16x32xf32>
    tpu.vector_store %arg8[%swap3A_456, %swap3A_457], %add3A_455 {strides = array<i32>} : memref<16x1152xf32, #tpu.memory_space<vmem>>, vector<16x32xf32>,
    %slice3A_459 = vector.extract_strided_slice %concatenate3A {offsets = [0, 5], sizes = [1600, 1], strides = [1, 1]} : vector<1600x9xf32> to vector<1600x1xf32>
    %mul3A_460 = vector.broadcast %slice3A_459 : vector<1600x1xf32> to vector<1600x32xf32>
    %mul3A_461 = arith.mulf %mul3A_398, %mul3A_460 : vector<1600x32xf32>
    %dot_general3A_462 = arith.constant dense<0.000000e+00> : vector<16x32xf32>
    %dot_general3A_463 = tpu.matmul %convert_element_type3A_52, %mul3A_461, %dot_general3A_462 {dimension_numbers = #tpu.dot_dimension_numbers<[0], [0], [1], [1], [0, 1, 1, 1], [], []>, transpose_lhs_hint = false} : vector<1600x16xf32>, vector<1600x32xf32>, vector<16x32xf32> -> vector<16x32xf32>
    %get3A_464 = arith.constant 0 : index
    %get3A_465 = arith.constant 1024 : index
    %get3A_466 = vector.load %arg8[%get3A_464, %get3A_465] : memref<16x1152xf32, #tpu.memory_space<vmem>>, vector<16x32xf32>
    %add3A_467 = arith.addf %get3A_466, %dot_general3A_463 : vector<16x32xf32>
    %swap3A_468 = arith.constant 0 : index
    %swap3A_469 = arith.constant 1024 : index
    %swap3A_470 = vector.load %arg8[%swap3A_468, %swap3A_469] : memref<16x1152xf32, #tpu.memory_space<vmem>>, vector<16x32xf32>
    tpu.vector_store %arg8[%swap3A_468, %swap3A_469], %add3A_467 {strides = array<i32>} : memref<16x1152xf32, #tpu.memory_space<vmem>>, vector<16x32xf32>,
    %slice3A_471 = vector.extract_strided_slice %concatenate3A {offsets = [0, 6], sizes = [1600, 1], strides = [1, 1]} : vector<1600x9xf32> to vector<1600x1xf32>
    %mul3A_472 = vector.broadcast %slice3A_471 : vector<1600x1xf32> to vector<1600x32xf32>
    %mul3A_473 = arith.mulf %mul3A_398, %mul3A_472 : vector<1600x32xf32>
    %dot_general3A_474 = arith.constant dense<0.000000e+00> : vector<16x32xf32>
    %dot_general3A_475 = tpu.matmul %convert_element_type3A_52, %mul3A_473, %dot_general3A_474 {dimension_numbers = #tpu.dot_dimension_numbers<[0], [0], [1], [1], [0, 1, 1, 1], [], []>, transpose_lhs_hint = false} : vector<1600x16xf32>, vector<1600x32xf32>, vector<16x32xf32> -> vector<16x32xf32>
    %get3A_476 = arith.constant 0 : index
    %get3A_477 = arith.constant 1056 : index
    %get3A_478 = vector.load %arg8[%get3A_476, %get3A_477] : memref<16x1152xf32, #tpu.memory_space<vmem>>, vector<16x32xf32>
    %add3A_479 = arith.addf %get3A_478, %dot_general3A_475 : vector<16x32xf32>
    %swap3A_480 = arith.constant 0 : index
    %swap3A_481 = arith.constant 1056 : index
    %swap3A_482 = vector.load %arg8[%swap3A_480, %swap3A_481] : memref<16x1152xf32, #tpu.memory_space<vmem>>, vector<16x32xf32>
    tpu.vector_store %arg8[%swap3A_480, %swap3A_481], %add3A_479 {strides = array<i32>} : memref<16x1152xf32, #tpu.memory_space<vmem>>, vector<16x32xf32>,
    %slice3A_483 = vector.extract_strided_slice %concatenate3A {offsets = [0, 7], sizes = [1600, 1], strides = [1, 1]} : vector<1600x9xf32> to vector<1600x1xf32>
    %mul3A_484 = vector.broadcast %slice3A_483 : vector<1600x1xf32> to vector<1600x32xf32>
    %mul3A_485 = arith.mulf %mul3A_398, %mul3A_484 : vector<1600x32xf32>
    %dot_general3A_486 = arith.constant dense<0.000000e+00> : vector<16x32xf32>
    %dot_general3A_487 = tpu.matmul %convert_element_type3A_52, %mul3A_485, %dot_general3A_486 {dimension_numbers = #tpu.dot_dimension_numbers<[0], [0], [1], [1], [0, 1, 1, 1], [], []>, transpose_lhs_hint = false} : vector<1600x16xf32>, vector<1600x32xf32>, vector<16x32xf32> -> vector<16x32xf32>
    %get3A_488 = arith.constant 0 : index
    %get3A_489 = arith.constant 1088 : index
    %get3A_490 = vector.load %arg8[%get3A_488, %get3A_489] : memref<16x1152xf32, #tpu.memory_space<vmem>>, vector<16x32xf32>
    %add3A_491 = arith.addf %get3A_490, %dot_general3A_487 : vector<16x32xf32>
    %swap3A_492 = arith.constant 0 : index
    %swap3A_493 = arith.constant 1088 : index
    %swap3A_494 = vector.load %arg8[%swap3A_492, %swap3A_493] : memref<16x1152xf32, #tpu.memory_space<vmem>>, vector<16x32xf32>
    tpu.vector_store %arg8[%swap3A_492, %swap3A_493], %add3A_491 {strides = array<i32>} : memref<16x1152xf32, #tpu.memory_space<vmem>>, vector<16x32xf32>,
    %slice3A_495 = vector.extract_strided_slice %concatenate3A {offsets = [0, 8], sizes = [1600, 1], strides = [1, 1]} : vector<1600x9xf32> to vector<1600x1xf32>
    %mul3A_496 = vector.broadcast %slice3A_495 : vector<1600x1xf32> to vector<1600x32xf32>
    %mul3A_497 = arith.mulf %mul3A_398, %mul3A_496 : vector<1600x32xf32>
    %dot_general3A_498 = arith.constant dense<0.000000e+00> : vector<16x32xf32>
    %dot_general3A_499 = tpu.matmul %convert_element_type3A_52, %mul3A_497, %dot_general3A_498 {dimension_numbers = #tpu.dot_dimension_numbers<[0], [0], [1], [1], [0, 1, 1, 1], [], []>, transpose_lhs_hint = false} : vector<1600x16xf32>, vector<1600x32xf32>, vector<16x32xf32> -> vector<16x32xf32>
    %get3A_500 = arith.constant 0 : index
    %get3A_501 = arith.constant 1120 : index
    %get3A_502 = vector.load %arg8[%get3A_500, %get3A_501] : memref<16x1152xf32, #tpu.memory_space<vmem>>, vector<16x32xf32>
    %add3A_503 = arith.addf %get3A_502, %dot_general3A_499 : vector<16x32xf32>
    %swap3A_504 = arith.constant 0 : index
    %swap3A_505 = arith.constant 1120 : index
    %swap3A_506 = vector.load %arg8[%swap3A_504, %swap3A_505] : memref<16x1152xf32, #tpu.memory_space<vmem>>, vector<16x32xf32>
    tpu.vector_store %arg8[%swap3A_504, %swap3A_505], %add3A_503 {strides = array<i32>} : memref<16x1152xf32, #tpu.memory_space<vmem>>, vector<16x32xf32>,
    %eq3A_507 = arith.constant 199 : i32
    %eq3A_508 = arith.cmpi eq, %arg0, %eq3A_507 : i32
    %convert_element_type3A_509 = arith.extui %eq3A_508 : i1 to i32
    %cond3A_510 = arith.constant 0 : i32
    %cond3A_511 = arith.cmpi ne, %convert_element_type3A_509, %cond3A_510 : i32
    scf.if %cond3A_511 {
      %get3A_512 = arith.constant 0 : index
      %get3A_513 = arith.constant 0 : index
      %get3A_514 = vector.load %arg8[%get3A_512, %get3A_513] : memref<16x1152xf32, #tpu.memory_space<vmem>>, vector<16x1152xf32>
      %get3A_515 = arith.constant 0 : index
      %get3A_516 = arith.constant 0 : index
      %get3A_517 = vector.load %arg6[%get3A_515, %get3A_516] : memref<1152x64xf32, #tpu.memory_space<vmem>>, vector<1152x64xf32>
      %dot_general3A_518 = arith.constant dense<0.000000e+00> : vector<16x64xf32>
      %dot_general3A_519 = tpu.matmul %get3A_514, %get3A_517, %dot_general3A_518 {dimension_numbers = #tpu.dot_dimension_numbers<[1], [0], [0], [1], [0, 0, 1, 1], [], []>, transpose_lhs_hint = false} : vector<16x1152xf32>, vector<1152x64xf32>, vector<16x64xf32> -> vector<16x64xf32>
      %swap3A_520 = arith.constant 0 : index
      %swap3A_521 = arith.constant 0 : index
      %swap3A_522 = vector.load %arg7[%swap3A_520, %swap3A_521] : memref<16x64xf32, #tpu.memory_space<vmem>>, vector<16x64xf32>
      tpu.vector_store %arg7[%swap3A_520, %swap3A_521], %dot_general3A_519 {strides = array<i32>} : memref<16x64xf32, #tpu.memory_space<vmem>>, vector<16x64xf32>,
    } else {
    }
    return
  }
  func.func @transform_0(%arg0: i32) -> (i32, i32) {
    %c0_i32 = arith.constant 0 : i32
    %c0_i32_0 = arith.constant 0 : i32
    return %arg0, %c0_i32 : i32, i32
  }
  func.func @transform_1(%arg0: i32) -> (i32, i32) {
    %c0_i32 = arith.constant 0 : i32
    %c0_i32_0 = arith.constant 0 : i32
    return %arg0, %c0_i32 : i32, i32
  }
  func.func @transform_2(%arg0: i32) -> (i32, i32) {
    %c0_i32 = arith.constant 0 : i32
    %c0_i32_0 = arith.constant 0 : i32
    return %arg0, %c0_i32 : i32, i32
  }
  func.func @transform_3(%arg0: i32) -> (i32, i32) {
    %c0_i32 = arith.constant 0 : i32
    %c0_i32_0 = arith.constant 0 : i32
    return %arg0, %c0_i32 : i32, i32
  }
  func.func @transform_4(%arg0: i32) -> (i32, i32) {
    %c0_i32 = arith.constant 0 : i32
    %c0_i32_0 = arith.constant 0 : i32
    return %arg0, %c0_i32 : i32, i32
  }
  func.func @transform_5(%arg0: i32) -> (i32, i32) {
    %c0_i32 = arith.constant 0 : i32
    %c0_i32_0 = arith.constant 0 : i32
    %c0_i32_1 = arith.constant 0 : i32
    return %c0_i32, %c0_i32_0 : i32, i32
  }
  func.func @transform_6(%arg0: i32) -> (i32, i32) {
    %c0_i32 = arith.constant 0 : i32
    %c0_i32_0 = arith.constant 0 : i32
    %c0_i32_1 = arith.constant 0 : i32
    return %c0_i32, %c0_i32_0 : i32, i32
  }
}

</mosaic_0001>

<sc_bundles>
// kernel: scatter_offload_async_start.1
scs
__scs_entry_jumppad:
0x0: {  	(pc) =	sbr.rel $0x88, $3  }
0x1: {  	(tag) =	ssettag $0x0;
	lr =	simm.s32 $0x1  }
0x2: {  	[smem:$0x3F92] =	sst lr;
	_ =	strace $0xD0000000  }
0x3: {  	_ = 	snop  }
0x4: {  	_ = 	snop  }
0x5: {  	_ = 	snop  }
0x6: {  	_ = 	snop  }
0x7: {  	_ = 	snop  }
__scs_overlays_trampoline_lowered:
0x8: {  	[smem:$0x3FA1] =	sst s0  }
0x9: {  	[smem:$0x3FA2] =	sst s1  }
0xa: {  	[smem:$0x3FA3] =	sst s2  }
0xb: {  	[smem:$0x3FA4] =	sst s3  }
0xc: {  	[smem:$0x3FA5] =	sst s4  }
0xd: {  	[smem:$0x3FA6] =	sst s5  }
0xe: {  	[smem:$0x3FA7] =	sst s6  }
0xf: {  	[smem:$0x3FA8] =	sst s7  }
0x10: {  	[smem:$0x3FA9] =	sst s8  }
0x11: {  	[smem:$0x3FAA] =	sst s9;
	s0 =	simm.s32 @!p0 $0x0  }
0x12: {  	s1 =	sld [smem:$0x3F90];
	s0 =	simm.s32 @p0 $0x1  }
0x13: {  	[smem:$0x3FAB] =	sst s0;
	s0 =	simm.s32 @!p1 $0x0  }
0x14: {  	s2 =	sld [smem:$0x3F8F];
	s0 =	simm.s32 @p1 $0x1  }
0x15: {  	[smem:$0x3FAC] =	sst s0;
	s0 =	simm.s32 @!p2 $0x0  }
0x16: {  	s3 =	sld [smem:$0x3FDB];
	s0 =	simm.s32 @p2 $0x1  }
0x17: {  	s4 =	simm.s32 $0x1BF5;
	[smem:$0x3FAE] =	sst s0  }
0x18: {  	s0 =	sld [smem:$0x3F91];
	_ =	swait.ge [sflag:s4], $0x0  }
0x19: {  	s7 =	sld [smem:$0x3F92]  }
0x1a: {  	s8 =	sadd.s32 $0xFFFFE003, lr  }
0x1b: {  	s9 =	sadd.s32 $0xFFFFFEF7, lr;
	s5 =	simm.s32 $0xFFFFFFFF;
	p2 =	slt.u32 s8, $0xFFFFF086  }
0x1c: {  	p1 =	slt.u32 s9, $0xF7A;
	s5 =	simm.s32 @!p2 $0x0  }
0x1d: {  	s5 =	simm.s32 @p1 $0x1;
	p0 =	seq.s32 s7, s2  }
0x1e: {  	s7 =	smul.u32 @!p0 $0xF7A, s2;
	p2 =	seq.s32 @!p0 s5, $0x0  }
0x1f: {  	s9 =	smul.u32 $0xF7A, s1;
	s8 =	simm.s32 @!p0 $0x1BF5;
	p2 =	por !p2, p0  }
0x20: {  	[sflag:s8] =	ssyncset.s32 @!p0 $0xFFFFF086;
	s6 =	sadd.s32 @!p0 s3, s7;
	s7 =	simm.s32 @!p0 $0x108  }
0x21: {  	s3 =	sadd.s32 s3, s9;
	s6 =	sadd.s32 @!p0 $0x88, s6;
	s7 =	simm.s32 @p2 $0x1082  }
0x22: {  	[simem:s7], [sflag:s8] =	dma.local @!p0 [hbm:s6], $0xF7A  }
0x23: {  	s9 =	sor.u32 $0xD0000000, s2;
	s6 =	simm.s32 $0x108;
	_ =	swait.ge @!p0 [sflag:s8], $0x0  }
0x24: {  	s3 =	sadd.s32 $0x88, s3;
	s6 =	simm.s32 @!p1 $0x1082;
	[sflag:s4] =	ssyncset.s32 $0xFFFFF086  }
0x25: {  	[simem:s6], [sflag:s4] =	dma.local [hbm:s3], $0xF7A  }
0x26: {  	[smem:$0x3F92] =	sst s1;
	(tag) =	ssettag s2;
	_ =	strace s9  }
0x27: {  	s1 =	sld [smem:$0x3FA2]  }
0x28: {  	s2 =	sld [smem:$0x3FA3]  }
0x29: {  	s4 =	sld [smem:$0x3FA5]  }
0x2a: {  	p0 =	seq.s32 s5, $0x0;
	s5 =	sld [smem:$0x3FA6]  }
0x2b: {  	s6 =	sld [smem:$0x3FA7]  }
0x2c: {  	s7 =	sld [smem:$0x3FA8]  }
0x2d: {  	s3 =	simm.s32 $0x108;
	s8 =	sld [smem:$0x3FA9]  }
0x2e: {  	s3 =	simm.s32 @!p0 $0x1082;
	s9 =	sld [smem:$0x3FAA]  }
0x2f: {  	lr =	sadd.s32 s0, s3;
	s0 =	sld [smem:$0x3FA1]  }
0x30: {  	s3 =	sld [smem:$0x3FA4]  }
0x31: {  	[smem:$0x3FAD] =	sst s10  }
0x32: {  	s10 =	sld [smem:$0x3FAB];
	_ =	sdelay $0x3  }
0x33: {  	p0 =	seq.s32 s10, $0x1;
	s10 =	sld [smem:$0x3FAD];
	_ =	sdelay $0x3  }
0x34: {  	[smem:$0x3FAD] =	sst s10  }
0x35: {  	s10 =	sld [smem:$0x3FAC];
	_ =	sdelay $0x3  }
0x36: {  	p1 =	seq.s32 s10, $0x1;
	s10 =	sld [smem:$0x3FAD];
	_ =	sdelay $0x3  }
0x37: {  	[smem:$0x3FAD] =	sst s10  }
0x38: {  	s10 =	sld [smem:$0x3FAE]  }
0x39: {  	_ = 	snop;
	(pc) =	sbr.ind lr, $3  }
0x3a: {  	_ = 	snop  }
0x3b: {  	_ = 	snop  }
0x3c: {  	p2 =	seq.s32 s10, $0x1;
	s10 =	sld [smem:$0x3FAD]  }
0x3d: {  	_ =	shalt  }
0x3e: {  	_ =	shalt  }
0x3f: {  	_ =	shalt  }
0x40: {  	_ =	shalt  }
0x41: {  	_ =	shalt  }
0x42: {  	_ =	shalt  }
0x43: {  	_ =	shalt  }
0x44: {  	_ =	shalt  }
0x45: {  	_ =	shalt  }
0x46: {  	_ =	shalt  }
0x47: {  	_ =	shalt  }
0x48: {  	_ =	shalt  }
0x49: {  	_ =	shalt  }
0x4a: {  	_ =	shalt  }
0x4b: {  	_ =	shalt  }
0x4c: {  	_ =	shalt  }
0x4d: {  	_ =	shalt  }
0x4e: {  	_ =	shalt  }
0x4f: {  	_ =	shalt  }
0x50: {  	_ =	shalt  }
0x51: {  	_ =	shalt  }
0x52: {  	_ =	shalt  }
0x53: {  	_ =	shalt  }
0x54: {  	_ =	shalt  }
0x55: {  	_ =	shalt  }
0x56: {  	_ =	shalt  }
0x57: {  	_ =	shalt  }
0x58: {  	_ =	shalt  }
0x59: {  	_ =	shalt  }
0x5a: {  	_ =	shalt  }
0x5b: {  	_ =	shalt  }
0x5c: {  	_ =	shalt  }
0x5d: {  	_ =	shalt  }
0x5e: {  	_ =	shalt  }
0x5f: {  	_ =	shalt  }
0x60: {  	_ =	shalt  }
0x61: {  	_ =	shalt  }
0x62: {  	_ =	shalt  }
0x63: {  	_ =	shalt  }
0x64: {  	_ =	shalt  }
0x65: {  	_ =	shalt  }
0x66: {  	_ =	shalt  }
0x67: {  	_ =	shalt  }
0x68: {  	_ =	shalt  }
0x69: {  	_ =	shalt  }
0x6a: {  	_ =	shalt  }
0x6b: {  	_ =	shalt  }
0x6c: {  	_ =	shalt  }
0x6d: {  	_ =	shalt  }
0x6e: {  	_ =	shalt  }
0x6f: {  	_ =	shalt  }
0x70: {  	_ =	shalt  }
0x71: {  	_ =	shalt  }
0x72: {  	_ =	shalt  }
0x73: {  	_ =	shalt  }
0x74: {  	_ =	shalt  }
0x75: {  	_ =	shalt  }
0x76: {  	_ =	shalt  }
0x77: {  	_ =	shalt  }
0x78: {  	_ =	shalt  }
0x79: {  	_ =	shalt  }
0x7a: {  	_ =	shalt  }
0x7b: {  	_ =	shalt  }
0x7c: {  	_ =	shalt  }
0x7d: {  	_ =	shalt  }
0x7e: {  	_ =	shalt  }
0x7f: {  	_ =	shalt  }
0x80: {  	_ =	shalt  }
0x81: {  	_ =	shalt  }
0x82: {  	_ =	shalt  }
0x83: {  	_ =	shalt  }
0x84: {  	_ =	shalt  }
0x85: {  	_ =	shalt  }
0x86: {  	_ =	shalt  }
0x87: {  	_ =	shalt  }
.Lfunc_end0:
.L_simem_size_0:
called_computation.1_lowered:
.L_overlay_start_0:
0x88: {  	s2 =	sld [smem:$0x3FD9]  }
0x89: {  	s3 =	sld [smem:$0x3FFE];
	_ =	sdelay $0x1  }
0x8a: {  	s1 =	srdreg.scid  }
0x8b: {  	s0 =	sand.u32 $0x1, s1  }
0x8c: {  	s15 =	sshll.u32 s0, $0xA;
	s2 =	sadd.s32 s3, s2  }
0x8d: {  	s2 =	sadd.s32 s2, s15  }
0x8e: {  	[smem:$0x3FB9] =	sst s2  }
0x8f: {  	_ = 	snop  }
0x90: {  	(tm) =	ssettm $0x1  }
0x91: {  	s16 =	sld [smem:$0x3FFB];
	_ =	sdelay $0x3  }
0x92: {  	_ =	strace s16  }
0x93: {  	s2 =	sld [smem:$0x3FFC];
	_ =	sdelay $0x3  }
0x94: {  	_ =	strace s2  }
0x95: {  	s2 =	sld [smem:$0x3FFD];
	_ =	sdelay $0x3  }
0x96: {  	_ =	strace s2  }
0x97: {  	_ =	strace $0x8FFFFFFF  }
0x98: {  	s17 =	sld [smem:$0x3FDB];
	_ =	sdelay $0x1  }
0x99: {  	s18 =	simm.s32 $_scs_section_size  }
0x9a: {  	s4 =	simm.s32 $_size__tile_overlayer_lowered;
	s5 =	simm.s32 $_tile_overlayer_lowered  }
0x9b: {  	s6 =	simm.s32 $0x1BFF;
	s19 =	sshll.u32 s5, $0x1;
	s3 =	sadd.s32 s18, s17  }
0x9c: {  	s20 =	simm.s32 $0x0;
	s4 =	sshll.u32 s4, $0x1;
	s5 =	sadd.s32 s19, s3  }
0x9d: {  	[timem:s20], [sflag:s6] =	dma.local [hbm:s5], s4  }
0x9e: {  	_ =	swait.ge [sflag:s6], s4  }
0x9f: {  	s4 =	ssub.s32 $0x0, s4;
	[sflag:s6] =	ssyncset.done $0x0  }
0xa0: {  	[sflag:s6] =	ssyncadd.s32 s4;
	_ =	sdelay $0x1  }
0xa1: {  	s21 =	simm.s32 $0x1B8B  }
0xa2: {  	_ =	swait.ge [sflag:s21], $0x1  }
0xa3: {  	[sflag:s21] =	ssyncset.done $0x0  }
0xa4: {  	s22 =	sld [smem:$0x3FFE];
	[sflag:s21] =	ssyncadd.s32 $0xFFFFFFFF  }
0xa5: {  	s24 =	simm.s32 $0x1B8E;
	s23 =	sld [smem:$0x0]  }
0xa6: {  	s25 =	simm.s32 $execute0_lowered;
	[smem:$0x3FD2] =	sst s24  }
0xa7: {  	s6 =	sshll.u32 s25, $0x1;
	_ =	strace $0x80000046;
	[dreg:$0x1] =	wrdreg $0xFFFFFFFF  }
0xa8: {  	s7 =	simm.s32 $_size_execute0_lowered;
	s6 =	sadd.s32 s3, s6;
	[dreg:$0x0] =	wrdreg $0x0  }
0xa9: {  	s7 =	sshll.u32 s7, $0x1;
	[dreg:$0x2] =	wrdreg s6  }
0xaa: {  	[dreg:$0x3] =	wrdreg s7  }
0xab: {  	[dreg:$0x4] =	wrdreg $0xC0  }
0xac: {  	s26 =	simm.s32 $execute1_lowered;
	_ =	task [dreg:s20], $0x5FFFF  }
0xad: {  	s6 =	sshll.u32 s26, $0x1;
	[dreg:$0x1] =	wrdreg $0xFFFFFFFF  }
0xae: {  	s3 =	sadd.s32 s3, s6;
	[dreg:$0x0] =	wrdreg $0x60  }
0xaf: {  	[dreg:$0x2] =	wrdreg s3  }
0xb0: {  	[dreg:$0x3] =	wrdreg s22  }
0xb1: {  	[dreg:$0x4] =	wrdreg $0xA  }
0xb2: {  	_ =	task.clear_ibuf [dreg:s20], $0x5FFFF;
	_ =	strace $0x90000046  }
0xb3: {  	s28 =	simm.s32 $0xA;
	_ =	strace $0x80000048  }
0xb4: {  	_ =	swait.ge [sflag:s28], $0x1  }
0xb5: {  	[sflag:s28] =	ssyncadd.s32 $0xFFFFFFFF  }
0xb6: {  	_ =	strace $0x90000048  }
0xb7: {  	s3 =	sld [smem:$0x0]  }
0xb8: {  	s6 =	sand.u32 $0xFFFFFFFE, s1  }
0xb9: {  	p0 =	sne.s32 s1, s6  }
0xba: {  	s6 =	sshll.u32 @p0 s6, $0xE  }
0xbb: {  	s6 =	sadd.s32 @p0 $0x11BF3, s6;
	s7 =	sshll.u32 @p0 s3, $0x11  }
0xbc: {  	s6 =	sor.u32 @p0 s7, s6  }
0xbd: {  	[sflag:s6] =	ssyncadd.remote.s32 @p0 $0x1;
	_ =	sdelay $0x1  }
0xbe: {  	s6 =	simm.s32 @p0 $0x1BF3  }
0xbf: {  	_ =	swait.eq @p0 [sflag:s6], $0x1  }
0xc0: {  	[sflag:s6] =	ssyncadd.s32 @p0 $0xFFFFFFFF  }
0xc1: {  	s7 =	sshll.u32 @!p0 s1, $0xE  }
0xc2: {  	s7 =	sor.u32 @!p0 $0x4000, s7;
	s6 =	simm.s32 @!p0 $0x1BF3  }
0xc3: {  	s3 =	sshll.u32 @!p0 s3, $0x11;
	s7 =	sadd.s32 @!p0 $0x11BF3, s7;
	_ =	swait.eq @!p0 [sflag:s6], $0x1  }
0xc4: {  	s3 =	sor.u32 @!p0 s3, s7;
	[sflag:s6] =	ssyncadd.s32 @!p0 $0xFFFFFFFF  }
0xc5: {  	[sflag:s3] =	ssyncadd.remote.s32 @!p0 $0x1  }
0xc6: {  	_ =	strace $0x80000049;
	[dreg:$0x1] =	wrdreg $0xFFFFFFFF  }
0xc7: {  	[dreg:$0x0] =	wrdreg $0x2030  }
0xc8: {  	[dreg:$0x2] =	wrdreg s22  }
0xc9: {  	[dreg:$0x3] =	wrdreg s1  }
0xca: {  	[dreg:$0x4] =	wrdreg s23  }
0xcb: {  	[dreg:$0x5] =	wrdreg $0xB  }
0xcc: {  	_ =	task.clear_ibuf [dreg:s20], $0x6FFFF;
	_ =	strace $0x90000049  }
0xcd: {  	s29 =	simm.s32 $0xB;
	_ =	strace $0x8000004B  }
0xce: {  	_ =	swait.ge [sflag:s29], $0x1  }
0xcf: {  	[sflag:s29] =	ssyncadd.s32 $0xFFFFFFFF  }
0xd0: {  	_ =	strace $0x9000004B  }
0xd1: {  	_ =	sfence  }
0xd2: {  	s30 =	sld [smem:$0x0];
	_ =	sdelay $0x2  }
0xd3: {  	s31 =	sshll.u32 s1, $0xD;
	s1 =	sshrl.u32 s1, $0x2  }
0xd4: {  	s4 =	sand.u32 $0x4000, s31;
	s1 =	sadd.s32 s1, s30  }
0xd5: {  	s0 =	sor.u32 s4, s0;
	s1 =	sshll.u32 s1, $0x11  }
0xd6: {  	s0 =	sor.u32 s1, s0  }
0xd7: {  	s0 =	sadd.s32 $0x8F2B, s0  }
0xd8: {  	[sflag:s0] =	ssyncadd.remote.s32 $0x1  }
0xd9: {  	_ =	sfence.sel $0xFFFF  }
0xda: {  	[dreg:$0x0] =	wrdreg $0xFFFFFFFF;
	(pc) =	sbr.abs _section_cstart, $3  }
0xdb: {  	[dreg:$0x1] =	wrdreg $0xFFFFFFFF  }
0xdc: {  	_ =	task.clear_ibuf [dreg:s20], $0x2FFFF;
	_ =	strace $0x9FFFFFFF  }
0xdd: {  	(tm) =	ssettm $0x7FFFFFFF  }
tec
execute0_lowered:
.L_overlay_start_1:
0x0: {  	(tag) =	ssettag $0x1  }
0x1: {  	s2 =	rddreg [dreg:$0x0]  }
0x2: {  	s7 =	rddreg [dreg:$0x1]  }
0x3: {  	s0 =	rddreg [dreg:$0x2]  }
0x4: {  	s3 =	stileid.u32;
	[bflag:$0x3] =	sbarrier.arrive $0xFFFF;
	s1 =	simm.s32 $_size_execute1_lowered  }
0x5: {  	s29 =	srdreg.scid;
	s9 =	simm.s32 $0x2;
	p0 =	sne.s32 s3, $0x0  }
0x6: {  	s1 =	sshll.u32 s1, $0x1;
	s4 =	simm.s32 @!p0 $0x1C3F;
	s5 =	simm.s32 @!p0 $0x4060  }
0x7: {  	[timem:s5], [sflag:s4] =	dma.local @!p0 [hbm:s2], s1  }
0x8: {  	s13 =	simm.s32 $0x0;
	s10 =	simm.s32 $0x80;
	s2 =	sshll.u32 s29, $0x9  }
0x9: {  	s12 =	simm.s32 $0x0;
	s3 =	sshll.u32 s3, $0xA;
	s2 =	sand.u32 $0x200, s2  }
0xa: {  	s11 =	simm.s32 $0x0;
	_ =	strace $0x80000047;
	s2 =	sor.u32 s3, s2  }
0xb: {  	s3 =	sshll.u32 s2, $0x4;
	p1 =	slt.u32 s2, $0x2710;
	s31 =	smax.u32 s2, $0x2510  }
0xc: {  	s5 =	ssub.s32 $0x2710, s2;
	s4 =	sadd.s32 $0xFFFD8F00, s3;
	s6 =	sshll.u32 s31, $0x7  }
0xd: {  	s4 =	smov.u32 @p1 s3;
	s3 =	simm.s32 $0x1;
	p1 =	sgt.s32 s5, $0x0  }
0xe: {  	s6 =	ssub.s32 $0x138800, s6;
	s8 =	sadd.s32 s4, s7;
	[sflag:s3] =	ssyncpa.u1 $0x0  }
.Ltmp0:
0xf: {  	s5 =	simm.s32 @!p1 $0x0;
	s4 =	simm.s32 $0x1;
	(pc) =	sbr.rel .LBB2_1-.Ltmp0, $4  }
0x10: {  	s6 =	sshrl.u32 s6, $0x2;
	s7 =	sadd.s32 $0x56000, s7;
	s30 =	sand.u32 $0x3F10, s5  }
0x11: {  	s5 =	simm.s32 $0x3;
	[sflag:s9] =	ssyncpa.u1 $0x0;
	p1 =	sne.s32 s30, $0x0  }
0x12: {  	s4 =	simm.s32 @!p1 $0x0;
	s5 =	simm.s32 @!p1 $0x2;
	p1 =	sgt.u32 s2, $0x270F  }
0x13: {  	s8 =	sadd.s32 $0x2EE00, s8;
	s9 =	simm.s32 $0x20;
	s6 =	simm.s32 @p1 $0x0  }
.LBB2_5:
0x14: {  	_ =	sdelay $0x3  }
0x15: {  	[tilespmem:v1+s16+$0x0 ss:$0x1] =	vst.idx.msk $0xffff, v2  }
.LBB2_6:
0x16: {  	s16 =	smulhi.u32 $0xD1B71759, s12;
	_ =	sdelay $0x1  }
0x17: {  	s16 =	sshrl.u32 s16, $0xD  }
0x18: {  	s16 =	smul.u32 $0x2710, s16;
	_ =	sdelay $0x1  }
0x19: {  	s16 =	ssub.s32 s12, s16  }
0x1a: {  	s16 =	sshll.u32 s16, $0x4  }
0x1b: {  	s16 =	sadd.s32 s7, s16  }
0x1c: {  	[hbm4b:s16+s9] =	stream.strided.scatter [tilespmem:s15], [sflag:$0x2], s14, s10, s9, $0x38;
	[tilespmem:$0x10000] =	vst v63  }
.LBB2_7:
0x1d: {  	p1 =	slt.u32 s11, $0x2  }
0x1e: {  	p2 =	sgt.s32 @!p1 s13, $0x2510  }
0x1f: {  	p2 =	por !p2, p1  }
0x20: {  	p3 =	sgt.s32 @!p1 s13, $0x270F;
	s13 =	simm.s32 @p2 $0x2510  }
0x21: {  	s13 =	sshll.u32 @!p1 s13, $0x7  }
0x22: {  	s13 =	ssub.s32 @!p1 $0x138800, s13  }
0x23: {  	s11 =	sadd.s32 $0x1, s11;
	p2 =	por !p3, p1;
	s13 =	sshrl.u32 @!p1 s13, $0x2  }
0x24: {  	s13 =	simm.s32 @!p2 $0x0;
	p2 =	sne.s32 s11, s5  }
.Ltmp1:
0x25: {  	_ = 	snop;
	(pc) =	sbr.rel @!p2 .LBB2_8-.Ltmp1, $4  }
0x26: {  	s14 =	simm.s32 @!p1 $0x2  }
0x27: {  	_ =	swait.ge @!p1 [sflag:s14], s13  }
0x28: {  	s15 =	ssub.s32 @!p1 $0x0, s13;
	[sflag:s14] =	ssyncset.done @!p1 $0x0  }
0x29: {  	s13 =	smov.u32 s12;
	s12 =	smov.u32 s2;
	[sflag:s14] =	ssyncadd.s32 @!p1 s15  }
.LBB2_1:
0x2a: {  	p1 =	sge.u32 s11, s4;
	s31 =	sadd.s32 $0xFFFFFFFF, s11  }
0x2b: {  	s14 =	simm.s32 @!p1 $0x20;
	s15 =	simm.s32 @!p1 $0x80;
	s16 =	simm.s32 @!p1 $0x4000  }
0x2c: {  	[tilespmem:s16], [sflag:$0x1] =	stream.strided.gather @!p1 [hbm4b:s8+s14], s6, s15, s14, $0x38;
	[tilespmem:$0x10000] =	vst v63  }
0x2d: {  	p1 =	sge.u32 s31, s4  }
.Ltmp2:
0x2e: {  	_ = 	snop;
	(pc) =	sbr.rel @p1 .LBB2_7-.Ltmp2, $1  }
0x2f: {  	_ =	sdelay $0x3  }
0x30: {  	p1 =	sgt.s32 s12, $0x2510;
	s14 =	smov.u32 s12  }
0x31: {  	s14 =	simm.s32 @!p1 $0x2510  }
0x32: {  	s14 =	sshll.u32 s14, $0x7  }
0x33: {  	s14 =	ssub.s32 $0x138800, s14  }
0x34: {  	p1 =	sgt.u32 s12, $0x270F;
	s14 =	sshrl.u32 s14, $0x2  }
0x35: {  	s15 =	smov.u32 s12;
	s14 =	simm.s32 @p1 $0x0;
	p1 =	slt.s32 s12, $0x2510  }
0x36: {  	s15 =	simm.s32 @!p1 $0x2510  }
0x37: {  	s16 =	ssub.s32 s15, s12  }
0x38: {  	p1 =	slt.s32 s16, $0xFFFFFE01  }
.Ltmp3:
0x39: {  	_ = 	snop;
	(pc) =	sbr.rel @p1 .LBB2_6-.Ltmp3, $4  }
0x3a: {  	_ = 	snop  }
0x3b: {  	s17 =	sshll.u32 s11, $0xE;
	_ =	swait.ge [sflag:s3], s14  }
0x3c: {  	s17 =	sand.u32 $0x4000, s17;
	s18 =	ssub.s32 $0x0, s14;
	[sflag:s3] =	ssyncset.done $0x0  }
0x3d: {  	s15 =	sor.u32 $0x8000, s17;
	[sflag:s3] =	ssyncadd.s32 s18  }
0x3e: {  	v0 =	vmov s17;
	_ =	sdelay $0x1  }
0x3f: {  	s30 =	sadd.s32 $0x200, s16  }
0x40: {  	s31 =	simm.s32 $0x0;
	p1 =	sne.s32 s30, $0x1  }
.Ltmp4:
0x41: {  	s16 =	sand.u32 $0x3FE0, s31;
	(pc) =	sbr.rel @!p1 .LBB2_5-.Ltmp4, $2  }
0x42: {  	v1 =	vmov s15;
	v2 =	vld.idx.msk [tilespmem:v0+s16+$0x0 ss:$0x1], $0xffff;
	_ =	sdelay $0x2  }
0x43: {  	s18 =	simm.s32 $0x20;
	s17 =	sadd.s32 $0xFFFFFFFF, s30  }
.LBB2_4:
0x44: {  	s19 =	sand.u32 $0x3FE0, s18;
	p1 =	sne.s32 s17, $0x1;
	s17 =	sadd.s32 $0xFFFFFFFF, s17  }
.Ltmp5:
0x45: {  	[tilespmem:v1+s16+$0x0 ss:$0x1] =	vst.idx.msk $0xffff, v2;
	v2 =	vld.idx.msk [tilespmem:v0+s19+$0x0 ss:$0x1], $0xffff;
	s16 =	smov.u32 s19;
	(pc) =	sbr.rel @p1 .LBB2_4-.Ltmp5, $2  }
0x46: {  	_ =	sdelay $0x2  }
0x47: {  	s18 =	sadd.s32 $0x20, s18  }
.Ltmp6:
0x48: {  	_ = 	snop;
	(pc) =	sbr.rel .LBB2_5-.Ltmp6, $1  }
0x49: {  	_ =	sdelay $0x3  }
.LBB2_8:
0x4a: {  	_ =	sfence.sel $0x180000  }
0x4b: {  	s2 =	simm.s32 $0x1;
	[bflag:$0x0] =	sbarrier.arrive $0xFFFF  }
0x4c: {  	s31 =	simm.s32 $0x2;
	[sflag:s2] =	ssyncpa.u1 $0x1  }
0x4d: {  	[sflag:s31] =	ssyncpa.u1 $0x1  }
0x4e: {  	_ =	strace $0x90000047  }
0x4f: {  	s0 =	sadd.s32 @!p0 $0x100000, s0;
	[bflag:$0x2] =	sbarrier.arrive $0xFFFF  }
0x50: {  	[sflag:s0] =	ssyncadd.tile.s32 @!p0 $0x1;
	s0 =	simm.s32 @!p0 $0x3F  }
0x51: {  	_ =	swait.ge @!p0 [sflag:s0], s1  }
0x52: {  	s1 =	ssub.s32 @!p0 $0x0, s1;
	[sflag:s0] =	ssyncset.done @!p0 $0x0  }
0x53: {  	[sflag:s0] =	ssyncadd.s32 @!p0 s1  }
0x54: {  	[bflag:$0x3] =	sbarrier.arrive $0xFFFF  }
0x55: {  	_ =	shalt  }
.Lfunc_end2:
execute1_lowered:
.L_overlay_start_2:
0x56: {  	(tag) =	ssettag $0x2  }
0x57: {  	s11 =	rddreg [dreg:$0x0]  }
0x58: {  	s2 =	rddreg [dreg:$0x1];
	_ =	strace $0x8000004A;
	s12 =	simm.s32 $0x1  }
0x59: {  	v0 =	vimm.s32 $0x0;
	[sflag:s12] =	ssyncpa.u1 $0x0  }
0x5a: {  	[tilespmem:$0x28] =	vst v0  }
0x5b: {  	[tilespmem:$0x38] =	vst v0  }
0x5c: {  	[tilespmem:$0x48] =	vst v0  }
0x5d: {  	[tilespmem:$0x58] =	vst v0  }
0x5e: {  	[tilespmem:$0x68] =	vst v0  }
0x5f: {  	[tilespmem:$0x78] =	vst v0  }
0x60: {  	[tilespmem:$0x88] =	vst v0  }
0x61: {  	[tilespmem:$0x98] =	vst v0  }
0x62: {  	[tilespmem:$0xA8] =	vst v0  }
0x63: {  	[tilespmem:$0xB8] =	vst v0  }
0x64: {  	[tilespmem:$0xC8] =	vst v0  }
0x65: {  	[tilespmem:$0xD8] =	vst v0  }
0x66: {  	[tilespmem:$0xE8] =	vst v0  }
0x67: {  	[tilespmem:$0xF8] =	vst v0  }
0x68: {  	[tilespmem:$0x108] =	vst v0  }
0x69: {  	[tilespmem:$0x118] =	vst v0  }
0x6a: {  	[tilespmem:$0x128] =	vst v0  }
0x6b: {  	[tilespmem:$0x138] =	vst v0  }
0x6c: {  	[tilespmem:$0x148] =	vst v0  }
0x6d: {  	[tilespmem:$0x158] =	vst v0  }
0x6e: {  	[tilespmem:$0x168] =	vst v0  }
0x6f: {  	[tilespmem:$0x178] =	vst v0  }
0x70: {  	[tilespmem:$0x188] =	vst v0  }
0x71: {  	[tilespmem:$0x198] =	vst v0  }
0x72: {  	[tilespmem:$0x1A8] =	vst v0  }
0x73: {  	[tilespmem:$0x1B8] =	vst v0  }
0x74: {  	[tilespmem:$0x1C8] =	vst v0  }
0x75: {  	[tilespmem:$0x1D8] =	vst v0  }
0x76: {  	[tilespmem:$0x1E8] =	vst v0  }
0x77: {  	[tilespmem:$0x1F8] =	vst v0  }
0x78: {  	[tilespmem:$0x208] =	vst v0  }
0x79: {  	[tilespmem:$0x218] =	vst v0  }
0x7a: {  	[tilespmem:$0x228] =	vst v0  }
0x7b: {  	[tilespmem:$0x238] =	vst v0  }
0x7c: {  	[tilespmem:$0x248] =	vst v0  }
0x7d: {  	[tilespmem:$0x258] =	vst v0  }
0x7e: {  	[tilespmem:$0x268] =	vst v0  }
0x7f: {  	[tilespmem:$0x278] =	vst v0  }
0x80: {  	[tilespmem:$0x288] =	vst v0  }
0x81: {  	[tilespmem:$0x298] =	vst v0  }
0x82: {  	[tilespmem:$0x2A8] =	vst v0  }
0x83: {  	[tilespmem:$0x2B8] =	vst v0  }
0x84: {  	[tilespmem:$0x2C8] =	vst v0  }
0x85: {  	[tilespmem:$0x2D8] =	vst v0  }
0x86: {  	[tilespmem:$0x2E8] =	vst v0  }
0x87: {  	[tilespmem:$0x2F8] =	vst v0  }
0x88: {  	[tilespmem:$0x308] =	vst v0  }
0x89: {  	[tilespmem:$0x318] =	vst v0  }
0x8a: {  	[tilespmem:$0x328] =	vst v0  }
0x8b: {  	[tilespmem:$0x338] =	vst v0  }
0x8c: {  	[tilespmem:$0x348] =	vst v0  }
0x8d: {  	[tilespmem:$0x358] =	vst v0  }
0x8e: {  	[tilespmem:$0x368] =	vst v0  }
0x8f: {  	[tilespmem:$0x378] =	vst v0  }
0x90: {  	[tilespmem:$0x388] =	vst v0  }
0x91: {  	[tilespmem:$0x398] =	vst v0  }
0x92: {  	[tilespmem:$0x3A8] =	vst v0  }
0x93: {  	[tilespmem:$0x3B8] =	vst v0  }
0x94: {  	[tilespmem:$0x3C8] =	vst v0  }
0x95: {  	[tilespmem:$0x3D8] =	vst v0  }
0x96: {  	[tilespmem:$0x3E8] =	vst v0  }
0x97: {  	[tilespmem:$0x3F8] =	vst v0  }
0x98: {  	[tilespmem:$0x408] =	vst v0  }
0x99: {  	[tilespmem:$0x418] =	vst v0  }
0x9a: {  	[tilespmem:$0x428] =	vst v0  }
0x9b: {  	[tilespmem:$0x438] =	vst v0  }
0x9c: {  	[tilespmem:$0x448] =	vst v0  }
0x9d: {  	[tilespmem:$0x458] =	vst v0  }
0x9e: {  	[tilespmem:$0x468] =	vst v0  }
0x9f: {  	[tilespmem:$0x478] =	vst v0  }
0xa0: {  	[tilespmem:$0x488] =	vst v0  }
0xa1: {  	[tilespmem:$0x498] =	vst v0  }
0xa2: {  	[tilespmem:$0x4A8] =	vst v0  }
0xa3: {  	[tilespmem:$0x4B8] =	vst v0  }
0xa4: {  	[tilespmem:$0x4C8] =	vst v0  }
0xa5: {  	[tilespmem:$0x4D8] =	vst v0  }
0xa6: {  	[tilespmem:$0x4E8] =	vst v0  }
0xa7: {  	[tilespmem:$0x4F8] =	vst v0  }
0xa8: {  	[tilespmem:$0x508] =	vst v0  }
0xa9: {  	[tilespmem:$0x518] =	vst v0  }
0xaa: {  	[tilespmem:$0x528] =	vst v0  }
0xab: {  	[tilespmem:$0x538] =	vst v0  }
0xac: {  	[tilespmem:$0x548] =	vst v0  }
0xad: {  	[tilespmem:$0x558] =	vst v0  }
0xae: {  	[tilespmem:$0x568] =	vst v0  }
0xaf: {  	[tilespmem:$0x578] =	vst v0  }
0xb0: {  	[tilespmem:$0x588] =	vst v0  }
0xb1: {  	[tilespmem:$0x598] =	vst v0  }
0xb2: {  	[tilespmem:$0x5A8] =	vst v0  }
0xb3: {  	[tilespmem:$0x5B8] =	vst v0  }
0xb4: {  	[tilespmem:$0x5C8] =	vst v0  }
0xb5: {  	[tilespmem:$0x5D8] =	vst v0  }
0xb6: {  	[tilespmem:$0x5E8] =	vst v0  }
0xb7: {  	[tilespmem:$0x5F8] =	vst v0  }
0xb8: {  	[tilespmem:$0x608] =	vst v0  }
0xb9: {  	[tilespmem:$0x618] =	vst v0  }
0xba: {  	[tilespmem:$0x628] =	vst v0  }
0xbb: {  	[tilespmem:$0x638] =	vst v0  }
0xbc: {  	[tilespmem:$0x648] =	vst v0  }
0xbd: {  	[tilespmem:$0x658] =	vst v0  }
0xbe: {  	[tilespmem:$0x668] =	vst v0  }
0xbf: {  	[tilespmem:$0x678] =	vst v0  }
0xc0: {  	[tilespmem:$0x688] =	vst v0  }
0xc1: {  	[tilespmem:$0x698] =	vst v0  }
0xc2: {  	[tilespmem:$0x6A8] =	vst v0  }
0xc3: {  	[tilespmem:$0x6B8] =	vst v0  }
0xc4: {  	[tilespmem:$0x6C8] =	vst v0  }
0xc5: {  	[tilespmem:$0x6D8] =	vst v0  }
0xc6: {  	[tilespmem:$0x6E8] =	vst v0  }
0xc7: {  	[tilespmem:$0x6F8] =	vst v0  }
0xc8: {  	[tilespmem:$0x708] =	vst v0  }
0xc9: {  	[tilespmem:$0x718] =	vst v0  }
0xca: {  	[tilespmem:$0x728] =	vst v0  }
0xcb: {  	[tilespmem:$0x738] =	vst v0  }
0xcc: {  	[tilespmem:$0x748] =	vst v0  }
0xcd: {  	[tilespmem:$0x758] =	vst v0  }
0xce: {  	[tilespmem:$0x768] =	vst v0  }
0xcf: {  	[tilespmem:$0x778] =	vst v0  }
0xd0: {  	[tilespmem:$0x788] =	vst v0  }
0xd1: {  	[tilespmem:$0x798] =	vst v0  }
0xd2: {  	[tilespmem:$0x7A8] =	vst v0  }
0xd3: {  	[tilespmem:$0x7B8] =	vst v0  }
0xd4: {  	[tilespmem:$0x7C8] =	vst v0  }
0xd5: {  	[tilespmem:$0x7D8] =	vst v0  }
0xd6: {  	[tilespmem:$0x7E8] =	vst v0  }
0xd7: {  	[tilespmem:$0x7F8] =	vst v0  }
0xd8: {  	[tilespmem:$0x808] =	vst v0  }
0xd9: {  	[tilespmem:$0x818] =	vst v0  }
0xda: {  	[tilespmem:$0x828] =	vst v0  }
0xdb: {  	[tilespmem:$0x838] =	vst v0  }
0xdc: {  	[tilespmem:$0x848] =	vst v0  }
0xdd: {  	[tilespmem:$0x858] =	vst v0  }
0xde: {  	[tilespmem:$0x868] =	vst v0  }
0xdf: {  	[tilespmem:$0x878] =	vst v0  }
0xe0: {  	[tilespmem:$0x888] =	vst v0  }
0xe1: {  	[tilespmem:$0x898] =	vst v0  }
0xe2: {  	[tilespmem:$0x8A8] =	vst v0  }
0xe3: {  	[tilespmem:$0x8B8] =	vst v0  }
0xe4: {  	[tilespmem:$0x8C8] =	vst v0  }
0xe5: {  	[tilespmem:$0x8D8] =	vst v0  }
0xe6: {  	[tilespmem:$0x8E8] =	vst v0  }
0xe7: {  	[tilespmem:$0x8F8] =	vst v0  }
0xe8: {  	[tilespmem:$0x908] =	vst v0  }
0xe9: {  	[tilespmem:$0x918] =	vst v0  }
0xea: {  	[tilespmem:$0x928] =	vst v0  }
0xeb: {  	[tilespmem:$0x938] =	vst v0  }
0xec: {  	[tilespmem:$0x948] =	vst v0  }
0xed: {  	[tilespmem:$0x958] =	vst v0  }
0xee: {  	[tilespmem:$0x968] =	vst v0  }
0xef: {  	[tilespmem:$0x978] =	vst v0  }
0xf0: {  	[tilespmem:$0x988] =	vst v0  }
0xf1: {  	[tilespmem:$0x998] =	vst v0  }
0xf2: {  	[tilespmem:$0x9A8] =	vst v0  }
0xf3: {  	[tilespmem:$0x9B8] =	vst v0  }
0xf4: {  	[tilespmem:$0x9C8] =	vst v0  }
0xf5: {  	[tilespmem:$0x9D8] =	vst v0  }
0xf6: {  	[tilespmem:$0x9E8] =	vst v0  }
0xf7: {  	[tilespmem:$0x9F8] =	vst v0  }
0xf8: {  	[tilespmem:$0xA08] =	vst v0  }
0xf9: {  	[tilespmem:$0xA18] =	vst v0  }
0xfa: {  	[tilespmem:$0xA28] =	vst v0  }
0xfb: {  	[tilespmem:$0xA38] =	vst v0  }
0xfc: {  	[tilespmem:$0xA48] =	vst v0  }
0xfd: {  	[tilespmem:$0xA58] =	vst v0  }
0xfe: {  	[tilespmem:$0xA68] =	vst v0  }
0xff: {  	[tilespmem:$0xA78] =	vst v0  }
0x100: {  	[tilespmem:$0xA88] =	vst v0  }
0x101: {  	[tilespmem:$0xA98] =	vst v0  }
0x102: {  	[tilespmem:$0xAA8] =	vst v0  }
0x103: {  	[tilespmem:$0xAB8] =	vst v0  }
0x104: {  	[tilespmem:$0xAC8] =	vst v0  }
0x105: {  	[tilespmem:$0xAD8] =	vst v0  }
0x106: {  	[tilespmem:$0xAE8] =	vst v0  }
0x107: {  	[tilespmem:$0xAF8] =	vst v0  }
0x108: {  	[tilespmem:$0xB08] =	vst v0  }
0x109: {  	[tilespmem:$0xB18] =	vst v0  }
0x10a: {  	[tilespmem:$0xB28] =	vst v0  }
0x10b: {  	[tilespmem:$0xB38] =	vst v0  }
0x10c: {  	[tilespmem:$0xB48] =	vst v0  }
0x10d: {  	[tilespmem:$0xB58] =	vst v0  }
0x10e: {  	[tilespmem:$0xB68] =	vst v0  }
0x10f: {  	[tilespmem:$0xB78] =	vst v0  }
0x110: {  	[tilespmem:$0xB88] =	vst v0  }
0x111: {  	[tilespmem:$0xB98] =	vst v0  }
0x112: {  	[tilespmem:$0xBA8] =	vst v0  }
0x113: {  	[tilespmem:$0xBB8] =	vst v0  }
0x114: {  	[tilespmem:$0xBC8] =	vst v0  }
0x115: {  	[tilespmem:$0xBD8] =	vst v0  }
0x116: {  	[tilespmem:$0xBE8] =	vst v0  }
0x117: {  	[tilespmem:$0xBF8] =	vst v0  }
0x118: {  	[tilespmem:$0xC08] =	vst v0  }
0x119: {  	[tilespmem:$0xC18] =	vst v0  }
0x11a: {  	[tilespmem:$0xC28] =	vst v0  }
0x11b: {  	[tilespmem:$0xC38] =	vst v0  }
0x11c: {  	[tilespmem:$0xC48] =	vst v0  }
0x11d: {  	[tilespmem:$0xC58] =	vst v0  }
0x11e: {  	[tilespmem:$0xC68] =	vst v0  }
0x11f: {  	[tilespmem:$0xC78] =	vst v0  }
0x120: {  	[tilespmem:$0xC88] =	vst v0  }
0x121: {  	[tilespmem:$0xC98] =	vst v0  }
0x122: {  	[tilespmem:$0xCA8] =	vst v0  }
0x123: {  	[tilespmem:$0xCB8] =	vst v0  }
0x124: {  	[tilespmem:$0xCC8] =	vst v0  }
0x125: {  	[tilespmem:$0xCD8] =	vst v0  }
0x126: {  	[tilespmem:$0xCE8] =	vst v0  }
0x127: {  	[tilespmem:$0xCF8] =	vst v0  }
0x128: {  	[tilespmem:$0xD08] =	vst v0  }
0x129: {  	[tilespmem:$0xD18] =	vst v0  }
0x12a: {  	[tilespmem:$0xD28] =	vst v0  }
0x12b: {  	[tilespmem:$0xD38] =	vst v0  }
0x12c: {  	[tilespmem:$0xD48] =	vst v0  }
0x12d: {  	[tilespmem:$0xD58] =	vst v0  }
0x12e: {  	[tilespmem:$0xD68] =	vst v0  }
0x12f: {  	[tilespmem:$0xD78] =	vst v0  }
0x130: {  	[tilespmem:$0xD88] =	vst v0  }
0x131: {  	[tilespmem:$0xD98] =	vst v0  }
0x132: {  	[tilespmem:$0xDA8] =	vst v0  }
0x133: {  	[tilespmem:$0xDB8] =	vst v0  }
0x134: {  	[tilespmem:$0xDC8] =	vst v0  }
0x135: {  	[tilespmem:$0xDD8] =	vst v0  }
0x136: {  	[tilespmem:$0xDE8] =	vst v0  }
0x137: {  	[tilespmem:$0xDF8] =	vst v0  }
0x138: {  	[tilespmem:$0xE08] =	vst v0  }
0x139: {  	[tilespmem:$0xE18] =	vst v0  }
0x13a: {  	[tilespmem:$0xE28] =	vst v0  }
0x13b: {  	[tilespmem:$0xE38] =	vst v0  }
0x13c: {  	[tilespmem:$0xE48] =	vst v0  }
0x13d: {  	[tilespmem:$0xE58] =	vst v0  }
0x13e: {  	[tilespmem:$0xE68] =	vst v0  }
0x13f: {  	[tilespmem:$0xE78] =	vst v0  }
0x140: {  	[tilespmem:$0xE88] =	vst v0  }
0x141: {  	[tilespmem:$0xE98] =	vst v0  }
0x142: {  	[tilespmem:$0xEA8] =	vst v0  }
0x143: {  	[tilespmem:$0xEB8] =	vst v0  }
0x144: {  	[tilespmem:$0xEC8] =	vst v0  }
0x145: {  	[tilespmem:$0xED8] =	vst v0  }
0x146: {  	[tilespmem:$0xEE8] =	vst v0  }
0x147: {  	[tilespmem:$0xEF8] =	vst v0  }
0x148: {  	[tilespmem:$0xF08] =	vst v0  }
0x149: {  	[tilespmem:$0xF18] =	vst v0  }
0x14a: {  	[tilespmem:$0xF28] =	vst v0  }
0x14b: {  	[tilespmem:$0xF38] =	vst v0  }
0x14c: {  	[tilespmem:$0xF48] =	vst v0  }
0x14d: {  	[tilespmem:$0xF58] =	vst v0  }
0x14e: {  	[tilespmem:$0xF68] =	vst v0  }
0x14f: {  	[tilespmem:$0xF78] =	vst v0  }
0x150: {  	[tilespmem:$0xF88] =	vst v0  }
0x151: {  	[tilespmem:$0xF98] =	vst v0  }
0x152: {  	[tilespmem:$0xFA8] =	vst v0  }
0x153: {  	[tilespmem:$0xFB8] =	vst v0  }
0x154: {  	[tilespmem:$0xFC8] =	vst v0  }
0x155: {  	[tilespmem:$0xFD8] =	vst v0  }
0x156: {  	[tilespmem:$0xFE8] =	vst v0  }
0x157: {  	[tilespmem:$0xFF8] =	vst v0  }
0x158: {  	[tilespmem:$0x1028] =	vst v0  }
0x159: {  	[tilespmem:$0x10E8] =	vst v0  }
0x15a: {  	[tilespmem:$0x1068] =	vst v0  }
0x15b: {  	[tilespmem:$0x1B28] =	vst v0  }
0x15c: {  	[tilespmem:$0x1B18] =	vst v0  }
0x15d: {  	[tilespmem:$0x1B08] =	vst v0  }
0x15e: {  	[tilespmem:$0x1AF8] =	vst v0  }
0x15f: {  	[tilespmem:$0x1AE8] =	vst v0  }
0x160: {  	[tilespmem:$0x1AD8] =	vst v0  }
0x161: {  	[tilespmem:$0x1AC8] =	vst v0  }
0x162: {  	[tilespmem:$0x1AB8] =	vst v0  }
0x163: {  	[tilespmem:$0x1AA8] =	vst v0  }
0x164: {  	[tilespmem:$0x1A98] =	vst v0  }
0x165: {  	[tilespmem:$0x1A88] =	vst v0  }
0x166: {  	[tilespmem:$0x1A78] =	vst v0  }
0x167: {  	[tilespmem:$0x1A68] =	vst v0  }
0x168: {  	[tilespmem:$0x1A58] =	vst v0  }
0x169: {  	[tilespmem:$0x1A48] =	vst v0  }
0x16a: {  	[tilespmem:$0x1A38] =	vst v0  }
0x16b: {  	[tilespmem:$0x1A28] =	vst v0  }
0x16c: {  	[tilespmem:$0x1A18] =	vst v0  }
0x16d: {  	[tilespmem:$0x1A08] =	vst v0  }
0x16e: {  	[tilespmem:$0x19F8] =	vst v0  }
0x16f: {  	[tilespmem:$0x19E8] =	vst v0  }
0x170: {  	[tilespmem:$0x19D8] =	vst v0  }
0x171: {  	[tilespmem:$0x19C8] =	vst v0  }
0x172: {  	[tilespmem:$0x19B8] =	vst v0  }
0x173: {  	[tilespmem:$0x19A8] =	vst v0  }
0x174: {  	[tilespmem:$0x1998] =	vst v0  }
0x175: {  	[tilespmem:$0x1988] =	vst v0  }
0x176: {  	[tilespmem:$0x1978] =	vst v0  }
0x177: {  	[tilespmem:$0x1968] =	vst v0  }
0x178: {  	[tilespmem:$0x1958] =	vst v0  }
0x179: {  	[tilespmem:$0x1948] =	vst v0  }
0x17a: {  	[tilespmem:$0x1938] =	vst v0  }
0x17b: {  	[tilespmem:$0x1928] =	vst v0  }
0x17c: {  	[tilespmem:$0x1918] =	vst v0  }
0x17d: {  	[tilespmem:$0x1908] =	vst v0  }
0x17e: {  	[tilespmem:$0x18F8] =	vst v0  }
0x17f: {  	[tilespmem:$0x18E8] =	vst v0  }
0x180: {  	[tilespmem:$0x18D8] =	vst v0  }
0x181: {  	[tilespmem:$0x18C8] =	vst v0  }
0x182: {  	[tilespmem:$0x18B8] =	vst v0  }
0x183: {  	[tilespmem:$0x18A8] =	vst v0  }
0x184: {  	[tilespmem:$0x1898] =	vst v0  }
0x185: {  	[tilespmem:$0x1888] =	vst v0  }
0x186: {  	[tilespmem:$0x1878] =	vst v0  }
0x187: {  	[tilespmem:$0x1868] =	vst v0  }
0x188: {  	[tilespmem:$0x1858] =	vst v0  }
0x189: {  	[tilespmem:$0x1848] =	vst v0  }
0x18a: {  	[tilespmem:$0x1838] =	vst v0  }
0x18b: {  	[tilespmem:$0x1828] =	vst v0  }
0x18c: {  	[tilespmem:$0x1818] =	vst v0  }
0x18d: {  	[tilespmem:$0x1808] =	vst v0  }
0x18e: {  	[tilespmem:$0x17F8] =	vst v0  }
0x18f: {  	[tilespmem:$0x17E8] =	vst v0  }
0x190: {  	[tilespmem:$0x17D8] =	vst v0  }
0x191: {  	[tilespmem:$0x17C8] =	vst v0  }
0x192: {  	[tilespmem:$0x17B8] =	vst v0  }
0x193: {  	[tilespmem:$0x17A8] =	vst v0  }
0x194: {  	[tilespmem:$0x1798] =	vst v0  }
0x195: {  	[tilespmem:$0x1788] =	vst v0  }
0x196: {  	[tilespmem:$0x1778] =	vst v0  }
0x197: {  	[tilespmem:$0x1768] =	vst v0  }
0x198: {  	[tilespmem:$0x1758] =	vst v0  }
0x199: {  	[tilespmem:$0x1748] =	vst v0  }
0x19a: {  	[tilespmem:$0x1738] =	vst v0  }
0x19b: {  	[tilespmem:$0x1728] =	vst v0  }
0x19c: {  	[tilespmem:$0x1718] =	vst v0  }
0x19d: {  	[tilespmem:$0x1708] =	vst v0  }
0x19e: {  	[tilespmem:$0x16F8] =	vst v0  }
0x19f: {  	[tilespmem:$0x16E8] =	vst v0  }
0x1a0: {  	[tilespmem:$0x16D8] =	vst v0  }
0x1a1: {  	[tilespmem:$0x16C8] =	vst v0  }
0x1a2: {  	[tilespmem:$0x16B8] =	vst v0  }
0x1a3: {  	[tilespmem:$0x16A8] =	vst v0  }
0x1a4: {  	[tilespmem:$0x1698] =	vst v0  }
0x1a5: {  	[tilespmem:$0x1688] =	vst v0  }
0x1a6: {  	[tilespmem:$0x1678] =	vst v0  }
0x1a7: {  	[tilespmem:$0x1668] =	vst v0  }
0x1a8: {  	[tilespmem:$0x1658] =	vst v0  }
0x1a9: {  	[tilespmem:$0x1648] =	vst v0  }
0x1aa: {  	[tilespmem:$0x1638] =	vst v0  }
0x1ab: {  	[tilespmem:$0x1628] =	vst v0  }
0x1ac: {  	[tilespmem:$0x1618] =	vst v0  }
0x1ad: {  	[tilespmem:$0x1608] =	vst v0  }
0x1ae: {  	[tilespmem:$0x15F8] =	vst v0  }
0x1af: {  	[tilespmem:$0x15E8] =	vst v0  }
0x1b0: {  	[tilespmem:$0x15D8] =	vst v0  }
0x1b1: {  	[tilespmem:$0x15C8] =	vst v0  }
0x1b2: {  	[tilespmem:$0x15B8] =	vst v0  }
0x1b3: {  	[tilespmem:$0x15A8] =	vst v0  }
0x1b4: {  	[tilespmem:$0x1598] =	vst v0  }
0x1b5: {  	[tilespmem:$0x1588] =	vst v0  }
0x1b6: {  	[tilespmem:$0x1578] =	vst v0  }
0x1b7: {  	[tilespmem:$0x1568] =	vst v0  }
0x1b8: {  	[tilespmem:$0x1558] =	vst v0  }
0x1b9: {  	[tilespmem:$0x1548] =	vst v0  }
0x1ba: {  	[tilespmem:$0x1538] =	vst v0  }
0x1bb: {  	[tilespmem:$0x1528] =	vst v0  }
0x1bc: {  	[tilespmem:$0x1518] =	vst v0  }
0x1bd: {  	[tilespmem:$0x1508] =	vst v0  }
0x1be: {  	[tilespmem:$0x14F8] =	vst v0  }
0x1bf: {  	[tilespmem:$0x14E8] =	vst v0  }
0x1c0: {  	[tilespmem:$0x14D8] =	vst v0  }
0x1c1: {  	[tilespmem:$0x14C8] =	vst v0  }
0x1c2: {  	[tilespmem:$0x14B8] =	vst v0  }
0x1c3: {  	[tilespmem:$0x14A8] =	vst v0  }
0x1c4: {  	[tilespmem:$0x1498] =	vst v0  }
0x1c5: {  	[tilespmem:$0x1488] =	vst v0  }
0x1c6: {  	[tilespmem:$0x1478] =	vst v0  }
0x1c7: {  	[tilespmem:$0x1468] =	vst v0  }
0x1c8: {  	[tilespmem:$0x1458] =	vst v0  }
0x1c9: {  	[tilespmem:$0x1448] =	vst v0  }
0x1ca: {  	[tilespmem:$0x1438] =	vst v0  }
0x1cb: {  	[tilespmem:$0x1428] =	vst v0  }
0x1cc: {  	[tilespmem:$0x1418] =	vst v0  }
0x1cd: {  	[tilespmem:$0x1408] =	vst v0  }
0x1ce: {  	[tilespmem:$0x13F8] =	vst v0  }
0x1cf: {  	[tilespmem:$0x13E8] =	vst v0  }
0x1d0: {  	[tilespmem:$0x13D8] =	vst v0  }
0x1d1: {  	[tilespmem:$0x13C8] =	vst v0  }
0x1d2: {  	[tilespmem:$0x13B8] =	vst v0  }
0x1d3: {  	[tilespmem:$0x13A8] =	vst v0  }
0x1d4: {  	[tilespmem:$0x1398] =	vst v0  }
0x1d5: {  	[tilespmem:$0x1388] =	vst v0  }
0x1d6: {  	[tilespmem:$0x1378] =	vst v0  }
0x1d7: {  	[tilespmem:$0x1368] =	vst v0  }
0x1d8: {  	[tilespmem:$0x1358] =	vst v0  }
0x1d9: {  	[tilespmem:$0x1348] =	vst v0  }
0x1da: {  	[tilespmem:$0x1338] =	vst v0  }
0x1db: {  	[tilespmem:$0x1328] =	vst v0  }
0x1dc: {  	[tilespmem:$0x1318] =	vst v0  }
0x1dd: {  	[tilespmem:$0x1308] =	vst v0  }
0x1de: {  	[tilespmem:$0x12F8] =	vst v0  }
0x1df: {  	[tilespmem:$0x12E8] =	vst v0  }
0x1e0: {  	[tilespmem:$0x12D8] =	vst v0  }
0x1e1: {  	[tilespmem:$0x12C8] =	vst v0  }
0x1e2: {  	[tilespmem:$0x12B8] =	vst v0  }
0x1e3: {  	[tilespmem:$0x12A8] =	vst v0  }
0x1e4: {  	[tilespmem:$0x1298] =	vst v0  }
0x1e5: {  	[tilespmem:$0x1288] =	vst v0  }
0x1e6: {  	[tilespmem:$0x1278] =	vst v0  }
0x1e7: {  	[tilespmem:$0x1268] =	vst v0  }
0x1e8: {  	[tilespmem:$0x1258] =	vst v0  }
0x1e9: {  	[tilespmem:$0x1248] =	vst v0  }
0x1ea: {  	[tilespmem:$0x1238] =	vst v0  }
0x1eb: {  	[tilespmem:$0x1228] =	vst v0  }
0x1ec: {  	[tilespmem:$0x1218] =	vst v0  }
0x1ed: {  	[tilespmem:$0x1208] =	vst v0  }
0x1ee: {  	[tilespmem:$0x11F8] =	vst v0  }
0x1ef: {  	[tilespmem:$0x11E8] =	vst v0  }
0x1f0: {  	[tilespmem:$0x11D8] =	vst v0  }
0x1f1: {  	[tilespmem:$0x11C8] =	vst v0  }
0x1f2: {  	[tilespmem:$0x11B8] =	vst v0  }
0x1f3: {  	[tilespmem:$0x11A8] =	vst v0  }
0x1f4: {  	[tilespmem:$0x1198] =	vst v0  }
0x1f5: {  	[tilespmem:$0x1188] =	vst v0  }
0x1f6: {  	[tilespmem:$0x1178] =	vst v0  }
0x1f7: {  	[tilespmem:$0x1168] =	vst v0  }
0x1f8: {  	[tilespmem:$0x1158] =	vst v0  }
0x1f9: {  	[tilespmem:$0x1148] =	vst v0  }
0x1fa: {  	[tilespmem:$0x1138] =	vst v0  }
0x1fb: {  	[tilespmem:$0x1128] =	vst v0  }
0x1fc: {  	[tilespmem:$0x1118] =	vst v0  }
0x1fd: {  	s4 =	stileid.u32;
	[tilespmem:$0x1108] =	vst v0  }
0x1fe: {  	s0 =	smul.u32 $0x17, s4;
	[tilespmem:$0x10F8] =	vst v0  }
0x1ff: {  	s1 =	smin.u32 s4, $0x3;
	[tilespmem:$0x10C8] =	vst v0  }
0x200: {  	[tilespmem:$0x10D8] =	vst v0;
	s0 =	sadd.s32 s1, s0  }
0x201: {  	p0 =	slt.u32 s4, $0x3;
	[tilespmem:$0x10B8] =	vst v0;
	s1 =	simm.s32 $0x2880;
	s6 =	smul.u32 $0x1B0, s0  }
0x202: {  	s1 =	simm.s32 @!p0 $0x26D0;
	[tilespmem:$0x1038] =	vst v0  }
0x203: {  	[tilespmem:$0x10A8] =	vst v0;
	s0 =	sadd.s32 s1, s6  }
0x204: {  	s3 =	simm.s32 $0x2;
	s8 =	simm.s32 $0x9;
	[tilespmem:$0x1098] =	vst v0;
	s7 =	smin.u32 s0, $0x27100  }
0x205: {  	s10 =	simm.s32 $0xA;
	s30 =	simm.s32 $0xB;
	[tilespmem:$0x1088] =	vst v0;
	s0 =	ssub.s32 s7, s6  }
0x206: {  	s16 =	simm.s32 $0x0;
	p4 =	por $0x0, $0x0;
	[tilespmem:$0x1078] =	vst v0;
	p0 =	sgt.s32 s0, $0x0  }
0x207: {  	s17 =	simm.s32 $0xC;
	s21 =	simm.s32 $0x0;
	[tilespmem:$0x1058] =	vst v0;
	s0 =	simm.s32 @!p0 $0x0  }
0x208: {  	s18 =	simm.s32 $0x0;
	s2 =	sand.u32 $0x1, s2;
	[tilespmem:$0x1048] =	vst v0;
	s29 =	smulhi.u32 $0x4BDA12F7, s0  }
0x209: {  	s20 =	simm.s32 $0x0;
	s31 =	sshll.u32 s4, $0x5;
	[tilespmem:$0x1018] =	vst v0;
	[dreg:$0x5] =	wrdreg s2  }
0x20a: {  	s2 =	smul.u32 $0x4E20, s2;
	[tilespmem:$0x1008] =	vst v0;
	[sflag:s3] =	ssyncpa.u1 $0x0;
	s1 =	sshrl.u32 s29, $0x7  }
0x20b: {  	v0 =	vimm.s32 $0xFFFFFFFF;
	s3 =	sadd.s32 $0x56000, s11;
	[dreg:$0x4] =	wrdreg s31;
	s5 =	smul.u32 $0x1B0, s1  }
.Ltmp7:
0x20c: {  	[tilespmem:$0x3648] =	vst v0;
	[sflag:s8] =	ssyncpa.u1 $0x0;
	s2 =	sadd.s32 s2, s11;
	(pc) =	sbr.rel .LBB3_1-.Ltmp7, $4  }
0x20d: {  	[sflag:s10] =	ssyncpa.u1 $0x0;
	s11 =	sadd.s32 $0xA8E00, s11;
	p0 =	sne.s32 s0, s5  }
0x20e: {  	[sflag:s30] =	ssyncpa.u1 $0x0;
	s14 =	sadd.s32 $0x25000, s2;
	s12 =	simm.s32 @!p0 $0x0  }
0x20f: {  	s15 =	sadd.s32 $0x11000, s2;
	s19 =	smov.u32 s6;
	s12 =	sadd.s32 s12, s1  }
0x210: {  	v0 =	vlaneseq.u32;
	[dreg:$0x6] =	wrdreg s6;
	p0 =	por $0x1, $0x1;
	s4 =	sadd.s32 $0x1, s12  }
.LBB3_18:
0x211: {  	s0 =	simm.s32 $0x2  }
0x212: {  	_ =	swait.ge [sflag:s0], $0x0  }
0x213: {  	[sflag:s0] =	ssyncset.done $0x0;
	s0 =	simm.s32 $0x0  }
.LBB3_19:
0x214: {  	_ =	swait.ge [sflag:s17], s0  }
0x215: {  	s31 =	ssub.s32 $0x0, s0;
	v1 =	vmov s23;
	vm0 =	veq.s32 v0, $0x0;
	[sflag:s17] =	ssyncset.done $0x0  }
0x216: {  	vm15 =	veq.s32 v0, $0x2;
	v1 =	vsel vm0, s28, v1;
	[sflag:s17] =	ssyncadd.s32 s31  }
0x217: {  	v1 =	vsel vm15, s21, v1;
	[sflag:s17] =	ssyncpa.u1 $0x1  }
0x218: {  	[tilespmem:$0x3648] =	vst v1  }
.LBB3_20:
0x219: {  	s0 =	sadd.s32 $0x1B0, s19  }
0x21a: {  	s1 =	smov.u32 s6;
	p1 =	slt.s32 s0, s7  }
0x21b: {  	s1 =	smov.u32 @p1 s0;
	p1 =	sne.s32 s20, s4  }
.Ltmp8:
0x21c: {  	_ = 	snop;
	(pc) =	sbr.rel @!p1 .LBB3_21-.Ltmp8, $4  }
0x21d: {  	_ = 	snop  }
0x21e: {  	s21 =	smov.u32 s18  }
0x21f: {  	s31 =	sadd.s32 $0x1, s20;
	s18 =	smov.u32 s19;
	p0 =	por !p0, !p0  }
0x220: {  	p4 =	por !p4, !p4;
	s20 =	smov.u32 s31;
	s19 =	smov.u32 s1  }
.LBB3_1:
0x221: {  	p2 =	sge.u32 s20, s12  }
0x222: {  	s0 =	smulhi.u32 @!p2 $0xAAAAAAAB, s20  }
0x223: {  	s1 =	smov.u32 s19;
	p3 =	sgt.s32 @!p2 s19, $0x26F50  }
0x224: {  	s2 =	sshra.s32 @!p2 s19, $0x1F;
	p3 =	por !p3, p2;
	s0 =	sshrl.u32 @!p2 s0, $0x1  }
0x225: {  	s2 =	sand.u32 @!p2 s2, s19;
	s1 =	simm.s32 @p3 $0x26F50;
	s0 =	smul.u32 @!p2 $0x3, s0  }
0x226: {  	s1 =	ssub.s32 @!p2 s1, s2  }
0x227: {  	s23 =	sadd.s32 $0xFFFFFFFF, s20;
	s1 =	sadd.s32 @!p2 $0xFFFD90B0, s1;
	s0 =	ssub.s32 @!p2 s20, s0  }
0x228: {  	s2 =	sshll.u32 @!p2 s1, $0x2;
	p3 =	sgt.s32 @!p2 s1, $0x1AF;
	s0 =	smul.u32 @!p2 $0x6C0, s0  }
0x229: {  	s5 =	sand.u32 @!p2 $0x7, s19;
	s1 =	ssub.s32 @!p2 $0x6C0, s2;
	p3 =	por !p3, p2  }
0x22a: {  	s2 =	sshrl.u32 @!p2 s19, $0x3;
	s1 =	sshrl.u32 @!p2 s1, $0x2;
	s0 =	sshrl.u32 @!p2 s0, $0x2  }
0x22b: {  	s2 =	sadd.s32 @!p2 s2, s14;
	s1 =	simm.s32 @!p3 $0x0;
	s0 =	sadd.s32 @!p2 $0x3888, s0  }
0x22c: {  	[tilespmem:s0], [sflag:$0xA] =	stream.linear.gather @!p2 [hbm4b:s2+s5], s1, $0x38;
	[tilespmem:$0x1F0F8] =	vst v63  }
0x22d: {  	p2 =	sge.u32 s23, s12  }
0x22e: {  	p3 =	sgt.s32 @!p2 s18, $0x26F50  }
0x22f: {  	s0 =	smov.u32 s18;
	s1 =	sshra.s32 @!p2 s18, $0x1F;
	p3 =	por !p3, p2  }
0x230: {  	s1 =	sand.u32 @!p2 s1, s18;
	s0 =	simm.s32 @p3 $0x26F50  }
0x231: {  	s0 =	ssub.s32 @!p2 s0, s1  }
0x232: {  	s0 =	sadd.s32 @!p2 $0xFFFD90B0, s0  }
0x233: {  	s1 =	sshll.u32 @!p2 s0, $0x2  }
0x234: {  	p3 =	sgt.s32 @!p2 s0, $0x1AF;
	s0 =	ssub.s32 @!p2 $0x6C0, s1  }
0x235: {  	s22 =	ssub.s32 @!p2 $0x27100, s18;
	p3 =	por !p3, p2;
	s0 =	sshrl.u32 @!p2 s0, $0x2  }
0x236: {  	s1 =	sand.u32 @!p2 $0x1, s23;
	s0 =	simm.s32 @!p3 $0x0;
	p3 =	slt.s32 @!p2 s22, $0x1  }
0x237: {  	s2 =	simm.s32 @!p2 $0xA;
	s1 =	smul.u32 @!p2 $0x6C0, s1;
	p3 =	por p2, p3  }
.Ltmp9:
0x238: {  	_ =	swait.ge @!p2 [sflag:s2], s0;
	(pc) =	sbr.rel @p3 .LBB3_7-.Ltmp9, $4  }
0x239: {  	s5 =	ssub.s32 @!p2 $0x0, s0;
	[sflag:s2] =	ssyncset.done @!p2 $0x0  }
0x23a: {  	s1 =	sshrl.u32 @!p2 s1, $0x2;
	[sflag:s2] =	ssyncadd.s32 @!p2 s5;
	s2 =	sshrl.u32 @!p2 s18, $0x3  }
0x23b: {  	s1 =	sadd.s32 @!p2 $0x3D98, s1;
	s5 =	sand.u32 @!p2 $0x7, s18;
	s2 =	sadd.s32 @!p2 s2, s15  }
0x23c: {  	[tilespmem:s1], [sflag:$0xB] =	stream.linear.gather @!p2 [hbm4b:s2+s5], s0, $0x38;
	[tilespmem:$0x1F0F8] =	vst v63  }
0x23d: {  	s0 =	smulhi.u32 $0xAAAAAAAB, s23;
	_ =	sdelay $0x1  }
0x23e: {  	s0 =	sshrl.u32 s0, $0x1  }
0x23f: {  	s0 =	smul.u32 $0x3, s0;
	_ =	sdelay $0x1  }
0x240: {  	s0 =	ssub.s32 s23, s0  }
0x241: {  	s1 =	simm.s32 $0x1;
	s0 =	smul.u32 $0x6C0, s0  }
.Ltmp10:
0x242: {  	s1 =	simm.s32 @!p0 $0x0;
	(pc) =	sbr.rel .LBB3_4-.Ltmp10, $4  }
0x243: {  	s1 =	smul.u32 $0x36000, s1  }
0x244: {  	p3 =	slt.s32 @!p2 s22, $0x1B0;
	s0 =	sshrl.u32 s0, $0x2  }
0x245: {  	p2 =	por !p3, p2;
	s1 =	sshrl.u32 s1, $0x2;
	s0 =	sadd.s32 $0x3888, s0  }
0x246: {  	s24 =	simm.s32 $0x0;
	s22 =	simm.s32 @p2 $0x1B0;
	s23 =	sadd.s32 $0x40F8, s1;
	v1 =	vmov s0  }
.LBB3_3:
0x247: {  	p2 =	sge.s32 s24, s22  }
.Ltmp11:
0x248: {  	_ = 	snop;
	(pc) =	sbr.rel @p2 .LBB3_7-.Ltmp11, $2  }
0x249: {  	_ =	sdelay $0x2  }
0x24a: {  	s23 =	sadd.s32 $0x800, s23  }
.LBB3_4:
0x24b: {  	p2 =	sle.s32 s22, s24  }
.Ltmp12:
0x24c: {  	_ = 	snop;
	(pc) =	sbr.rel @p2 .LBB3_3-.Ltmp12, $2  }
0x24d: {  	_ =	sdelay $0x2  }
0x24e: {  	s0 =	smov.u32 s24;
	s24 =	sadd.s32 $0x10, s24  }
0x24f: {  	s1 =	ssub.s32 s22, s0  }
0x250: {  	p2 =	slt.s32 s1, $0x10  }
0x251: {  	s1 =	simm.s32 @!p2 $0x10  }
0x252: {  	v2 =	vmov s1  }
0x253: {  	vm0 =	vgt.s32 v2, v0;
	_ =	sdelay $0x5  }
0x254: {  	v2 =	vld.idx.msk [tilespmem:v1+s0+$0x0 ss:$0x1], vm0;
	_ =	sdelay $0x2  }
0x255: {  	p2 =	slt.s32 s24, s22;
	s1 =	smov.u32 s22  }
0x256: {  	s2 =	smov.u32 s23;
	s25 =	simm.s32 $0x0;
	s1 =	smov.u32 @p2 s24  }
.LBB3_6:
0x257: {  	(v2sf) =	vpush v2, s25;
	_ =	sdelay $0xc  }
0x258: {  	s25 =	sadd.s32 $0x1, s25  }
0x259: {  	s31 =	sadd.s32 s25, s0  }
0x25a: {  	p2 =	slt.s32 s31, s1;
	s5 =	spop (v2sf)  }
.Ltmp13:
0x25b: {  	s5 =	sshll.u32 s5, $0x4;
	(pc) =	sbr.rel @p2 .LBB3_6-.Ltmp13, $4  }
0x25c: {  	s5 =	sand.u32 $0x1FFFFFF0, s5  }
0x25d: {  	s5 =	sadd.s32 s11, s5  }
0x25e: {  	[tilespmem:s2], [sflag:$0x9] =	stream.linear.gather [hbm4b:s5+s16], $0x4, $0x38;
	[tilespmem:$0x1F0F8] =	vst v63  }
0x25f: {  	s2 =	sadd.s32 $0x80, s2  }
.Ltmp14:
0x260: {  	_ = 	snop;
	(pc) =	sbr.rel .LBB3_3-.Ltmp14, $1  }
0x261: {  	_ =	sdelay $0x3  }
.LBB3_7:
0x262: {  	p2 =	slt.u32 s20, $0x2  }
.Ltmp15:
0x263: {  	_ = 	snop;
	(pc) =	sbr.rel @p2 .LBB3_20-.Ltmp15, $1  }
0x264: {  	_ =	sdelay $0x3  }
0x265: {  	p2 =	sgt.s32 s21, $0x26F50  }
0x266: {  	s0 =	smov.u32 s21;
	s1 =	sshra.s32 s21, $0x1F;
	s2 =	ssub.s32 $0x27100, s21  }
0x267: {  	s0 =	simm.s32 @!p2 $0x26F50;
	s1 =	sand.u32 s1, s21;
	p2 =	slt.s32 s2, $0x1B0  }
0x268: {  	s0 =	ssub.s32 s0, s1;
	s2 =	simm.s32 @!p2 $0x1B0  }
0x269: {  	s0 =	sadd.s32 $0xFFFD90B0, s0;
	s24 =	sshll.u32 s2, $0x2  }
0x26a: {  	s28 =	simm.s32 $0x9;
	s25 =	sshll.u32 s0, $0x2;
	s1 =	sand.u32 $0x3FFFFFFC, s24  }
0x26b: {  	p2 =	sgt.s32 s0, $0x1AF;
	s26 =	ssub.s32 $0x6C0, s25;
	_ =	swait.ge [sflag:s28], s1  }
0x26c: {  	s1 =	ssub.s32 $0x0, s1;
	[sflag:s28] =	ssyncset.done $0x0;
	s0 =	sshrl.u32 s26, $0x2  }
0x26d: {  	s30 =	simm.s32 $0xB;
	[sflag:s28] =	ssyncadd.s32 s1;
	s0 =	simm.s32 @p2 $0x0  }
0x26e: {  	_ =	swait.ge [sflag:s30], s0  }
0x26f: {  	s0 =	ssub.s32 $0x0, s0;
	[sflag:s30] =	ssyncset.done $0x0  }
0x270: {  	[sflag:s30] =	ssyncadd.s32 s0  }
0x271: {  	v1 =	vld [tilespmem:$0x3648];
	_ =	sdelay $0x4  }
0x272: {  	(v2sf) =	vpush v1, $0x0  }
0x273: {  	(v2sf) =	vpush v1, $0x1  }
0x274: {  	(v2sf) =	vpush v1, $0x2;
	_ =	sdelay $0x3  }
0x275: {  	s0 =	sadd.s32 $0x1B0, s21  }
0x276: {  	s1 =	ssub.s32 $0x4E200, s21;
	p2 =	slt.s32 s7, s0  }
0x277: {  	s0 =	smov.u32 @p2 s7;
	p2 =	sgt.s32 s1, $0x0  }
0x278: {  	s25 =	ssub.s32 s0, s21;
	s1 =	simm.s32 @!p2 $0x0  }
0x279: {  	p2 =	slt.s32 s1, s25  }
0x27a: {  	s25 =	smov.u32 @p2 s1  }
0x27b: {  	s24 =	simm.s32 $0x1;
	p2 =	slt.s32 s25, $0x1  }
.Ltmp16:
0x27c: {  	s24 =	simm.s32 @!p4 $0x0;
	(pc) =	sbr.rel @p2 .LBB3_12-.Ltmp16, $4  }
0x27d: {  	s31 =	smul.u32 $0x6C0, s24  }
0x27e: {  	s26 =	spop (v2sf)  }
0x27f: {  	s0 =	sshrl.u32 s31, $0x2;
	s29 =	spop (v2sf)  }
0x280: {  	s22 =	sadd.s32 $0x3D98, s0;
	s21 =	spop (v2sf)  }
0x281: {  	s0 =	smin.u32 s25, $0x10  }
0x282: {  	v1 =	vmov s0  }
0x283: {  	p3 =	sgt.s32 s25, $0x10;
	vm1 =	vgt.u32 v1, v0  }
.Ltmp17:
0x284: {  	_ = 	snop;
	(pc) =	sbr.rel @!p3 .LBB3_11-.Ltmp17, $2  }
0x285: {  	_ =	sdelay $0x2  }
0x286: {  	s23 =	simm.s32 $0x10;
	s28 =	sadd.s32 $0xFFFFFFF0, s25;
	s0 =	smov.u32 s22;
	vm0 =	vmmov vm1  }
.LBB3_10:
0x287: {  	s1 =	smin.u32 s28, $0x10;
	s23 =	sadd.s32 $0x10, s23;
	v1 =	vld.msk [tilespmem:s0+$0x0 ss:$0x1], vm1  }
0x288: {  	v2 =	vmov s1;
	p3 =	slt.s32 s23, s25  }
0x289: {  	vm1 =	vgt.u32 v2, v0  }
.Ltmp18:
0x28a: {  	(pc) =	sbr.rel @p3 .LBB3_10-.Ltmp18, $3  }
0x28b: {  	_ =	sdelay $0x1  }
0x28c: {  	v1 =	vshll.u32 v1, $0x4  }
0x28d: {  	s28 =	sadd.s32 $0xFFFFFFF0, s28;
	[tilespmem:s0+$0x0] =	vst.msk vm0, v1;
	s0 =	sadd.s32 $0x10, s0;
	vm0 =	vmmov vm1  }
.LBB3_11:
0x28e: {  	_ =	sdelay $0x4  }
0x28f: {  	v1 =	vld.msk [tilespmem:s0+$0x0 ss:$0x1], vm1;
	_ =	sdelay $0x4  }
0x290: {  	v1 =	vshll.u32 v1, $0x4  }
0x291: {  	[tilespmem:s0+$0x0] =	vst.msk vm0, v1  }
.LBB3_12:
0x292: {  	s0 =	sand.u32 $0x1, s20  }
0x293: {  	s0 =	smul.u32 $0x1B0, s0  }
0x294: {  	p3 =	sne.s32 s29, $0xFFFFFFFF  }
0x295: {  	v1 =	vld.msk @!p3 [tilespmem:s0+$0x3D98], $0x1;
	_ =	sdelay $0x4  }
0x296: {  	(v2sf) =	vpush @!p3 v1, $0x0;
	_ =	sdelay $0xc  }
.Ltmp19:
0x297: {  	_ = 	snop;
	(pc) =	sbr.rel @p2 .LBB3_18-.Ltmp19, $4  }
0x298: {  	_ = 	snop  }
0x299: {  	s28 =	spop @!p3 (v2sf)  }
0x29a: {  	s21 =	simm.s32 @!p3 $0x0;
	s23 =	smov.u32 s28  }
0x29b: {  	[sflag:s17] =	ssyncpa.u1 $0x0;
	s28 =	smov.u32 @p3 s26;
	s23 =	smov.u32 @p3 s29  }
0x29c: {  	v1 =	vld.msk [tilespmem:s22+$0x0], $0x1;
	_ =	sdelay $0x4  }
0x29d: {  	(v2sf) =	vpush v1, $0x0;
	_ =	sdelay $0xe  }
0x29e: {  	s0 =	simm.s32 @!p4 $0x0;
	s26 =	smul.u32 $0x36000, s24;
	s31 =	spop (v2sf)  }
0x29f: {  	s29 =	ssub.s32 $0x0, s25;
	s0 =	simm.s32 @p4 $0x1;
	p2 =	seq.s32 s28, s31  }
0x2a0: {  	s1 =	smov.u32 s28;
	[smem:$0x7FD] =	sst s0;
	p3 =	sgt.s32 @!p2 s28, $0x0  }
0x2a1: {  	s0 =	sshrl.u32 s26, $0x2;
	s26 =	sadd.s32 $0x1, s29;
	p3 =	por !p3, p2  }
0x2a2: {  	s1 =	simm.s32 @p3 $0x0;
	p3 =	seq.s32 s26, $0x0  }
.Ltmp20:
0x2a3: {  	_ = 	snop;
	(pc) =	sbr.rel @p3 .LBB3_15-.Ltmp20, $4  }
0x2a4: {  	s6 =	smov.u32 s4;
	s25 =	simm.s32 $0x0  }
0x2a5: {  	s24 =	sadd.s32 $0x40F8, s0;
	s0 =	simm.s32 @!p2 $0x1;
	s2 =	smin.u32 @!p2 s1, $0x270FF  }
0x2a6: {  	s30 =	sadd.s32 $0x1, s22;
	s0 =	smov.u32 @p2 s25;
	s5 =	sand.u32 @!p2 $0x3FFF8, s2  }
0x2a7: {  	s1 =	simm.s32 @!p2 $0x1B38;
	s2 =	sand.u32 @!p2 $0x7, s2;
	s5 =	sadd.s32 @!p2 s3, s5  }
.LBB3_14:
0x2a8: {  	s4 =	smov.u32 s0  }
0x2a9: {  	[tilespmem:s1], [sflag:$0x2] =	stream.linear.gather @!p2 [hbm4b:s5+s2], $0x4, $0x38;
	[tilespmem:$0x1F0F8] =	vst v63  }
0x2aa: {  	s26 =	sadd.s32 $0x1, s26;
	s2 =	smov.u32 s31;
	v1 =	vld.msk [tilespmem:s30+$0x0], $0x1  }
0x2ab: {  	p3 =	seq.s32 s26, $0x0;
	_ =	sdelay $0x3  }
0x2ac: {  	(v2sf) =	vpush v1, $0x0;
	_ =	sdelay $0xe  }
0x2ad: {  	s31 =	spop (v2sf)  }
0x2ae: {  	p2 =	seq.s32 s2, s31  }
0x2af: {  	p4 =	sgt.s32 @!p2 s2, $0x0;
	s1 =	sshll.u32 @!p2 s0, $0x6;
	s0 =	sadd.s32 @!p2 $0x1, s0  }
.Ltmp21:
0x2b0: {  	p4 =	por !p4, p2;
	s1 =	sshra.s32 @!p2 s1, $0x2;
	(pc) =	sbr.rel @!p3 .LBB3_14-.Ltmp21, $4  }
0x2b1: {  	s0 =	smov.u32 @p2 s4;
	s2 =	simm.s32 @p4 $0x0;
	s1 =	sadd.s32 @!p2 $0x1B38, s1  }
0x2b2: {  	s2 =	smin.u32 @!p2 s2, $0x270FF  }
0x2b3: {  	s4 =	sand.u32 @!p2 $0x3FFF8, s2;
	s2 =	sand.u32 @!p2 $0x7, s2  }
0x2b4: {  	s30 =	sadd.s32 $0x1, s30;
	s5 =	sadd.s32 @!p2 s3, s4  }
.LBB3_15:
0x2b5: {  	[tilespmem:s1], [sflag:$0x2] =	stream.linear.gather @!p2 [hbm4b:s5+s2], $0x4, $0x38;
	[tilespmem:$0x1F0F8] =	vst v63  }
0x2b6: {  	s0 =	sshll.u32 s0, $0x2  }
0x2b7: {  	s31 =	simm.s32 $0x2;
	s0 =	sand.u32 $0x3FFFFFFC, s0  }
0x2b8: {  	_ =	swait.ge [sflag:s31], s0  }
0x2b9: {  	s0 =	ssub.s32 $0x0, s0;
	[sflag:s31] =	ssyncset.done $0x0  }
0x2ba: {  	[sflag:s31] =	ssyncadd.s32 s0  }
0x2bb: {  	v1 =	vld.msk [tilespmem:s22+$0x0], $0x1;
	_ =	sdelay $0x4  }
0x2bc: {  	(v2sf) =	vpush v1, $0x0;
	_ =	sdelay $0xe  }
0x2bd: {  	s26 =	spop (v2sf)  }
0x2be: {  	p2 =	sne.s32 s28, s26  }
0x2bf: {  	p4 =	sne.s32 @p2 s28, s23  }
0x2c0: {  	p3 =	por !p4, !p2  }
0x2c1: {  	s0 =	simm.s32 @!p3 $0x0  }
0x2c2: {  	v1 =	vld.msk @!p3 [tilespmem:s0+$0x1B38], $0xf  }
0x2c3: {  	p5 =	sgt.u32 @!p3 s28, $0x270FF  }
0x2c4: {  	s1 =	sshll.u32 @!p3 s21, $0x6;
	p6 =	por @p2 p5, !p4  }
0x2c5: {  	s1 =	sshra.s32 @!p3 s1, $0x2;
	p1 =	por p6, !p2;
	p6 =	por p4, !p2  }
0x2c6: {  	s2 =	sadd.s32 @!p3 $0x28, s1;
	s4 =	sand.u32 @!p1 $0x3FFF8, s28;
	s5 =	sshll.u32 @!p6 s21, $0x6  }
0x2c7: {  	s28 =	sand.u32 @!p1 $0x7, s28;
	[tilespmem:s1+$0x28] =	vst.add.f32.msk @!p3 $0xf, v1;
	s1 =	sadd.s32 @!p1 s3, s4;
	s4 =	sshra.s32 @!p6 s5, $0x2  }
0x2c8: {  	[hbm4b:s1+s28] =	stream.linear.scatter @!p1 [tilespmem:s2], [sflag:$0xC], $0x4, $0x38;
	[tilespmem:$0x1F0F8] =	vst v63  }
0x2c9: {  	s0 =	rddreg [dreg:$0x4];
	s1 =	sadd.s32 @!p6 $0x28, s4;
	s2 =	simm.s32 @!p6 $0x1  }
0x2ca: {  	[spmem:s0] =	stream.linear.scatter @!p6 [tilespmem:s1], [sflag:$0x1], $0x4, $0x38;
	[tilespmem:$0x1F0F8] =	vst v63  }
0x2cb: {  	s0 =	sadd.s32 @p2 $0x1, s21;
	_ =	swait.ge @!p6 [sflag:s2], $0x4  }
0x2cc: {  	s1 =	sshrl.u32 @p2 s0, $0x4;
	[sflag:s2] =	ssyncset.done @!p6 $0x0  }
0x2cd: {  	s1 =	smulhi.u32 @p2 $0x97B425F, s1;
	[sflag:s2] =	ssyncadd.s32 @!p6 $0xFFFFFFFC  }
0x2ce: {  	s28 =	sadd.s32 $0x1, s29;
	v1 =	vld.msk @p2 [tilespmem:s24+$0x0], $0xf  }
0x2cf: {  	p1 =	por @p2 !p5, !p4;
	p4 =	seq.s32 s28, $0x0;
	s1 =	smul.u32 @p2 $0x1B0, s1  }
.Ltmp22:
0x2d0: {  	p1 =	por !p1, !p2;
	s2 =	simm.s32 @!p3 $0x0;
	(pc) =	sbr.rel @p4 .LBB3_17-.Ltmp22, $4  }
0x2d1: {  	s4 =	sshll.u32 @!p2 s21, $0x6;
	s2 =	simm.s32 @!p1 $0x10;
	s0 =	ssub.s32 @p2 s0, s1  }
0x2d2: {  	s29 =	simm.s32 $0x0;
	s2 =	sadd.s32 @!p3 $0x0, s2;
	s5 =	sshll.u32 @p2 s0, $0x4  }
0x2d3: {  	s30 =	sshra.s32 @!p2 s4, $0x2;
	s1 =	simm.s32 @p2 $0x1;
	s2 =	smov.u32 @p3 s25;
	[tilespmem:s5+$0x28] =	vst.msk @p2 $0xf, v1  }
0x2d4: {  	s21 =	smov.u32 @p2 s0;
	s29 =	smov.u32 @p2 s2;
	s25 =	smov.u32 @p2 s1;
	v1 =	vld.msk @!p2 [tilespmem:s24+$0x0], $0xf  }
.LBB3_16:
0x2d5: {  	_ =	sdelay $0x3  }
0x2d6: {  	s22 =	sadd.s32 $0x1, s22;
	[tilespmem:s30+$0x28] =	vst.add.f32.msk @!p2 $0xf, v1  }
0x2d7: {  	v1 =	vld.msk [tilespmem:s22+$0x0], $0x1;
	_ =	sdelay $0x4  }
0x2d8: {  	(v2sf) =	vpush v1, $0x0;
	_ =	sdelay $0xe  }
0x2d9: {  	s0 =	smov.u32 s26;
	s26 =	spop (v2sf)  }
0x2da: {  	p2 =	sne.s32 s0, s26  }
0x2db: {  	p5 =	sne.s32 @p2 s0, s23  }
0x2dc: {  	s4 =	sshll.u32 @!p2 s21, $0x6;
	p4 =	por !p5, !p2  }
0x2dd: {  	s30 =	sshra.s32 @!p2 s4, $0x2;
	s4 =	sshll.u32 @!p4 s25, $0x6  }
0x2de: {  	s4 =	sshra.s32 @!p4 s4, $0x2  }
0x2df: {  	p1 =	sgt.u32 @!p4 s0, $0x270FF;
	v1 =	vld.msk @!p4 [tilespmem:s4+$0x1B38], $0xf  }
0x2e0: {  	s31 =	sshll.u32 @!p4 s21, $0x6;
	p6 =	por @p2 p1, !p5;
	p1 =	por @p2 !p1, !p5  }
0x2e1: {  	s8 =	simm.s32 @!p4 $0x0;
	s31 =	sshra.s32 @!p4 s31, $0x2;
	p1 =	por !p1, !p2  }
0x2e2: {  	p5 =	por p5, !p2;
	s8 =	simm.s32 @!p1 $0x10;
	p1 =	por p6, !p2  }
0x2e3: {  	s4 =	sadd.s32 @!p4 $0x28, s31;
	s13 =	sshll.u32 @!p5 s21, $0x6;
	s10 =	sand.u32 @!p1 $0x3FFF8, s0  }
0x2e4: {  	s13 =	sshra.s32 @!p5 s13, $0x2;
	s0 =	sand.u32 @!p1 $0x7, s0;
	s10 =	sadd.s32 @!p1 s3, s10;
	[tilespmem:s31+$0x28] =	vst.add.f32.msk @!p4 $0xf, v1  }
0x2e5: {  	[hbm4b:s10+s0] =	stream.linear.scatter @!p1 [tilespmem:s4], [sflag:$0xC], $0x4, $0x38;
	[tilespmem:$0x1F0F8] =	vst v63  }
0x2e6: {  	s1 =	rddreg [dreg:$0x4];
	s0 =	sadd.s32 @!p5 $0x28, s13;
	s4 =	simm.s32 @!p5 $0x1  }
0x2e7: {  	[spmem:s1] =	stream.linear.scatter @!p5 [tilespmem:s0], [sflag:$0x1], $0x4, $0x38;
	[tilespmem:$0x1F0F8] =	vst v63  }
0x2e8: {  	s2 =	sadd.s32 @p2 $0x1, s21;
	_ =	swait.ge @!p5 [sflag:s4], $0x4  }
0x2e9: {  	s5 =	sshrl.u32 @p2 s2, $0x4;
	[sflag:s4] =	ssyncset.done @!p5 $0x0  }
0x2ea: {  	s24 =	sadd.s32 $0x80, s24;
	s5 =	smulhi.u32 @p2 $0x97B425F, s5;
	[sflag:s4] =	ssyncadd.s32 @!p5 $0xFFFFFFFC  }
0x2eb: {  	s28 =	sadd.s32 $0x1, s28;
	v1 =	vld.msk @p2 [tilespmem:s24+$0x0], $0xf  }
0x2ec: {  	p3 =	seq.s32 s28, $0x0;
	s5 =	smul.u32 @p2 $0x1B0, s5  }
.Ltmp23:
0x2ed: {  	_ = 	snop;
	(pc) =	sbr.rel @!p3 .LBB3_16-.Ltmp23, $4  }
0x2ee: {  	s2 =	ssub.s32 @p2 s2, s5  }
0x2ef: {  	s8 =	sadd.s32 @!p4 s8, s29;
	s5 =	sshll.u32 @p2 s2, $0x4  }
0x2f0: {  	s9 =	sadd.s32 @p2 $0x1, s25;
	s8 =	smov.u32 @p4 s29;
	[tilespmem:s5+$0x28] =	vst.msk @p2 $0xf, v1  }
0x2f1: {  	s25 =	smov.u32 @p2 s9;
	s21 =	smov.u32 @p2 s2;
	s29 =	smov.u32 @p2 s8;
	v1 =	vld.msk @!p2 [tilespmem:s24+$0x0], $0xf  }
.LBB3_17:
.Ltmp24:
0x2f2: {  	_ = 	snop;
	(pc) =	sbr.rel .LBB3_19-.Ltmp24, $3  }
0x2f3: {  	s1 =	sld [smem:$0x7FD];
	_ =	sdelay $0x1  }
0x2f4: {  	s0 =	sshrl.u32 s29, $0x2;
	s28 =	smov.u32 s26  }
0x2f5: {  	s4 =	smov.u32 s6;
	s6 =	rddreg [dreg:$0x6];
	p4 =	seq.s32 s1, $0x1;
	[tilespmem:s30+$0x28] =	vst.add.f32.msk @!p2 $0xf, v1  }
.LBB3_21:
0x2f6: {  	_ =	sfence.sel $0x180000  }
0x2f7: {  	s0 =	simm.s32 $0x9;
	[bflag:$0x0] =	sbarrier.arrive $0xFFFF  }
0x2f8: {  	s24 =	simm.s32 $0xA;
	[sflag:s0] =	ssyncpa.u1 $0x1  }
0x2f9: {  	s25 =	simm.s32 $0xB;
	[sflag:s24] =	ssyncpa.u1 $0x1  }
0x2fa: {  	s26 =	simm.s32 $0x2;
	[sflag:s25] =	ssyncpa.u1 $0x1  }
0x2fb: {  	[sflag:s26] =	ssyncpa.u1 $0x1  }
0x2fc: {  	v0 =	vld [tilespmem:$0x3648];
	_ =	sdelay $0x4  }
0x2fd: {  	(v2sf) =	vpush v0, $0x0  }
0x2fe: {  	(v2sf) =	vpush v0, $0x1;
	_ =	sdelay $0x1  }
0x2ff: {  	(v2sf) =	vpush v0, $0x2;
	_ =	sdelay $0xb  }
0x300: {  	s0 =	spop (v2sf)  }
0x301: {  	s1 =	spop (v2sf)  }
0x302: {  	s2 =	smov.u32 s0;
	p0 =	sne.s32 s0, s1  }
0x303: {  	s4 =	spop (v2sf);
	s2 =	simm.s32 @!p0 $0xFFFFFFFF  }
0x304: {  	v2 =	vimm.s32 $0x1;
	v3 =	vlaneseq.u32;
	p0 =	seq.s32 s4, $0xFFFFFFFF;
	v1 =	vmov s2  }
0x305: {  	s16 =	stileid.u32;
	v0 =	vperm.xlane v0, v2;
	p1 =	sne.s32 @!p0 s0, s1;
	v1 =	vperm.xlane v1, v3  }
0x306: {  	vm0 =	vcmask $0x3F04;
	s6 =	simm.s32 $0x3648;
	s0 =	simm.s32 @!p0 $0x1;
	p1 =	por !p1, p0  }
0x307: {  	s2 =	sshll.u32 s16, $0x1;
	s1 =	sshll.u32 @!p0 s4, $0x6;
	s0 =	simm.s32 @p1 $0x0;
	v0 =	vsel vm0, v1, v0  }
0x308: {  	s5 =	sor.u32 $0x200, s2;
	s1 =	sshra.s32 @!p0 s1, $0x2;
	s0 =	sor.u32 @!p0 s0, s2;
	[tilespmem:$0x3648] =	vst v0  }
0x309: {  	[spmem:s5] =	stream.linear.scatter [tilespmem:s6], [sflag:$0x1], $0x2, $0x38;
	[tilespmem:$0x1F0F8] =	vst v63  }
0x30a: {  	s1 =	sadd.s32 @!p0 $0x28, s1;
	s0 =	sshll.u32 @!p0 s0, $0x4  }
0x30b: {  	[spmem:s0] =	stream.linear.scatter @!p0 [tilespmem:s1], [sflag:$0x1], $0x10, $0x38;
	[tilespmem:$0x1F0F8] =	vst v63  }
0x30c: {  	s0 =	simm.s32 @!p0 $0x12  }
0x30d: {  	s28 =	simm.s32 $0x1;
	s0 =	simm.s32 @p0 $0x2  }
0x30e: {  	_ =	swait.ge [sflag:s28], s0  }
0x30f: {  	s0 =	ssub.s32 $0x0, s0;
	[sflag:s28] =	ssyncset.done $0x0  }
0x310: {  	p0 =	sne.s32 s16, $0x0;
	[sflag:s28] =	ssyncadd.s32 s0  }
.Ltmp25:
0x311: {  	_ =	sfence.stream.spmem;
	(pc) =	sbr.rel @p0 .LBB3_38-.Ltmp25, $4  }
0x312: {  	s29 =	simm.s32 $0x3;
	[bflag:$0x0] =	sbarrier.arrive $0xFFFF  }
0x313: {  	s30 =	simm.s32 $0x4;
	[sflag:s29] =	ssyncpa.u1 $0x1  }
0x314: {  	s31 =	simm.s32 $0x3C;
	[sflag:s30] =	ssyncpa.u1 $0x1  }
0x315: {  	s17 =	rddreg [dreg:$0x5];
	[sflag:s31] =	ssyncpa.u1 $0x1  }
0x316: {  	_ =	sfence.stream.spmem;
	s0 =	simm.s32 $0x5  }
0x317: {  	s1 =	simm.s32 $0x200;
	s2 =	simm.s32 $0x3658;
	[sflag:s0] =	ssyncpa.u1 $0x0  }
0x318: {  	[tilespmem:s2], [sflag:$0x5] =	stream.linear.gather [spmem:s1], $0x20, $0x38;
	[tilespmem:$0x1F0F8] =	vst v63  }
0x319: {  	s26 =	simm.s32 $0x0;
	s28 =	simm.s32 $0x3678  }
0x31a: {  	[tilespmem:s28], [sflag:$0x5] =	stream.linear.gather [spmem:s26], $0x200, $0x38;
	[tilespmem:$0x1F0F8] =	vst v63  }
0x31b: {  	_ =	swait.ge [sflag:s0], $0x220  }
0x31c: {  	[sflag:s0] =	ssyncset.done $0x0  }
0x31d: {  	s29 =	simm.s32 $0x0;
	[sflag:s0] =	ssyncadd.s32 $0xFFFFFDE0  }
0x31e: {  	v0 =	vld.msk [tilespmem:s29+$0x3658], $0x1;
	_ =	sdelay $0x1  }
0x31f: {  	s30 =	simm.s32 $0x1  }
0x320: {  	v1 =	vld.msk [tilespmem:s30+$0x3658], $0x1;
	_ =	sdelay $0x1  }
0x321: {  	(v2sf) =	vpush v0, $0x0;
	_ =	sdelay $0x2  }
0x322: {  	(v2sf) =	vpush v1, $0x0;
	_ =	sdelay $0x2  }
0x323: {  	s31 =	simm.s32 $0x2  }
0x324: {  	v0 =	vld.msk [tilespmem:s31+$0x3658], $0x1;
	_ =	sdelay $0x2  }
0x325: {  	s6 =	simm.s32 $0xFFFFFFFF;
	s1 =	simm.s32 $0xFFFFFFFF;
	s0 =	simm.s32 $0xC  }
.LBB3_23:
0x326: {  	s2 =	smov.u32 s6;
	s4 =	smov.u32 s1  }
0x327: {  	s1 =	sshra.s32 s0, $0x2;
	p1 =	sne.s32 s0, $0x7C;
	s0 =	sadd.s32 $0x4, s0;
	(v2sf) =	vpush v0, $0x0  }
0x328: {  	v0 =	vld.msk [tilespmem:s1+$0x3658], $0x1  }
.Ltmp26:
0x329: {  	(pc) =	sbr.rel @p1 .LBB3_23-.Ltmp26, $4  }
0x32a: {  	s6 =	spop (v2sf)  }
0x32b: {  	p2 =	sne.s32 s4, $0xFFFFFFFF;
	s1 =	smov.u32 s6  }
0x32c: {  	p3 =	seq.s32 s6, $0xFFFFFFFF;
	s1 =	smov.u32 @p2 s4  }
0x32d: {  	s6 =	smov.u32 @p3 s2;
	s1 =	smov.u32 @p3 s4  }
0x32e: {  	(v2sf) =	vpush v0, $0x0;
	_ =	sdelay $0x8  }
0x32f: {  	s0 =	spop (v2sf)  }
0x330: {  	p1 =	sne.s32 s1, $0xFFFFFFFF;
	s2 =	smov.u32 s0  }
0x331: {  	s9 =	simm.s32 $0x6;
	p2 =	seq.s32 s0, $0xFFFFFFFF;
	s2 =	smov.u32 @p1 s1  }
0x332: {  	s10 =	simm.s32 $0x3638;
	s2 =	smov.u32 @p2 s1;
	s1 =	spop (v2sf)  }
0x333: {  	s0 =	smov.u32 @p2 s6;
	p1 =	sne.s32 s2, $0xFFFFFFFF;
	s4 =	smov.u32 s1  }
.Ltmp27:
0x334: {  	p2 =	seq.s32 s1, $0xFFFFFFFF;
	s4 =	smov.u32 @p1 s2;
	(pc) =	sbr.rel .LBB3_25-.Ltmp27, $4  }
0x335: {  	s11 =	simm.s32 $0x0;
	s4 =	smov.u32 @p2 s2;
	s7 =	spop (v2sf)  }
0x336: {  	[sflag:s9] =	ssyncpa.u1 $0x0;
	p1 =	sne.s32 s4, $0xFFFFFFFF;
	s8 =	smov.u32 s7  }
0x337: {  	s1 =	smov.u32 @p2 s0;
	p2 =	seq.s32 s7, $0xFFFFFFFF;
	s8 =	smov.u32 @p1 s4  }
0x338: {  	s6 =	simm.s32 $0x0;
	s7 =	smov.u32 @p2 s1;
	s8 =	smov.u32 @p2 s4  }
.LBB3_30:
0x339: {  	p1 =	sgt.u32 s12, $0x270FF  }
0x33a: {  	p2 =	seq.s32 @!p1 s12, s8  }
0x33b: {  	p1 =	por p1, p2  }
0x33c: {  	p2 =	sne.s32 @!p1 s12, s7  }
0x33d: {  	p1 =	por p1, !p2  }
0x33e: {  	s0 =	sshll.u32 @p1 s11, $0x6  }
0x33f: {  	s0 =	sand.u32 @!p1 $0x3FFF8, s12  }
0x340: {  	s1 =	sand.u32 @!p1 $0x7, s12;
	s0 =	sadd.s32 @!p1 s3, s0  }
0x341: {  	[tilespmem:s10], [sflag:$0x6] =	stream.linear.gather @!p1 [hbm4b:s0+s1], $0x4, $0x38;
	[tilespmem:$0x1F0F8] =	vst v63  }
0x342: {  	_ =	swait.ge @!p1 [sflag:s9], $0x4  }
0x343: {  	[sflag:s9] =	ssyncset.done @!p1 $0x0  }
0x344: {  	[sflag:s9] =	ssyncadd.s32 @!p1 $0xFFFFFFFC  }
0x345: {  	v1 =	vld @!p1 [tilespmem:$0x3638];
	_ =	sdelay $0x2  }
0x346: {  	s0 =	sshll.u32 @!p1 s11, $0x6  }
0x347: {  	s1 =	sshrl.u32 @!p1 s0, $0x2  }
0x348: {  	[tilespmem:s1+$0x3678] =	vst.add.f32.msk @!p1 $0xffff, v1  }
0x349: {  	s0 =	sshrl.u32 s0, $0x2;
	[tilespmem:s6+$0x3658] =	vst.msk $0x1, v0  }
0x34a: {  	v0 =	vld [tilespmem:s0+$0x3678];
	_ =	sdelay $0x2  }
0x34b: {  	s31 =	sshll.u32 s6, $0x6  }
0x34c: {  	s0 =	sshra.s32 s31, $0x2  }
0x34d: {  	s6 =	sadd.s32 $0x1, s6;
	[tilespmem:s0+$0x3678] =	vst v0  }
.LBB3_32:
0x34e: {  	s11 =	sadd.s32 $0x1, s11  }
0x34f: {  	p1 =	sne.s32 s11, $0x20  }
.Ltmp28:
0x350: {  	_ = 	snop;
	(pc) =	sbr.rel @!p1 .LBB3_33-.Ltmp28, $1  }
0x351: {  	_ =	sdelay $0x3  }
.LBB3_25:
0x352: {  	v0 =	vld.msk [tilespmem:s11+$0x3658], $0x1;
	_ =	sdelay $0x4  }
0x353: {  	(v2sf) =	vpush v0, $0x0;
	_ =	sdelay $0xe  }
0x354: {  	s12 =	spop (v2sf)  }
0x355: {  	p1 =	seq.s32 s12, $0xFFFFFFFF  }
.Ltmp29:
0x356: {  	_ = 	snop;
	(pc) =	sbr.rel @p1 .LBB3_32-.Ltmp29, $1  }
0x357: {  	_ =	sdelay $0x3  }
0x358: {  	p1 =	slt.s32 s6, $0x1  }
.Ltmp30:
0x359: {  	_ = 	snop;
	(pc) =	sbr.rel @p1 .LBB3_30-.Ltmp30, $1  }
0x35a: {  	_ =	sdelay $0x3  }
0x35b: {  	s13 =	simm.s32 $0x3658;
	p1 =	por $0x0, $0x0  }
0x35c: {  	v1 =	vld.msk @!p1 [tilespmem:s13+$0x0], $0x1;
	_ =	sdelay $0x4  }
0x35d: {  	(v2sf) =	vpush @!p1 v1, $0x0;
	_ =	sdelay $0xd  }
0x35e: {  	p3 =	sne.s32 s6, $0x1  }
.Ltmp31:
0x35f: {  	s0 =	spop @!p1 (v2sf);
	(pc) =	sbr.rel @!p3 .LBB3_29-.Ltmp31, $4  }
0x360: {  	p2 =	seq.s32 @!p1 s12, s0  }
0x361: {  	s14 =	simm.s32 $0x0;
	p2 =	por !p2, p1  }
0x362: {  	s0 =	simm.s32 $0xFFFFFFFF;
	s14 =	simm.s32 @p2 $0xFFFFFFFF  }
0x363: {  	s15 =	simm.s32 $0x1;
	s14 =	smov.u32 @p1 s0  }
.LBB3_28:
0x364: {  	s0 =	smov.u32 s14;
	p1 =	sne.s32 s14, $0xFFFFFFFF  }
0x365: {  	s13 =	sadd.s32 $0x1, s13;
	s14 =	smov.u32 s15;
	s15 =	sadd.s32 $0x1, s15  }
0x366: {  	p2 =	sne.s32 s6, s15;
	v1 =	vld.msk @!p1 [tilespmem:s13+$0x0], $0x1;
	_ =	sdelay $0x4  }
0x367: {  	(v2sf) =	vpush @!p1 v1, $0x0;
	_ =	sdelay $0xe  }
.Ltmp32:
0x368: {  	s1 =	spop @!p1 (v2sf);
	(pc) =	sbr.rel @p2 .LBB3_28-.Ltmp32, $4  }
0x369: {  	p3 =	seq.s32 @!p1 s12, s1  }
0x36a: {  	p3 =	por !p3, p1  }
0x36b: {  	s14 =	simm.s32 @p3 $0xFFFFFFFF  }
0x36c: {  	s14 =	smov.u32 @p1 s0  }
.LBB3_29:
0x36d: {  	p1 =	sne.s32 s14, $0xFFFFFFFF  }
.Ltmp33:
0x36e: {  	_ = 	snop;
	(pc) =	sbr.rel @!p1 .LBB3_30-.Ltmp33, $1  }
0x36f: {  	_ =	sdelay $0x3  }
0x370: {  	s0 =	sshll.u32 s11, $0x4  }
0x371: {  	s0 =	sand.u32 $0x3FFFFFF0, s0  }
0x372: {  	v0 =	vld [tilespmem:s0+$0x3678]  }
.Ltmp34:
0x373: {  	_ = 	snop;
	(pc) =	sbr.rel .LBB3_32-.Ltmp34, $4  }
0x374: {  	_ = 	snop  }
0x375: {  	s31 =	sshll.u32 s14, $0x6  }
0x376: {  	s0 =	sshra.s32 s31, $0x2  }
0x377: {  	[tilespmem:s0+$0x3678] =	vst.add.f32.msk $0xffff, v0  }
.LBB3_33:
0x378: {  	s0 =	simm.s32 $0x6;
	p1 =	seq.s32 s6, $0x0  }
0x379: {  	[sflag:s0] =	ssyncpa.u1 $0x1;
	v0 =	vimm.s32 @p1 $0xFFFFFFFF  }
0x37a: {  	s9 =	sadd.s32 $0xFFFFFFFF, s6;
	[tilespmem:$0x3878] =	vst @p1 v0  }
0x37b: {  	v0 =	vld.msk @!p1 [tilespmem:s9+$0x3658], $0x1;
	_ =	sdelay $0x1  }
0x37c: {  	v1 =	vld.msk @!p1 [tilespmem:$0x3658], $0x1;
	_ =	sdelay $0x2  }
0x37d: {  	p2 =	seq.s32 @!p1 s9, $0x0;
	v0 =	vbroadcast @!p1 v0, $0x0  }
0x37e: {  	vm0 =	vmmov @!p1 $0x1;
	p2 =	por !p2, p1  }
0x37f: {  	v1 =	vnsel @!p1 vm0, $0xFFFFFFFF, v1;
	vm0 =	vcmask @!p1 $0x308;
	v0 =	vpsel !p2, $0xFFFFFFFF, v0  }
0x380: {  	p2 =	sne.s32 @!p1 s8, s7;
	v0 =	vsel @!p1 vm0, v1, v0  }
0x381: {  	s0 =	simm.s32 @!p1 $0x3678;
	s1 =	simm.s32 @!p1 $0x0;
	p3 =	por !p2, p1;
	[tilespmem:$0x3878] =	vst @!p1 v0  }
0x382: {  	[spmem:s1] =	stream.linear.scatter @!p1 [tilespmem:s0], [sflag:$0x1], $0x10, $0x38;
	[tilespmem:$0x1F0F8] =	vst v63  }
0x383: {  	s0 =	sshll.u32 @!p3 s9, $0x6  }
0x384: {  	s0 =	sshra.s32 @!p3 s0, $0x2  }
0x385: {  	s1 =	simm.s32 @!p3 $0x10;
	s0 =	sadd.s32 @!p3 $0x3678, s0  }
0x386: {  	[spmem:s1] =	stream.linear.scatter @!p3 [tilespmem:s0], [sflag:$0x1], $0x10, $0x38;
	[tilespmem:$0x1F0F8] =	vst v63  }
0x387: {  	s0 =	simm.s32 @!p3 $0x1  }
0x388: {  	_ =	swait.ge @!p3 [sflag:s0], $0x20  }
0x389: {  	p1 =	por p2, p1;
	[sflag:s0] =	ssyncset.done @!p3 $0x0  }
0x38a: {  	[sflag:s0] =	ssyncadd.s32 @!p3 $0xFFFFFFE0;
	s0 =	simm.s32 @!p1 $0x1  }
0x38b: {  	_ =	swait.ge @!p1 [sflag:s0], $0x10  }
0x38c: {  	s29 =	simm.s32 $0x3878;
	[sflag:s0] =	ssyncset.done @!p1 $0x0  }
0x38d: {  	s30 =	simm.s32 $0x200;
	s31 =	simm.s32 $0x1;
	[sflag:s0] =	ssyncadd.s32 @!p1 $0xFFFFFFF0  }
0x38e: {  	[spmem:s30] =	stream.linear.scatter [tilespmem:s29], [sflag:$0x1], $0x10, $0x38;
	[tilespmem:$0x1F0F8] =	vst v63  }
0x38f: {  	_ =	swait.ge [sflag:s31], $0x10  }
0x390: {  	[sflag:s31] =	ssyncset.done $0x0  }
0x391: {  	p1 =	seq.s32 s17, $0x0;
	s8 =	rddreg [dreg:$0x1];
	[sflag:s31] =	ssyncadd.s32 $0xFFFFFFF0  }
0x392: {  	s1 =	sshll.u32 @p1 s8, $0xE;
	s7 =	rddreg [dreg:$0x2]  }
0x393: {  	s0 =	sadd.s32 @p1 $0x15C3C, s1;
	s1 =	sshll.u32 @p1 s7, $0x11  }
0x394: {  	_ =	sfence.stream.spmem;
	s0 =	sor.u32 @p1 s1, s0  }
0x395: {  	[sflag:s0] =	ssyncadd.remote.s32 @p1 $0x1;
	s0 =	simm.s32 @p1 $0x4  }
0x396: {  	s2 =	simm.s32 @!p1 $0x3C;
	s1 =	sand.u32 $0xFFFFFFFE, s8;
	_ =	swait.ge @p1 [sflag:s0], $0x6  }
0x397: {  	s4 =	simm.s32 @!p1 $0x0;
	s1 =	sadd.s32 @!p1 $0x4, s1;
	[sflag:s0] =	ssyncset.done @p1 $0x0  }
0x398: {  	s5 =	simm.s32 @!p1 $0x20;
	[sflag:s0] =	ssyncadd.s32 @p1 $0xFFFFFFFA;
	s0 =	sshll.u32 @!p1 s1, $0x1A  }
0x399: {  	s1 =	sshll.u32 @!p1 s1, $0xD;
	s0 =	sor.u32 @!p1 s0, s7;
	_ =	swait.eq @!p1 [sflag:s2], $0x1  }
0x39a: {  	s1 =	sor.u32 @!p1 $0x1C04, s1;
	s2 =	simm.s32 @!p1 $0x1C03;
	s0 =	sor.u32 @!p1 $0x80004000, s0  }
0x39b: {  	[spmem:s5], [sflag:s1] =	dma.general @!p1 [spmem:s4], [sflag:s2], length:$0x4, [dreg:$0x0], stride_count:$0x0, ici_dest:s0, dma_misc:DstOpCode:WRITE  }
0x39c: {  	p2 =	slt.s32 s9, $0x2;
	s4 =	simm.s32 @!p1 $0x40;
	s5 =	simm.s32 @!p1 $0x42  }
0x39d: {  	[spmem:s5], [sflag:s1] =	dma.general @!p1 [spmem:s4], [sflag:s2], length:$0x2, [dreg:$0x0], stride_count:$0x0, ici_dest:s0, dma_misc:DstOpCode:WRITE  }
.Ltmp35:
0x39e: {  	s0 =	simm.s32 @!p1 $0x3;
	(pc) =	sbr.rel @p2 .LBB3_37-.Ltmp35, $4  }
0x39f: {  	s1 =	sshll.u32 @!p1 s8, $0xE;
	_ =	swait.ge @!p1 [sflag:s0], $0x6  }
0x3a0: {  	s2 =	sshll.u32 @!p1 s7, $0x11;
	s1 =	sadd.s32 @!p1 $0x11C3C, s1;
	[sflag:s0] =	ssyncset.done @!p1 $0x0  }
0x3a1: {  	[sflag:s0] =	ssyncadd.s32 @!p1 $0xFFFFFFFA;
	s0 =	sor.u32 @!p1 s2, s1  }
0x3a2: {  	[sflag:s0] =	ssyncadd.remote.s32 @!p1 $0xFFFFFFFF;
	s0 =	simm.s32 $0x0  }
0x3a3: {  	s0 =	simm.s32 $0x3659  }
0x3a4: {  	v0 =	vld.msk [tilespmem:s0+$0x0], $0x1;
	_ =	sdelay $0x4  }
0x3a5: {  	(v2sf) =	vpush v0, $0x0;
	_ =	sdelay $0xd  }
0x3a6: {  	s2 =	sadd.s32 $0xFFFFFFFE, s6  }
0x3a7: {  	s2 =	sadd.s32 $0xFFFFFFFF, s2;
	s0 =	spop (v2sf)  }
0x3a8: {  	p2 =	sne.s32 s2, $0x0;
	p1 =	sgt.u32 s0, $0x270FF  }
.Ltmp36:
0x3a9: {  	s4 =	sand.u32 @!p1 $0x3FFF8, s0;
	(pc) =	sbr.rel @!p2 .LBB3_36-.Ltmp36, $4  }
0x3aa: {  	s1 =	simm.s32 $0x3688;
	s0 =	sand.u32 @!p1 $0x7, s0;
	s4 =	sadd.s32 @!p1 s3, s4  }
0x3ab: {  	[hbm4b:s4+s0] =	stream.linear.scatter @!p1 [tilespmem:s1], [sflag:$0x5], $0x4, $0x38;
	[tilespmem:$0x1F0F8] =	vst v63  }
0x3ac: {  	s0 =	simm.s32 $0x0  }
0x3ad: {  	s6 =	simm.s32 $0x0;
	s7 =	simm.s32 $0x365A;
	s0 =	simm.s32 @!p1 $0x10  }
.LBB3_35:
0x3ae: {  	v0 =	vld.msk [tilespmem:s7+$0x0], $0x1;
	s2 =	sadd.s32 $0xFFFFFFFF, s2;
	s6 =	sadd.s32 s6, s0  }
0x3af: {  	p1 =	sne.s32 s2, $0x0;
	_ =	sdelay $0x3  }
0x3b0: {  	(v2sf) =	vpush v0, $0x0;
	_ =	sdelay $0xe  }
.Ltmp37:
0x3b1: {  	s4 =	spop (v2sf);
	(pc) =	sbr.rel @p1 .LBB3_35-.Ltmp37, $4  }
0x3b2: {  	s0 =	simm.s32 $0x0;
	p2 =	sgt.u32 s4, $0x270FF  }
0x3b3: {  	s1 =	sadd.s32 $0x10, s1;
	s0 =	simm.s32 @!p2 $0x10;
	s5 =	sand.u32 @!p2 $0x3FFF8, s4  }
0x3b4: {  	s7 =	sadd.s32 $0x1, s7;
	s4 =	sand.u32 @!p2 $0x7, s4;
	s5 =	sadd.s32 @!p2 s3, s5  }
0x3b5: {  	[hbm4b:s5+s4] =	stream.linear.scatter @!p2 [tilespmem:s1], [sflag:$0x5], $0x4, $0x38;
	[tilespmem:$0x1F0F8] =	vst v63  }
.LBB3_36:
0x3b6: {  	s0 =	sadd.s32 s6, s0  }
0x3b7: {  	s0 =	sshrl.u32 s0, $0x2  }
.LBB3_37:
0x3b8: {  	s1 =	simm.s32 $0x5  }
0x3b9: {  	_ =	swait.ge [sflag:s1], s0  }
0x3ba: {  	s31 =	ssub.s32 $0x0, s0;
	[sflag:s1] =	ssyncset.done $0x0  }
0x3bb: {  	[sflag:s1] =	ssyncadd.s32 s31  }
0x3bc: {  	[sflag:s1] =	ssyncpa.u1 $0x1  }
.LBB3_38:
0x3bd: {  	s0 =	sor.u32 s17, s16  }
0x3be: {  	p1 =	sne.s32 s0, $0x0  }
.Ltmp38:
0x3bf: {  	_ = 	snop;
	(pc) =	sbr.rel @p1 .LBB3_53-.Ltmp38, $3  }
0x3c0: {  	_ =	sdelay $0x1  }
0x3c1: {  	[bflag:$0x0] =	sbarrier.arrive $0xFFFF  }
0x3c2: {  	_ =	sfence  }
0x3c3: {  	s0 =	simm.s32 $0x7  }
0x3c4: {  	s1 =	simm.s32 $0x200;
	s2 =	simm.s32 $0x3658;
	[sflag:s0] =	ssyncpa.u1 $0x0  }
0x3c5: {  	[tilespmem:s2], [sflag:$0x7] =	stream.linear.gather [spmem:s1], $0x20, $0x38;
	[tilespmem:$0x1F0F8] =	vst v63  }
0x3c6: {  	s30 =	simm.s32 $0x3678;
	s1 =	simm.s32 $0x0  }
0x3c7: {  	[tilespmem:s30], [sflag:$0x7] =	stream.linear.gather [spmem:s1], $0x200, $0x38;
	[tilespmem:$0x1F0F8] =	vst v63  }
.Ltmp39:
0x3c8: {  	_ = 	snop;
	(pc) =	sbr.rel .LBB3_40-.Ltmp39, $4  }
0x3c9: {  	_ =	swait.ge [sflag:s0], $0x220  }
0x3ca: {  	[sflag:s0] =	ssyncset.done $0x0  }
0x3cb: {  	s31 =	simm.s32 $0x8;
	[sflag:s0] =	ssyncadd.s32 $0xFFFFFDE0  }
0x3cc: {  	s2 =	simm.s32 $0x0;
	[sflag:s31] =	ssyncpa.u1 $0x0  }
.LBB3_45:
0x3cd: {  	p1 =	slt.u32 s4, $0x27100  }
0x3ce: {  	s0 =	sand.u32 @p1 $0x3FFF8, s4  }
0x3cf: {  	s4 =	sand.u32 @p1 $0x7, s4;
	s5 =	simm.s32 @p1 $0x3638;
	s0 =	sadd.s32 @p1 s3, s0  }
0x3d0: {  	[tilespmem:s5], [sflag:$0x8] =	stream.linear.gather @p1 [hbm4b:s0+s4], $0x4, $0x38;
	[tilespmem:$0x1F0F8] =	vst v63  }
0x3d1: {  	s0 =	simm.s32 @p1 $0x8  }
0x3d2: {  	_ =	swait.ge @p1 [sflag:s0], $0x4  }
0x3d3: {  	[sflag:s0] =	ssyncset.done @p1 $0x0  }
0x3d4: {  	[sflag:s0] =	ssyncadd.s32 @p1 $0xFFFFFFFC  }
0x3d5: {  	v1 =	vld @p1 [tilespmem:$0x3638];
	_ =	sdelay $0x2  }
0x3d6: {  	s0 =	sshll.u32 @p1 s2, $0x6  }
0x3d7: {  	s5 =	sshll.u32 @!p1 s2, $0x6;
	s4 =	sshrl.u32 @p1 s0, $0x2  }
0x3d8: {  	s5 =	smov.u32 @p1 s0;
	[tilespmem:s4+$0x3678] =	vst.add.f32.msk @p1 $0xffff, v1  }
0x3d9: {  	s0 =	sshrl.u32 s5, $0x2;
	[tilespmem:s1+$0x3658] =	vst.msk $0x1, v0  }
0x3da: {  	v0 =	vld [tilespmem:s0+$0x3678];
	_ =	sdelay $0x2  }
0x3db: {  	s31 =	sshll.u32 s1, $0x6  }
0x3dc: {  	s0 =	sshra.s32 s31, $0x2  }
0x3dd: {  	s1 =	sadd.s32 $0x1, s1;
	[tilespmem:s0+$0x3678] =	vst v0  }
.LBB3_47:
0x3de: {  	s2 =	sadd.s32 $0x1, s2  }
0x3df: {  	p1 =	sne.s32 s2, $0x20  }
.Ltmp40:
0x3e0: {  	_ = 	snop;
	(pc) =	sbr.rel @!p1 .LBB3_48-.Ltmp40, $1  }
0x3e1: {  	_ =	sdelay $0x3  }
.LBB3_40:
0x3e2: {  	v0 =	vld.msk [tilespmem:s2+$0x3658], $0x1;
	_ =	sdelay $0x4  }
0x3e3: {  	(v2sf) =	vpush v0, $0x0;
	_ =	sdelay $0xe  }
0x3e4: {  	s4 =	spop (v2sf)  }
0x3e5: {  	p1 =	seq.s32 s4, $0xFFFFFFFF  }
.Ltmp41:
0x3e6: {  	_ = 	snop;
	(pc) =	sbr.rel @p1 .LBB3_47-.Ltmp41, $1  }
0x3e7: {  	_ =	sdelay $0x3  }
0x3e8: {  	p1 =	slt.s32 s1, $0x1  }
.Ltmp42:
0x3e9: {  	_ = 	snop;
	(pc) =	sbr.rel @p1 .LBB3_45-.Ltmp42, $1  }
0x3ea: {  	_ =	sdelay $0x3  }
0x3eb: {  	s5 =	simm.s32 $0x3658;
	p1 =	por $0x0, $0x0  }
0x3ec: {  	v1 =	vld.msk @!p1 [tilespmem:s5+$0x0], $0x1;
	_ =	sdelay $0x4  }
0x3ed: {  	(v2sf) =	vpush @!p1 v1, $0x0;
	_ =	sdelay $0xd  }
0x3ee: {  	p3 =	sne.s32 s1, $0x1  }
.Ltmp43:
0x3ef: {  	s0 =	spop @!p1 (v2sf);
	(pc) =	sbr.rel @!p3 .LBB3_44-.Ltmp43, $4  }
0x3f0: {  	p2 =	seq.s32 @!p1 s4, s0  }
0x3f1: {  	s6 =	simm.s32 $0x0;
	p2 =	por !p2, p1  }
0x3f2: {  	s0 =	simm.s32 $0xFFFFFFFF;
	s6 =	simm.s32 @p2 $0xFFFFFFFF  }
0x3f3: {  	s7 =	simm.s32 $0x1;
	s6 =	smov.u32 @p1 s0  }
.LBB3_43:
0x3f4: {  	s0 =	smov.u32 s6;
	p1 =	sne.s32 s6, $0xFFFFFFFF  }
0x3f5: {  	s5 =	sadd.s32 $0x1, s5;
	s6 =	smov.u32 s7;
	s7 =	sadd.s32 $0x1, s7  }
0x3f6: {  	p2 =	sne.s32 s1, s7;
	v1 =	vld.msk @!p1 [tilespmem:s5+$0x0], $0x1;
	_ =	sdelay $0x4  }
0x3f7: {  	(v2sf) =	vpush @!p1 v1, $0x0;
	_ =	sdelay $0xe  }
.Ltmp44:
0x3f8: {  	s8 =	spop @!p1 (v2sf);
	(pc) =	sbr.rel @p2 .LBB3_43-.Ltmp44, $4  }
0x3f9: {  	p3 =	seq.s32 @!p1 s4, s8  }
0x3fa: {  	p3 =	por !p3, p1  }
0x3fb: {  	s6 =	simm.s32 @p3 $0xFFFFFFFF  }
0x3fc: {  	s6 =	smov.u32 @p1 s0  }
.LBB3_44:
0x3fd: {  	p1 =	sne.s32 s6, $0xFFFFFFFF  }
.Ltmp45:
0x3fe: {  	_ = 	snop;
	(pc) =	sbr.rel @!p1 .LBB3_45-.Ltmp45, $1  }
0x3ff: {  	_ =	sdelay $0x3  }
0x400: {  	s0 =	sshll.u32 s2, $0x4  }
0x401: {  	s0 =	sand.u32 $0x3FFFFFF0, s0  }
0x402: {  	v0 =	vld [tilespmem:s0+$0x3678]  }
.Ltmp46:
0x403: {  	_ = 	snop;
	(pc) =	sbr.rel .LBB3_47-.Ltmp46, $4  }
0x404: {  	_ = 	snop  }
0x405: {  	s31 =	sshll.u32 s6, $0x6  }
0x406: {  	s0 =	sshra.s32 s31, $0x2  }
0x407: {  	[tilespmem:s0+$0x3678] =	vst.add.f32.msk $0xffff, v0  }
.LBB3_48:
0x408: {  	p1 =	slt.s32 s1, $0x1  }
.Ltmp47:
0x409: {  	_ = 	snop;
	(pc) =	sbr.rel @p1 .LBB3_52-.Ltmp47, $3  }
0x40a: {  	_ =	sdelay $0x1  }
0x40b: {  	s0 =	simm.s32 $0x8  }
0x40c: {  	s2 =	simm.s32 $0x0;
	[sflag:s0] =	ssyncpa.u1 $0x1  }
0x40d: {  	s0 =	simm.s32 $0x3658  }
0x40e: {  	v0 =	vld.msk [tilespmem:s0+$0x0], $0x1;
	_ =	sdelay $0x4  }
0x40f: {  	(v2sf) =	vpush v0, $0x0;
	_ =	sdelay $0xe  }
0x410: {  	s1 =	sadd.s32 $0xFFFFFFFF, s1;
	s0 =	spop (v2sf)  }
0x411: {  	p2 =	sne.s32 s1, $0x0;
	p1 =	sgt.u32 s0, $0x270FF  }
.Ltmp48:
0x412: {  	s5 =	sand.u32 @!p1 $0x3FFF8, s0;
	(pc) =	sbr.rel @!p2 .LBB3_51-.Ltmp48, $4  }
0x413: {  	s4 =	simm.s32 $0x3678;
	s0 =	sand.u32 @!p1 $0x7, s0;
	s5 =	sadd.s32 @!p1 s3, s5  }
0x414: {  	[hbm4b:s5+s0] =	stream.linear.scatter @!p1 [tilespmem:s4], [sflag:$0x7], $0x4, $0x38;
	[tilespmem:$0x1F0F8] =	vst v63  }
0x415: {  	s0 =	simm.s32 $0x0  }
0x416: {  	s5 =	simm.s32 $0x3659;
	s0 =	simm.s32 @!p1 $0x10  }
.LBB3_50:
0x417: {  	v0 =	vld.msk [tilespmem:s5+$0x0], $0x1;
	s1 =	sadd.s32 $0xFFFFFFFF, s1;
	s2 =	sadd.s32 s2, s0  }
0x418: {  	p1 =	sne.s32 s1, $0x0;
	_ =	sdelay $0x3  }
0x419: {  	(v2sf) =	vpush v0, $0x0;
	_ =	sdelay $0xe  }
.Ltmp49:
0x41a: {  	s6 =	spop (v2sf);
	(pc) =	sbr.rel @p1 .LBB3_50-.Ltmp49, $4  }
0x41b: {  	s0 =	simm.s32 $0x0;
	p2 =	sgt.u32 s6, $0x270FF  }
0x41c: {  	s4 =	sadd.s32 $0x10, s4;
	s0 =	simm.s32 @!p2 $0x10;
	s7 =	sand.u32 @!p2 $0x3FFF8, s6  }
0x41d: {  	s5 =	sadd.s32 $0x1, s5;
	s6 =	sand.u32 @!p2 $0x7, s6;
	s7 =	sadd.s32 @!p2 s3, s7  }
0x41e: {  	[hbm4b:s7+s6] =	stream.linear.scatter @!p2 [tilespmem:s4], [sflag:$0x7], $0x4, $0x38;
	[tilespmem:$0x1F0F8] =	vst v63  }
.LBB3_51:
0x41f: {  	s0 =	sadd.s32 s2, s0  }
0x420: {  	s2 =	sshrl.u32 s0, $0x2  }
.LBB3_52:
0x421: {  	s0 =	simm.s32 $0x7  }
0x422: {  	_ =	swait.ge [sflag:s0], s2  }
0x423: {  	s1 =	ssub.s32 $0x0, s2;
	[sflag:s0] =	ssyncset.done $0x0  }
0x424: {  	[sflag:s0] =	ssyncadd.s32 s1  }
0x425: {  	[sflag:s0] =	ssyncpa.u1 $0x1  }
.LBB3_53:
0x426: {  	_ =	sfence;
	s0 =	simm.s32 $0x1  }
0x427: {  	[sflag:s0] =	ssyncpa.u1 $0x1  }
0x428: {  	_ =	strace $0x9000004A  }
0x429: {  	[bflag:$0x2] =	sbarrier.arrive $0xFFFF  }
0x42a: {  	s0 =	rddreg [dreg:$0x3]  }
0x42b: {  	s0 =	sadd.s32 @!p0 $0x100000, s0  }
0x42c: {  	[sflag:s0] =	ssyncadd.tile.s32 @!p0 $0x1;
	_ =	shalt  }
.Lfunc_end3:
_tile_overlayer_lowered:
.L_overlay_start_3:
0x42d: {  	(tag) =	ssettag $0x3  }
0x42e: {  	s0 =	rddreg [dreg:$0x0];
	s2 =	stileid.u32  }
0x42f: {  	s1 =	rddreg [dreg:$0x1];
	p0 =	sne.s32 s2, $0x0  }
0x430: {  	s3 =	rddreg [dreg:$0x2];
	[bflag:$0x3] =	sbarrier.arrive $0xFFFF;
	s2 =	simm.s32 @!p0 $0x1C01  }
0x431: {  	[timem:s3], [sflag:s2] =	dma.local @!p0 [hbm:s0], s1  }
0x432: {  	s0 =	simm.s32 @!p0 $0x1  }
0x433: {  	_ =	swait.ge @!p0 [sflag:s0], s1  }
0x434: {  	s1 =	ssub.s32 @!p0 $0x0, s1;
	[sflag:s0] =	ssyncset.done @!p0 $0x0  }
0x435: {  	[sflag:s0] =	ssyncadd.s32 @!p0 s1  }
0x436: {  	[bflag:$0x3] =	sbarrier.arrive $0xFFFF  }
0x437: {  	_ =	shalt  }

// kernel: scatter_offload_async_start.2
scs
__scs_entry_jumppad:
0x0: {  	(pc) =	sbr.rel $0x88, $3  }
0x1: {  	(tag) =	ssettag $0x0;
	lr =	simm.s32 $0x1  }
0x2: {  	[smem:$0x3F92] =	sst lr;
	_ =	strace $0xD0000000  }
0x3: {  	_ = 	snop  }
0x4: {  	_ = 	snop  }
0x5: {  	_ = 	snop  }
0x6: {  	_ = 	snop  }
0x7: {  	_ = 	snop  }
__scs_overlays_trampoline_lowered:
0x8: {  	[smem:$0x3FA1] =	sst s0  }
0x9: {  	[smem:$0x3FA2] =	sst s1  }
0xa: {  	[smem:$0x3FA3] =	sst s2  }
0xb: {  	[smem:$0x3FA4] =	sst s3  }
0xc: {  	[smem:$0x3FA5] =	sst s4  }
0xd: {  	[smem:$0x3FA6] =	sst s5  }
0xe: {  	[smem:$0x3FA7] =	sst s6  }
0xf: {  	[smem:$0x3FA8] =	sst s7  }
0x10: {  	[smem:$0x3FA9] =	sst s8  }
0x11: {  	[smem:$0x3FAA] =	sst s9;
	s0 =	simm.s32 @!p0 $0x0  }
0x12: {  	s1 =	sld [smem:$0x3F90];
	s0 =	simm.s32 @p0 $0x1  }
0x13: {  	[smem:$0x3FAB] =	sst s0;
	s0 =	simm.s32 @!p1 $0x0  }
0x14: {  	s2 =	sld [smem:$0x3F8F];
	s0 =	simm.s32 @p1 $0x1  }
0x15: {  	[smem:$0x3FAC] =	sst s0;
	s0 =	simm.s32 @!p2 $0x0  }
0x16: {  	s3 =	sld [smem:$0x3FDB];
	s0 =	simm.s32 @p2 $0x1  }
0x17: {  	s4 =	simm.s32 $0x1BF5;
	[smem:$0x3FAE] =	sst s0  }
0x18: {  	s0 =	sld [smem:$0x3F91];
	_ =	swait.ge [sflag:s4], $0x0  }
0x19: {  	s7 =	sld [smem:$0x3F92]  }
0x1a: {  	s8 =	sadd.s32 $0xFFFFE003, lr  }
0x1b: {  	s9 =	sadd.s32 $0xFFFFFEF7, lr;
	s5 =	simm.s32 $0xFFFFFFFF;
	p2 =	slt.u32 s8, $0xFFFFF086  }
0x1c: {  	p1 =	slt.u32 s9, $0xF7A;
	s5 =	simm.s32 @!p2 $0x0  }
0x1d: {  	s5 =	simm.s32 @p1 $0x1;
	p0 =	seq.s32 s7, s2  }
0x1e: {  	s7 =	smul.u32 @!p0 $0xF7A, s2;
	p2 =	seq.s32 @!p0 s5, $0x0  }
0x1f: {  	s9 =	smul.u32 $0xF7A, s1;
	s8 =	simm.s32 @!p0 $0x1BF5;
	p2 =	por !p2, p0  }
0x20: {  	[sflag:s8] =	ssyncset.s32 @!p0 $0xFFFFF086;
	s6 =	sadd.s32 @!p0 s3, s7;
	s7 =	simm.s32 @!p0 $0x108  }
0x21: {  	s3 =	sadd.s32 s3, s9;
	s6 =	sadd.s32 @!p0 $0x88, s6;
	s7 =	simm.s32 @p2 $0x1082  }
0x22: {  	[simem:s7], [sflag:s8] =	dma.local @!p0 [hbm:s6], $0xF7A  }
0x23: {  	s9 =	sor.u32 $0xD0000000, s2;
	s6 =	simm.s32 $0x108;
	_ =	swait.ge @!p0 [sflag:s8], $0x0  }
0x24: {  	s3 =	sadd.s32 $0x88, s3;
	s6 =	simm.s32 @!p1 $0x1082;
	[sflag:s4] =	ssyncset.s32 $0xFFFFF086  }
0x25: {  	[simem:s6], [sflag:s4] =	dma.local [hbm:s3], $0xF7A  }
0x26: {  	[smem:$0x3F92] =	sst s1;
	(tag) =	ssettag s2;
	_ =	strace s9  }
0x27: {  	s1 =	sld [smem:$0x3FA2]  }
0x28: {  	s2 =	sld [smem:$0x3FA3]  }
0x29: {  	s4 =	sld [smem:$0x3FA5]  }
0x2a: {  	p0 =	seq.s32 s5, $0x0;
	s5 =	sld [smem:$0x3FA6]  }
0x2b: {  	s6 =	sld [smem:$0x3FA7]  }
0x2c: {  	s7 =	sld [smem:$0x3FA8]  }
0x2d: {  	s3 =	simm.s32 $0x108;
	s8 =	sld [smem:$0x3FA9]  }
0x2e: {  	s3 =	simm.s32 @!p0 $0x1082;
	s9 =	sld [smem:$0x3FAA]  }
0x2f: {  	lr =	sadd.s32 s0, s3;
	s0 =	sld [smem:$0x3FA1]  }
0x30: {  	s3 =	sld [smem:$0x3FA4]  }
0x31: {  	[smem:$0x3FAD] =	sst s10  }
0x32: {  	s10 =	sld [smem:$0x3FAB];
	_ =	sdelay $0x3  }
0x33: {  	p0 =	seq.s32 s10, $0x1;
	s10 =	sld [smem:$0x3FAD];
	_ =	sdelay $0x3  }
0x34: {  	[smem:$0x3FAD] =	sst s10  }
0x35: {  	s10 =	sld [smem:$0x3FAC];
	_ =	sdelay $0x3  }
0x36: {  	p1 =	seq.s32 s10, $0x1;
	s10 =	sld [smem:$0x3FAD];
	_ =	sdelay $0x3  }
0x37: {  	[smem:$0x3FAD] =	sst s10  }
0x38: {  	s10 =	sld [smem:$0x3FAE]  }
0x39: {  	_ = 	snop;
	(pc) =	sbr.ind lr, $3  }
0x3a: {  	_ = 	snop  }
0x3b: {  	_ = 	snop  }
0x3c: {  	p2 =	seq.s32 s10, $0x1;
	s10 =	sld [smem:$0x3FAD]  }
0x3d: {  	_ =	shalt  }
0x3e: {  	_ =	shalt  }
0x3f: {  	_ =	shalt  }
0x40: {  	_ =	shalt  }
0x41: {  	_ =	shalt  }
0x42: {  	_ =	shalt  }
0x43: {  	_ =	shalt  }
0x44: {  	_ =	shalt  }
0x45: {  	_ =	shalt  }
0x46: {  	_ =	shalt  }
0x47: {  	_ =	shalt  }
0x48: {  	_ =	shalt  }
0x49: {  	_ =	shalt  }
0x4a: {  	_ =	shalt  }
0x4b: {  	_ =	shalt  }
0x4c: {  	_ =	shalt  }
0x4d: {  	_ =	shalt  }
0x4e: {  	_ =	shalt  }
0x4f: {  	_ =	shalt  }
0x50: {  	_ =	shalt  }
0x51: {  	_ =	shalt  }
0x52: {  	_ =	shalt  }
0x53: {  	_ =	shalt  }
0x54: {  	_ =	shalt  }
0x55: {  	_ =	shalt  }
0x56: {  	_ =	shalt  }
0x57: {  	_ =	shalt  }
0x58: {  	_ =	shalt  }
0x59: {  	_ =	shalt  }
0x5a: {  	_ =	shalt  }
0x5b: {  	_ =	shalt  }
0x5c: {  	_ =	shalt  }
0x5d: {  	_ =	shalt  }
0x5e: {  	_ =	shalt  }
0x5f: {  	_ =	shalt  }
0x60: {  	_ =	shalt  }
0x61: {  	_ =	shalt  }
0x62: {  	_ =	shalt  }
0x63: {  	_ =	shalt  }
0x64: {  	_ =	shalt  }
0x65: {  	_ =	shalt  }
0x66: {  	_ =	shalt  }
0x67: {  	_ =	shalt  }
0x68: {  	_ =	shalt  }
0x69: {  	_ =	shalt  }
0x6a: {  	_ =	shalt  }
0x6b: {  	_ =	shalt  }
0x6c: {  	_ =	shalt  }
0x6d: {  	_ =	shalt  }
0x6e: {  	_ =	shalt  }
0x6f: {  	_ =	shalt  }
0x70: {  	_ =	shalt  }
0x71: {  	_ =	shalt  }
0x72: {  	_ =	shalt  }
0x73: {  	_ =	shalt  }
0x74: {  	_ =	shalt  }
0x75: {  	_ =	shalt  }
0x76: {  	_ =	shalt  }
0x77: {  	_ =	shalt  }
0x78: {  	_ =	shalt  }
0x79: {  	_ =	shalt  }
0x7a: {  	_ =	shalt  }
0x7b: {  	_ =	shalt  }
0x7c: {  	_ =	shalt  }
0x7d: {  	_ =	shalt  }
0x7e: {  	_ =	shalt  }
0x7f: {  	_ =	shalt  }
0x80: {  	_ =	shalt  }
0x81: {  	_ =	shalt  }
0x82: {  	_ =	shalt  }
0x83: {  	_ =	shalt  }
0x84: {  	_ =	shalt  }
0x85: {  	_ =	shalt  }
0x86: {  	_ =	shalt  }
0x87: {  	_ =	shalt  }
.Lfunc_end0:
.L_simem_size_0:
called_computation.2_lowered:
.L_overlay_start_0:
0x88: {  	s2 =	sld [smem:$0x3FD9]  }
0x89: {  	s3 =	sld [smem:$0x3FFE];
	_ =	sdelay $0x1  }
0x8a: {  	s1 =	srdreg.scid  }
0x8b: {  	s0 =	sand.u32 $0x1, s1  }
0x8c: {  	s15 =	sshll.u32 s0, $0xA;
	s2 =	sadd.s32 s3, s2  }
0x8d: {  	s2 =	sadd.s32 s2, s15  }
0x8e: {  	[smem:$0x3FB9] =	sst s2  }
0x8f: {  	_ = 	snop  }
0x90: {  	(tm) =	ssettm $0x1  }
0x91: {  	s16 =	sld [smem:$0x3FFB];
	_ =	sdelay $0x3  }
0x92: {  	_ =	strace s16  }
0x93: {  	s2 =	sld [smem:$0x3FFC];
	_ =	sdelay $0x3  }
0x94: {  	_ =	strace s2  }
0x95: {  	s2 =	sld [smem:$0x3FFD];
	_ =	sdelay $0x3  }
0x96: {  	_ =	strace s2  }
0x97: {  	_ =	strace $0x8FFFFFFF  }
0x98: {  	s17 =	sld [smem:$0x3FDB];
	_ =	sdelay $0x1  }
0x99: {  	s18 =	simm.s32 $_scs_section_size  }
0x9a: {  	s4 =	simm.s32 $_size__tile_overlayer_lowered;
	s5 =	simm.s32 $_tile_overlayer_lowered  }
0x9b: {  	s21 =	simm.s32 $0x1BFF;
	s20 =	sshll.u32 s5, $0x1;
	s2 =	sadd.s32 s18, s17  }
0x9c: {  	s6 =	simm.s32 $0x0;
	s19 =	sshll.u32 s4, $0x1;
	s4 =	sadd.s32 s20, s2  }
0x9d: {  	[timem:s6], [sflag:s21] =	dma.local [hbm:s4], s19  }
0x9e: {  	_ =	swait.ge [sflag:s21], s19  }
0x9f: {  	s3 =	ssub.s32 $0x0, s19;
	[sflag:s21] =	ssyncset.done $0x0  }
0xa0: {  	[sflag:s21] =	ssyncadd.s32 s3;
	_ =	sdelay $0x1  }
0xa1: {  	s22 =	simm.s32 $0x1B8B  }
0xa2: {  	_ =	swait.ge [sflag:s22], $0x1  }
0xa3: {  	[sflag:s22] =	ssyncset.done $0x0  }
0xa4: {  	s23 =	sld [smem:$0x3FFE];
	[sflag:s22] =	ssyncadd.s32 $0xFFFFFFFF  }
0xa5: {  	s25 =	simm.s32 $0x1B8E;
	s24 =	sld [smem:$0x0]  }
0xa6: {  	s26 =	simm.s32 $execute0_lowered;
	[smem:$0x3FD2] =	sst s25  }
0xa7: {  	s5 =	sshll.u32 s26, $0x1;
	_ =	strace $0x8000004F;
	[dreg:$0x1] =	wrdreg $0xFFFFFFFF  }
0xa8: {  	s28 =	simm.s32 $_size_execute0_lowered;
	s2 =	sadd.s32 s2, s5;
	[dreg:$0x0] =	wrdreg $0x0  }
0xa9: {  	s5 =	sshll.u32 s28, $0x1;
	[dreg:$0x2] =	wrdreg s2  }
0xaa: {  	[dreg:$0x3] =	wrdreg s5  }
0xab: {  	[dreg:$0x4] =	wrdreg $0xC0  }
0xac: {  	_ =	task [dreg:s6], $0x5FFFF  }
0xad: {  	[dreg:$0x1] =	wrdreg $0xFFFFFFFF  }
0xae: {  	[dreg:$0x0] =	wrdreg $0x60  }
0xaf: {  	[dreg:$0x2] =	wrdreg s23  }
0xb0: {  	[dreg:$0x3] =	wrdreg s1  }
0xb1: {  	[dreg:$0x4] =	wrdreg s24  }
0xb2: {  	[dreg:$0x5] =	wrdreg $0x9  }
0xb3: {  	_ =	task.clear_ibuf [dreg:s6], $0x6FFFF;
	_ =	strace $0x9000004F  }
0xb4: {  	s29 =	simm.s32 $0x9;
	_ =	strace $0x80000051  }
0xb5: {  	_ =	swait.ge [sflag:s29], $0x1  }
0xb6: {  	[sflag:s29] =	ssyncadd.s32 $0xFFFFFFFF  }
0xb7: {  	_ =	strace $0x90000051  }
0xb8: {  	_ =	sfence  }
0xb9: {  	s30 =	sld [smem:$0x0];
	_ =	sdelay $0x2  }
0xba: {  	s31 =	sshll.u32 s1, $0xD;
	s1 =	sshrl.u32 s1, $0x2  }
0xbb: {  	s3 =	sand.u32 $0x4000, s31;
	s1 =	sadd.s32 s1, s30  }
0xbc: {  	s0 =	sor.u32 s3, s0;
	s1 =	sshll.u32 s1, $0x11  }
0xbd: {  	s0 =	sor.u32 s1, s0  }
0xbe: {  	s0 =	sadd.s32 $0x8F2B, s0  }
0xbf: {  	[sflag:s0] =	ssyncadd.remote.s32 $0x1  }
0xc0: {  	_ =	sfence.sel $0xFFFF  }
0xc1: {  	[dreg:$0x0] =	wrdreg $0xFFFFFFFF;
	(pc) =	sbr.abs _section_cstart, $3  }
0xc2: {  	[dreg:$0x1] =	wrdreg $0xFFFFFFFF  }
0xc3: {  	_ =	task.clear_ibuf [dreg:s6], $0x2FFFF;
	_ =	strace $0x9FFFFFFF  }
0xc4: {  	(tm) =	ssettm $0x7FFFFFFF  }
0xc5: {  	_ =	shalt  }
tec
execute0_lowered:
.L_overlay_start_1:
0x0: {  	(tag) =	ssettag $0x1  }
0x1: {  	s11 =	rddreg [dreg:$0x0]  }
0x2: {  	s2 =	rddreg [dreg:$0x1];
	_ =	strace $0x80000050;
	s12 =	simm.s32 $0x1  }
0x3: {  	v0 =	vimm.s32 $0x0;
	[sflag:s12] =	ssyncpa.u1 $0x0  }
0x4: {  	[tilespmem:$0x28] =	vst v0  }
0x5: {  	[tilespmem:$0x38] =	vst v0  }
0x6: {  	[tilespmem:$0x48] =	vst v0  }
0x7: {  	[tilespmem:$0x58] =	vst v0  }
0x8: {  	[tilespmem:$0x68] =	vst v0  }
0x9: {  	[tilespmem:$0x78] =	vst v0  }
0xa: {  	[tilespmem:$0x88] =	vst v0  }
0xb: {  	[tilespmem:$0x98] =	vst v0  }
0xc: {  	[tilespmem:$0xA8] =	vst v0  }
0xd: {  	[tilespmem:$0xB8] =	vst v0  }
0xe: {  	[tilespmem:$0xC8] =	vst v0  }
0xf: {  	[tilespmem:$0xD8] =	vst v0  }
0x10: {  	[tilespmem:$0xE8] =	vst v0  }
0x11: {  	[tilespmem:$0xF8] =	vst v0  }
0x12: {  	[tilespmem:$0x108] =	vst v0  }
0x13: {  	[tilespmem:$0x118] =	vst v0  }
0x14: {  	[tilespmem:$0x128] =	vst v0  }
0x15: {  	[tilespmem:$0x138] =	vst v0  }
0x16: {  	[tilespmem:$0x148] =	vst v0  }
0x17: {  	[tilespmem:$0x158] =	vst v0  }
0x18: {  	[tilespmem:$0x168] =	vst v0  }
0x19: {  	[tilespmem:$0x178] =	vst v0  }
0x1a: {  	[tilespmem:$0x188] =	vst v0  }
0x1b: {  	[tilespmem:$0x198] =	vst v0  }
0x1c: {  	[tilespmem:$0x1A8] =	vst v0  }
0x1d: {  	[tilespmem:$0x1B8] =	vst v0  }
0x1e: {  	[tilespmem:$0x1C8] =	vst v0  }
0x1f: {  	[tilespmem:$0x1D8] =	vst v0  }
0x20: {  	[tilespmem:$0x1E8] =	vst v0  }
0x21: {  	[tilespmem:$0x1F8] =	vst v0  }
0x22: {  	[tilespmem:$0x208] =	vst v0  }
0x23: {  	[tilespmem:$0x218] =	vst v0  }
0x24: {  	[tilespmem:$0x228] =	vst v0  }
0x25: {  	[tilespmem:$0x238] =	vst v0  }
0x26: {  	[tilespmem:$0x248] =	vst v0  }
0x27: {  	[tilespmem:$0x258] =	vst v0  }
0x28: {  	[tilespmem:$0x268] =	vst v0  }
0x29: {  	[tilespmem:$0x278] =	vst v0  }
0x2a: {  	[tilespmem:$0x288] =	vst v0  }
0x2b: {  	[tilespmem:$0x298] =	vst v0  }
0x2c: {  	[tilespmem:$0x2A8] =	vst v0  }
0x2d: {  	[tilespmem:$0x2B8] =	vst v0  }
0x2e: {  	[tilespmem:$0x2C8] =	vst v0  }
0x2f: {  	[tilespmem:$0x2D8] =	vst v0  }
0x30: {  	[tilespmem:$0x2E8] =	vst v0  }
0x31: {  	[tilespmem:$0x2F8] =	vst v0  }
0x32: {  	[tilespmem:$0x308] =	vst v0  }
0x33: {  	[tilespmem:$0x318] =	vst v0  }
0x34: {  	[tilespmem:$0x328] =	vst v0  }
0x35: {  	[tilespmem:$0x338] =	vst v0  }
0x36: {  	[tilespmem:$0x348] =	vst v0  }
0x37: {  	[tilespmem:$0x358] =	vst v0  }
0x38: {  	[tilespmem:$0x368] =	vst v0  }
0x39: {  	[tilespmem:$0x378] =	vst v0  }
0x3a: {  	[tilespmem:$0x388] =	vst v0  }
0x3b: {  	[tilespmem:$0x398] =	vst v0  }
0x3c: {  	[tilespmem:$0x3A8] =	vst v0  }
0x3d: {  	[tilespmem:$0x3B8] =	vst v0  }
0x3e: {  	[tilespmem:$0x3C8] =	vst v0  }
0x3f: {  	[tilespmem:$0x3D8] =	vst v0  }
0x40: {  	[tilespmem:$0x3E8] =	vst v0  }
0x41: {  	[tilespmem:$0x3F8] =	vst v0  }
0x42: {  	[tilespmem:$0x408] =	vst v0  }
0x43: {  	[tilespmem:$0x418] =	vst v0  }
0x44: {  	[tilespmem:$0x428] =	vst v0  }
0x45: {  	[tilespmem:$0x438] =	vst v0  }
0x46: {  	[tilespmem:$0x448] =	vst v0  }
0x47: {  	[tilespmem:$0x458] =	vst v0  }
0x48: {  	[tilespmem:$0x468] =	vst v0  }
0x49: {  	[tilespmem:$0x478] =	vst v0  }
0x4a: {  	[tilespmem:$0x488] =	vst v0  }
0x4b: {  	[tilespmem:$0x498] =	vst v0  }
0x4c: {  	[tilespmem:$0x4A8] =	vst v0  }
0x4d: {  	[tilespmem:$0x4B8] =	vst v0  }
0x4e: {  	[tilespmem:$0x4C8] =	vst v0  }
0x4f: {  	[tilespmem:$0x4D8] =	vst v0  }
0x50: {  	[tilespmem:$0x4E8] =	vst v0  }
0x51: {  	[tilespmem:$0x4F8] =	vst v0  }
0x52: {  	[tilespmem:$0x508] =	vst v0  }
0x53: {  	[tilespmem:$0x518] =	vst v0  }
0x54: {  	[tilespmem:$0x528] =	vst v0  }
0x55: {  	[tilespmem:$0x538] =	vst v0  }
0x56: {  	[tilespmem:$0x548] =	vst v0  }
0x57: {  	[tilespmem:$0x558] =	vst v0  }
0x58: {  	[tilespmem:$0x568] =	vst v0  }
0x59: {  	[tilespmem:$0x578] =	vst v0  }
0x5a: {  	[tilespmem:$0x588] =	vst v0  }
0x5b: {  	[tilespmem:$0x598] =	vst v0  }
0x5c: {  	[tilespmem:$0x5A8] =	vst v0  }
0x5d: {  	[tilespmem:$0x5B8] =	vst v0  }
0x5e: {  	[tilespmem:$0x5C8] =	vst v0  }
0x5f: {  	[tilespmem:$0x5D8] =	vst v0  }
0x60: {  	[tilespmem:$0x5E8] =	vst v0  }
0x61: {  	[tilespmem:$0x5F8] =	vst v0  }
0x62: {  	[tilespmem:$0x608] =	vst v0  }
0x63: {  	[tilespmem:$0x618] =	vst v0  }
0x64: {  	[tilespmem:$0x628] =	vst v0  }
0x65: {  	[tilespmem:$0x638] =	vst v0  }
0x66: {  	[tilespmem:$0x648] =	vst v0  }
0x67: {  	[tilespmem:$0x658] =	vst v0  }
0x68: {  	[tilespmem:$0x668] =	vst v0  }
0x69: {  	[tilespmem:$0x678] =	vst v0  }
0x6a: {  	[tilespmem:$0x688] =	vst v0  }
0x6b: {  	[tilespmem:$0x698] =	vst v0  }
0x6c: {  	[tilespmem:$0x6A8] =	vst v0  }
0x6d: {  	[tilespmem:$0x6B8] =	vst v0  }
0x6e: {  	[tilespmem:$0x6C8] =	vst v0  }
0x6f: {  	[tilespmem:$0x6D8] =	vst v0  }
0x70: {  	[tilespmem:$0x6E8] =	vst v0  }
0x71: {  	[tilespmem:$0x6F8] =	vst v0  }
0x72: {  	[tilespmem:$0x708] =	vst v0  }
0x73: {  	[tilespmem:$0x718] =	vst v0  }
0x74: {  	[tilespmem:$0x728] =	vst v0  }
0x75: {  	[tilespmem:$0x738] =	vst v0  }
0x76: {  	[tilespmem:$0x748] =	vst v0  }
0x77: {  	[tilespmem:$0x758] =	vst v0  }
0x78: {  	[tilespmem:$0x768] =	vst v0  }
0x79: {  	[tilespmem:$0x778] =	vst v0  }
0x7a: {  	[tilespmem:$0x788] =	vst v0  }
0x7b: {  	[tilespmem:$0x798] =	vst v0  }
0x7c: {  	[tilespmem:$0x7A8] =	vst v0  }
0x7d: {  	[tilespmem:$0x7B8] =	vst v0  }
0x7e: {  	[tilespmem:$0x7C8] =	vst v0  }
0x7f: {  	[tilespmem:$0x7D8] =	vst v0  }
0x80: {  	[tilespmem:$0x7E8] =	vst v0  }
0x81: {  	[tilespmem:$0x7F8] =	vst v0  }
0x82: {  	[tilespmem:$0x808] =	vst v0  }
0x83: {  	[tilespmem:$0x818] =	vst v0  }
0x84: {  	[tilespmem:$0x828] =	vst v0  }
0x85: {  	[tilespmem:$0x838] =	vst v0  }
0x86: {  	[tilespmem:$0x848] =	vst v0  }
0x87: {  	[tilespmem:$0x858] =	vst v0  }
0x88: {  	[tilespmem:$0x868] =	vst v0  }
0x89: {  	[tilespmem:$0x878] =	vst v0  }
0x8a: {  	[tilespmem:$0x888] =	vst v0  }
0x8b: {  	[tilespmem:$0x898] =	vst v0  }
0x8c: {  	[tilespmem:$0x8A8] =	vst v0  }
0x8d: {  	[tilespmem:$0x8B8] =	vst v0  }
0x8e: {  	[tilespmem:$0x8C8] =	vst v0  }
0x8f: {  	[tilespmem:$0x8D8] =	vst v0  }
0x90: {  	[tilespmem:$0x8E8] =	vst v0  }
0x91: {  	[tilespmem:$0x8F8] =	vst v0  }
0x92: {  	[tilespmem:$0x908] =	vst v0  }
0x93: {  	[tilespmem:$0x918] =	vst v0  }
0x94: {  	[tilespmem:$0x928] =	vst v0  }
0x95: {  	[tilespmem:$0x938] =	vst v0  }
0x96: {  	[tilespmem:$0x948] =	vst v0  }
0x97: {  	[tilespmem:$0x958] =	vst v0  }
0x98: {  	[tilespmem:$0x968] =	vst v0  }
0x99: {  	[tilespmem:$0x978] =	vst v0  }
0x9a: {  	[tilespmem:$0x988] =	vst v0  }
0x9b: {  	[tilespmem:$0x998] =	vst v0  }
0x9c: {  	[tilespmem:$0x9A8] =	vst v0  }
0x9d: {  	[tilespmem:$0x9B8] =	vst v0  }
0x9e: {  	[tilespmem:$0x9C8] =	vst v0  }
0x9f: {  	[tilespmem:$0x9D8] =	vst v0  }
0xa0: {  	[tilespmem:$0x9E8] =	vst v0  }
0xa1: {  	[tilespmem:$0x9F8] =	vst v0  }
0xa2: {  	[tilespmem:$0xA08] =	vst v0  }
0xa3: {  	[tilespmem:$0xA18] =	vst v0  }
0xa4: {  	[tilespmem:$0xA28] =	vst v0  }
0xa5: {  	[tilespmem:$0xA38] =	vst v0  }
0xa6: {  	[tilespmem:$0xA48] =	vst v0  }
0xa7: {  	[tilespmem:$0xA58] =	vst v0  }
0xa8: {  	[tilespmem:$0xA68] =	vst v0  }
0xa9: {  	[tilespmem:$0xA78] =	vst v0  }
0xaa: {  	[tilespmem:$0xA88] =	vst v0  }
0xab: {  	[tilespmem:$0xA98] =	vst v0  }
0xac: {  	[tilespmem:$0xAA8] =	vst v0  }
0xad: {  	[tilespmem:$0xAB8] =	vst v0  }
0xae: {  	[tilespmem:$0xAC8] =	vst v0  }
0xaf: {  	[tilespmem:$0xAD8] =	vst v0  }
0xb0: {  	[tilespmem:$0xAE8] =	vst v0  }
0xb1: {  	[tilespmem:$0xAF8] =	vst v0  }
0xb2: {  	[tilespmem:$0xB08] =	vst v0  }
0xb3: {  	[tilespmem:$0xB18] =	vst v0  }
0xb4: {  	[tilespmem:$0xB28] =	vst v0  }
0xb5: {  	[tilespmem:$0xB38] =	vst v0  }
0xb6: {  	[tilespmem:$0xB48] =	vst v0  }
0xb7: {  	[tilespmem:$0xB58] =	vst v0  }
0xb8: {  	[tilespmem:$0xB68] =	vst v0  }
0xb9: {  	[tilespmem:$0xB78] =	vst v0  }
0xba: {  	[tilespmem:$0xB88] =	vst v0  }
0xbb: {  	[tilespmem:$0xB98] =	vst v0  }
0xbc: {  	[tilespmem:$0xBA8] =	vst v0  }
0xbd: {  	[tilespmem:$0xBB8] =	vst v0  }
0xbe: {  	[tilespmem:$0xBC8] =	vst v0  }
0xbf: {  	[tilespmem:$0xBD8] =	vst v0  }
0xc0: {  	[tilespmem:$0xBE8] =	vst v0  }
0xc1: {  	[tilespmem:$0xBF8] =	vst v0  }
0xc2: {  	[tilespmem:$0xC08] =	vst v0  }
0xc3: {  	[tilespmem:$0xC18] =	vst v0  }
0xc4: {  	[tilespmem:$0xC28] =	vst v0  }
0xc5: {  	[tilespmem:$0xC38] =	vst v0  }
0xc6: {  	[tilespmem:$0xC48] =	vst v0  }
0xc7: {  	[tilespmem:$0xC58] =	vst v0  }
0xc8: {  	[tilespmem:$0xC68] =	vst v0  }
0xc9: {  	[tilespmem:$0xC78] =	vst v0  }
0xca: {  	[tilespmem:$0xC88] =	vst v0  }
0xcb: {  	[tilespmem:$0xC98] =	vst v0  }
0xcc: {  	[tilespmem:$0xCA8] =	vst v0  }
0xcd: {  	[tilespmem:$0xCB8] =	vst v0  }
0xce: {  	[tilespmem:$0xCC8] =	vst v0  }
0xcf: {  	[tilespmem:$0xCD8] =	vst v0  }
0xd0: {  	[tilespmem:$0xCE8] =	vst v0  }
0xd1: {  	[tilespmem:$0xCF8] =	vst v0  }
0xd2: {  	[tilespmem:$0xD08] =	vst v0  }
0xd3: {  	[tilespmem:$0xD18] =	vst v0  }
0xd4: {  	[tilespmem:$0xD28] =	vst v0  }
0xd5: {  	[tilespmem:$0xD38] =	vst v0  }
0xd6: {  	[tilespmem:$0xD48] =	vst v0  }
0xd7: {  	[tilespmem:$0xD58] =	vst v0  }
0xd8: {  	[tilespmem:$0xD68] =	vst v0  }
0xd9: {  	[tilespmem:$0xD78] =	vst v0  }
0xda: {  	[tilespmem:$0xD88] =	vst v0  }
0xdb: {  	[tilespmem:$0xD98] =	vst v0  }
0xdc: {  	[tilespmem:$0xDA8] =	vst v0  }
0xdd: {  	[tilespmem:$0xDB8] =	vst v0  }
0xde: {  	[tilespmem:$0xDC8] =	vst v0  }
0xdf: {  	[tilespmem:$0xDD8] =	vst v0  }
0xe0: {  	[tilespmem:$0xDE8] =	vst v0  }
0xe1: {  	[tilespmem:$0xDF8] =	vst v0  }
0xe2: {  	[tilespmem:$0xE08] =	vst v0  }
0xe3: {  	[tilespmem:$0xE18] =	vst v0  }
0xe4: {  	[tilespmem:$0xE28] =	vst v0  }
0xe5: {  	[tilespmem:$0xE38] =	vst v0  }
0xe6: {  	[tilespmem:$0xE48] =	vst v0  }
0xe7: {  	[tilespmem:$0xE58] =	vst v0  }
0xe8: {  	[tilespmem:$0xE68] =	vst v0  }
0xe9: {  	[tilespmem:$0xE78] =	vst v0  }
0xea: {  	[tilespmem:$0xE88] =	vst v0  }
0xeb: {  	[tilespmem:$0xE98] =	vst v0  }
0xec: {  	[tilespmem:$0xEA8] =	vst v0  }
0xed: {  	[tilespmem:$0xEB8] =	vst v0  }
0xee: {  	[tilespmem:$0xEC8] =	vst v0  }
0xef: {  	[tilespmem:$0xED8] =	vst v0  }
0xf0: {  	[tilespmem:$0xEE8] =	vst v0  }
0xf1: {  	[tilespmem:$0xEF8] =	vst v0  }
0xf2: {  	[tilespmem:$0xF08] =	vst v0  }
0xf3: {  	[tilespmem:$0xF18] =	vst v0  }
0xf4: {  	[tilespmem:$0xF28] =	vst v0  }
0xf5: {  	[tilespmem:$0xF38] =	vst v0  }
0xf6: {  	[tilespmem:$0xF48] =	vst v0  }
0xf7: {  	[tilespmem:$0xF58] =	vst v0  }
0xf8: {  	[tilespmem:$0xF68] =	vst v0  }
0xf9: {  	[tilespmem:$0xF78] =	vst v0  }
0xfa: {  	[tilespmem:$0xF88] =	vst v0  }
0xfb: {  	[tilespmem:$0xF98] =	vst v0  }
0xfc: {  	[tilespmem:$0xFA8] =	vst v0  }
0xfd: {  	[tilespmem:$0xFB8] =	vst v0  }
0xfe: {  	[tilespmem:$0xFC8] =	vst v0  }
0xff: {  	[tilespmem:$0xFD8] =	vst v0  }
0x100: {  	[tilespmem:$0xFE8] =	vst v0  }
0x101: {  	[tilespmem:$0xFF8] =	vst v0  }
0x102: {  	[tilespmem:$0x1028] =	vst v0  }
0x103: {  	[tilespmem:$0x10E8] =	vst v0  }
0x104: {  	[tilespmem:$0x1068] =	vst v0  }
0x105: {  	[tilespmem:$0x1B28] =	vst v0  }
0x106: {  	[tilespmem:$0x1B18] =	vst v0  }
0x107: {  	[tilespmem:$0x1B08] =	vst v0  }
0x108: {  	[tilespmem:$0x1AF8] =	vst v0  }
0x109: {  	[tilespmem:$0x1AE8] =	vst v0  }
0x10a: {  	[tilespmem:$0x1AD8] =	vst v0  }
0x10b: {  	[tilespmem:$0x1AC8] =	vst v0  }
0x10c: {  	[tilespmem:$0x1AB8] =	vst v0  }
0x10d: {  	[tilespmem:$0x1AA8] =	vst v0  }
0x10e: {  	[tilespmem:$0x1A98] =	vst v0  }
0x10f: {  	[tilespmem:$0x1A88] =	vst v0  }
0x110: {  	[tilespmem:$0x1A78] =	vst v0  }
0x111: {  	[tilespmem:$0x1A68] =	vst v0  }
0x112: {  	[tilespmem:$0x1A58] =	vst v0  }
0x113: {  	[tilespmem:$0x1A48] =	vst v0  }
0x114: {  	[tilespmem:$0x1A38] =	vst v0  }
0x115: {  	[tilespmem:$0x1A28] =	vst v0  }
0x116: {  	[tilespmem:$0x1A18] =	vst v0  }
0x117: {  	[tilespmem:$0x1A08] =	vst v0  }
0x118: {  	[tilespmem:$0x19F8] =	vst v0  }
0x119: {  	[tilespmem:$0x19E8] =	vst v0  }
0x11a: {  	[tilespmem:$0x19D8] =	vst v0  }
0x11b: {  	[tilespmem:$0x19C8] =	vst v0  }
0x11c: {  	[tilespmem:$0x19B8] =	vst v0  }
0x11d: {  	[tilespmem:$0x19A8] =	vst v0  }
0x11e: {  	[tilespmem:$0x1998] =	vst v0  }
0x11f: {  	[tilespmem:$0x1988] =	vst v0  }
0x120: {  	[tilespmem:$0x1978] =	vst v0  }
0x121: {  	[tilespmem:$0x1968] =	vst v0  }
0x122: {  	[tilespmem:$0x1958] =	vst v0  }
0x123: {  	[tilespmem:$0x1948] =	vst v0  }
0x124: {  	[tilespmem:$0x1938] =	vst v0  }
0x125: {  	[tilespmem:$0x1928] =	vst v0  }
0x126: {  	[tilespmem:$0x1918] =	vst v0  }
0x127: {  	[tilespmem:$0x1908] =	vst v0  }
0x128: {  	[tilespmem:$0x18F8] =	vst v0  }
0x129: {  	[tilespmem:$0x18E8] =	vst v0  }
0x12a: {  	[tilespmem:$0x18D8] =	vst v0  }
0x12b: {  	[tilespmem:$0x18C8] =	vst v0  }
0x12c: {  	[tilespmem:$0x18B8] =	vst v0  }
0x12d: {  	[tilespmem:$0x18A8] =	vst v0  }
0x12e: {  	[tilespmem:$0x1898] =	vst v0  }
0x12f: {  	[tilespmem:$0x1888] =	vst v0  }
0x130: {  	[tilespmem:$0x1878] =	vst v0  }
0x131: {  	[tilespmem:$0x1868] =	vst v0  }
0x132: {  	[tilespmem:$0x1858] =	vst v0  }
0x133: {  	[tilespmem:$0x1848] =	vst v0  }
0x134: {  	[tilespmem:$0x1838] =	vst v0  }
0x135: {  	[tilespmem:$0x1828] =	vst v0  }
0x136: {  	[tilespmem:$0x1818] =	vst v0  }
0x137: {  	[tilespmem:$0x1808] =	vst v0  }
0x138: {  	[tilespmem:$0x17F8] =	vst v0  }
0x139: {  	[tilespmem:$0x17E8] =	vst v0  }
0x13a: {  	[tilespmem:$0x17D8] =	vst v0  }
0x13b: {  	[tilespmem:$0x17C8] =	vst v0  }
0x13c: {  	[tilespmem:$0x17B8] =	vst v0  }
0x13d: {  	[tilespmem:$0x17A8] =	vst v0  }
0x13e: {  	[tilespmem:$0x1798] =	vst v0  }
0x13f: {  	[tilespmem:$0x1788] =	vst v0  }
0x140: {  	[tilespmem:$0x1778] =	vst v0  }
0x141: {  	[tilespmem:$0x1768] =	vst v0  }
0x142: {  	[tilespmem:$0x1758] =	vst v0  }
0x143: {  	[tilespmem:$0x1748] =	vst v0  }
0x144: {  	[tilespmem:$0x1738] =	vst v0  }
0x145: {  	[tilespmem:$0x1728] =	vst v0  }
0x146: {  	[tilespmem:$0x1718] =	vst v0  }
0x147: {  	[tilespmem:$0x1708] =	vst v0  }
0x148: {  	[tilespmem:$0x16F8] =	vst v0  }
0x149: {  	[tilespmem:$0x16E8] =	vst v0  }
0x14a: {  	[tilespmem:$0x16D8] =	vst v0  }
0x14b: {  	[tilespmem:$0x16C8] =	vst v0  }
0x14c: {  	[tilespmem:$0x16B8] =	vst v0  }
0x14d: {  	[tilespmem:$0x16A8] =	vst v0  }
0x14e: {  	[tilespmem:$0x1698] =	vst v0  }
0x14f: {  	[tilespmem:$0x1688] =	vst v0  }
0x150: {  	[tilespmem:$0x1678] =	vst v0  }
0x151: {  	[tilespmem:$0x1668] =	vst v0  }
0x152: {  	[tilespmem:$0x1658] =	vst v0  }
0x153: {  	[tilespmem:$0x1648] =	vst v0  }
0x154: {  	[tilespmem:$0x1638] =	vst v0  }
0x155: {  	[tilespmem:$0x1628] =	vst v0  }
0x156: {  	[tilespmem:$0x1618] =	vst v0  }
0x157: {  	[tilespmem:$0x1608] =	vst v0  }
0x158: {  	[tilespmem:$0x15F8] =	vst v0  }
0x159: {  	[tilespmem:$0x15E8] =	vst v0  }
0x15a: {  	[tilespmem:$0x15D8] =	vst v0  }
0x15b: {  	[tilespmem:$0x15C8] =	vst v0  }
0x15c: {  	[tilespmem:$0x15B8] =	vst v0  }
0x15d: {  	[tilespmem:$0x15A8] =	vst v0  }
0x15e: {  	[tilespmem:$0x1598] =	vst v0  }
0x15f: {  	[tilespmem:$0x1588] =	vst v0  }
0x160: {  	[tilespmem:$0x1578] =	vst v0  }
0x161: {  	[tilespmem:$0x1568] =	vst v0  }
0x162: {  	[tilespmem:$0x1558] =	vst v0  }
0x163: {  	[tilespmem:$0x1548] =	vst v0  }
0x164: {  	[tilespmem:$0x1538] =	vst v0  }
0x165: {  	[tilespmem:$0x1528] =	vst v0  }
0x166: {  	[tilespmem:$0x1518] =	vst v0  }
0x167: {  	[tilespmem:$0x1508] =	vst v0  }
0x168: {  	[tilespmem:$0x14F8] =	vst v0  }
0x169: {  	[tilespmem:$0x14E8] =	vst v0  }
0x16a: {  	[tilespmem:$0x14D8] =	vst v0  }
0x16b: {  	[tilespmem:$0x14C8] =	vst v0  }
0x16c: {  	[tilespmem:$0x14B8] =	vst v0  }
0x16d: {  	[tilespmem:$0x14A8] =	vst v0  }
0x16e: {  	[tilespmem:$0x1498] =	vst v0  }
0x16f: {  	[tilespmem:$0x1488] =	vst v0  }
0x170: {  	[tilespmem:$0x1478] =	vst v0  }
0x171: {  	[tilespmem:$0x1468] =	vst v0  }
0x172: {  	[tilespmem:$0x1458] =	vst v0  }
0x173: {  	[tilespmem:$0x1448] =	vst v0  }
0x174: {  	[tilespmem:$0x1438] =	vst v0  }
0x175: {  	[tilespmem:$0x1428] =	vst v0  }
0x176: {  	[tilespmem:$0x1418] =	vst v0  }
0x177: {  	[tilespmem:$0x1408] =	vst v0  }
0x178: {  	[tilespmem:$0x13F8] =	vst v0  }
0x179: {  	[tilespmem:$0x13E8] =	vst v0  }
0x17a: {  	[tilespmem:$0x13D8] =	vst v0  }
0x17b: {  	[tilespmem:$0x13C8] =	vst v0  }
0x17c: {  	[tilespmem:$0x13B8] =	vst v0  }
0x17d: {  	[tilespmem:$0x13A8] =	vst v0  }
0x17e: {  	[tilespmem:$0x1398] =	vst v0  }
0x17f: {  	[tilespmem:$0x1388] =	vst v0  }
0x180: {  	[tilespmem:$0x1378] =	vst v0  }
0x181: {  	[tilespmem:$0x1368] =	vst v0  }
0x182: {  	[tilespmem:$0x1358] =	vst v0  }
0x183: {  	[tilespmem:$0x1348] =	vst v0  }
0x184: {  	[tilespmem:$0x1338] =	vst v0  }
0x185: {  	[tilespmem:$0x1328] =	vst v0  }
0x186: {  	[tilespmem:$0x1318] =	vst v0  }
0x187: {  	[tilespmem:$0x1308] =	vst v0  }
0x188: {  	[tilespmem:$0x12F8] =	vst v0  }
0x189: {  	[tilespmem:$0x12E8] =	vst v0  }
0x18a: {  	[tilespmem:$0x12D8] =	vst v0  }
0x18b: {  	[tilespmem:$0x12C8] =	vst v0  }
0x18c: {  	[tilespmem:$0x12B8] =	vst v0  }
0x18d: {  	[tilespmem:$0x12A8] =	vst v0  }
0x18e: {  	[tilespmem:$0x1298] =	vst v0  }
0x18f: {  	[tilespmem:$0x1288] =	vst v0  }
0x190: {  	[tilespmem:$0x1278] =	vst v0  }
0x191: {  	[tilespmem:$0x1268] =	vst v0  }
0x192: {  	[tilespmem:$0x1258] =	vst v0  }
0x193: {  	[tilespmem:$0x1248] =	vst v0  }
0x194: {  	[tilespmem:$0x1238] =	vst v0  }
0x195: {  	[tilespmem:$0x1228] =	vst v0  }
0x196: {  	[tilespmem:$0x1218] =	vst v0  }
0x197: {  	[tilespmem:$0x1208] =	vst v0  }
0x198: {  	[tilespmem:$0x11F8] =	vst v0  }
0x199: {  	[tilespmem:$0x11E8] =	vst v0  }
0x19a: {  	[tilespmem:$0x11D8] =	vst v0  }
0x19b: {  	[tilespmem:$0x11C8] =	vst v0  }
0x19c: {  	[tilespmem:$0x11B8] =	vst v0  }
0x19d: {  	[tilespmem:$0x11A8] =	vst v0  }
0x19e: {  	[tilespmem:$0x1198] =	vst v0  }
0x19f: {  	[tilespmem:$0x1188] =	vst v0  }
0x1a0: {  	[tilespmem:$0x1178] =	vst v0  }
0x1a1: {  	[tilespmem:$0x1168] =	vst v0  }
0x1a2: {  	[tilespmem:$0x1158] =	vst v0  }
0x1a3: {  	[tilespmem:$0x1148] =	vst v0  }
0x1a4: {  	[tilespmem:$0x1138] =	vst v0  }
0x1a5: {  	[tilespmem:$0x1128] =	vst v0  }
0x1a6: {  	[tilespmem:$0x1118] =	vst v0  }
0x1a7: {  	s4 =	stileid.u32;
	[tilespmem:$0x1108] =	vst v0  }
0x1a8: {  	s0 =	smul.u32 $0x17, s4;
	[tilespmem:$0x10F8] =	vst v0  }
0x1a9: {  	s1 =	smin.u32 s4, $0x3;
	[tilespmem:$0x10C8] =	vst v0  }
0x1aa: {  	[tilespmem:$0x10D8] =	vst v0;
	s0 =	sadd.s32 s1, s0  }
0x1ab: {  	p0 =	slt.u32 s4, $0x3;
	[tilespmem:$0x10B8] =	vst v0;
	s1 =	simm.s32 $0x2880;
	s6 =	smul.u32 $0x1B0, s0  }
0x1ac: {  	s1 =	simm.s32 @!p0 $0x26D0;
	[tilespmem:$0x1038] =	vst v0  }
0x1ad: {  	[tilespmem:$0x10A8] =	vst v0;
	s0 =	sadd.s32 s1, s6  }
0x1ae: {  	s3 =	simm.s32 $0x2;
	s8 =	simm.s32 $0x9;
	[tilespmem:$0x1098] =	vst v0;
	s7 =	smin.u32 s0, $0x27100  }
0x1af: {  	s10 =	simm.s32 $0xA;
	s30 =	simm.s32 $0xB;
	[tilespmem:$0x1088] =	vst v0;
	s0 =	ssub.s32 s7, s6  }
0x1b0: {  	s16 =	simm.s32 $0x0;
	p4 =	por $0x0, $0x0;
	[tilespmem:$0x1078] =	vst v0;
	p0 =	sgt.s32 s0, $0x0  }
0x1b1: {  	s17 =	simm.s32 $0xC;
	s21 =	simm.s32 $0x0;
	[tilespmem:$0x1058] =	vst v0;
	s0 =	simm.s32 @!p0 $0x0  }
0x1b2: {  	s18 =	simm.s32 $0x0;
	s2 =	sand.u32 $0x1, s2;
	[tilespmem:$0x1048] =	vst v0;
	s29 =	smulhi.u32 $0x4BDA12F7, s0  }
0x1b3: {  	s20 =	simm.s32 $0x0;
	s31 =	sshll.u32 s4, $0x5;
	[tilespmem:$0x1018] =	vst v0;
	[dreg:$0x5] =	wrdreg s2  }
0x1b4: {  	s2 =	smul.u32 $0x4E20, s2;
	[tilespmem:$0x1008] =	vst v0;
	[sflag:s3] =	ssyncpa.u1 $0x0;
	s1 =	sshrl.u32 s29, $0x7  }
0x1b5: {  	v0 =	vimm.s32 $0xFFFFFFFF;
	s3 =	sadd.s32 $0x2EE00, s11;
	[dreg:$0x4] =	wrdreg s31;
	s5 =	smul.u32 $0x1B0, s1  }
.Ltmp0:
0x1b6: {  	[tilespmem:$0x3648] =	vst v0;
	[sflag:s8] =	ssyncpa.u1 $0x0;
	s2 =	sadd.s32 s2, s11;
	(pc) =	sbr.rel .LBB2_1-.Ltmp0, $4  }
0x1b7: {  	[sflag:s10] =	ssyncpa.u1 $0x0;
	s11 =	sadd.s32 $0x147F800, s11;
	p0 =	sne.s32 s0, s5  }
0x1b8: {  	[sflag:s30] =	ssyncpa.u1 $0x0;
	s14 =	sadd.s32 $0x25000, s2;
	s12 =	simm.s32 @!p0 $0x0  }
0x1b9: {  	s15 =	sadd.s32 $0x11000, s2;
	s19 =	smov.u32 s6;
	s12 =	sadd.s32 s12, s1  }
0x1ba: {  	v0 =	vlaneseq.u32;
	[dreg:$0x6] =	wrdreg s6;
	p0 =	por $0x1, $0x1;
	s4 =	sadd.s32 $0x1, s12  }
.LBB2_18:
0x1bb: {  	s0 =	simm.s32 $0x2  }
0x1bc: {  	_ =	swait.ge [sflag:s0], $0x0  }
0x1bd: {  	[sflag:s0] =	ssyncset.done $0x0;
	s0 =	simm.s32 $0x0  }
.LBB2_19:
0x1be: {  	_ =	swait.ge [sflag:s17], s0  }
0x1bf: {  	s31 =	ssub.s32 $0x0, s0;
	v1 =	vmov s23;
	vm0 =	veq.s32 v0, $0x0;
	[sflag:s17] =	ssyncset.done $0x0  }
0x1c0: {  	vm15 =	veq.s32 v0, $0x2;
	v1 =	vsel vm0, s28, v1;
	[sflag:s17] =	ssyncadd.s32 s31  }
0x1c1: {  	v1 =	vsel vm15, s21, v1;
	[sflag:s17] =	ssyncpa.u1 $0x1  }
0x1c2: {  	[tilespmem:$0x3648] =	vst v1  }
.LBB2_20:
0x1c3: {  	s0 =	sadd.s32 $0x1B0, s19  }
0x1c4: {  	s1 =	smov.u32 s6;
	p1 =	slt.s32 s0, s7  }
0x1c5: {  	s1 =	smov.u32 @p1 s0;
	p1 =	sne.s32 s20, s4  }
.Ltmp1:
0x1c6: {  	_ = 	snop;
	(pc) =	sbr.rel @!p1 .LBB2_21-.Ltmp1, $4  }
0x1c7: {  	_ = 	snop  }
0x1c8: {  	s21 =	smov.u32 s18  }
0x1c9: {  	s31 =	sadd.s32 $0x1, s20;
	s18 =	smov.u32 s19;
	p0 =	por !p0, !p0  }
0x1ca: {  	p4 =	por !p4, !p4;
	s20 =	smov.u32 s31;
	s19 =	smov.u32 s1  }
.LBB2_1:
0x1cb: {  	p2 =	sge.u32 s20, s12  }
0x1cc: {  	s0 =	smulhi.u32 @!p2 $0xAAAAAAAB, s20  }
0x1cd: {  	s1 =	smov.u32 s19;
	p3 =	sgt.s32 @!p2 s19, $0x26F50  }
0x1ce: {  	s2 =	sshra.s32 @!p2 s19, $0x1F;
	p3 =	por !p3, p2;
	s0 =	sshrl.u32 @!p2 s0, $0x1  }
0x1cf: {  	s2 =	sand.u32 @!p2 s2, s19;
	s1 =	simm.s32 @p3 $0x26F50;
	s0 =	smul.u32 @!p2 $0x3, s0  }
0x1d0: {  	s1 =	ssub.s32 @!p2 s1, s2  }
0x1d1: {  	s23 =	sadd.s32 $0xFFFFFFFF, s20;
	s1 =	sadd.s32 @!p2 $0xFFFD90B0, s1;
	s0 =	ssub.s32 @!p2 s20, s0  }
0x1d2: {  	s2 =	sshll.u32 @!p2 s1, $0x2;
	p3 =	sgt.s32 @!p2 s1, $0x1AF;
	s0 =	smul.u32 @!p2 $0x6C0, s0  }
0x1d3: {  	s5 =	sand.u32 @!p2 $0x7, s19;
	s1 =	ssub.s32 @!p2 $0x6C0, s2;
	p3 =	por !p3, p2  }
0x1d4: {  	s2 =	sshrl.u32 @!p2 s19, $0x3;
	s1 =	sshrl.u32 @!p2 s1, $0x2;
	s0 =	sshrl.u32 @!p2 s0, $0x2  }
0x1d5: {  	s2 =	sadd.s32 @!p2 s2, s14;
	s1 =	simm.s32 @!p3 $0x0;
	s0 =	sadd.s32 @!p2 $0x3888, s0  }
0x1d6: {  	[tilespmem:s0], [sflag:$0xA] =	stream.linear.gather @!p2 [hbm4b:s2+s5], s1, $0x38;
	[tilespmem:$0x1F0F8] =	vst v63  }
0x1d7: {  	p2 =	sge.u32 s23, s12  }
0x1d8: {  	p3 =	sgt.s32 @!p2 s18, $0x26F50  }
0x1d9: {  	s0 =	smov.u32 s18;
	s1 =	sshra.s32 @!p2 s18, $0x1F;
	p3 =	por !p3, p2  }
0x1da: {  	s1 =	sand.u32 @!p2 s1, s18;
	s0 =	simm.s32 @p3 $0x26F50  }
0x1db: {  	s0 =	ssub.s32 @!p2 s0, s1  }
0x1dc: {  	s0 =	sadd.s32 @!p2 $0xFFFD90B0, s0  }
0x1dd: {  	s1 =	sshll.u32 @!p2 s0, $0x2  }
0x1de: {  	p3 =	sgt.s32 @!p2 s0, $0x1AF;
	s0 =	ssub.s32 @!p2 $0x6C0, s1  }
0x1df: {  	s22 =	ssub.s32 @!p2 $0x27100, s18;
	p3 =	por !p3, p2;
	s0 =	sshrl.u32 @!p2 s0, $0x2  }
0x1e0: {  	s1 =	sand.u32 @!p2 $0x1, s23;
	s0 =	simm.s32 @!p3 $0x0;
	p3 =	slt.s32 @!p2 s22, $0x1  }
0x1e1: {  	s2 =	simm.s32 @!p2 $0xA;
	s1 =	smul.u32 @!p2 $0x6C0, s1;
	p3 =	por p2, p3  }
.Ltmp2:
0x1e2: {  	_ =	swait.ge @!p2 [sflag:s2], s0;
	(pc) =	sbr.rel @p3 .LBB2_7-.Ltmp2, $4  }
0x1e3: {  	s5 =	ssub.s32 @!p2 $0x0, s0;
	[sflag:s2] =	ssyncset.done @!p2 $0x0  }
0x1e4: {  	s1 =	sshrl.u32 @!p2 s1, $0x2;
	[sflag:s2] =	ssyncadd.s32 @!p2 s5;
	s2 =	sshrl.u32 @!p2 s18, $0x3  }
0x1e5: {  	s1 =	sadd.s32 @!p2 $0x3D98, s1;
	s5 =	sand.u32 @!p2 $0x7, s18;
	s2 =	sadd.s32 @!p2 s2, s15  }
0x1e6: {  	[tilespmem:s1], [sflag:$0xB] =	stream.linear.gather @!p2 [hbm4b:s2+s5], s0, $0x38;
	[tilespmem:$0x1F0F8] =	vst v63  }
0x1e7: {  	s0 =	smulhi.u32 $0xAAAAAAAB, s23;
	_ =	sdelay $0x1  }
0x1e8: {  	s0 =	sshrl.u32 s0, $0x1  }
0x1e9: {  	s0 =	smul.u32 $0x3, s0;
	_ =	sdelay $0x1  }
0x1ea: {  	s0 =	ssub.s32 s23, s0  }
0x1eb: {  	s1 =	simm.s32 $0x1;
	s0 =	smul.u32 $0x6C0, s0  }
.Ltmp3:
0x1ec: {  	s1 =	simm.s32 @!p0 $0x0;
	(pc) =	sbr.rel .LBB2_4-.Ltmp3, $4  }
0x1ed: {  	s1 =	smul.u32 $0x36000, s1  }
0x1ee: {  	p3 =	slt.s32 @!p2 s22, $0x1B0;
	s0 =	sshrl.u32 s0, $0x2  }
0x1ef: {  	p2 =	por !p3, p2;
	s1 =	sshrl.u32 s1, $0x2;
	s0 =	sadd.s32 $0x3888, s0  }
0x1f0: {  	s24 =	simm.s32 $0x0;
	s22 =	simm.s32 @p2 $0x1B0;
	s23 =	sadd.s32 $0x40F8, s1;
	v1 =	vmov s0  }
.LBB2_3:
0x1f1: {  	p2 =	sge.s32 s24, s22  }
.Ltmp4:
0x1f2: {  	_ = 	snop;
	(pc) =	sbr.rel @p2 .LBB2_7-.Ltmp4, $2  }
0x1f3: {  	_ =	sdelay $0x2  }
0x1f4: {  	s23 =	sadd.s32 $0x800, s23  }
.LBB2_4:
0x1f5: {  	p2 =	sle.s32 s22, s24  }
.Ltmp5:
0x1f6: {  	_ = 	snop;
	(pc) =	sbr.rel @p2 .LBB2_3-.Ltmp5, $2  }
0x1f7: {  	_ =	sdelay $0x2  }
0x1f8: {  	s0 =	smov.u32 s24;
	s24 =	sadd.s32 $0x10, s24  }
0x1f9: {  	s1 =	ssub.s32 s22, s0  }
0x1fa: {  	p2 =	slt.s32 s1, $0x10  }
0x1fb: {  	s1 =	simm.s32 @!p2 $0x10  }
0x1fc: {  	v2 =	vmov s1  }
0x1fd: {  	vm0 =	vgt.s32 v2, v0;
	_ =	sdelay $0x5  }
0x1fe: {  	v2 =	vld.idx.msk [tilespmem:v1+s0+$0x0 ss:$0x1], vm0;
	_ =	sdelay $0x2  }
0x1ff: {  	p2 =	slt.s32 s24, s22;
	s1 =	smov.u32 s22  }
0x200: {  	s2 =	smov.u32 s23;
	s25 =	simm.s32 $0x0;
	s1 =	smov.u32 @p2 s24  }
.LBB2_6:
0x201: {  	(v2sf) =	vpush v2, s25;
	_ =	sdelay $0xc  }
0x202: {  	s25 =	sadd.s32 $0x1, s25  }
0x203: {  	s31 =	sadd.s32 s25, s0  }
0x204: {  	p2 =	slt.s32 s31, s1;
	s5 =	spop (v2sf)  }
.Ltmp6:
0x205: {  	s5 =	sshll.u32 s5, $0x4;
	(pc) =	sbr.rel @p2 .LBB2_6-.Ltmp6, $4  }
0x206: {  	s5 =	sand.u32 $0x1FFFFFF0, s5  }
0x207: {  	s5 =	sadd.s32 s11, s5  }
0x208: {  	[tilespmem:s2], [sflag:$0x9] =	stream.linear.gather [hbm4b:s5+s16], $0x4, $0x38;
	[tilespmem:$0x1F0F8] =	vst v63  }
0x209: {  	s2 =	sadd.s32 $0x80, s2  }
.Ltmp7:
0x20a: {  	_ = 	snop;
	(pc) =	sbr.rel .LBB2_3-.Ltmp7, $1  }
0x20b: {  	_ =	sdelay $0x3  }
.LBB2_7:
0x20c: {  	p2 =	slt.u32 s20, $0x2  }
.Ltmp8:
0x20d: {  	_ = 	snop;
	(pc) =	sbr.rel @p2 .LBB2_20-.Ltmp8, $1  }
0x20e: {  	_ =	sdelay $0x3  }
0x20f: {  	p2 =	sgt.s32 s21, $0x26F50  }
0x210: {  	s0 =	smov.u32 s21;
	s1 =	sshra.s32 s21, $0x1F;
	s2 =	ssub.s32 $0x27100, s21  }
0x211: {  	s0 =	simm.s32 @!p2 $0x26F50;
	s1 =	sand.u32 s1, s21;
	p2 =	slt.s32 s2, $0x1B0  }
0x212: {  	s0 =	ssub.s32 s0, s1;
	s2 =	simm.s32 @!p2 $0x1B0  }
0x213: {  	s0 =	sadd.s32 $0xFFFD90B0, s0;
	s24 =	sshll.u32 s2, $0x2  }
0x214: {  	s28 =	simm.s32 $0x9;
	s25 =	sshll.u32 s0, $0x2;
	s1 =	sand.u32 $0x3FFFFFFC, s24  }
0x215: {  	p2 =	sgt.s32 s0, $0x1AF;
	s26 =	ssub.s32 $0x6C0, s25;
	_ =	swait.ge [sflag:s28], s1  }
0x216: {  	s1 =	ssub.s32 $0x0, s1;
	[sflag:s28] =	ssyncset.done $0x0;
	s0 =	sshrl.u32 s26, $0x2  }
0x217: {  	s30 =	simm.s32 $0xB;
	[sflag:s28] =	ssyncadd.s32 s1;
	s0 =	simm.s32 @p2 $0x0  }
0x218: {  	_ =	swait.ge [sflag:s30], s0  }
0x219: {  	s0 =	ssub.s32 $0x0, s0;
	[sflag:s30] =	ssyncset.done $0x0  }
0x21a: {  	[sflag:s30] =	ssyncadd.s32 s0  }
0x21b: {  	v1 =	vld [tilespmem:$0x3648];
	_ =	sdelay $0x4  }
0x21c: {  	(v2sf) =	vpush v1, $0x0  }
0x21d: {  	(v2sf) =	vpush v1, $0x1  }
0x21e: {  	(v2sf) =	vpush v1, $0x2;
	_ =	sdelay $0x3  }
0x21f: {  	s0 =	sadd.s32 $0x1B0, s21  }
0x220: {  	s1 =	ssub.s32 $0x4E200, s21;
	p2 =	slt.s32 s7, s0  }
0x221: {  	s0 =	smov.u32 @p2 s7;
	p2 =	sgt.s32 s1, $0x0  }
0x222: {  	s25 =	ssub.s32 s0, s21;
	s1 =	simm.s32 @!p2 $0x0  }
0x223: {  	p2 =	slt.s32 s1, s25  }
0x224: {  	s25 =	smov.u32 @p2 s1  }
0x225: {  	s24 =	simm.s32 $0x1;
	p2 =	slt.s32 s25, $0x1  }
.Ltmp9:
0x226: {  	s24 =	simm.s32 @!p4 $0x0;
	(pc) =	sbr.rel @p2 .LBB2_12-.Ltmp9, $4  }
0x227: {  	s31 =	smul.u32 $0x6C0, s24  }
0x228: {  	s26 =	spop (v2sf)  }
0x229: {  	s0 =	sshrl.u32 s31, $0x2;
	s29 =	spop (v2sf)  }
0x22a: {  	s22 =	sadd.s32 $0x3D98, s0;
	s21 =	spop (v2sf)  }
0x22b: {  	s0 =	smin.u32 s25, $0x10  }
0x22c: {  	v1 =	vmov s0  }
0x22d: {  	p3 =	sgt.s32 s25, $0x10;
	vm1 =	vgt.u32 v1, v0  }
.Ltmp10:
0x22e: {  	_ = 	snop;
	(pc) =	sbr.rel @!p3 .LBB2_11-.Ltmp10, $2  }
0x22f: {  	_ =	sdelay $0x2  }
0x230: {  	s23 =	simm.s32 $0x10;
	s28 =	sadd.s32 $0xFFFFFFF0, s25;
	s0 =	smov.u32 s22;
	vm0 =	vmmov vm1  }
.LBB2_10:
0x231: {  	s1 =	smin.u32 s28, $0x10;
	s23 =	sadd.s32 $0x10, s23;
	v1 =	vld.msk [tilespmem:s0+$0x0 ss:$0x1], vm1  }
0x232: {  	v2 =	vmov s1;
	p3 =	slt.s32 s23, s25  }
0x233: {  	vm1 =	vgt.u32 v2, v0  }
.Ltmp11:
0x234: {  	(pc) =	sbr.rel @p3 .LBB2_10-.Ltmp11, $3  }
0x235: {  	_ =	sdelay $0x1  }
0x236: {  	v1 =	vshll.u32 v1, $0x4  }
0x237: {  	s28 =	sadd.s32 $0xFFFFFFF0, s28;
	[tilespmem:s0+$0x0] =	vst.msk vm0, v1;
	s0 =	sadd.s32 $0x10, s0;
	vm0 =	vmmov vm1  }
.LBB2_11:
0x238: {  	_ =	sdelay $0x4  }
0x239: {  	v1 =	vld.msk [tilespmem:s0+$0x0 ss:$0x1], vm1;
	_ =	sdelay $0x4  }
0x23a: {  	v1 =	vshll.u32 v1, $0x4  }
0x23b: {  	[tilespmem:s0+$0x0] =	vst.msk vm0, v1  }
.LBB2_12:
0x23c: {  	s0 =	sand.u32 $0x1, s20  }
0x23d: {  	s0 =	smul.u32 $0x1B0, s0  }
0x23e: {  	p3 =	sne.s32 s29, $0xFFFFFFFF  }
0x23f: {  	v1 =	vld.msk @!p3 [tilespmem:s0+$0x3D98], $0x1;
	_ =	sdelay $0x4  }
0x240: {  	(v2sf) =	vpush @!p3 v1, $0x0;
	_ =	sdelay $0xc  }
.Ltmp12:
0x241: {  	_ = 	snop;
	(pc) =	sbr.rel @p2 .LBB2_18-.Ltmp12, $4  }
0x242: {  	_ = 	snop  }
0x243: {  	s28 =	spop @!p3 (v2sf)  }
0x244: {  	s21 =	simm.s32 @!p3 $0x0;
	s23 =	smov.u32 s28  }
0x245: {  	[sflag:s17] =	ssyncpa.u1 $0x0;
	s28 =	smov.u32 @p3 s26;
	s23 =	smov.u32 @p3 s29  }
0x246: {  	v1 =	vld.msk [tilespmem:s22+$0x0], $0x1;
	_ =	sdelay $0x4  }
0x247: {  	(v2sf) =	vpush v1, $0x0;
	_ =	sdelay $0xe  }
0x248: {  	s0 =	simm.s32 @!p4 $0x0;
	s26 =	smul.u32 $0x36000, s24;
	s31 =	spop (v2sf)  }
0x249: {  	s29 =	ssub.s32 $0x0, s25;
	s0 =	simm.s32 @p4 $0x1;
	p2 =	seq.s32 s28, s31  }
0x24a: {  	s1 =	smov.u32 s28;
	[smem:$0x7FD] =	sst s0;
	p3 =	sgt.s32 @!p2 s28, $0x0  }
0x24b: {  	s0 =	sshrl.u32 s26, $0x2;
	s26 =	sadd.s32 $0x1, s29;
	p3 =	por !p3, p2  }
0x24c: {  	s1 =	simm.s32 @p3 $0x0;
	p3 =	seq.s32 s26, $0x0  }
.Ltmp13:
0x24d: {  	_ = 	snop;
	(pc) =	sbr.rel @p3 .LBB2_15-.Ltmp13, $4  }
0x24e: {  	s6 =	smov.u32 s4;
	s25 =	simm.s32 $0x0  }
0x24f: {  	s24 =	sadd.s32 $0x40F8, s0;
	s0 =	simm.s32 @!p2 $0x1;
	s2 =	smin.u32 @!p2 s1, $0x270FF  }
0x250: {  	s30 =	sadd.s32 $0x1, s22;
	s0 =	smov.u32 @p2 s25;
	s5 =	sand.u32 @!p2 $0x3FFF8, s2  }
0x251: {  	s1 =	simm.s32 @!p2 $0x1B38;
	s2 =	sand.u32 @!p2 $0x7, s2;
	s5 =	sadd.s32 @!p2 s3, s5  }
.LBB2_14:
0x252: {  	s4 =	smov.u32 s0  }
0x253: {  	[tilespmem:s1], [sflag:$0x2] =	stream.linear.gather @!p2 [hbm4b:s5+s2], $0x4, $0x38;
	[tilespmem:$0x1F0F8] =	vst v63  }
0x254: {  	s26 =	sadd.s32 $0x1, s26;
	s2 =	smov.u32 s31;
	v1 =	vld.msk [tilespmem:s30+$0x0], $0x1  }
0x255: {  	p3 =	seq.s32 s26, $0x0;
	_ =	sdelay $0x3  }
0x256: {  	(v2sf) =	vpush v1, $0x0;
	_ =	sdelay $0xe  }
0x257: {  	s31 =	spop (v2sf)  }
0x258: {  	p2 =	seq.s32 s2, s31  }
0x259: {  	p4 =	sgt.s32 @!p2 s2, $0x0;
	s1 =	sshll.u32 @!p2 s0, $0x6;
	s0 =	sadd.s32 @!p2 $0x1, s0  }
.Ltmp14:
0x25a: {  	p4 =	por !p4, p2;
	s1 =	sshra.s32 @!p2 s1, $0x2;
	(pc) =	sbr.rel @!p3 .LBB2_14-.Ltmp14, $4  }
0x25b: {  	s0 =	smov.u32 @p2 s4;
	s2 =	simm.s32 @p4 $0x0;
	s1 =	sadd.s32 @!p2 $0x1B38, s1  }
0x25c: {  	s2 =	smin.u32 @!p2 s2, $0x270FF  }
0x25d: {  	s4 =	sand.u32 @!p2 $0x3FFF8, s2;
	s2 =	sand.u32 @!p2 $0x7, s2  }
0x25e: {  	s30 =	sadd.s32 $0x1, s30;
	s5 =	sadd.s32 @!p2 s3, s4  }
.LBB2_15:
0x25f: {  	[tilespmem:s1], [sflag:$0x2] =	stream.linear.gather @!p2 [hbm4b:s5+s2], $0x4, $0x38;
	[tilespmem:$0x1F0F8] =	vst v63  }
0x260: {  	s0 =	sshll.u32 s0, $0x2  }
0x261: {  	s31 =	simm.s32 $0x2;
	s0 =	sand.u32 $0x3FFFFFFC, s0  }
0x262: {  	_ =	swait.ge [sflag:s31], s0  }
0x263: {  	s0 =	ssub.s32 $0x0, s0;
	[sflag:s31] =	ssyncset.done $0x0  }
0x264: {  	[sflag:s31] =	ssyncadd.s32 s0  }
0x265: {  	v1 =	vld.msk [tilespmem:s22+$0x0], $0x1;
	_ =	sdelay $0x4  }
0x266: {  	(v2sf) =	vpush v1, $0x0;
	_ =	sdelay $0xe  }
0x267: {  	s26 =	spop (v2sf)  }
0x268: {  	p2 =	sne.s32 s28, s26  }
0x269: {  	p4 =	sne.s32 @p2 s28, s23  }
0x26a: {  	p3 =	por !p4, !p2  }
0x26b: {  	s0 =	simm.s32 @!p3 $0x0  }
0x26c: {  	v1 =	vld.msk @!p3 [tilespmem:s0+$0x1B38], $0xf  }
0x26d: {  	p5 =	sgt.u32 @!p3 s28, $0x270FF  }
0x26e: {  	s1 =	sshll.u32 @!p3 s21, $0x6;
	p6 =	por @p2 p5, !p4  }
0x26f: {  	s1 =	sshra.s32 @!p3 s1, $0x2;
	p1 =	por p6, !p2;
	p6 =	por p4, !p2  }
0x270: {  	s2 =	sadd.s32 @!p3 $0x28, s1;
	s4 =	sand.u32 @!p1 $0x3FFF8, s28;
	s5 =	sshll.u32 @!p6 s21, $0x6  }
0x271: {  	s28 =	sand.u32 @!p1 $0x7, s28;
	[tilespmem:s1+$0x28] =	vst.add.f32.msk @!p3 $0xf, v1;
	s1 =	sadd.s32 @!p1 s3, s4;
	s4 =	sshra.s32 @!p6 s5, $0x2  }
0x272: {  	[hbm4b:s1+s28] =	stream.linear.scatter @!p1 [tilespmem:s2], [sflag:$0xC], $0x4, $0x38;
	[tilespmem:$0x1F0F8] =	vst v63  }
0x273: {  	s0 =	rddreg [dreg:$0x4];
	s1 =	sadd.s32 @!p6 $0x28, s4;
	s2 =	simm.s32 @!p6 $0x1  }
0x274: {  	[spmem:s0] =	stream.linear.scatter @!p6 [tilespmem:s1], [sflag:$0x1], $0x4, $0x38;
	[tilespmem:$0x1F0F8] =	vst v63  }
0x275: {  	s0 =	sadd.s32 @p2 $0x1, s21;
	_ =	swait.ge @!p6 [sflag:s2], $0x4  }
0x276: {  	s1 =	sshrl.u32 @p2 s0, $0x4;
	[sflag:s2] =	ssyncset.done @!p6 $0x0  }
0x277: {  	s1 =	smulhi.u32 @p2 $0x97B425F, s1;
	[sflag:s2] =	ssyncadd.s32 @!p6 $0xFFFFFFFC  }
0x278: {  	s28 =	sadd.s32 $0x1, s29;
	v1 =	vld.msk @p2 [tilespmem:s24+$0x0], $0xf  }
0x279: {  	p1 =	por @p2 !p5, !p4;
	p4 =	seq.s32 s28, $0x0;
	s1 =	smul.u32 @p2 $0x1B0, s1  }
.Ltmp15:
0x27a: {  	p1 =	por !p1, !p2;
	s2 =	simm.s32 @!p3 $0x0;
	(pc) =	sbr.rel @p4 .LBB2_17-.Ltmp15, $4  }
0x27b: {  	s4 =	sshll.u32 @!p2 s21, $0x6;
	s2 =	simm.s32 @!p1 $0x10;
	s0 =	ssub.s32 @p2 s0, s1  }
0x27c: {  	s29 =	simm.s32 $0x0;
	s2 =	sadd.s32 @!p3 $0x0, s2;
	s5 =	sshll.u32 @p2 s0, $0x4  }
0x27d: {  	s30 =	sshra.s32 @!p2 s4, $0x2;
	s1 =	simm.s32 @p2 $0x1;
	s2 =	smov.u32 @p3 s25;
	[tilespmem:s5+$0x28] =	vst.msk @p2 $0xf, v1  }
0x27e: {  	s21 =	smov.u32 @p2 s0;
	s29 =	smov.u32 @p2 s2;
	s25 =	smov.u32 @p2 s1;
	v1 =	vld.msk @!p2 [tilespmem:s24+$0x0], $0xf  }
.LBB2_16:
0x27f: {  	_ =	sdelay $0x3  }
0x280: {  	s22 =	sadd.s32 $0x1, s22;
	[tilespmem:s30+$0x28] =	vst.add.f32.msk @!p2 $0xf, v1  }
0x281: {  	v1 =	vld.msk [tilespmem:s22+$0x0], $0x1;
	_ =	sdelay $0x4  }
0x282: {  	(v2sf) =	vpush v1, $0x0;
	_ =	sdelay $0xe  }
0x283: {  	s0 =	smov.u32 s26;
	s26 =	spop (v2sf)  }
0x284: {  	p2 =	sne.s32 s0, s26  }
0x285: {  	p5 =	sne.s32 @p2 s0, s23  }
0x286: {  	s4 =	sshll.u32 @!p2 s21, $0x6;
	p4 =	por !p5, !p2  }
0x287: {  	s30 =	sshra.s32 @!p2 s4, $0x2;
	s4 =	sshll.u32 @!p4 s25, $0x6  }
0x288: {  	s4 =	sshra.s32 @!p4 s4, $0x2  }
0x289: {  	p1 =	sgt.u32 @!p4 s0, $0x270FF;
	v1 =	vld.msk @!p4 [tilespmem:s4+$0x1B38], $0xf  }
0x28a: {  	s31 =	sshll.u32 @!p4 s21, $0x6;
	p6 =	por @p2 p1, !p5;
	p1 =	por @p2 !p1, !p5  }
0x28b: {  	s8 =	simm.s32 @!p4 $0x0;
	s31 =	sshra.s32 @!p4 s31, $0x2;
	p1 =	por !p1, !p2  }
0x28c: {  	p5 =	por p5, !p2;
	s8 =	simm.s32 @!p1 $0x10;
	p1 =	por p6, !p2  }
0x28d: {  	s4 =	sadd.s32 @!p4 $0x28, s31;
	s13 =	sshll.u32 @!p5 s21, $0x6;
	s10 =	sand.u32 @!p1 $0x3FFF8, s0  }
0x28e: {  	s13 =	sshra.s32 @!p5 s13, $0x2;
	s0 =	sand.u32 @!p1 $0x7, s0;
	s10 =	sadd.s32 @!p1 s3, s10;
	[tilespmem:s31+$0x28] =	vst.add.f32.msk @!p4 $0xf, v1  }
0x28f: {  	[hbm4b:s10+s0] =	stream.linear.scatter @!p1 [tilespmem:s4], [sflag:$0xC], $0x4, $0x38;
	[tilespmem:$0x1F0F8] =	vst v63  }
0x290: {  	s1 =	rddreg [dreg:$0x4];
	s0 =	sadd.s32 @!p5 $0x28, s13;
	s4 =	simm.s32 @!p5 $0x1  }
0x291: {  	[spmem:s1] =	stream.linear.scatter @!p5 [tilespmem:s0], [sflag:$0x1], $0x4, $0x38;
	[tilespmem:$0x1F0F8] =	vst v63  }
0x292: {  	s2 =	sadd.s32 @p2 $0x1, s21;
	_ =	swait.ge @!p5 [sflag:s4], $0x4  }
0x293: {  	s5 =	sshrl.u32 @p2 s2, $0x4;
	[sflag:s4] =	ssyncset.done @!p5 $0x0  }
0x294: {  	s24 =	sadd.s32 $0x80, s24;
	s5 =	smulhi.u32 @p2 $0x97B425F, s5;
	[sflag:s4] =	ssyncadd.s32 @!p5 $0xFFFFFFFC  }
0x295: {  	s28 =	sadd.s32 $0x1, s28;
	v1 =	vld.msk @p2 [tilespmem:s24+$0x0], $0xf  }
0x296: {  	p3 =	seq.s32 s28, $0x0;
	s5 =	smul.u32 @p2 $0x1B0, s5  }
.Ltmp16:
0x297: {  	_ = 	snop;
	(pc) =	sbr.rel @!p3 .LBB2_16-.Ltmp16, $4  }
0x298: {  	s2 =	ssub.s32 @p2 s2, s5  }
0x299: {  	s8 =	sadd.s32 @!p4 s8, s29;
	s5 =	sshll.u32 @p2 s2, $0x4  }
0x29a: {  	s9 =	sadd.s32 @p2 $0x1, s25;
	s8 =	smov.u32 @p4 s29;
	[tilespmem:s5+$0x28] =	vst.msk @p2 $0xf, v1  }
0x29b: {  	s25 =	smov.u32 @p2 s9;
	s21 =	smov.u32 @p2 s2;
	s29 =	smov.u32 @p2 s8;
	v1 =	vld.msk @!p2 [tilespmem:s24+$0x0], $0xf  }
.LBB2_17:
.Ltmp17:
0x29c: {  	_ = 	snop;
	(pc) =	sbr.rel .LBB2_19-.Ltmp17, $3  }
0x29d: {  	s1 =	sld [smem:$0x7FD];
	_ =	sdelay $0x1  }
0x29e: {  	s0 =	sshrl.u32 s29, $0x2;
	s28 =	smov.u32 s26  }
0x29f: {  	s4 =	smov.u32 s6;
	s6 =	rddreg [dreg:$0x6];
	p4 =	seq.s32 s1, $0x1;
	[tilespmem:s30+$0x28] =	vst.add.f32.msk @!p2 $0xf, v1  }
.LBB2_21:
0x2a0: {  	_ =	sfence.sel $0x180000  }
0x2a1: {  	s0 =	simm.s32 $0x9;
	[bflag:$0x0] =	sbarrier.arrive $0xFFFF  }
0x2a2: {  	s24 =	simm.s32 $0xA;
	[sflag:s0] =	ssyncpa.u1 $0x1  }
0x2a3: {  	s25 =	simm.s32 $0xB;
	[sflag:s24] =	ssyncpa.u1 $0x1  }
0x2a4: {  	s26 =	simm.s32 $0x2;
	[sflag:s25] =	ssyncpa.u1 $0x1  }
0x2a5: {  	[sflag:s26] =	ssyncpa.u1 $0x1  }
0x2a6: {  	v0 =	vld [tilespmem:$0x3648];
	_ =	sdelay $0x4  }
0x2a7: {  	(v2sf) =	vpush v0, $0x0  }
0x2a8: {  	(v2sf) =	vpush v0, $0x1;
	_ =	sdelay $0x1  }
0x2a9: {  	(v2sf) =	vpush v0, $0x2;
	_ =	sdelay $0xb  }
0x2aa: {  	s0 =	spop (v2sf)  }
0x2ab: {  	s1 =	spop (v2sf)  }
0x2ac: {  	s2 =	smov.u32 s0;
	p0 =	sne.s32 s0, s1  }
0x2ad: {  	s4 =	spop (v2sf);
	s2 =	simm.s32 @!p0 $0xFFFFFFFF  }
0x2ae: {  	v2 =	vimm.s32 $0x1;
	v3 =	vlaneseq.u32;
	p0 =	seq.s32 s4, $0xFFFFFFFF;
	v1 =	vmov s2  }
0x2af: {  	s16 =	stileid.u32;
	v0 =	vperm.xlane v0, v2;
	p1 =	sne.s32 @!p0 s0, s1;
	v1 =	vperm.xlane v1, v3  }
0x2b0: {  	vm0 =	vcmask $0x3F04;
	s6 =	simm.s32 $0x3648;
	s0 =	simm.s32 @!p0 $0x1;
	p1 =	por !p1, p0  }
0x2b1: {  	s2 =	sshll.u32 s16, $0x1;
	s1 =	sshll.u32 @!p0 s4, $0x6;
	s0 =	simm.s32 @p1 $0x0;
	v0 =	vsel vm0, v1, v0  }
0x2b2: {  	s5 =	sor.u32 $0x200, s2;
	s1 =	sshra.s32 @!p0 s1, $0x2;
	s0 =	sor.u32 @!p0 s0, s2;
	[tilespmem:$0x3648] =	vst v0  }
0x2b3: {  	[spmem:s5] =	stream.linear.scatter [tilespmem:s6], [sflag:$0x1], $0x2, $0x38;
	[tilespmem:$0x1F0F8] =	vst v63  }
0x2b4: {  	s1 =	sadd.s32 @!p0 $0x28, s1;
	s0 =	sshll.u32 @!p0 s0, $0x4  }
0x2b5: {  	[spmem:s0] =	stream.linear.scatter @!p0 [tilespmem:s1], [sflag:$0x1], $0x10, $0x38;
	[tilespmem:$0x1F0F8] =	vst v63  }
0x2b6: {  	s0 =	simm.s32 @!p0 $0x12  }
0x2b7: {  	s28 =	simm.s32 $0x1;
	s0 =	simm.s32 @p0 $0x2  }
0x2b8: {  	_ =	swait.ge [sflag:s28], s0  }
0x2b9: {  	s0 =	ssub.s32 $0x0, s0;
	[sflag:s28] =	ssyncset.done $0x0  }
0x2ba: {  	p0 =	sne.s32 s16, $0x0;
	[sflag:s28] =	ssyncadd.s32 s0  }
.Ltmp18:
0x2bb: {  	_ =	sfence.stream.spmem;
	(pc) =	sbr.rel @p0 .LBB2_38-.Ltmp18, $4  }
0x2bc: {  	s29 =	simm.s32 $0x3;
	[bflag:$0x0] =	sbarrier.arrive $0xFFFF  }
0x2bd: {  	s30 =	simm.s32 $0x4;
	[sflag:s29] =	ssyncpa.u1 $0x1  }
0x2be: {  	s31 =	simm.s32 $0x3C;
	[sflag:s30] =	ssyncpa.u1 $0x1  }
0x2bf: {  	s17 =	rddreg [dreg:$0x5];
	[sflag:s31] =	ssyncpa.u1 $0x1  }
0x2c0: {  	_ =	sfence.stream.spmem;
	s0 =	simm.s32 $0x5  }
0x2c1: {  	s1 =	simm.s32 $0x200;
	s2 =	simm.s32 $0x3658;
	[sflag:s0] =	ssyncpa.u1 $0x0  }
0x2c2: {  	[tilespmem:s2], [sflag:$0x5] =	stream.linear.gather [spmem:s1], $0x20, $0x38;
	[tilespmem:$0x1F0F8] =	vst v63  }
0x2c3: {  	s26 =	simm.s32 $0x0;
	s28 =	simm.s32 $0x3678  }
0x2c4: {  	[tilespmem:s28], [sflag:$0x5] =	stream.linear.gather [spmem:s26], $0x200, $0x38;
	[tilespmem:$0x1F0F8] =	vst v63  }
0x2c5: {  	_ =	swait.ge [sflag:s0], $0x220  }
0x2c6: {  	[sflag:s0] =	ssyncset.done $0x0  }
0x2c7: {  	s29 =	simm.s32 $0x0;
	[sflag:s0] =	ssyncadd.s32 $0xFFFFFDE0  }
0x2c8: {  	v0 =	vld.msk [tilespmem:s29+$0x3658], $0x1;
	_ =	sdelay $0x1  }
0x2c9: {  	s30 =	simm.s32 $0x1  }
0x2ca: {  	v1 =	vld.msk [tilespmem:s30+$0x3658], $0x1;
	_ =	sdelay $0x1  }
0x2cb: {  	(v2sf) =	vpush v0, $0x0;
	_ =	sdelay $0x2  }
0x2cc: {  	(v2sf) =	vpush v1, $0x0;
	_ =	sdelay $0x2  }
0x2cd: {  	s31 =	simm.s32 $0x2  }
0x2ce: {  	v0 =	vld.msk [tilespmem:s31+$0x3658], $0x1;
	_ =	sdelay $0x2  }
0x2cf: {  	s6 =	simm.s32 $0xFFFFFFFF;
	s1 =	simm.s32 $0xFFFFFFFF;
	s0 =	simm.s32 $0xC  }
.LBB2_23:
0x2d0: {  	s2 =	smov.u32 s6;
	s4 =	smov.u32 s1  }
0x2d1: {  	s1 =	sshra.s32 s0, $0x2;
	p1 =	sne.s32 s0, $0x7C;
	s0 =	sadd.s32 $0x4, s0;
	(v2sf) =	vpush v0, $0x0  }
0x2d2: {  	v0 =	vld.msk [tilespmem:s1+$0x3658], $0x1  }
.Ltmp19:
0x2d3: {  	(pc) =	sbr.rel @p1 .LBB2_23-.Ltmp19, $4  }
0x2d4: {  	s6 =	spop (v2sf)  }
0x2d5: {  	p2 =	sne.s32 s4, $0xFFFFFFFF;
	s1 =	smov.u32 s6  }
0x2d6: {  	p3 =	seq.s32 s6, $0xFFFFFFFF;
	s1 =	smov.u32 @p2 s4  }
0x2d7: {  	s6 =	smov.u32 @p3 s2;
	s1 =	smov.u32 @p3 s4  }
0x2d8: {  	(v2sf) =	vpush v0, $0x0;
	_ =	sdelay $0x8  }
0x2d9: {  	s0 =	spop (v2sf)  }
0x2da: {  	p1 =	sne.s32 s1, $0xFFFFFFFF;
	s2 =	smov.u32 s0  }
0x2db: {  	s9 =	simm.s32 $0x6;
	p2 =	seq.s32 s0, $0xFFFFFFFF;
	s2 =	smov.u32 @p1 s1  }
0x2dc: {  	s10 =	simm.s32 $0x3638;
	s2 =	smov.u32 @p2 s1;
	s1 =	spop (v2sf)  }
0x2dd: {  	s0 =	smov.u32 @p2 s6;
	p1 =	sne.s32 s2, $0xFFFFFFFF;
	s4 =	smov.u32 s1  }
.Ltmp20:
0x2de: {  	p2 =	seq.s32 s1, $0xFFFFFFFF;
	s4 =	smov.u32 @p1 s2;
	(pc) =	sbr.rel .LBB2_25-.Ltmp20, $4  }
0x2df: {  	s11 =	simm.s32 $0x0;
	s4 =	smov.u32 @p2 s2;
	s7 =	spop (v2sf)  }
0x2e0: {  	[sflag:s9] =	ssyncpa.u1 $0x0;
	p1 =	sne.s32 s4, $0xFFFFFFFF;
	s8 =	smov.u32 s7  }
0x2e1: {  	s1 =	smov.u32 @p2 s0;
	p2 =	seq.s32 s7, $0xFFFFFFFF;
	s8 =	smov.u32 @p1 s4  }
0x2e2: {  	s6 =	simm.s32 $0x0;
	s7 =	smov.u32 @p2 s1;
	s8 =	smov.u32 @p2 s4  }
.LBB2_30:
0x2e3: {  	p1 =	sgt.u32 s12, $0x270FF  }
0x2e4: {  	p2 =	seq.s32 @!p1 s12, s8  }
0x2e5: {  	p1 =	por p1, p2  }
0x2e6: {  	p2 =	sne.s32 @!p1 s12, s7  }
0x2e7: {  	p1 =	por p1, !p2  }
0x2e8: {  	s0 =	sshll.u32 @p1 s11, $0x6  }
0x2e9: {  	s0 =	sand.u32 @!p1 $0x3FFF8, s12  }
0x2ea: {  	s1 =	sand.u32 @!p1 $0x7, s12;
	s0 =	sadd.s32 @!p1 s3, s0  }
0x2eb: {  	[tilespmem:s10], [sflag:$0x6] =	stream.linear.gather @!p1 [hbm4b:s0+s1], $0x4, $0x38;
	[tilespmem:$0x1F0F8] =	vst v63  }
0x2ec: {  	_ =	swait.ge @!p1 [sflag:s9], $0x4  }
0x2ed: {  	[sflag:s9] =	ssyncset.done @!p1 $0x0  }
0x2ee: {  	[sflag:s9] =	ssyncadd.s32 @!p1 $0xFFFFFFFC  }
0x2ef: {  	v1 =	vld @!p1 [tilespmem:$0x3638];
	_ =	sdelay $0x2  }
0x2f0: {  	s0 =	sshll.u32 @!p1 s11, $0x6  }
0x2f1: {  	s1 =	sshrl.u32 @!p1 s0, $0x2  }
0x2f2: {  	[tilespmem:s1+$0x3678] =	vst.add.f32.msk @!p1 $0xffff, v1  }
0x2f3: {  	s0 =	sshrl.u32 s0, $0x2;
	[tilespmem:s6+$0x3658] =	vst.msk $0x1, v0  }
0x2f4: {  	v0 =	vld [tilespmem:s0+$0x3678];
	_ =	sdelay $0x2  }
0x2f5: {  	s31 =	sshll.u32 s6, $0x6  }
0x2f6: {  	s0 =	sshra.s32 s31, $0x2  }
0x2f7: {  	s6 =	sadd.s32 $0x1, s6;
	[tilespmem:s0+$0x3678] =	vst v0  }
.LBB2_32:
0x2f8: {  	s11 =	sadd.s32 $0x1, s11  }
0x2f9: {  	p1 =	sne.s32 s11, $0x20  }
.Ltmp21:
0x2fa: {  	_ = 	snop;
	(pc) =	sbr.rel @!p1 .LBB2_33-.Ltmp21, $1  }
0x2fb: {  	_ =	sdelay $0x3  }
.LBB2_25:
0x2fc: {  	v0 =	vld.msk [tilespmem:s11+$0x3658], $0x1;
	_ =	sdelay $0x4  }
0x2fd: {  	(v2sf) =	vpush v0, $0x0;
	_ =	sdelay $0xe  }
0x2fe: {  	s12 =	spop (v2sf)  }
0x2ff: {  	p1 =	seq.s32 s12, $0xFFFFFFFF  }
.Ltmp22:
0x300: {  	_ = 	snop;
	(pc) =	sbr.rel @p1 .LBB2_32-.Ltmp22, $1  }
0x301: {  	_ =	sdelay $0x3  }
0x302: {  	p1 =	slt.s32 s6, $0x1  }
.Ltmp23:
0x303: {  	_ = 	snop;
	(pc) =	sbr.rel @p1 .LBB2_30-.Ltmp23, $1  }
0x304: {  	_ =	sdelay $0x3  }
0x305: {  	s13 =	simm.s32 $0x3658;
	p1 =	por $0x0, $0x0  }
0x306: {  	v1 =	vld.msk @!p1 [tilespmem:s13+$0x0], $0x1;
	_ =	sdelay $0x4  }
0x307: {  	(v2sf) =	vpush @!p1 v1, $0x0;
	_ =	sdelay $0xd  }
0x308: {  	p3 =	sne.s32 s6, $0x1  }
.Ltmp24:
0x309: {  	s0 =	spop @!p1 (v2sf);
	(pc) =	sbr.rel @!p3 .LBB2_29-.Ltmp24, $4  }
0x30a: {  	p2 =	seq.s32 @!p1 s12, s0  }
0x30b: {  	s14 =	simm.s32 $0x0;
	p2 =	por !p2, p1  }
0x30c: {  	s0 =	simm.s32 $0xFFFFFFFF;
	s14 =	simm.s32 @p2 $0xFFFFFFFF  }
0x30d: {  	s15 =	simm.s32 $0x1;
	s14 =	smov.u32 @p1 s0  }
.LBB2_28:
0x30e: {  	s0 =	smov.u32 s14;
	p1 =	sne.s32 s14, $0xFFFFFFFF  }
0x30f: {  	s13 =	sadd.s32 $0x1, s13;
	s14 =	smov.u32 s15;
	s15 =	sadd.s32 $0x1, s15  }
0x310: {  	p2 =	sne.s32 s6, s15;
	v1 =	vld.msk @!p1 [tilespmem:s13+$0x0], $0x1;
	_ =	sdelay $0x4  }
0x311: {  	(v2sf) =	vpush @!p1 v1, $0x0;
	_ =	sdelay $0xe  }
.Ltmp25:
0x312: {  	s1 =	spop @!p1 (v2sf);
	(pc) =	sbr.rel @p2 .LBB2_28-.Ltmp25, $4  }
0x313: {  	p3 =	seq.s32 @!p1 s12, s1  }
0x314: {  	p3 =	por !p3, p1  }
0x315: {  	s14 =	simm.s32 @p3 $0xFFFFFFFF  }
0x316: {  	s14 =	smov.u32 @p1 s0  }
.LBB2_29:
0x317: {  	p1 =	sne.s32 s14, $0xFFFFFFFF  }
.Ltmp26:
0x318: {  	_ = 	snop;
	(pc) =	sbr.rel @!p1 .LBB2_30-.Ltmp26, $1  }
0x319: {  	_ =	sdelay $0x3  }
0x31a: {  	s0 =	sshll.u32 s11, $0x4  }
0x31b: {  	s0 =	sand.u32 $0x3FFFFFF0, s0  }
0x31c: {  	v0 =	vld [tilespmem:s0+$0x3678]  }
.Ltmp27:
0x31d: {  	_ = 	snop;
	(pc) =	sbr.rel .LBB2_32-.Ltmp27, $4  }
0x31e: {  	_ = 	snop  }
0x31f: {  	s31 =	sshll.u32 s14, $0x6  }
0x320: {  	s0 =	sshra.s32 s31, $0x2  }
0x321: {  	[tilespmem:s0+$0x3678] =	vst.add.f32.msk $0xffff, v0  }
.LBB2_33:
0x322: {  	s0 =	simm.s32 $0x6;
	p1 =	seq.s32 s6, $0x0  }
0x323: {  	[sflag:s0] =	ssyncpa.u1 $0x1;
	v0 =	vimm.s32 @p1 $0xFFFFFFFF  }
0x324: {  	s9 =	sadd.s32 $0xFFFFFFFF, s6;
	[tilespmem:$0x3878] =	vst @p1 v0  }
0x325: {  	v0 =	vld.msk @!p1 [tilespmem:s9+$0x3658], $0x1;
	_ =	sdelay $0x1  }
0x326: {  	v1 =	vld.msk @!p1 [tilespmem:$0x3658], $0x1;
	_ =	sdelay $0x2  }
0x327: {  	p2 =	seq.s32 @!p1 s9, $0x0;
	v0 =	vbroadcast @!p1 v0, $0x0  }
0x328: {  	vm0 =	vmmov @!p1 $0x1;
	p2 =	por !p2, p1  }
0x329: {  	v1 =	vnsel @!p1 vm0, $0xFFFFFFFF, v1;
	vm0 =	vcmask @!p1 $0x308;
	v0 =	vpsel !p2, $0xFFFFFFFF, v0  }
0x32a: {  	p2 =	sne.s32 @!p1 s8, s7;
	v0 =	vsel @!p1 vm0, v1, v0  }
0x32b: {  	s0 =	simm.s32 @!p1 $0x3678;
	s1 =	simm.s32 @!p1 $0x0;
	p3 =	por !p2, p1;
	[tilespmem:$0x3878] =	vst @!p1 v0  }
0x32c: {  	[spmem:s1] =	stream.linear.scatter @!p1 [tilespmem:s0], [sflag:$0x1], $0x10, $0x38;
	[tilespmem:$0x1F0F8] =	vst v63  }
0x32d: {  	s0 =	sshll.u32 @!p3 s9, $0x6  }
0x32e: {  	s0 =	sshra.s32 @!p3 s0, $0x2  }
0x32f: {  	s1 =	simm.s32 @!p3 $0x10;
	s0 =	sadd.s32 @!p3 $0x3678, s0  }
0x330: {  	[spmem:s1] =	stream.linear.scatter @!p3 [tilespmem:s0], [sflag:$0x1], $0x10, $0x38;
	[tilespmem:$0x1F0F8] =	vst v63  }
0x331: {  	s0 =	simm.s32 @!p3 $0x1  }
0x332: {  	_ =	swait.ge @!p3 [sflag:s0], $0x20  }
0x333: {  	p1 =	por p2, p1;
	[sflag:s0] =	ssyncset.done @!p3 $0x0  }
0x334: {  	[sflag:s0] =	ssyncadd.s32 @!p3 $0xFFFFFFE0;
	s0 =	simm.s32 @!p1 $0x1  }
0x335: {  	_ =	swait.ge @!p1 [sflag:s0], $0x10  }
0x336: {  	s29 =	simm.s32 $0x3878;
	[sflag:s0] =	ssyncset.done @!p1 $0x0  }
0x337: {  	s30 =	simm.s32 $0x200;
	s31 =	simm.s32 $0x1;
	[sflag:s0] =	ssyncadd.s32 @!p1 $0xFFFFFFF0  }
0x338: {  	[spmem:s30] =	stream.linear.scatter [tilespmem:s29], [sflag:$0x1], $0x10, $0x38;
	[tilespmem:$0x1F0F8] =	vst v63  }
0x339: {  	_ =	swait.ge [sflag:s31], $0x10  }
0x33a: {  	[sflag:s31] =	ssyncset.done $0x0  }
0x33b: {  	p1 =	seq.s32 s17, $0x0;
	s8 =	rddreg [dreg:$0x1];
	[sflag:s31] =	ssyncadd.s32 $0xFFFFFFF0  }
0x33c: {  	s1 =	sshll.u32 @p1 s8, $0xE;
	s7 =	rddreg [dreg:$0x2]  }
0x33d: {  	s0 =	sadd.s32 @p1 $0x15C3C, s1;
	s1 =	sshll.u32 @p1 s7, $0x11  }
0x33e: {  	_ =	sfence.stream.spmem;
	s0 =	sor.u32 @p1 s1, s0  }
0x33f: {  	[sflag:s0] =	ssyncadd.remote.s32 @p1 $0x1;
	s0 =	simm.s32 @p1 $0x4  }
0x340: {  	s2 =	simm.s32 @!p1 $0x3C;
	s1 =	sand.u32 $0xFFFFFFFE, s8;
	_ =	swait.ge @p1 [sflag:s0], $0x6  }
0x341: {  	s4 =	simm.s32 @!p1 $0x0;
	s1 =	sadd.s32 @!p1 $0x4, s1;
	[sflag:s0] =	ssyncset.done @p1 $0x0  }
0x342: {  	s5 =	simm.s32 @!p1 $0x20;
	[sflag:s0] =	ssyncadd.s32 @p1 $0xFFFFFFFA;
	s0 =	sshll.u32 @!p1 s1, $0x1A  }
0x343: {  	s1 =	sshll.u32 @!p1 s1, $0xD;
	s0 =	sor.u32 @!p1 s0, s7;
	_ =	swait.eq @!p1 [sflag:s2], $0x1  }
0x344: {  	s1 =	sor.u32 @!p1 $0x1C04, s1;
	s2 =	simm.s32 @!p1 $0x1C03;
	s0 =	sor.u32 @!p1 $0x80004000, s0  }
0x345: {  	[spmem:s5], [sflag:s1] =	dma.general @!p1 [spmem:s4], [sflag:s2], length:$0x4, [dreg:$0x0], stride_count:$0x0, ici_dest:s0, dma_misc:DstOpCode:WRITE  }
0x346: {  	p2 =	slt.s32 s9, $0x2;
	s4 =	simm.s32 @!p1 $0x40;
	s5 =	simm.s32 @!p1 $0x42  }
0x347: {  	[spmem:s5], [sflag:s1] =	dma.general @!p1 [spmem:s4], [sflag:s2], length:$0x2, [dreg:$0x0], stride_count:$0x0, ici_dest:s0, dma_misc:DstOpCode:WRITE  }
.Ltmp28:
0x348: {  	s0 =	simm.s32 @!p1 $0x3;
	(pc) =	sbr.rel @p2 .LBB2_37-.Ltmp28, $4  }
0x349: {  	s1 =	sshll.u32 @!p1 s8, $0xE;
	_ =	swait.ge @!p1 [sflag:s0], $0x6  }
0x34a: {  	s2 =	sshll.u32 @!p1 s7, $0x11;
	s1 =	sadd.s32 @!p1 $0x11C3C, s1;
	[sflag:s0] =	ssyncset.done @!p1 $0x0  }
0x34b: {  	[sflag:s0] =	ssyncadd.s32 @!p1 $0xFFFFFFFA;
	s0 =	sor.u32 @!p1 s2, s1  }
0x34c: {  	[sflag:s0] =	ssyncadd.remote.s32 @!p1 $0xFFFFFFFF;
	s0 =	simm.s32 $0x0  }
0x34d: {  	s0 =	simm.s32 $0x3659  }
0x34e: {  	v0 =	vld.msk [tilespmem:s0+$0x0], $0x1;
	_ =	sdelay $0x4  }
0x34f: {  	(v2sf) =	vpush v0, $0x0;
	_ =	sdelay $0xd  }
0x350: {  	s2 =	sadd.s32 $0xFFFFFFFE, s6  }
0x351: {  	s2 =	sadd.s32 $0xFFFFFFFF, s2;
	s0 =	spop (v2sf)  }
0x352: {  	p2 =	sne.s32 s2, $0x0;
	p1 =	sgt.u32 s0, $0x270FF  }
.Ltmp29:
0x353: {  	s4 =	sand.u32 @!p1 $0x3FFF8, s0;
	(pc) =	sbr.rel @!p2 .LBB2_36-.Ltmp29, $4  }
0x354: {  	s1 =	simm.s32 $0x3688;
	s0 =	sand.u32 @!p1 $0x7, s0;
	s4 =	sadd.s32 @!p1 s3, s4  }
0x355: {  	[hbm4b:s4+s0] =	stream.linear.scatter @!p1 [tilespmem:s1], [sflag:$0x5], $0x4, $0x38;
	[tilespmem:$0x1F0F8] =	vst v63  }
0x356: {  	s0 =	simm.s32 $0x0  }
0x357: {  	s6 =	simm.s32 $0x0;
	s7 =	simm.s32 $0x365A;
	s0 =	simm.s32 @!p1 $0x10  }
.LBB2_35:
0x358: {  	v0 =	vld.msk [tilespmem:s7+$0x0], $0x1;
	s2 =	sadd.s32 $0xFFFFFFFF, s2;
	s6 =	sadd.s32 s6, s0  }
0x359: {  	p1 =	sne.s32 s2, $0x0;
	_ =	sdelay $0x3  }
0x35a: {  	(v2sf) =	vpush v0, $0x0;
	_ =	sdelay $0xe  }
.Ltmp30:
0x35b: {  	s4 =	spop (v2sf);
	(pc) =	sbr.rel @p1 .LBB2_35-.Ltmp30, $4  }
0x35c: {  	s0 =	simm.s32 $0x0;
	p2 =	sgt.u32 s4, $0x270FF  }
0x35d: {  	s1 =	sadd.s32 $0x10, s1;
	s0 =	simm.s32 @!p2 $0x10;
	s5 =	sand.u32 @!p2 $0x3FFF8, s4  }
0x35e: {  	s7 =	sadd.s32 $0x1, s7;
	s4 =	sand.u32 @!p2 $0x7, s4;
	s5 =	sadd.s32 @!p2 s3, s5  }
0x35f: {  	[hbm4b:s5+s4] =	stream.linear.scatter @!p2 [tilespmem:s1], [sflag:$0x5], $0x4, $0x38;
	[tilespmem:$0x1F0F8] =	vst v63  }
.LBB2_36:
0x360: {  	s0 =	sadd.s32 s6, s0  }
0x361: {  	s0 =	sshrl.u32 s0, $0x2  }
.LBB2_37:
0x362: {  	s1 =	simm.s32 $0x5  }
0x363: {  	_ =	swait.ge [sflag:s1], s0  }
0x364: {  	s31 =	ssub.s32 $0x0, s0;
	[sflag:s1] =	ssyncset.done $0x0  }
0x365: {  	[sflag:s1] =	ssyncadd.s32 s31  }
0x366: {  	[sflag:s1] =	ssyncpa.u1 $0x1  }
.LBB2_38:
0x367: {  	s0 =	sor.u32 s17, s16  }
0x368: {  	p1 =	sne.s32 s0, $0x0  }
.Ltmp31:
0x369: {  	_ = 	snop;
	(pc) =	sbr.rel @p1 .LBB2_53-.Ltmp31, $3  }
0x36a: {  	_ =	sdelay $0x1  }
0x36b: {  	[bflag:$0x0] =	sbarrier.arrive $0xFFFF  }
0x36c: {  	_ =	sfence  }
0x36d: {  	s0 =	simm.s32 $0x7  }
0x36e: {  	s1 =	simm.s32 $0x200;
	s2 =	simm.s32 $0x3658;
	[sflag:s0] =	ssyncpa.u1 $0x0  }
0x36f: {  	[tilespmem:s2], [sflag:$0x7] =	stream.linear.gather [spmem:s1], $0x20, $0x38;
	[tilespmem:$0x1F0F8] =	vst v63  }
0x370: {  	s30 =	simm.s32 $0x3678;
	s1 =	simm.s32 $0x0  }
0x371: {  	[tilespmem:s30], [sflag:$0x7] =	stream.linear.gather [spmem:s1], $0x200, $0x38;
	[tilespmem:$0x1F0F8] =	vst v63  }
.Ltmp32:
0x372: {  	_ = 	snop;
	(pc) =	sbr.rel .LBB2_40-.Ltmp32, $4  }
0x373: {  	_ =	swait.ge [sflag:s0], $0x220  }
0x374: {  	[sflag:s0] =	ssyncset.done $0x0  }
0x375: {  	s31 =	simm.s32 $0x8;
	[sflag:s0] =	ssyncadd.s32 $0xFFFFFDE0  }
0x376: {  	s2 =	simm.s32 $0x0;
	[sflag:s31] =	ssyncpa.u1 $0x0  }
.LBB2_45:
0x377: {  	p1 =	slt.u32 s4, $0x27100  }
0x378: {  	s0 =	sand.u32 @p1 $0x3FFF8, s4  }
0x379: {  	s4 =	sand.u32 @p1 $0x7, s4;
	s5 =	simm.s32 @p1 $0x3638;
	s0 =	sadd.s32 @p1 s3, s0  }
0x37a: {  	[tilespmem:s5], [sflag:$0x8] =	stream.linear.gather @p1 [hbm4b:s0+s4], $0x4, $0x38;
	[tilespmem:$0x1F0F8] =	vst v63  }
0x37b: {  	s0 =	simm.s32 @p1 $0x8  }
0x37c: {  	_ =	swait.ge @p1 [sflag:s0], $0x4  }
0x37d: {  	[sflag:s0] =	ssyncset.done @p1 $0x0  }
0x37e: {  	[sflag:s0] =	ssyncadd.s32 @p1 $0xFFFFFFFC  }
0x37f: {  	v1 =	vld @p1 [tilespmem:$0x3638];
	_ =	sdelay $0x2  }
0x380: {  	s0 =	sshll.u32 @p1 s2, $0x6  }
0x381: {  	s5 =	sshll.u32 @!p1 s2, $0x6;
	s4 =	sshrl.u32 @p1 s0, $0x2  }
0x382: {  	s5 =	smov.u32 @p1 s0;
	[tilespmem:s4+$0x3678] =	vst.add.f32.msk @p1 $0xffff, v1  }
0x383: {  	s0 =	sshrl.u32 s5, $0x2;
	[tilespmem:s1+$0x3658] =	vst.msk $0x1, v0  }
0x384: {  	v0 =	vld [tilespmem:s0+$0x3678];
	_ =	sdelay $0x2  }
0x385: {  	s31 =	sshll.u32 s1, $0x6  }
0x386: {  	s0 =	sshra.s32 s31, $0x2  }
0x387: {  	s1 =	sadd.s32 $0x1, s1;
	[tilespmem:s0+$0x3678] =	vst v0  }
.LBB2_47:
0x388: {  	s2 =	sadd.s32 $0x1, s2  }
0x389: {  	p1 =	sne.s32 s2, $0x20  }
.Ltmp33:
0x38a: {  	_ = 	snop;
	(pc) =	sbr.rel @!p1 .LBB2_48-.Ltmp33, $1  }
0x38b: {  	_ =	sdelay $0x3  }
.LBB2_40:
0x38c: {  	v0 =	vld.msk [tilespmem:s2+$0x3658], $0x1;
	_ =	sdelay $0x4  }
0x38d: {  	(v2sf) =	vpush v0, $0x0;
	_ =	sdelay $0xe  }
0x38e: {  	s4 =	spop (v2sf)  }
0x38f: {  	p1 =	seq.s32 s4, $0xFFFFFFFF  }
.Ltmp34:
0x390: {  	_ = 	snop;
	(pc) =	sbr.rel @p1 .LBB2_47-.Ltmp34, $1  }
0x391: {  	_ =	sdelay $0x3  }
0x392: {  	p1 =	slt.s32 s1, $0x1  }
.Ltmp35:
0x393: {  	_ = 	snop;
	(pc) =	sbr.rel @p1 .LBB2_45-.Ltmp35, $1  }
0x394: {  	_ =	sdelay $0x3  }
0x395: {  	s5 =	simm.s32 $0x3658;
	p1 =	por $0x0, $0x0  }
0x396: {  	v1 =	vld.msk @!p1 [tilespmem:s5+$0x0], $0x1;
	_ =	sdelay $0x4  }
0x397: {  	(v2sf) =	vpush @!p1 v1, $0x0;
	_ =	sdelay $0xd  }
0x398: {  	p3 =	sne.s32 s1, $0x1  }
.Ltmp36:
0x399: {  	s0 =	spop @!p1 (v2sf);
	(pc) =	sbr.rel @!p3 .LBB2_44-.Ltmp36, $4  }
0x39a: {  	p2 =	seq.s32 @!p1 s4, s0  }
0x39b: {  	s6 =	simm.s32 $0x0;
	p2 =	por !p2, p1  }
0x39c: {  	s0 =	simm.s32 $0xFFFFFFFF;
	s6 =	simm.s32 @p2 $0xFFFFFFFF  }
0x39d: {  	s7 =	simm.s32 $0x1;
	s6 =	smov.u32 @p1 s0  }
.LBB2_43:
0x39e: {  	s0 =	smov.u32 s6;
	p1 =	sne.s32 s6, $0xFFFFFFFF  }
0x39f: {  	s5 =	sadd.s32 $0x1, s5;
	s6 =	smov.u32 s7;
	s7 =	sadd.s32 $0x1, s7  }
0x3a0: {  	p2 =	sne.s32 s1, s7;
	v1 =	vld.msk @!p1 [tilespmem:s5+$0x0], $0x1;
	_ =	sdelay $0x4  }
0x3a1: {  	(v2sf) =	vpush @!p1 v1, $0x0;
	_ =	sdelay $0xe  }
.Ltmp37:
0x3a2: {  	s8 =	spop @!p1 (v2sf);
	(pc) =	sbr.rel @p2 .LBB2_43-.Ltmp37, $4  }
0x3a3: {  	p3 =	seq.s32 @!p1 s4, s8  }
0x3a4: {  	p3 =	por !p3, p1  }
0x3a5: {  	s6 =	simm.s32 @p3 $0xFFFFFFFF  }
0x3a6: {  	s6 =	smov.u32 @p1 s0  }
.LBB2_44:
0x3a7: {  	p1 =	sne.s32 s6, $0xFFFFFFFF  }
.Ltmp38:
0x3a8: {  	_ = 	snop;
	(pc) =	sbr.rel @!p1 .LBB2_45-.Ltmp38, $1  }
0x3a9: {  	_ =	sdelay $0x3  }
0x3aa: {  	s0 =	sshll.u32 s2, $0x4  }
0x3ab: {  	s0 =	sand.u32 $0x3FFFFFF0, s0  }
0x3ac: {  	v0 =	vld [tilespmem:s0+$0x3678]  }
.Ltmp39:
0x3ad: {  	_ = 	snop;
	(pc) =	sbr.rel .LBB2_47-.Ltmp39, $4  }
0x3ae: {  	_ = 	snop  }
0x3af: {  	s31 =	sshll.u32 s6, $0x6  }
0x3b0: {  	s0 =	sshra.s32 s31, $0x2  }
0x3b1: {  	[tilespmem:s0+$0x3678] =	vst.add.f32.msk $0xffff, v0  }
.LBB2_48:
0x3b2: {  	p1 =	slt.s32 s1, $0x1  }
.Ltmp40:
0x3b3: {  	_ = 	snop;
	(pc) =	sbr.rel @p1 .LBB2_52-.Ltmp40, $3  }
0x3b4: {  	_ =	sdelay $0x1  }
0x3b5: {  	s0 =	simm.s32 $0x8  }
0x3b6: {  	s2 =	simm.s32 $0x0;
	[sflag:s0] =	ssyncpa.u1 $0x1  }
0x3b7: {  	s0 =	simm.s32 $0x3658  }
0x3b8: {  	v0 =	vld.msk [tilespmem:s0+$0x0], $0x1;
	_ =	sdelay $0x4  }
0x3b9: {  	(v2sf) =	vpush v0, $0x0;
	_ =	sdelay $0xe  }
0x3ba: {  	s1 =	sadd.s32 $0xFFFFFFFF, s1;
	s0 =	spop (v2sf)  }
0x3bb: {  	p2 =	sne.s32 s1, $0x0;
	p1 =	sgt.u32 s0, $0x270FF  }
.Ltmp41:
0x3bc: {  	s5 =	sand.u32 @!p1 $0x3FFF8, s0;
	(pc) =	sbr.rel @!p2 .LBB2_51-.Ltmp41, $4  }
0x3bd: {  	s4 =	simm.s32 $0x3678;
	s0 =	sand.u32 @!p1 $0x7, s0;
	s5 =	sadd.s32 @!p1 s3, s5  }
0x3be: {  	[hbm4b:s5+s0] =	stream.linear.scatter @!p1 [tilespmem:s4], [sflag:$0x7], $0x4, $0x38;
	[tilespmem:$0x1F0F8] =	vst v63  }
0x3bf: {  	s0 =	simm.s32 $0x0  }
0x3c0: {  	s5 =	simm.s32 $0x3659;
	s0 =	simm.s32 @!p1 $0x10  }
.LBB2_50:
0x3c1: {  	v0 =	vld.msk [tilespmem:s5+$0x0], $0x1;
	s1 =	sadd.s32 $0xFFFFFFFF, s1;
	s2 =	sadd.s32 s2, s0  }
0x3c2: {  	p1 =	sne.s32 s1, $0x0;
	_ =	sdelay $0x3  }
0x3c3: {  	(v2sf) =	vpush v0, $0x0;
	_ =	sdelay $0xe  }
.Ltmp42:
0x3c4: {  	s6 =	spop (v2sf);
	(pc) =	sbr.rel @p1 .LBB2_50-.Ltmp42, $4  }
0x3c5: {  	s0 =	simm.s32 $0x0;
	p2 =	sgt.u32 s6, $0x270FF  }
0x3c6: {  	s4 =	sadd.s32 $0x10, s4;
	s0 =	simm.s32 @!p2 $0x10;
	s7 =	sand.u32 @!p2 $0x3FFF8, s6  }
0x3c7: {  	s5 =	sadd.s32 $0x1, s5;
	s6 =	sand.u32 @!p2 $0x7, s6;
	s7 =	sadd.s32 @!p2 s3, s7  }
0x3c8: {  	[hbm4b:s7+s6] =	stream.linear.scatter @!p2 [tilespmem:s4], [sflag:$0x7], $0x4, $0x38;
	[tilespmem:$0x1F0F8] =	vst v63  }
.LBB2_51:
0x3c9: {  	s0 =	sadd.s32 s2, s0  }
0x3ca: {  	s2 =	sshrl.u32 s0, $0x2  }
.LBB2_52:
0x3cb: {  	s0 =	simm.s32 $0x7  }
0x3cc: {  	_ =	swait.ge [sflag:s0], s2  }
0x3cd: {  	s1 =	ssub.s32 $0x0, s2;
	[sflag:s0] =	ssyncset.done $0x0  }
0x3ce: {  	[sflag:s0] =	ssyncadd.s32 s1  }
0x3cf: {  	[sflag:s0] =	ssyncpa.u1 $0x1  }
.LBB2_53:
0x3d0: {  	_ =	sfence;
	s0 =	simm.s32 $0x1  }
0x3d1: {  	[sflag:s0] =	ssyncpa.u1 $0x1  }
0x3d2: {  	_ =	strace $0x90000050  }
0x3d3: {  	[bflag:$0x2] =	sbarrier.arrive $0xFFFF  }
0x3d4: {  	s0 =	rddreg [dreg:$0x3]  }
0x3d5: {  	s0 =	sadd.s32 @!p0 $0x100000, s0  }
0x3d6: {  	[sflag:s0] =	ssyncadd.tile.s32 @!p0 $0x1;
	_ =	shalt  }
.Lfunc_end2:
_tile_overlayer_lowered:
.L_overlay_start_2:
0x3d7: {  	(tag) =	ssettag $0x2  }
0x3d8: {  	s0 =	rddreg [dreg:$0x0];
	s2 =	stileid.u32  }
0x3d9: {  	s1 =	rddreg [dreg:$0x1];
	p0 =	sne.s32 s2, $0x0  }
0x3da: {  	s3 =	rddreg [dreg:$0x2];
	[bflag:$0x3] =	sbarrier.arrive $0xFFFF;
	s2 =	simm.s32 @!p0 $0x1C01  }
0x3db: {  	[timem:s3], [sflag:s2] =	dma.local @!p0 [hbm:s0], s1  }
0x3dc: {  	s0 =	simm.s32 @!p0 $0x1  }
0x3dd: {  	_ =	swait.ge @!p0 [sflag:s0], s1  }
0x3de: {  	s1 =	ssub.s32 @!p0 $0x0, s1;
	[sflag:s0] =	ssyncset.done @!p0 $0x0  }
0x3df: {  	[sflag:s0] =	ssyncadd.s32 @!p0 s1  }
0x3e0: {  	[bflag:$0x3] =	sbarrier.arrive $0xFFFF  }
0x3e1: {  	_ =	shalt  }

// kernel: scatter_offload_async_start
scs
__scs_entry_jumppad:
0x0: {  	(pc) =	sbr.rel $0x88, $3  }
0x1: {  	(tag) =	ssettag $0x0;
	lr =	simm.s32 $0x1  }
0x2: {  	[smem:$0x3F92] =	sst lr;
	_ =	strace $0xD0000000  }
0x3: {  	_ = 	snop  }
0x4: {  	_ = 	snop  }
0x5: {  	_ = 	snop  }
0x6: {  	_ = 	snop  }
0x7: {  	_ = 	snop  }
__scs_overlays_trampoline_lowered:
0x8: {  	[smem:$0x3FA1] =	sst s0  }
0x9: {  	[smem:$0x3FA2] =	sst s1  }
0xa: {  	[smem:$0x3FA3] =	sst s2  }
0xb: {  	[smem:$0x3FA4] =	sst s3  }
0xc: {  	[smem:$0x3FA5] =	sst s4  }
0xd: {  	[smem:$0x3FA6] =	sst s5  }
0xe: {  	[smem:$0x3FA7] =	sst s6  }
0xf: {  	[smem:$0x3FA8] =	sst s7  }
0x10: {  	[smem:$0x3FA9] =	sst s8  }
0x11: {  	[smem:$0x3FAA] =	sst s9;
	s0 =	simm.s32 @!p0 $0x0  }
0x12: {  	s1 =	sld [smem:$0x3F90];
	s0 =	simm.s32 @p0 $0x1  }
0x13: {  	[smem:$0x3FAB] =	sst s0;
	s0 =	simm.s32 @!p1 $0x0  }
0x14: {  	s2 =	sld [smem:$0x3F8F];
	s0 =	simm.s32 @p1 $0x1  }
0x15: {  	[smem:$0x3FAC] =	sst s0;
	s0 =	simm.s32 @!p2 $0x0  }
0x16: {  	s3 =	sld [smem:$0x3FDB];
	s0 =	simm.s32 @p2 $0x1  }
0x17: {  	s4 =	simm.s32 $0x1BF5;
	[smem:$0x3FAE] =	sst s0  }
0x18: {  	s0 =	sld [smem:$0x3F91];
	_ =	swait.ge [sflag:s4], $0x0  }
0x19: {  	s7 =	sld [smem:$0x3F92]  }
0x1a: {  	s8 =	sadd.s32 $0xFFFFE003, lr  }
0x1b: {  	s9 =	sadd.s32 $0xFFFFFEF7, lr;
	s5 =	simm.s32 $0xFFFFFFFF;
	p2 =	slt.u32 s8, $0xFFFFF086  }
0x1c: {  	p1 =	slt.u32 s9, $0xF7A;
	s5 =	simm.s32 @!p2 $0x0  }
0x1d: {  	s5 =	simm.s32 @p1 $0x1;
	p0 =	seq.s32 s7, s2  }
0x1e: {  	s7 =	smul.u32 @!p0 $0xF7A, s2;
	p2 =	seq.s32 @!p0 s5, $0x0  }
0x1f: {  	s9 =	smul.u32 $0xF7A, s1;
	s8 =	simm.s32 @!p0 $0x1BF5;
	p2 =	por !p2, p0  }
0x20: {  	[sflag:s8] =	ssyncset.s32 @!p0 $0xFFFFF086;
	s6 =	sadd.s32 @!p0 s3, s7;
	s7 =	simm.s32 @!p0 $0x108  }
0x21: {  	s3 =	sadd.s32 s3, s9;
	s6 =	sadd.s32 @!p0 $0x88, s6;
	s7 =	simm.s32 @p2 $0x1082  }
0x22: {  	[simem:s7], [sflag:s8] =	dma.local @!p0 [hbm:s6], $0xF7A  }
0x23: {  	s9 =	sor.u32 $0xD0000000, s2;
	s6 =	simm.s32 $0x108;
	_ =	swait.ge @!p0 [sflag:s8], $0x0  }
0x24: {  	s3 =	sadd.s32 $0x88, s3;
	s6 =	simm.s32 @!p1 $0x1082;
	[sflag:s4] =	ssyncset.s32 $0xFFFFF086  }
0x25: {  	[simem:s6], [sflag:s4] =	dma.local [hbm:s3], $0xF7A  }
0x26: {  	[smem:$0x3F92] =	sst s1;
	(tag) =	ssettag s2;
	_ =	strace s9  }
0x27: {  	s1 =	sld [smem:$0x3FA2]  }
0x28: {  	s2 =	sld [smem:$0x3FA3]  }
0x29: {  	s4 =	sld [smem:$0x3FA5]  }
0x2a: {  	p0 =	seq.s32 s5, $0x0;
	s5 =	sld [smem:$0x3FA6]  }
0x2b: {  	s6 =	sld [smem:$0x3FA7]  }
0x2c: {  	s7 =	sld [smem:$0x3FA8]  }
0x2d: {  	s3 =	simm.s32 $0x108;
	s8 =	sld [smem:$0x3FA9]  }
0x2e: {  	s3 =	simm.s32 @!p0 $0x1082;
	s9 =	sld [smem:$0x3FAA]  }
0x2f: {  	lr =	sadd.s32 s0, s3;
	s0 =	sld [smem:$0x3FA1]  }
0x30: {  	s3 =	sld [smem:$0x3FA4]  }
0x31: {  	[smem:$0x3FAD] =	sst s10  }
0x32: {  	s10 =	sld [smem:$0x3FAB];
	_ =	sdelay $0x3  }
0x33: {  	p0 =	seq.s32 s10, $0x1;
	s10 =	sld [smem:$0x3FAD];
	_ =	sdelay $0x3  }
0x34: {  	[smem:$0x3FAD] =	sst s10  }
0x35: {  	s10 =	sld [smem:$0x3FAC];
	_ =	sdelay $0x3  }
0x36: {  	p1 =	seq.s32 s10, $0x1;
	s10 =	sld [smem:$0x3FAD];
	_ =	sdelay $0x3  }
0x37: {  	[smem:$0x3FAD] =	sst s10  }
0x38: {  	s10 =	sld [smem:$0x3FAE]  }
0x39: {  	_ = 	snop;
	(pc) =	sbr.ind lr, $3  }
0x3a: {  	_ = 	snop  }
0x3b: {  	_ = 	snop  }
0x3c: {  	p2 =	seq.s32 s10, $0x1;
	s10 =	sld [smem:$0x3FAD]  }
0x3d: {  	_ =	shalt  }
0x3e: {  	_ =	shalt  }
0x3f: {  	_ =	shalt  }
0x40: {  	_ =	shalt  }
0x41: {  	_ =	shalt  }
0x42: {  	_ =	shalt  }
0x43: {  	_ =	shalt  }
0x44: {  	_ =	shalt  }
0x45: {  	_ =	shalt  }
0x46: {  	_ =	shalt  }
0x47: {  	_ =	shalt  }
0x48: {  	_ =	shalt  }
0x49: {  	_ =	shalt  }
0x4a: {  	_ =	shalt  }
0x4b: {  	_ =	shalt  }
0x4c: {  	_ =	shalt  }
0x4d: {  	_ =	shalt  }
0x4e: {  	_ =	shalt  }
0x4f: {  	_ =	shalt  }
0x50: {  	_ =	shalt  }
0x51: {  	_ =	shalt  }
0x52: {  	_ =	shalt  }
0x53: {  	_ =	shalt  }
0x54: {  	_ =	shalt  }
0x55: {  	_ =	shalt  }
0x56: {  	_ =	shalt  }
0x57: {  	_ =	shalt  }
0x58: {  	_ =	shalt  }
0x59: {  	_ =	shalt  }
0x5a: {  	_ =	shalt  }
0x5b: {  	_ =	shalt  }
0x5c: {  	_ =	shalt  }
0x5d: {  	_ =	shalt  }
0x5e: {  	_ =	shalt  }
0x5f: {  	_ =	shalt  }
0x60: {  	_ =	shalt  }
0x61: {  	_ =	shalt  }
0x62: {  	_ =	shalt  }
0x63: {  	_ =	shalt  }
0x64: {  	_ =	shalt  }
0x65: {  	_ =	shalt  }
0x66: {  	_ =	shalt  }
0x67: {  	_ =	shalt  }
0x68: {  	_ =	shalt  }
0x69: {  	_ =	shalt  }
0x6a: {  	_ =	shalt  }
0x6b: {  	_ =	shalt  }
0x6c: {  	_ =	shalt  }
0x6d: {  	_ =	shalt  }
0x6e: {  	_ =	shalt  }
0x6f: {  	_ =	shalt  }
0x70: {  	_ =	shalt  }
0x71: {  	_ =	shalt  }
0x72: {  	_ =	shalt  }
0x73: {  	_ =	shalt  }
0x74: {  	_ =	shalt  }
0x75: {  	_ =	shalt  }
0x76: {  	_ =	shalt  }
0x77: {  	_ =	shalt  }
0x78: {  	_ =	shalt  }
0x79: {  	_ =	shalt  }
0x7a: {  	_ =	shalt  }
0x7b: {  	_ =	shalt  }
0x7c: {  	_ =	shalt  }
0x7d: {  	_ =	shalt  }
0x7e: {  	_ =	shalt  }
0x7f: {  	_ =	shalt  }
0x80: {  	_ =	shalt  }
0x81: {  	_ =	shalt  }
0x82: {  	_ =	shalt  }
0x83: {  	_ =	shalt  }
0x84: {  	_ =	shalt  }
0x85: {  	_ =	shalt  }
0x86: {  	_ =	shalt  }
0x87: {  	_ =	shalt  }
.Lfunc_end0:
.L_simem_size_0:
called_computation_lowered:
.L_overlay_start_0:
0x88: {  	s2 =	sld [smem:$0x3FD9]  }
0x89: {  	s3 =	sld [smem:$0x3FFE];
	_ =	sdelay $0x1  }
0x8a: {  	s1 =	srdreg.scid  }
0x8b: {  	s0 =	sand.u32 $0x1, s1  }
0x8c: {  	s17 =	sshll.u32 s0, $0xA;
	s2 =	sadd.s32 s3, s2  }
0x8d: {  	s2 =	sadd.s32 s2, s17  }
0x8e: {  	[smem:$0x3FB9] =	sst s2  }
0x8f: {  	_ = 	snop  }
0x90: {  	(tm) =	ssettm $0x1  }
0x91: {  	s18 =	sld [smem:$0x3FFB];
	_ =	sdelay $0x3  }
0x92: {  	_ =	strace s18  }
0x93: {  	s2 =	sld [smem:$0x3FFC];
	_ =	sdelay $0x3  }
0x94: {  	_ =	strace s2  }
0x95: {  	s2 =	sld [smem:$0x3FFD];
	_ =	sdelay $0x3  }
0x96: {  	_ =	strace s2  }
0x97: {  	_ =	strace $0x8FFFFFFF  }
0x98: {  	s19 =	sld [smem:$0x3FDB];
	_ =	sdelay $0x1  }
0x99: {  	s20 =	simm.s32 $_scs_section_size  }
0x9a: {  	s4 =	simm.s32 $_size__tile_overlayer_lowered;
	s5 =	simm.s32 $_tile_overlayer_lowered  }
0x9b: {  	s6 =	simm.s32 $0x1BFF;
	s21 =	sshll.u32 s5, $0x1;
	s3 =	sadd.s32 s20, s19  }
0x9c: {  	s22 =	simm.s32 $0x0;
	s4 =	sshll.u32 s4, $0x1;
	s5 =	sadd.s32 s21, s3  }
0x9d: {  	[timem:s22], [sflag:s6] =	dma.local [hbm:s5], s4  }
0x9e: {  	_ =	swait.ge [sflag:s6], s4  }
0x9f: {  	s4 =	ssub.s32 $0x0, s4;
	[sflag:s6] =	ssyncset.done $0x0  }
0xa0: {  	[sflag:s6] =	ssyncadd.s32 s4;
	_ =	sdelay $0x1  }
0xa1: {  	s23 =	simm.s32 $0x1B8B  }
0xa2: {  	_ =	swait.ge [sflag:s23], $0x1  }
0xa3: {  	[sflag:s23] =	ssyncset.done $0x0  }
0xa4: {  	[sflag:s23] =	ssyncadd.s32 $0xFFFFFFFF  }
0xa5: {  	s4 =	sld [smem:$0x0]  }
0xa6: {  	s5 =	sand.u32 $0xFFFFFFFE, s1  }
0xa7: {  	p0 =	sne.s32 s1, s5  }
0xa8: {  	s5 =	sshll.u32 @p0 s5, $0xE  }
0xa9: {  	s5 =	sadd.s32 @p0 $0x11B8D, s5;
	s6 =	sshll.u32 @p0 s4, $0x11  }
0xaa: {  	s5 =	sor.u32 @p0 s6, s5  }
0xab: {  	[sflag:s5] =	ssyncadd.remote.s32 @p0 $0x1;
	_ =	sdelay $0x1  }
0xac: {  	s5 =	simm.s32 @p0 $0x1B8D  }
0xad: {  	_ =	swait.eq @p0 [sflag:s5], $0x1  }
0xae: {  	[sflag:s5] =	ssyncadd.s32 @p0 $0xFFFFFFFF  }
0xaf: {  	s6 =	sshll.u32 @!p0 s1, $0xE  }
0xb0: {  	s6 =	sor.u32 @!p0 $0x4000, s6;
	s5 =	simm.s32 @!p0 $0x1B8D  }
0xb1: {  	s7 =	sshll.u32 @!p0 s4, $0x11;
	s6 =	sadd.s32 @!p0 $0x11B8D, s6;
	_ =	swait.eq @!p0 [sflag:s5], $0x1  }
0xb2: {  	[sflag:s5] =	ssyncadd.s32 @!p0 $0xFFFFFFFF;
	s5 =	sor.u32 @!p0 s7, s6  }
0xb3: {  	s25 =	simm.s32 $0x1B8E;
	s24 =	sld [smem:$0x3FFE];
	[sflag:s5] =	ssyncadd.remote.s32 @!p0 $0x1  }
0xb4: {  	s26 =	simm.s32 $execute0_lowered;
	[smem:$0x3FD2] =	sst s25  }
0xb5: {  	s6 =	sshll.u32 s26, $0x1;
	_ =	strace $0x8000004C;
	[dreg:$0x1] =	wrdreg $0xFFFFFFFF  }
0xb6: {  	s28 =	simm.s32 $_size_execute0_lowered;
	s3 =	sadd.s32 s3, s6;
	[dreg:$0x0] =	wrdreg $0x0  }
0xb7: {  	s6 =	sshll.u32 s28, $0x1;
	[dreg:$0x2] =	wrdreg s3  }
0xb8: {  	[dreg:$0x3] =	wrdreg s6  }
0xb9: {  	[dreg:$0x4] =	wrdreg $0xC0  }
0xba: {  	_ =	task [dreg:s22], $0x5FFFF  }
0xbb: {  	[dreg:$0x1] =	wrdreg $0xFFFFFFFF  }
0xbc: {  	[dreg:$0x0] =	wrdreg $0x60  }
0xbd: {  	[dreg:$0x2] =	wrdreg s24  }
0xbe: {  	[dreg:$0x3] =	wrdreg s1  }
0xbf: {  	[dreg:$0x4] =	wrdreg s4  }
0xc0: {  	[dreg:$0x5] =	wrdreg $0x9  }
0xc1: {  	_ =	task.clear_ibuf [dreg:s22], $0x6FFFF;
	_ =	strace $0x9000004C  }
0xc2: {  	s29 =	simm.s32 $0x9;
	_ =	strace $0x8000004E  }
0xc3: {  	_ =	swait.ge [sflag:s29], $0x1  }
0xc4: {  	[sflag:s29] =	ssyncadd.s32 $0xFFFFFFFF  }
0xc5: {  	_ =	strace $0x9000004E  }
0xc6: {  	_ =	sfence  }
0xc7: {  	s30 =	sld [smem:$0x0];
	_ =	sdelay $0x2  }
0xc8: {  	s31 =	sshll.u32 s1, $0xD;
	s1 =	sshrl.u32 s1, $0x2  }
0xc9: {  	s4 =	sand.u32 $0x4000, s31;
	s1 =	sadd.s32 s1, s30  }
0xca: {  	s0 =	sor.u32 s4, s0;
	s1 =	sshll.u32 s1, $0x11  }
0xcb: {  	s0 =	sor.u32 s1, s0  }
0xcc: {  	s0 =	sadd.s32 $0x8F2B, s0  }
0xcd: {  	[sflag:s0] =	ssyncadd.remote.s32 $0x1  }
0xce: {  	_ =	sfence.sel $0xFFFF  }
0xcf: {  	[dreg:$0x0] =	wrdreg $0xFFFFFFFF;
	(pc) =	sbr.abs _section_cstart, $3  }
0xd0: {  	[dreg:$0x1] =	wrdreg $0xFFFFFFFF  }
0xd1: {  	_ =	task.clear_ibuf [dreg:s22], $0x2FFFF;
	_ =	strace $0x9FFFFFFF  }
0xd2: {  	(tm) =	ssettm $0x7FFFFFFF  }
0xd3: {  	_ =	shalt  }
tec
execute0_lowered:
.L_overlay_start_1:
0x0: {  	(tag) =	ssettag $0x1  }
0x1: {  	s2 =	rddreg [dreg:$0x0]  }
0x2: {  	s3 =	rddreg [dreg:$0x1];
	_ =	strace $0x8000004D;
	s0 =	simm.s32 $0x1  }
0x3: {  	s5 =	simm.s32 $0x208;
	v0 =	vimm.s32 $0x0;
	[sflag:s0] =	ssyncpa.u1 $0x0  }
0x4: {  	[tilespmem:s5+$0x70] =	vst v0  }
0x5: {  	[tilespmem:s5+$0x60] =	vst v0  }
0x6: {  	[tilespmem:s5+$0x50] =	vst v0  }
0x7: {  	[tilespmem:s5+$0x40] =	vst v0  }
0x8: {  	s1 =	sadd.s32 $0xA6D600, s2;
	[tilespmem:s5+$0x30] =	vst v0  }
0x9: {  	s0 =	sadd.s32 $0x11000, s2;
	s6 =	sadd.s32 $0x1914600, s2;
	[tilespmem:s5+$0x20] =	vst v0  }
0xa: {  	s4 =	sadd.s32 $0x25000, s2;
	s10 =	sand.u32 $0x1, s3;
	s2 =	simm.s32 $0x40;
	[tilespmem:s5+$0x10] =	vst v0  }
.LBB2_1:
0xb: {  	s2 =	sadd.s32 $0x40, s2;
	[tilespmem:s5+$0x0] =	vst v0;
	s5 =	sadd.s32 $0x80, s5  }
0xc: {  	p0 =	slt.u32 s2, $0x3880;
	[tilespmem:s5+$0x70] =	vst v0  }
0xd: {  	[tilespmem:s5+$0x60] =	vst v0  }
.Ltmp0:
0xe: {  	[tilespmem:s5+$0x50] =	vst v0;
	(pc) =	sbr.rel @p0 .LBB2_1-.Ltmp0, $4  }
0xf: {  	[tilespmem:s5+$0x40] =	vst v0  }
0x10: {  	[tilespmem:s5+$0x30] =	vst v0  }
0x11: {  	[tilespmem:s5+$0x20] =	vst v0  }
0x12: {  	[tilespmem:s5+$0x10] =	vst v0  }
0x13: {  	s11 =	stileid.u32  }
0x14: {  	s2 =	smul.u32 $0x59, s11  }
0x15: {  	s3 =	smin.u32 s11, $0x5  }
0x16: {  	s2 =	sadd.s32 s3, s2  }
0x17: {  	p0 =	slt.u32 s11, $0x5;
	s20 =	smul.u32 $0x70, s2;
	s2 =	simm.s32 $0x2760  }
0x18: {  	s2 =	simm.s32 @!p0 $0x26F0  }
0x19: {  	s2 =	sadd.s32 s2, s20  }
0x1a: {  	s8 =	smin.u32 s2, $0x27100  }
0x1b: {  	s26 =	simm.s32 $0x2;
	s2 =	ssub.s32 s8, s20  }
0x1c: {  	s9 =	simm.s32 $0x9;
	s29 =	simm.s32 $0xA;
	p0 =	sgt.s32 s2, $0x0  }
0x1d: {  	s30 =	simm.s32 $0xB;
	s31 =	smul.u32 $0x4E20, s10;
	s2 =	simm.s32 @!p0 $0x0  }
0x1e: {  	[dreg:$0x4] =	wrdreg s10;
	s12 =	simm.s32 $0x1;
	s25 =	smulhi.u32 $0x92492493, s2  }
0x1f: {  	s24 =	simm.s32 $0x0;
	p1 =	por $0x0, $0x0;
	s18 =	simm.s32 $0x80  }
0x20: {  	s19 =	simm.s32 $0x400;
	s17 =	simm.s32 $0xC;
	s3 =	sshrl.u32 s25, $0x6  }
0x21: {  	s21 =	simm.s32 $0x0;
	s23 =	simm.s32 $0x0;
	s28 =	smul.u32 $0x70, s3  }
.Ltmp1:
0x22: {  	[tilespmem:s5+$0x0] =	vst v0;
	v0 =	vimm.s32 $0xFFFFFFFF;
	[sflag:s26] =	ssyncpa.u1 $0x0;
	s16 =	sshll.u32 s11, $0x9;
	(pc) =	sbr.rel .LBB2_3-.Ltmp1, $4  }
0x23: {  	[tilespmem:$0xE408] =	vst v0;
	[sflag:s9] =	ssyncpa.u1 $0x0;
	p0 =	sne.s32 s2, s28;
	s2 =	simm.s32 $0x1  }
0x24: {  	s14 =	sadd.s32 s31, s4;
	[sflag:s29] =	ssyncpa.u1 $0x0;
	s2 =	simm.s32 @!p0 $0x0  }
0x25: {  	s15 =	sadd.s32 s31, s0;
	[sflag:s30] =	ssyncpa.u1 $0x0;
	s13 =	sadd.s32 s2, s3  }
0x26: {  	v0 =	vlaneseq.u32;
	s22 =	smov.u32 s20;
	p0 =	por $0x1, $0x1;
	s11 =	sadd.s32 $0x1, s13  }
.LBB2_24:
0x27: {  	s2 =	sshrl.u32 s4, $0x2  }
.LBB2_26:
0x28: {  	_ =	swait.ge [sflag:s17], s2  }
0x29: {  	s31 =	ssub.s32 $0x0, s2;
	v1 =	vmov s26;
	vm0 =	veq.s32 v0, $0x0;
	[sflag:s17] =	ssyncset.done $0x0  }
0x2a: {  	vm15 =	veq.s32 v0, $0x2;
	v1 =	vsel vm0, s0, v1;
	[sflag:s17] =	ssyncadd.s32 s31  }
0x2b: {  	v1 =	vsel vm15, s24, v1;
	[sflag:s17] =	ssyncpa.u1 $0x1  }
0x2c: {  	[tilespmem:$0xE408] =	vst v1  }
.LBB2_27:
0x2d: {  	s0 =	sadd.s32 $0x70, s22  }
0x2e: {  	s2 =	smov.u32 s20;
	p2 =	slt.s32 s0, s8  }
0x2f: {  	s2 =	smov.u32 @p2 s0;
	p2 =	sne.s32 s23, s11  }
.Ltmp2:
0x30: {  	_ = 	snop;
	(pc) =	sbr.rel @!p2 .LBB2_28-.Ltmp2, $4  }
0x31: {  	_ = 	snop  }
0x32: {  	s24 =	smov.u32 s21  }
0x33: {  	s31 =	sadd.s32 $0x1, s23;
	s21 =	smov.u32 s22;
	p0 =	por !p0, !p0  }
0x34: {  	p1 =	por !p1, !p1;
	s23 =	smov.u32 s31;
	s22 =	smov.u32 s2  }
.LBB2_3:
0x35: {  	p2 =	sge.u32 s23, s13  }
0x36: {  	s0 =	smulhi.u32 @!p2 $0xAAAAAAAB, s23  }
0x37: {  	s2 =	smov.u32 s22;
	p3 =	sgt.s32 @!p2 s22, $0x27090  }
0x38: {  	s3 =	sshra.s32 @!p2 s22, $0x1F;
	p3 =	por !p3, p2;
	s0 =	sshrl.u32 @!p2 s0, $0x1  }
0x39: {  	s3 =	sand.u32 @!p2 s3, s22;
	s2 =	simm.s32 @p3 $0x27090;
	s0 =	smul.u32 @!p2 $0x3, s0  }
0x3a: {  	s2 =	ssub.s32 @!p2 s2, s3  }
0x3b: {  	s2 =	sadd.s32 @!p2 $0xFFFD8F70, s2;
	s0 =	ssub.s32 @!p2 s23, s0  }
0x3c: {  	s3 =	sshll.u32 @!p2 s2, $0x2;
	p3 =	sgt.s32 @!p2 s2, $0x6F;
	s0 =	smul.u32 @!p2 $0x1C0, s0  }
0x3d: {  	s4 =	sand.u32 @!p2 $0x7, s22;
	s2 =	ssub.s32 @!p2 $0x1C0, s3;
	p3 =	por !p3, p2  }
0x3e: {  	s3 =	sshrl.u32 @!p2 s22, $0x3;
	s2 =	sshrl.u32 @!p2 s2, $0x2;
	s0 =	sshrl.u32 @!p2 s0, $0x2  }
0x3f: {  	s3 =	sadd.s32 @!p2 s3, s14;
	s2 =	simm.s32 @!p3 $0x0;
	s0 =	sadd.s32 @!p2 $0x10448, s0  }
0x40: {  	[tilespmem:s0], [sflag:$0xA] =	stream.linear.gather @!p2 [hbm4b:s3+s4], s2, $0x38;
	[tilespmem:$0x1E678] =	vst v63  }
0x41: {  	s2 =	sadd.s32 $0xFFFFFFFF, s23  }
0x42: {  	p2 =	sge.u32 s2, s13  }
0x43: {  	p3 =	sgt.s32 @!p2 s21, $0x27090  }
0x44: {  	s0 =	smov.u32 s21;
	s3 =	sshra.s32 @!p2 s21, $0x1F;
	p3 =	por !p3, p2  }
0x45: {  	s3 =	sand.u32 @!p2 s3, s21;
	s0 =	simm.s32 @p3 $0x27090  }
0x46: {  	s0 =	ssub.s32 @!p2 s0, s3  }
0x47: {  	s0 =	sadd.s32 @!p2 $0xFFFD8F70, s0  }
0x48: {  	s3 =	sshll.u32 @!p2 s0, $0x2  }
0x49: {  	p3 =	sgt.s32 @!p2 s0, $0x6F;
	s0 =	ssub.s32 @!p2 $0x1C0, s3  }
0x4a: {  	p3 =	por !p3, p2;
	s0 =	sshrl.u32 @!p2 s0, $0x2  }
0x4b: {  	s4 =	simm.s32 @!p2 $0xA;
	s3 =	sand.u32 @!p2 $0x1, s2;
	s0 =	simm.s32 @!p3 $0x0  }
0x4c: {  	s3 =	smul.u32 @!p2 $0x1C0, s3;
	_ =	swait.ge @!p2 [sflag:s4], s0  }
0x4d: {  	s5 =	ssub.s32 @!p2 $0x0, s0;
	[sflag:s4] =	ssyncset.done @!p2 $0x0  }
0x4e: {  	s3 =	sshrl.u32 @!p2 s3, $0x2;
	[sflag:s4] =	ssyncadd.s32 @!p2 s5;
	s4 =	sshrl.u32 @!p2 s21, $0x3  }
0x4f: {  	s3 =	sadd.s32 @!p2 $0x10598, s3;
	s5 =	sand.u32 @!p2 $0x7, s21;
	s4 =	sadd.s32 @!p2 s4, s15  }
0x50: {  	[tilespmem:s3], [sflag:$0xB] =	stream.linear.gather @!p2 [hbm4b:s4+s5], s0, $0x38;
	[tilespmem:$0x1E678] =	vst v63  }
0x51: {  	s0 =	ssub.s32 @!p2 $0x27100, s21  }
0x52: {  	p3 =	slt.s32 @!p2 s0, $0x1  }
0x53: {  	p3 =	por p2, p3  }
.Ltmp3:
0x54: {  	_ = 	snop;
	(pc) =	sbr.rel @p3 .LBB2_9-.Ltmp3, $1  }
0x55: {  	_ =	sdelay $0x3  }
0x56: {  	s3 =	smulhi.u32 $0xAAAAAAAB, s2;
	_ =	sdelay $0x1  }
0x57: {  	s3 =	sshrl.u32 s3, $0x1  }
0x58: {  	s3 =	smul.u32 $0x3, s3;
	_ =	sdelay $0x1  }
0x59: {  	s30 =	ssub.s32 s2, s3  }
0x5a: {  	s4 =	simm.s32 $0x1;
	s2 =	smul.u32 $0x1C0, s30  }
.Ltmp4:
0x5b: {  	s4 =	simm.s32 @!p0 $0x0;
	(pc) =	sbr.rel .LBB2_6-.Ltmp4, $4  }
0x5c: {  	s31 =	smul.u32 $0x1C000, s4  }
0x5d: {  	p3 =	slt.s32 @!p2 s0, $0x70;
	s2 =	sshrl.u32 s2, $0x2  }
0x5e: {  	p2 =	por !p3, p2;
	s3 =	sshrl.u32 s31, $0x2;
	s5 =	sadd.s32 $0x10448, s2  }
0x5f: {  	s0 =	simm.s32 @p2 $0x70;
	s4 =	sor.u32 $0x10678, s3;
	s2 =	simm.s32 $0x0;
	v1 =	vmov s5  }
.LBB2_5:
0x60: {  	p2 =	sge.s32 s2, s0  }
.Ltmp5:
0x61: {  	_ = 	snop;
	(pc) =	sbr.rel @p2 .LBB2_9-.Ltmp5, $2  }
0x62: {  	_ =	sdelay $0x2  }
0x63: {  	s4 =	sadd.s32 $0x1000, s4  }
.LBB2_6:
0x64: {  	p2 =	sle.s32 s0, s2  }
.Ltmp6:
0x65: {  	_ = 	snop;
	(pc) =	sbr.rel @p2 .LBB2_5-.Ltmp6, $2  }
0x66: {  	_ =	sdelay $0x2  }
0x67: {  	s5 =	smov.u32 s2;
	s2 =	sadd.s32 $0x10, s2  }
0x68: {  	s3 =	ssub.s32 s0, s5  }
0x69: {  	p2 =	slt.s32 s3, $0x10  }
0x6a: {  	s3 =	simm.s32 @!p2 $0x10  }
0x6b: {  	v2 =	vmov s3  }
0x6c: {  	vm0 =	vgt.s32 v2, v0;
	_ =	sdelay $0x5  }
0x6d: {  	v2 =	vld.idx.msk [tilespmem:v1+s5+$0x0 ss:$0x1], vm0;
	_ =	sdelay $0x2  }
0x6e: {  	p2 =	slt.s32 s2, s0;
	s3 =	smov.u32 s0  }
0x6f: {  	s9 =	smov.u32 s4;
	s25 =	simm.s32 $0x0;
	s3 =	smov.u32 @p2 s2  }
.LBB2_8:
0x70: {  	(v2sf) =	vpush v2, s25;
	_ =	sdelay $0xe  }
0x71: {  	s25 =	sadd.s32 $0x1, s25;
	s10 =	spop (v2sf)  }
0x72: {  	s31 =	sadd.s32 s25, s5;
	s26 =	sshll.u32 s10, $0x8;
	s10 =	sshll.u32 s10, $0x7  }
0x73: {  	p2 =	slt.s32 s31, s3;
	s26 =	sand.u32 $0xFFFFF800, s26;
	s10 =	sand.u32 $0x380, s10  }
.Ltmp7:
0x74: {  	s10 =	sor.u32 s10, s26;
	(pc) =	sbr.rel @p2 .LBB2_8-.Ltmp7, $4  }
0x75: {  	s10 =	sshrl.u32 s10, $0x3  }
0x76: {  	s10 =	sadd.s32 s6, s10  }
0x77: {  	[tilespmem:s9], [sflag:$0x9] =	stream.strided.gather [hbm4b:s10+s18], $0x100, s19, s18, $0x38;
	[tilespmem:$0x1E678] =	vst v63  }
0x78: {  	s9 =	sadd.s32 $0x100, s9  }
.Ltmp8:
0x79: {  	_ = 	snop;
	(pc) =	sbr.rel .LBB2_5-.Ltmp8, $1  }
0x7a: {  	_ =	sdelay $0x3  }
.LBB2_9:
0x7b: {  	p2 =	slt.u32 s23, $0x2  }
.Ltmp9:
0x7c: {  	_ = 	snop;
	(pc) =	sbr.rel @p2 .LBB2_27-.Ltmp9, $1  }
0x7d: {  	_ =	sdelay $0x3  }
0x7e: {  	p2 =	sgt.s32 s24, $0x27090  }
0x7f: {  	s0 =	smov.u32 s24;
	s2 =	sshra.s32 s24, $0x1F;
	s3 =	ssub.s32 $0x27100, s24  }
0x80: {  	s0 =	simm.s32 @!p2 $0x27090;
	s2 =	sand.u32 s2, s24;
	p2 =	slt.s32 s3, $0x70  }
0x81: {  	s0 =	ssub.s32 s0, s2;
	s3 =	simm.s32 @!p2 $0x70  }
0x82: {  	s0 =	sadd.s32 $0xFFFD8F70, s0;
	s9 =	sshll.u32 s3, $0x8  }
0x83: {  	s26 =	simm.s32 $0x9;
	s10 =	sshll.u32 s0, $0x2;
	s2 =	sand.u32 $0x3FFFFF00, s9  }
0x84: {  	p2 =	sgt.s32 s0, $0x6F;
	s25 =	ssub.s32 $0x1C0, s10;
	_ =	swait.ge [sflag:s26], s2  }
0x85: {  	s2 =	ssub.s32 $0x0, s2;
	[sflag:s26] =	ssyncset.done $0x0;
	s0 =	sshrl.u32 s25, $0x2  }
0x86: {  	s29 =	simm.s32 $0xB;
	[sflag:s26] =	ssyncadd.s32 s2;
	s0 =	simm.s32 @p2 $0x0  }
0x87: {  	_ =	swait.ge [sflag:s29], s0  }
0x88: {  	s0 =	ssub.s32 $0x0, s0;
	[sflag:s29] =	ssyncset.done $0x0  }
0x89: {  	[sflag:s29] =	ssyncadd.s32 s0  }
0x8a: {  	v1 =	vld [tilespmem:$0xE408];
	_ =	sdelay $0x4  }
0x8b: {  	(v2sf) =	vpush v1, $0x0  }
0x8c: {  	(v2sf) =	vpush v1, $0x1  }
0x8d: {  	(v2sf) =	vpush v1, $0x2;
	_ =	sdelay $0x3  }
0x8e: {  	s0 =	sadd.s32 $0x70, s24  }
0x8f: {  	s2 =	ssub.s32 $0x4E200, s24;
	p2 =	slt.s32 s8, s0  }
0x90: {  	s0 =	smov.u32 @p2 s8;
	p2 =	sgt.s32 s2, $0x0  }
0x91: {  	s0 =	ssub.s32 s0, s24;
	s2 =	simm.s32 @!p2 $0x0  }
0x92: {  	p2 =	slt.s32 s2, s0  }
0x93: {  	s0 =	smov.u32 @p2 s2  }
0x94: {  	s4 =	simm.s32 $0x1;
	p2 =	slt.s32 s0, $0x1  }
.Ltmp10:
0x95: {  	s4 =	simm.s32 @!p1 $0x0;
	(pc) =	sbr.rel @p2 .LBB2_14-.Ltmp10, $4  }
0x96: {  	s30 =	smul.u32 $0x1C0, s4  }
0x97: {  	s5 =	spop (v2sf)  }
0x98: {  	s31 =	sshrl.u32 s30, $0x2;
	s28 =	spop (v2sf)  }
0x99: {  	s25 =	sadd.s32 $0x10598, s31;
	s24 =	spop (v2sf)  }
0x9a: {  	s2 =	smin.u32 s0, $0x10  }
0x9b: {  	v1 =	vmov s2  }
0x9c: {  	vm1 =	vgt.u32 v1, v0  }
0x9d: {  	p3 =	sgt.s32 s0, $0x10  }
.Ltmp11:
0x9e: {  	_ = 	snop;
	(pc) =	sbr.rel @!p3 .LBB2_13-.Ltmp11, $2  }
0x9f: {  	_ =	sdelay $0x2  }
0xa0: {  	s26 =	simm.s32 $0x10;
	s29 =	sadd.s32 $0xFFFFFFF0, s0;
	s2 =	smov.u32 s25;
	vm0 =	vmmov vm1;
	v1 =	vld.msk [tilespmem:s25+$0x0 ss:$0x1], vm1  }
.LBB2_12:
0xa1: {  	s3 =	smin.u32 s29, $0x10;
	s26 =	sadd.s32 $0x10, s26  }
0xa2: {  	v2 =	vmov s3;
	p3 =	slt.s32 s26, s0  }
0xa3: {  	vm1 =	vgt.u32 v2, v0;
	_ =	sdelay $0x1  }
0xa4: {  	v2 =	vshll.u32 v1, $0x5;
	v1 =	vshll.u32 v1, $0x4  }
.Ltmp12:
0xa5: {  	v2 =	vand.u32 $0xFFFFFF00, v2;
	v1 =	vand.u32 $0x70, v1;
	(pc) =	sbr.rel @p3 .LBB2_12-.Ltmp12, $4  }
0xa6: {  	v1 =	vor.u32 v1, v2  }
0xa7: {  	[tilespmem:s2+$0x0] =	vst.msk vm0, v1;
	s2 =	sadd.s32 $0x10, s2;
	vm0 =	vmmov vm1  }
0xa8: {  	v1 =	vld.msk [tilespmem:s2+$0x0 ss:$0x1], vm1  }
0xa9: {  	s29 =	sadd.s32 $0xFFFFFFF0, s29  }
.LBB2_13:
0xaa: {  	_ =	sdelay $0x3  }
0xab: {  	v2 =	vshll.u32 v1, $0x5;
	v1 =	vshll.u32 v1, $0x4  }
0xac: {  	v2 =	vand.u32 $0xFFFFFF00, v2;
	v1 =	vand.u32 $0x70, v1  }
0xad: {  	v1 =	vor.u32 v1, v2  }
0xae: {  	[tilespmem:s2+$0x0] =	vst.msk vm0, v1  }
.LBB2_14:
0xaf: {  	s2 =	sand.u32 $0x1, s23  }
0xb0: {  	s2 =	smul.u32 $0x70, s2  }
0xb1: {  	p3 =	sne.s32 s28, $0xFFFFFFFF  }
0xb2: {  	v1 =	vld.msk @!p3 [tilespmem:s2+$0x10598], $0x1;
	_ =	sdelay $0x4  }
0xb3: {  	(v2sf) =	vpush @!p3 v1, $0x0;
	_ =	sdelay $0xc  }
.Ltmp13:
0xb4: {  	_ = 	snop;
	(pc) =	sbr.rel @p2 .LBB2_25-.Ltmp13, $4  }
0xb5: {  	_ = 	snop  }
0xb6: {  	s31 =	spop @!p3 (v2sf)  }
0xb7: {  	s24 =	simm.s32 @!p3 $0x0;
	s26 =	smov.u32 s31  }
0xb8: {  	[sflag:s17] =	ssyncpa.u1 $0x0;
	s31 =	smov.u32 @p3 s5;
	s26 =	smov.u32 @p3 s28  }
0xb9: {  	v1 =	vld.msk [tilespmem:s25+$0x0], $0x1;
	_ =	sdelay $0x4  }
0xba: {  	(v2sf) =	vpush v1, $0x0;
	_ =	sdelay $0xe  }
0xbb: {  	s7 =	smov.u32 s11;
	s5 =	spop (v2sf)  }
0xbc: {  	s17 =	smov.u32 s15;
	s2 =	smul.u32 $0x1C000, s4;
	p2 =	seq.s32 s31, s5  }
0xbd: {  	s3 =	smov.u32 s31;
	s29 =	ssub.s32 $0x0, s0;
	p3 =	sgt.s32 @!p2 s31, $0x0  }
0xbe: {  	s30 =	simm.s32 $0x0;
	s2 =	sshrl.u32 s2, $0x2;
	p3 =	por !p3, p2  }
0xbf: {  	s0 =	sadd.s32 $0x1, s29;
	s28 =	sor.u32 $0x106F8, s2;
	s3 =	simm.s32 @p3 $0x0  }
0xc0: {  	s2 =	simm.s32 @!p2 $0x1;
	p3 =	seq.s32 s0, $0x0;
	s3 =	smin.u32 @!p2 s3, $0x4E170  }
.Ltmp14:
0xc1: {  	s4 =	simm.s32 @!p2 $0x7308;
	s9 =	sand.u32 @!p2 $0x7FFF8, s3;
	(pc) =	sbr.rel @p3 .LBB2_17-.Ltmp14, $4  }
0xc2: {  	s10 =	sadd.s32 @!p2 $0x80, s3;
	s11 =	sadd.s32 @!p2 s1, s9;
	s9 =	sand.u32 @!p2 $0x7, s3  }
0xc3: {  	[tilespmem:s4], [sflag:$0x2] =	stream.linear.gather @!p2 [hbm4b:s11+s9], $0x80, $0x38;
	[tilespmem:$0x1E678] =	vst v63  }
0xc4: {  	s15 =	smov.u32 s14;
	s2 =	smov.u32 @p2 s30;
	s4 =	sand.u32 @!p2 $0xFFFF8, s10  }
0xc5: {  	s3 =	simm.s32 @!p2 $0x7388;
	s10 =	sadd.s32 @!p2 s1, s4;
	s4 =	sadd.s32 $0x1, s25  }
.LBB2_16:
0xc6: {  	s11 =	smov.u32 s2  }
0xc7: {  	[tilespmem:s3], [sflag:$0x2] =	stream.linear.gather @!p2 [hbm4b:s10+s9], $0x80, $0x38;
	[tilespmem:$0x1E678] =	vst v63  }
0xc8: {  	s0 =	sadd.s32 $0x1, s0;
	s9 =	smov.u32 s5;
	v1 =	vld.msk [tilespmem:s4+$0x0], $0x1  }
0xc9: {  	p3 =	seq.s32 s0, $0x0;
	_ =	sdelay $0x3  }
0xca: {  	(v2sf) =	vpush v1, $0x0;
	_ =	sdelay $0xe  }
0xcb: {  	s5 =	spop (v2sf)  }
0xcc: {  	p2 =	seq.s32 s9, s5  }
0xcd: {  	p4 =	sgt.s32 @!p2 s9, $0x0;
	s3 =	sshll.u32 @!p2 s2, $0xA;
	s2 =	sadd.s32 @!p2 $0x1, s2  }
0xce: {  	p4 =	por !p4, p2;
	s3 =	sshra.s32 @!p2 s3, $0x2;
	s2 =	smov.u32 @p2 s11  }
0xcf: {  	s9 =	simm.s32 @p4 $0x0;
	s10 =	sadd.s32 @!p2 $0x7308, s3;
	s3 =	sadd.s32 @!p2 $0x7388, s3  }
.Ltmp15:
0xd0: {  	s9 =	smin.u32 @!p2 s9, $0x4E170;
	(pc) =	sbr.rel @!p3 .LBB2_16-.Ltmp15, $4  }
0xd1: {  	s11 =	sand.u32 @!p2 $0x7FFF8, s9;
	s14 =	sadd.s32 @!p2 $0x80, s9  }
0xd2: {  	s9 =	sand.u32 @!p2 $0x7, s9;
	s11 =	sadd.s32 @!p2 s1, s11;
	s14 =	sand.u32 @!p2 $0xFFFF8, s14  }
0xd3: {  	[tilespmem:s10], [sflag:$0x2] =	stream.linear.gather @!p2 [hbm4b:s11+s9], $0x80, $0x38;
	[tilespmem:$0x1E678] =	vst v63  }
0xd4: {  	s4 =	sadd.s32 $0x1, s4;
	s10 =	sadd.s32 @!p2 s1, s14  }
.LBB2_17:
0xd5: {  	[tilespmem:s3], [sflag:$0x2] =	stream.linear.gather @!p2 [hbm4b:s10+s9], $0x80, $0x38;
	[tilespmem:$0x1E678] =	vst v63  }
0xd6: {  	s0 =	sshll.u32 s2, $0x8  }
.Ltmp16:
0xd7: {  	s14 =	simm.s32 $0x2;
	s0 =	sand.u32 $0x3FFFFF00, s0;
	(pc) =	sbr.rel .LBB2_18-.Ltmp16, $4  }
0xd8: {  	_ =	swait.ge [sflag:s14], s0  }
0xd9: {  	s0 =	ssub.s32 $0x0, s0;
	[sflag:s14] =	ssyncset.done $0x0  }
0xda: {  	s4 =	simm.s32 $0x0;
	s11 =	smov.u32 s7;
	[sflag:s14] =	ssyncadd.s32 s0  }
0xdb: {  	s14 =	smov.u32 s15;
	s15 =	smov.u32 s17;
	s17 =	simm.s32 $0xC  }
.LBB2_19:
0xdc: {  	v1 =	vld [tilespmem:s28+$0xFFFFFF80];
	_ =	sdelay $0x4  }
0xdd: {  	[tilespmem:s5+$0x208] =	vst.add.f32.msk $0xffff, v1  }
0xde: {  	v1 =	vld [tilespmem:s28+$0xFFFFFF90];
	_ =	sdelay $0x4  }
0xdf: {  	[tilespmem:s5+$0x218] =	vst.add.f32.msk $0xffff, v1  }
0xe0: {  	v1 =	vld [tilespmem:s28+$0xFFFFFFA0];
	_ =	sdelay $0x4  }
0xe1: {  	[tilespmem:s5+$0x228] =	vst.add.f32.msk $0xffff, v1  }
0xe2: {  	v1 =	vld [tilespmem:s28+$0xFFFFFFB0];
	_ =	sdelay $0x4  }
0xe3: {  	[tilespmem:s5+$0x238] =	vst.add.f32.msk $0xffff, v1  }
0xe4: {  	v1 =	vld [tilespmem:s28+$0xFFFFFFC0];
	_ =	sdelay $0x4  }
0xe5: {  	[tilespmem:s5+$0x248] =	vst.add.f32.msk $0xffff, v1  }
0xe6: {  	v1 =	vld [tilespmem:s28+$0xFFFFFFD0];
	_ =	sdelay $0x4  }
0xe7: {  	[tilespmem:s5+$0x258] =	vst.add.f32.msk $0xffff, v1  }
0xe8: {  	v1 =	vld [tilespmem:s28+$0xFFFFFFE0];
	_ =	sdelay $0x4  }
0xe9: {  	[tilespmem:s5+$0x268] =	vst.add.f32.msk $0xffff, v1  }
0xea: {  	v1 =	vld [tilespmem:s28+$0xFFFFFFF0];
	_ =	sdelay $0x4  }
0xeb: {  	[tilespmem:s5+$0x278] =	vst.add.f32.msk $0xffff, v1  }
0xec: {  	v1 =	vld [tilespmem:s28+$0x0];
	_ =	sdelay $0x4  }
0xed: {  	[tilespmem:s5+$0x288] =	vst.add.f32.msk $0xffff, v1  }
0xee: {  	v1 =	vld [tilespmem:s28+$0x10];
	_ =	sdelay $0x4  }
0xef: {  	[tilespmem:s5+$0x298] =	vst.add.f32.msk $0xffff, v1  }
0xf0: {  	v1 =	vld [tilespmem:s28+$0x20];
	_ =	sdelay $0x4  }
0xf1: {  	[tilespmem:s5+$0x2A8] =	vst.add.f32.msk $0xffff, v1  }
0xf2: {  	v1 =	vld [tilespmem:s28+$0x30];
	_ =	sdelay $0x4  }
0xf3: {  	[tilespmem:s5+$0x2B8] =	vst.add.f32.msk $0xffff, v1  }
0xf4: {  	v1 =	vld [tilespmem:s28+$0x40];
	_ =	sdelay $0x4  }
0xf5: {  	[tilespmem:s5+$0x2C8] =	vst.add.f32.msk $0xffff, v1  }
0xf6: {  	v1 =	vld [tilespmem:s28+$0x50];
	_ =	sdelay $0x4  }
0xf7: {  	[tilespmem:s5+$0x2D8] =	vst.add.f32.msk $0xffff, v1  }
0xf8: {  	v1 =	vld [tilespmem:s28+$0x60];
	_ =	sdelay $0x4  }
0xf9: {  	[tilespmem:s5+$0x2E8] =	vst.add.f32.msk $0xffff, v1  }
0xfa: {  	v1 =	vld [tilespmem:s28+$0x70];
	_ =	sdelay $0x4  }
0xfb: {  	[tilespmem:s5+$0x2F8] =	vst.add.f32.msk $0xffff, v1  }
.LBB2_23:
0xfc: {  	s29 =	sadd.s32 $0x1, s29  }
0xfd: {  	p2 =	seq.s32 s29, $0x0  }
.Ltmp17:
0xfe: {  	_ = 	snop;
	(pc) =	sbr.rel @p2 .LBB2_24-.Ltmp17, $2  }
0xff: {  	_ =	sdelay $0x2  }
0x100: {  	s25 =	sadd.s32 $0x1, s25;
	s28 =	sadd.s32 $0x100, s28;
	s31 =	smov.u32 s0  }
.LBB2_18:
0x101: {  	v1 =	vld.msk [tilespmem:s25+$0x0], $0x1;
	_ =	sdelay $0x4  }
0x102: {  	(v2sf) =	vpush v1, $0x0;
	_ =	sdelay $0xe  }
0x103: {  	s0 =	spop (v2sf)  }
0x104: {  	p2 =	sne.s32 s31, s0  }
.Ltmp18:
0x105: {  	_ = 	snop;
	(pc) =	sbr.rel @!p2 .LBB2_19-.Ltmp18, $3  }
0x106: {  	_ =	sdelay $0x1  }
0x107: {  	s2 =	sshll.u32 s24, $0xA  }
0x108: {  	s5 =	sshra.s32 s2, $0x2  }
0x109: {  	p2 =	seq.s32 s31, s26  }
.Ltmp19:
0x10a: {  	_ = 	snop;
	(pc) =	sbr.rel @!p2 .LBB2_21-.Ltmp19, $1  }
0x10b: {  	_ =	sdelay $0x3  }
.Ltmp20:
0x10c: {  	s2 =	sadd.s32 $0x208, s5;
	(pc) =	sbr.rel .LBB2_22-.Ltmp20, $4  }
0x10d: {  	[spmem:s16] =	stream.linear.scatter [tilespmem:s2], [sflag:$0x1], $0x100, $0x38;
	[tilespmem:$0x1E678] =	vst v63  }
0x10e: {  	_ =	swait.ge [sflag:s12], $0x100  }
0x10f: {  	[sflag:s12] =	ssyncset.done $0x0  }
0x110: {  	[sflag:s12] =	ssyncadd.s32 $0xFFFFFF00  }
.LBB2_21:
0x111: {  	s2 =	sshll.u32 s30, $0xA  }
0x112: {  	s2 =	sshra.s32 s2, $0x2  }
0x113: {  	v1 =	vld [tilespmem:s2+$0x7308];
	_ =	sdelay $0x4  }
0x114: {  	[tilespmem:s5+$0x208] =	vst.add.f32.msk $0xffff, v1  }
0x115: {  	v1 =	vld [tilespmem:s2+$0x7318];
	_ =	sdelay $0x4  }
0x116: {  	[tilespmem:s5+$0x218] =	vst.add.f32.msk $0xffff, v1  }
0x117: {  	v1 =	vld [tilespmem:s2+$0x7328];
	_ =	sdelay $0x4  }
0x118: {  	[tilespmem:s5+$0x228] =	vst.add.f32.msk $0xffff, v1  }
0x119: {  	v1 =	vld [tilespmem:s2+$0x7338];
	_ =	sdelay $0x4  }
0x11a: {  	[tilespmem:s5+$0x238] =	vst.add.f32.msk $0xffff, v1  }
0x11b: {  	v1 =	vld [tilespmem:s2+$0x7348];
	_ =	sdelay $0x4  }
0x11c: {  	[tilespmem:s5+$0x248] =	vst.add.f32.msk $0xffff, v1  }
0x11d: {  	v1 =	vld [tilespmem:s2+$0x7358];
	_ =	sdelay $0x4  }
0x11e: {  	[tilespmem:s5+$0x258] =	vst.add.f32.msk $0xffff, v1  }
0x11f: {  	v1 =	vld [tilespmem:s2+$0x7368];
	_ =	sdelay $0x4  }
0x120: {  	[tilespmem:s5+$0x268] =	vst.add.f32.msk $0xffff, v1  }
0x121: {  	v1 =	vld [tilespmem:s2+$0x7378];
	_ =	sdelay $0x4  }
0x122: {  	[tilespmem:s5+$0x278] =	vst.add.f32.msk $0xffff, v1  }
0x123: {  	v1 =	vld [tilespmem:s2+$0x7388];
	_ =	sdelay $0x4  }
0x124: {  	[tilespmem:s5+$0x288] =	vst.add.f32.msk $0xffff, v1  }
0x125: {  	v1 =	vld [tilespmem:s2+$0x7398];
	_ =	sdelay $0x4  }
0x126: {  	[tilespmem:s5+$0x298] =	vst.add.f32.msk $0xffff, v1  }
0x127: {  	v1 =	vld [tilespmem:s2+$0x73A8];
	_ =	sdelay $0x4  }
0x128: {  	[tilespmem:s5+$0x2A8] =	vst.add.f32.msk $0xffff, v1  }
0x129: {  	v1 =	vld [tilespmem:s2+$0x73B8];
	_ =	sdelay $0x4  }
0x12a: {  	[tilespmem:s5+$0x2B8] =	vst.add.f32.msk $0xffff, v1  }
0x12b: {  	v1 =	vld [tilespmem:s2+$0x73C8];
	_ =	sdelay $0x4  }
0x12c: {  	[tilespmem:s5+$0x2C8] =	vst.add.f32.msk $0xffff, v1  }
0x12d: {  	v1 =	vld [tilespmem:s2+$0x73D8];
	_ =	sdelay $0x4  }
0x12e: {  	[tilespmem:s5+$0x2D8] =	vst.add.f32.msk $0xffff, v1  }
0x12f: {  	v1 =	vld [tilespmem:s2+$0x73E8];
	_ =	sdelay $0x4  }
0x130: {  	[tilespmem:s5+$0x2E8] =	vst.add.f32.msk $0xffff, v1  }
0x131: {  	v1 =	vld [tilespmem:s2+$0x73F8];
	_ =	sdelay $0x2  }
0x132: {  	p2 =	sgt.u32 s31, $0x4E170  }
0x133: {  	s2 =	sand.u32 @!p2 $0x7FFF8, s31  }
0x134: {  	s3 =	sadd.s32 $0x208, s5;
	s9 =	sand.u32 @!p2 $0x7, s31;
	s2 =	sadd.s32 @!p2 s1, s2;
	[tilespmem:s5+$0x2F8] =	vst.add.f32.msk $0xffff, v1  }
0x135: {  	[hbm4b:s2+s9] =	stream.linear.scatter @!p2 [tilespmem:s3], [sflag:$0xC], $0x80, $0x38;
	[tilespmem:$0x1E678] =	vst v63  }
0x136: {  	s2 =	sadd.s32 @!p2 $0x80, s31  }
0x137: {  	s2 =	sand.u32 @!p2 $0xFFFF8, s2  }
0x138: {  	s3 =	sadd.s32 $0x288, s5;
	s2 =	sadd.s32 @!p2 s1, s2  }
0x139: {  	[hbm4b:s2+s9] =	stream.linear.scatter @!p2 [tilespmem:s3], [sflag:$0xC], $0x80, $0x38;
	[tilespmem:$0x1E678] =	vst v63  }
0x13a: {  	s2 =	simm.s32 $0x0  }
0x13b: {  	s2 =	simm.s32 @!p2 $0x400  }
0x13c: {  	s4 =	sadd.s32 s2, s4  }
.LBB2_22:
0x13d: {  	s2 =	sadd.s32 $0x1, s24  }
0x13e: {  	s3 =	sshrl.u32 s2, $0x4  }
0x13f: {  	s3 =	smulhi.u32 $0x24924925, s3  }
0x140: {  	v1 =	vld [tilespmem:s28+$0xFFFFFF80]  }
0x141: {  	s3 =	smul.u32 $0x70, s3;
	_ =	sdelay $0x1  }
0x142: {  	s24 =	ssub.s32 s2, s3  }
0x143: {  	s2 =	sshll.u32 s24, $0x8  }
0x144: {  	[tilespmem:s2+$0x208] =	vst v1  }
0x145: {  	v1 =	vld [tilespmem:s28+$0xFFFFFF90];
	_ =	sdelay $0x4  }
0x146: {  	[tilespmem:s2+$0x218] =	vst v1  }
0x147: {  	v1 =	vld [tilespmem:s28+$0xFFFFFFA0];
	_ =	sdelay $0x4  }
0x148: {  	[tilespmem:s2+$0x228] =	vst v1  }
0x149: {  	v1 =	vld [tilespmem:s28+$0xFFFFFFB0];
	_ =	sdelay $0x4  }
0x14a: {  	[tilespmem:s2+$0x238] =	vst v1  }
0x14b: {  	v1 =	vld [tilespmem:s28+$0xFFFFFFC0];
	_ =	sdelay $0x4  }
0x14c: {  	[tilespmem:s2+$0x248] =	vst v1  }
0x14d: {  	v1 =	vld [tilespmem:s28+$0xFFFFFFD0];
	_ =	sdelay $0x4  }
0x14e: {  	[tilespmem:s2+$0x258] =	vst v1  }
0x14f: {  	v1 =	vld [tilespmem:s28+$0xFFFFFFE0];
	_ =	sdelay $0x4  }
0x150: {  	[tilespmem:s2+$0x268] =	vst v1  }
0x151: {  	v1 =	vld [tilespmem:s28+$0xFFFFFFF0];
	_ =	sdelay $0x4  }
0x152: {  	[tilespmem:s2+$0x278] =	vst v1  }
0x153: {  	v1 =	vld [tilespmem:s28+$0x0];
	_ =	sdelay $0x4  }
0x154: {  	[tilespmem:s2+$0x288] =	vst v1  }
0x155: {  	v1 =	vld [tilespmem:s28+$0x10];
	_ =	sdelay $0x4  }
0x156: {  	[tilespmem:s2+$0x298] =	vst v1  }
0x157: {  	v1 =	vld [tilespmem:s28+$0x20];
	_ =	sdelay $0x4  }
0x158: {  	[tilespmem:s2+$0x2A8] =	vst v1  }
0x159: {  	v1 =	vld [tilespmem:s28+$0x30];
	_ =	sdelay $0x4  }
0x15a: {  	[tilespmem:s2+$0x2B8] =	vst v1  }
0x15b: {  	v1 =	vld [tilespmem:s28+$0x40];
	_ =	sdelay $0x4  }
0x15c: {  	[tilespmem:s2+$0x2C8] =	vst v1  }
0x15d: {  	v1 =	vld [tilespmem:s28+$0x50];
	_ =	sdelay $0x4  }
0x15e: {  	[tilespmem:s2+$0x2D8] =	vst v1  }
0x15f: {  	v1 =	vld [tilespmem:s28+$0x60];
	_ =	sdelay $0x4  }
0x160: {  	[tilespmem:s2+$0x2E8] =	vst v1  }
0x161: {  	v1 =	vld [tilespmem:s28+$0x70]  }
.Ltmp21:
0x162: {  	_ = 	snop;
	(pc) =	sbr.rel .LBB2_23-.Ltmp21, $2  }
0x163: {  	_ =	sdelay $0x2  }
0x164: {  	s30 =	sadd.s32 $0x1, s30;
	[tilespmem:s2+$0x2F8] =	vst v1  }
.LBB2_25:
.Ltmp22:
0x165: {  	(pc) =	sbr.rel .LBB2_26-.Ltmp22, $4  }
0x166: {  	_ = 	snop  }
0x167: {  	s0 =	simm.s32 $0x2  }
0x168: {  	_ =	swait.ge [sflag:s0], $0x0  }
0x169: {  	s2 =	simm.s32 $0x0;
	[sflag:s0] =	ssyncset.done $0x0;
	s0 =	smov.u32 s31  }
.LBB2_28:
0x16a: {  	_ =	sfence.sel $0x180000  }
0x16b: {  	s0 =	simm.s32 $0x9;
	[bflag:$0x0] =	sbarrier.arrive $0xFFFF  }
0x16c: {  	s24 =	simm.s32 $0xA;
	[sflag:s0] =	ssyncpa.u1 $0x1  }
0x16d: {  	s25 =	simm.s32 $0xB;
	[sflag:s24] =	ssyncpa.u1 $0x1  }
0x16e: {  	s26 =	simm.s32 $0x2;
	[sflag:s25] =	ssyncpa.u1 $0x1  }
0x16f: {  	[sflag:s26] =	ssyncpa.u1 $0x1  }
0x170: {  	v0 =	vld [tilespmem:$0xE408];
	_ =	sdelay $0x4  }
0x171: {  	(v2sf) =	vpush v0, $0x0  }
0x172: {  	(v2sf) =	vpush v0, $0x1;
	_ =	sdelay $0x1  }
0x173: {  	(v2sf) =	vpush v0, $0x2;
	_ =	sdelay $0xb  }
0x174: {  	s0 =	spop (v2sf)  }
0x175: {  	s2 =	spop (v2sf)  }
0x176: {  	s3 =	smov.u32 s0;
	p0 =	sne.s32 s0, s2  }
0x177: {  	s4 =	spop (v2sf);
	s3 =	simm.s32 @!p0 $0xFFFFFFFF  }
0x178: {  	v2 =	vimm.s32 $0x1;
	v3 =	vlaneseq.u32;
	p0 =	seq.s32 s4, $0xFFFFFFFF;
	v1 =	vmov s3  }
0x179: {  	s15 =	stileid.u32;
	v0 =	vperm.xlane v0, v2;
	p1 =	sne.s32 @!p0 s0, s2;
	v1 =	vperm.xlane v1, v3  }
0x17a: {  	vm0 =	vcmask $0x3F04;
	s6 =	simm.s32 $0xE408;
	s0 =	simm.s32 @!p0 $0x1;
	p1 =	por !p1, p0  }
0x17b: {  	s3 =	sshll.u32 s15, $0x1;
	s2 =	sshll.u32 @!p0 s4, $0xA;
	s0 =	simm.s32 @p1 $0x0;
	v0 =	vsel vm0, v1, v0  }
0x17c: {  	s5 =	sor.u32 $0x2000, s3;
	s2 =	sshra.s32 @!p0 s2, $0x2;
	s0 =	sor.u32 @!p0 s0, s3;
	[tilespmem:$0xE408] =	vst v0  }
0x17d: {  	[spmem:s5] =	stream.linear.scatter [tilespmem:s6], [sflag:$0x1], $0x2, $0x38;
	[tilespmem:$0x1E678] =	vst v63  }
0x17e: {  	s2 =	sadd.s32 @!p0 $0x208, s2;
	s0 =	sshll.u32 @!p0 s0, $0x8  }
0x17f: {  	[spmem:s0] =	stream.linear.scatter @!p0 [tilespmem:s2], [sflag:$0x1], $0x100, $0x38;
	[tilespmem:$0x1E678] =	vst v63  }
0x180: {  	s0 =	simm.s32 @!p0 $0x102  }
0x181: {  	s28 =	simm.s32 $0x1;
	s0 =	simm.s32 @p0 $0x2  }
0x182: {  	_ =	swait.ge [sflag:s28], s0  }
0x183: {  	s0 =	ssub.s32 $0x0, s0;
	[sflag:s28] =	ssyncset.done $0x0  }
0x184: {  	p0 =	sne.s32 s15, $0x0;
	[sflag:s28] =	ssyncadd.s32 s0  }
.Ltmp23:
0x185: {  	_ =	sfence.stream.spmem;
	(pc) =	sbr.rel @p0 .LBB2_45-.Ltmp23, $4  }
0x186: {  	s29 =	simm.s32 $0x3;
	[bflag:$0x0] =	sbarrier.arrive $0xFFFF  }
0x187: {  	s30 =	simm.s32 $0x4;
	[sflag:s29] =	ssyncpa.u1 $0x1  }
0x188: {  	s31 =	simm.s32 $0x3C;
	[sflag:s30] =	ssyncpa.u1 $0x1  }
0x189: {  	s14 =	rddreg [dreg:$0x4];
	[sflag:s31] =	ssyncpa.u1 $0x1  }
0x18a: {  	_ =	sfence.stream.spmem;
	s0 =	simm.s32 $0x5  }
0x18b: {  	s2 =	simm.s32 $0x2000;
	s3 =	simm.s32 $0xE418;
	[sflag:s0] =	ssyncpa.u1 $0x0  }
0x18c: {  	[tilespmem:s3], [sflag:$0x5] =	stream.linear.gather [spmem:s2], $0x20, $0x38;
	[tilespmem:$0x1E678] =	vst v63  }
0x18d: {  	s26 =	simm.s32 $0x0;
	s28 =	simm.s32 $0xE438  }
0x18e: {  	[tilespmem:s28], [sflag:$0x5] =	stream.linear.gather [spmem:s26], $0x2000, $0x38;
	[tilespmem:$0x1E678] =	vst v63  }
0x18f: {  	_ =	swait.ge [sflag:s0], $0x2020  }
0x190: {  	[sflag:s0] =	ssyncset.done $0x0  }
0x191: {  	s29 =	simm.s32 $0x0;
	[sflag:s0] =	ssyncadd.s32 $0xFFFFDFE0  }
0x192: {  	v0 =	vld.msk [tilespmem:s29+$0xE418], $0x1;
	_ =	sdelay $0x1  }
0x193: {  	s30 =	simm.s32 $0x1  }
0x194: {  	v1 =	vld.msk [tilespmem:s30+$0xE418], $0x1;
	_ =	sdelay $0x1  }
0x195: {  	(v2sf) =	vpush v0, $0x0;
	_ =	sdelay $0x2  }
0x196: {  	(v2sf) =	vpush v1, $0x0;
	_ =	sdelay $0x2  }
0x197: {  	s31 =	simm.s32 $0x2  }
0x198: {  	v0 =	vld.msk [tilespmem:s31+$0xE418], $0x1;
	_ =	sdelay $0x2  }
0x199: {  	s2 =	simm.s32 $0xFFFFFFFF;
	s3 =	simm.s32 $0xFFFFFFFF;
	s0 =	simm.s32 $0xC  }
.LBB2_30:
0x19a: {  	s4 =	smov.u32 s3;
	s5 =	smov.u32 s2  }
0x19b: {  	s2 =	sshra.s32 s0, $0x2;
	p1 =	sne.s32 s0, $0x7C;
	s0 =	sadd.s32 $0x4, s0;
	(v2sf) =	vpush v0, $0x0  }
0x19c: {  	v0 =	vld.msk [tilespmem:s2+$0xE418], $0x1  }
.Ltmp24:
0x19d: {  	(pc) =	sbr.rel @p1 .LBB2_30-.Ltmp24, $4  }
0x19e: {  	s3 =	spop (v2sf)  }
0x19f: {  	p2 =	sne.s32 s5, $0xFFFFFFFF;
	s2 =	smov.u32 s3  }
0x1a0: {  	p3 =	seq.s32 s3, $0xFFFFFFFF;
	s2 =	smov.u32 @p2 s5  }
0x1a1: {  	s3 =	smov.u32 @p3 s4;
	s2 =	smov.u32 @p3 s5  }
0x1a2: {  	(v2sf) =	vpush v0, $0x0;
	_ =	sdelay $0x8  }
0x1a3: {  	s0 =	spop (v2sf)  }
0x1a4: {  	p1 =	sne.s32 s2, $0xFFFFFFFF;
	s9 =	simm.s32 $0x6;
	s4 =	smov.u32 s0  }
0x1a5: {  	s6 =	simm.s32 $0x0;
	p2 =	seq.s32 s0, $0xFFFFFFFF;
	s4 =	smov.u32 @p1 s2  }
0x1a6: {  	s10 =	simm.s32 $0xE308;
	s4 =	smov.u32 @p2 s2;
	s2 =	spop (v2sf)  }
0x1a7: {  	s0 =	smov.u32 @p2 s3;
	p1 =	sne.s32 s4, $0xFFFFFFFF;
	s5 =	smov.u32 s2  }
.Ltmp25:
0x1a8: {  	p2 =	seq.s32 s2, $0xFFFFFFFF;
	s5 =	smov.u32 @p1 s4;
	(pc) =	sbr.rel .LBB2_32-.Ltmp25, $4  }
0x1a9: {  	s11 =	simm.s32 $0xE388;
	s5 =	smov.u32 @p2 s4;
	s7 =	spop (v2sf)  }
0x1aa: {  	s12 =	simm.s32 $0x0;
	p1 =	sne.s32 s5, $0xFFFFFFFF;
	s8 =	smov.u32 s7  }
0x1ab: {  	s2 =	smov.u32 @p2 s0;
	p2 =	seq.s32 s7, $0xFFFFFFFF;
	s8 =	smov.u32 @p1 s5  }
0x1ac: {  	[sflag:s9] =	ssyncpa.u1 $0x0;
	s7 =	smov.u32 @p2 s2;
	s8 =	smov.u32 @p2 s5  }
.LBB2_38:
0x1ad: {  	p1 =	sgt.u32 s0, $0x4E170  }
0x1ae: {  	p2 =	seq.s32 @!p1 s0, s8  }
0x1af: {  	p1 =	por p1, p2  }
0x1b0: {  	p2 =	sne.s32 @!p1 s0, s7  }
0x1b1: {  	p1 =	por p1, !p2  }
0x1b2: {  	s0 =	sshll.u32 @p1 s12, $0xA  }
0x1b3: {  	s2 =	sand.u32 @!p1 $0x7FFF8, s0;
	s3 =	sand.u32 @!p1 $0x7, s0;
	s0 =	sadd.s32 @!p1 $0x80, s0  }
0x1b4: {  	s2 =	sadd.s32 @!p1 s1, s2;
	s0 =	sand.u32 @!p1 $0xFFFF8, s0  }
0x1b5: {  	[tilespmem:s10], [sflag:$0x6] =	stream.linear.gather @!p1 [hbm4b:s2+s3], $0x80, $0x38;
	[tilespmem:$0x1E678] =	vst v63  }
0x1b6: {  	s0 =	sadd.s32 @!p1 s1, s0  }
0x1b7: {  	[tilespmem:s11], [sflag:$0x6] =	stream.linear.gather @!p1 [hbm4b:s0+s3], $0x80, $0x38;
	[tilespmem:$0x1E678] =	vst v63  }
0x1b8: {  	_ =	swait.ge @!p1 [sflag:s9], $0x100  }
0x1b9: {  	[sflag:s9] =	ssyncset.done @!p1 $0x0  }
0x1ba: {  	[sflag:s9] =	ssyncadd.s32 @!p1 $0xFFFFFF00  }
0x1bb: {  	v1 =	vld @!p1 [tilespmem:$0xE308];
	_ =	sdelay $0x2  }
0x1bc: {  	s0 =	sshll.u32 @!p1 s12, $0xA  }
0x1bd: {  	s2 =	sshrl.u32 @!p1 s0, $0x2  }
0x1be: {  	[tilespmem:s2+$0xE438] =	vst.add.f32.msk @!p1 $0xffff, v1  }
0x1bf: {  	v1 =	vld @!p1 [tilespmem:$0xE318];
	_ =	sdelay $0x4  }
0x1c0: {  	[tilespmem:s2+$0xE448] =	vst.add.f32.msk @!p1 $0xffff, v1  }
0x1c1: {  	v1 =	vld @!p1 [tilespmem:$0xE328];
	_ =	sdelay $0x4  }
0x1c2: {  	[tilespmem:s2+$0xE458] =	vst.add.f32.msk @!p1 $0xffff, v1  }
0x1c3: {  	v1 =	vld @!p1 [tilespmem:$0xE338];
	_ =	sdelay $0x4  }
0x1c4: {  	[tilespmem:s2+$0xE468] =	vst.add.f32.msk @!p1 $0xffff, v1  }
0x1c5: {  	v1 =	vld @!p1 [tilespmem:$0xE348];
	_ =	sdelay $0x4  }
0x1c6: {  	[tilespmem:s2+$0xE478] =	vst.add.f32.msk @!p1 $0xffff, v1  }
0x1c7: {  	v1 =	vld @!p1 [tilespmem:$0xE358];
	_ =	sdelay $0x4  }
0x1c8: {  	[tilespmem:s2+$0xE488] =	vst.add.f32.msk @!p1 $0xffff, v1  }
0x1c9: {  	v1 =	vld @!p1 [tilespmem:$0xE368];
	_ =	sdelay $0x4  }
0x1ca: {  	[tilespmem:s2+$0xE498] =	vst.add.f32.msk @!p1 $0xffff, v1  }
0x1cb: {  	v1 =	vld @!p1 [tilespmem:$0xE378];
	_ =	sdelay $0x4  }
0x1cc: {  	[tilespmem:s2+$0xE4A8] =	vst.add.f32.msk @!p1 $0xffff, v1  }
0x1cd: {  	v1 =	vld @!p1 [tilespmem:$0xE388];
	_ =	sdelay $0x4  }
0x1ce: {  	[tilespmem:s2+$0xE4B8] =	vst.add.f32.msk @!p1 $0xffff, v1  }
0x1cf: {  	v1 =	vld @!p1 [tilespmem:$0xE398];
	_ =	sdelay $0x4  }
0x1d0: {  	[tilespmem:s2+$0xE4C8] =	vst.add.f32.msk @!p1 $0xffff, v1  }
0x1d1: {  	v1 =	vld @!p1 [tilespmem:$0xE3A8];
	_ =	sdelay $0x4  }
0x1d2: {  	[tilespmem:s2+$0xE4D8] =	vst.add.f32.msk @!p1 $0xffff, v1  }
0x1d3: {  	v1 =	vld @!p1 [tilespmem:$0xE3B8];
	_ =	sdelay $0x4  }
0x1d4: {  	[tilespmem:s2+$0xE4E8] =	vst.add.f32.msk @!p1 $0xffff, v1  }
0x1d5: {  	v1 =	vld @!p1 [tilespmem:$0xE3C8];
	_ =	sdelay $0x4  }
0x1d6: {  	[tilespmem:s2+$0xE4F8] =	vst.add.f32.msk @!p1 $0xffff, v1  }
0x1d7: {  	v1 =	vld @!p1 [tilespmem:$0xE3D8];
	_ =	sdelay $0x4  }
0x1d8: {  	[tilespmem:s2+$0xE508] =	vst.add.f32.msk @!p1 $0xffff, v1  }
0x1d9: {  	v1 =	vld @!p1 [tilespmem:$0xE3E8];
	_ =	sdelay $0x4  }
0x1da: {  	[tilespmem:s2+$0xE518] =	vst.add.f32.msk @!p1 $0xffff, v1  }
0x1db: {  	v1 =	vld @!p1 [tilespmem:$0xE3F8];
	_ =	sdelay $0x4  }
0x1dc: {  	[tilespmem:s2+$0xE528] =	vst.add.f32.msk @!p1 $0xffff, v1  }
0x1dd: {  	s0 =	sshrl.u32 s0, $0x2;
	[tilespmem:s6+$0xE418] =	vst.msk $0x1, v0  }
0x1de: {  	v0 =	vld [tilespmem:s0+$0xE438];
	_ =	sdelay $0x2  }
0x1df: {  	s31 =	sshll.u32 s6, $0xA  }
0x1e0: {  	s2 =	sshra.s32 s31, $0x2  }
0x1e1: {  	[tilespmem:s2+$0xE438] =	vst v0  }
0x1e2: {  	v0 =	vld [tilespmem:s0+$0xE448];
	_ =	sdelay $0x4  }
0x1e3: {  	[tilespmem:s2+$0xE448] =	vst v0  }
0x1e4: {  	v0 =	vld [tilespmem:s0+$0xE458];
	_ =	sdelay $0x4  }
0x1e5: {  	[tilespmem:s2+$0xE458] =	vst v0  }
0x1e6: {  	v0 =	vld [tilespmem:s0+$0xE468];
	_ =	sdelay $0x4  }
0x1e7: {  	[tilespmem:s2+$0xE468] =	vst v0  }
0x1e8: {  	v0 =	vld [tilespmem:s0+$0xE478];
	_ =	sdelay $0x4  }
0x1e9: {  	[tilespmem:s2+$0xE478] =	vst v0  }
0x1ea: {  	v0 =	vld [tilespmem:s0+$0xE488];
	_ =	sdelay $0x4  }
0x1eb: {  	[tilespmem:s2+$0xE488] =	vst v0  }
0x1ec: {  	v0 =	vld [tilespmem:s0+$0xE498];
	_ =	sdelay $0x4  }
0x1ed: {  	[tilespmem:s2+$0xE498] =	vst v0  }
0x1ee: {  	v0 =	vld [tilespmem:s0+$0xE4A8];
	_ =	sdelay $0x4  }
0x1ef: {  	[tilespmem:s2+$0xE4A8] =	vst v0  }
0x1f0: {  	v0 =	vld [tilespmem:s0+$0xE4B8];
	_ =	sdelay $0x4  }
0x1f1: {  	[tilespmem:s2+$0xE4B8] =	vst v0  }
0x1f2: {  	v0 =	vld [tilespmem:s0+$0xE4C8];
	_ =	sdelay $0x4  }
0x1f3: {  	[tilespmem:s2+$0xE4C8] =	vst v0  }
0x1f4: {  	v0 =	vld [tilespmem:s0+$0xE4D8];
	_ =	sdelay $0x4  }
0x1f5: {  	[tilespmem:s2+$0xE4D8] =	vst v0  }
0x1f6: {  	v0 =	vld [tilespmem:s0+$0xE4E8];
	_ =	sdelay $0x4  }
0x1f7: {  	[tilespmem:s2+$0xE4E8] =	vst v0  }
0x1f8: {  	v0 =	vld [tilespmem:s0+$0xE4F8];
	_ =	sdelay $0x4  }
0x1f9: {  	[tilespmem:s2+$0xE4F8] =	vst v0  }
0x1fa: {  	v0 =	vld [tilespmem:s0+$0xE508];
	_ =	sdelay $0x4  }
0x1fb: {  	[tilespmem:s2+$0xE508] =	vst v0  }
0x1fc: {  	v0 =	vld [tilespmem:s0+$0xE518];
	_ =	sdelay $0x4  }
0x1fd: {  	[tilespmem:s2+$0xE518] =	vst v0  }
0x1fe: {  	v0 =	vld [tilespmem:s0+$0xE528];
	_ =	sdelay $0x4  }
0x1ff: {  	s6 =	sadd.s32 $0x1, s6;
	[tilespmem:s2+$0xE528] =	vst v0  }
.LBB2_39:
0x200: {  	s12 =	sadd.s32 $0x1, s12  }
0x201: {  	p1 =	sne.s32 s12, $0x20  }
.Ltmp26:
0x202: {  	_ = 	snop;
	(pc) =	sbr.rel @!p1 .LBB2_40-.Ltmp26, $1  }
0x203: {  	_ =	sdelay $0x3  }
.LBB2_32:
0x204: {  	v0 =	vld.msk [tilespmem:s12+$0xE418], $0x1;
	_ =	sdelay $0x4  }
0x205: {  	(v2sf) =	vpush v0, $0x0;
	_ =	sdelay $0xe  }
0x206: {  	s0 =	spop (v2sf)  }
0x207: {  	p1 =	seq.s32 s0, $0xFFFFFFFF  }
.Ltmp27:
0x208: {  	_ = 	snop;
	(pc) =	sbr.rel @p1 .LBB2_39-.Ltmp27, $1  }
0x209: {  	_ =	sdelay $0x3  }
0x20a: {  	p1 =	slt.s32 s6, $0x1  }
.Ltmp28:
0x20b: {  	_ = 	snop;
	(pc) =	sbr.rel @p1 .LBB2_38-.Ltmp28, $1  }
0x20c: {  	_ =	sdelay $0x3  }
0x20d: {  	s4 =	simm.s32 $0xE418;
	p1 =	por $0x0, $0x0  }
0x20e: {  	v1 =	vld.msk @!p1 [tilespmem:s4+$0x0], $0x1;
	_ =	sdelay $0x4  }
0x20f: {  	(v2sf) =	vpush @!p1 v1, $0x0;
	_ =	sdelay $0xd  }
0x210: {  	p3 =	sne.s32 s6, $0x1  }
.Ltmp29:
0x211: {  	s2 =	spop @!p1 (v2sf);
	(pc) =	sbr.rel @!p3 .LBB2_36-.Ltmp29, $4  }
0x212: {  	p2 =	seq.s32 @!p1 s0, s2  }
0x213: {  	s5 =	simm.s32 $0x0;
	p2 =	por !p2, p1  }
0x214: {  	s2 =	simm.s32 $0xFFFFFFFF;
	s5 =	simm.s32 @p2 $0xFFFFFFFF  }
0x215: {  	s13 =	simm.s32 $0x1;
	s5 =	smov.u32 @p1 s2  }
.LBB2_35:
0x216: {  	s2 =	smov.u32 s5;
	p1 =	sne.s32 s5, $0xFFFFFFFF  }
0x217: {  	s4 =	sadd.s32 $0x1, s4;
	s5 =	smov.u32 s13;
	s13 =	sadd.s32 $0x1, s13  }
0x218: {  	p2 =	sne.s32 s6, s13;
	v1 =	vld.msk @!p1 [tilespmem:s4+$0x0], $0x1;
	_ =	sdelay $0x4  }
0x219: {  	(v2sf) =	vpush @!p1 v1, $0x0;
	_ =	sdelay $0xe  }
.Ltmp30:
0x21a: {  	s3 =	spop @!p1 (v2sf);
	(pc) =	sbr.rel @p2 .LBB2_35-.Ltmp30, $4  }
0x21b: {  	p3 =	seq.s32 @!p1 s0, s3  }
0x21c: {  	p3 =	por !p3, p1  }
0x21d: {  	s5 =	simm.s32 @p3 $0xFFFFFFFF  }
0x21e: {  	s5 =	smov.u32 @p1 s2  }
.LBB2_36:
0x21f: {  	p1 =	seq.s32 s5, $0xFFFFFFFF  }
.Ltmp31:
0x220: {  	_ = 	snop;
	(pc) =	sbr.rel @p1 .LBB2_38-.Ltmp31, $1  }
0x221: {  	_ =	sdelay $0x3  }
0x222: {  	s0 =	sshll.u32 s12, $0x8  }
0x223: {  	s0 =	sand.u32 $0x3FFFFF00, s0  }
0x224: {  	v0 =	vld [tilespmem:s0+$0xE438];
	_ =	sdelay $0x2  }
0x225: {  	s2 =	sshll.u32 s5, $0xA  }
0x226: {  	s2 =	sshra.s32 s2, $0x2  }
0x227: {  	[tilespmem:s2+$0xE438] =	vst.add.f32.msk $0xffff, v0  }
0x228: {  	v0 =	vld [tilespmem:s0+$0xE448];
	_ =	sdelay $0x4  }
0x229: {  	[tilespmem:s2+$0xE448] =	vst.add.f32.msk $0xffff, v0  }
0x22a: {  	v0 =	vld [tilespmem:s0+$0xE458];
	_ =	sdelay $0x4  }
0x22b: {  	[tilespmem:s2+$0xE458] =	vst.add.f32.msk $0xffff, v0  }
0x22c: {  	v0 =	vld [tilespmem:s0+$0xE468];
	_ =	sdelay $0x4  }
0x22d: {  	[tilespmem:s2+$0xE468] =	vst.add.f32.msk $0xffff, v0  }
0x22e: {  	v0 =	vld [tilespmem:s0+$0xE478];
	_ =	sdelay $0x4  }
0x22f: {  	[tilespmem:s2+$0xE478] =	vst.add.f32.msk $0xffff, v0  }
0x230: {  	v0 =	vld [tilespmem:s0+$0xE488];
	_ =	sdelay $0x4  }
0x231: {  	[tilespmem:s2+$0xE488] =	vst.add.f32.msk $0xffff, v0  }
0x232: {  	v0 =	vld [tilespmem:s0+$0xE498];
	_ =	sdelay $0x4  }
0x233: {  	[tilespmem:s2+$0xE498] =	vst.add.f32.msk $0xffff, v0  }
0x234: {  	v0 =	vld [tilespmem:s0+$0xE4A8];
	_ =	sdelay $0x4  }
0x235: {  	[tilespmem:s2+$0xE4A8] =	vst.add.f32.msk $0xffff, v0  }
0x236: {  	v0 =	vld [tilespmem:s0+$0xE4B8];
	_ =	sdelay $0x4  }
0x237: {  	[tilespmem:s2+$0xE4B8] =	vst.add.f32.msk $0xffff, v0  }
0x238: {  	v0 =	vld [tilespmem:s0+$0xE4C8];
	_ =	sdelay $0x4  }
0x239: {  	[tilespmem:s2+$0xE4C8] =	vst.add.f32.msk $0xffff, v0  }
0x23a: {  	v0 =	vld [tilespmem:s0+$0xE4D8];
	_ =	sdelay $0x4  }
0x23b: {  	[tilespmem:s2+$0xE4D8] =	vst.add.f32.msk $0xffff, v0  }
0x23c: {  	v0 =	vld [tilespmem:s0+$0xE4E8];
	_ =	sdelay $0x4  }
0x23d: {  	[tilespmem:s2+$0xE4E8] =	vst.add.f32.msk $0xffff, v0  }
0x23e: {  	v0 =	vld [tilespmem:s0+$0xE4F8];
	_ =	sdelay $0x4  }
0x23f: {  	[tilespmem:s2+$0xE4F8] =	vst.add.f32.msk $0xffff, v0  }
0x240: {  	v0 =	vld [tilespmem:s0+$0xE508];
	_ =	sdelay $0x4  }
0x241: {  	[tilespmem:s2+$0xE508] =	vst.add.f32.msk $0xffff, v0  }
0x242: {  	v0 =	vld [tilespmem:s0+$0xE518];
	_ =	sdelay $0x4  }
0x243: {  	[tilespmem:s2+$0xE518] =	vst.add.f32.msk $0xffff, v0  }
0x244: {  	v0 =	vld [tilespmem:s0+$0xE528]  }
.Ltmp32:
0x245: {  	_ = 	snop;
	(pc) =	sbr.rel .LBB2_39-.Ltmp32, $2  }
0x246: {  	_ =	sdelay $0x2  }
0x247: {  	[tilespmem:s2+$0xE528] =	vst.add.f32.msk $0xffff, v0  }
.LBB2_40:
0x248: {  	s0 =	simm.s32 $0x6;
	p1 =	seq.s32 s6, $0x0  }
0x249: {  	[sflag:s0] =	ssyncpa.u1 $0x1;
	v0 =	vimm.s32 @p1 $0xFFFFFFFF  }
0x24a: {  	s0 =	sadd.s32 $0xFFFFFFFF, s6;
	[tilespmem:$0x10438] =	vst @p1 v0  }
0x24b: {  	v0 =	vld.msk @!p1 [tilespmem:s0+$0xE418], $0x1;
	_ =	sdelay $0x1  }
0x24c: {  	v1 =	vld.msk @!p1 [tilespmem:$0xE418], $0x1;
	_ =	sdelay $0x2  }
0x24d: {  	p2 =	seq.s32 @!p1 s0, $0x0;
	v0 =	vbroadcast @!p1 v0, $0x0  }
0x24e: {  	vm0 =	vmmov @!p1 $0x1;
	p2 =	por !p2, p1  }
0x24f: {  	v1 =	vnsel @!p1 vm0, $0xFFFFFFFF, v1;
	vm0 =	vcmask @!p1 $0x308;
	v0 =	vpsel !p2, $0xFFFFFFFF, v0  }
0x250: {  	p2 =	sne.s32 @!p1 s8, s7;
	v0 =	vsel @!p1 vm0, v1, v0  }
0x251: {  	s2 =	simm.s32 @!p1 $0xE438;
	s3 =	simm.s32 @!p1 $0x0;
	p3 =	por !p2, p1;
	[tilespmem:$0x10438] =	vst @!p1 v0  }
0x252: {  	[spmem:s3] =	stream.linear.scatter @!p1 [tilespmem:s2], [sflag:$0x1], $0x100, $0x38;
	[tilespmem:$0x1E678] =	vst v63  }
0x253: {  	s2 =	sshll.u32 @!p3 s0, $0xA  }
0x254: {  	s2 =	sshra.s32 @!p3 s2, $0x2  }
0x255: {  	s3 =	simm.s32 @!p3 $0x100;
	s2 =	sadd.s32 @!p3 $0xE438, s2  }
0x256: {  	[spmem:s3] =	stream.linear.scatter @!p3 [tilespmem:s2], [sflag:$0x1], $0x100, $0x38;
	[tilespmem:$0x1E678] =	vst v63  }
0x257: {  	s2 =	simm.s32 @!p3 $0x1  }
0x258: {  	_ =	swait.ge @!p3 [sflag:s2], $0x200  }
0x259: {  	p1 =	por p2, p1;
	[sflag:s2] =	ssyncset.done @!p3 $0x0  }
0x25a: {  	[sflag:s2] =	ssyncadd.s32 @!p3 $0xFFFFFE00;
	s2 =	simm.s32 @!p1 $0x1  }
0x25b: {  	_ =	swait.ge @!p1 [sflag:s2], $0x100  }
0x25c: {  	s29 =	simm.s32 $0x10438;
	[sflag:s2] =	ssyncset.done @!p1 $0x0  }
0x25d: {  	s30 =	simm.s32 $0x2000;
	s31 =	simm.s32 $0x1;
	[sflag:s2] =	ssyncadd.s32 @!p1 $0xFFFFFF00  }
0x25e: {  	[spmem:s30] =	stream.linear.scatter [tilespmem:s29], [sflag:$0x1], $0x10, $0x38;
	[tilespmem:$0x1E678] =	vst v63  }
0x25f: {  	_ =	swait.ge [sflag:s31], $0x10  }
0x260: {  	[sflag:s31] =	ssyncset.done $0x0  }
0x261: {  	p1 =	seq.s32 s14, $0x0;
	s9 =	rddreg [dreg:$0x1];
	[sflag:s31] =	ssyncadd.s32 $0xFFFFFFF0  }
0x262: {  	s3 =	sshll.u32 @p1 s9, $0xE;
	s8 =	rddreg [dreg:$0x2]  }
0x263: {  	s2 =	sadd.s32 @p1 $0x15C3C, s3;
	s3 =	sshll.u32 @p1 s8, $0x11  }
0x264: {  	_ =	sfence.stream.spmem;
	s2 =	sor.u32 @p1 s3, s2  }
0x265: {  	[sflag:s2] =	ssyncadd.remote.s32 @p1 $0x1;
	s2 =	simm.s32 @p1 $0x4  }
0x266: {  	s4 =	simm.s32 @!p1 $0x3C;
	s3 =	sand.u32 $0xFFFFFFFE, s9;
	_ =	swait.ge @p1 [sflag:s2], $0x42  }
0x267: {  	s5 =	simm.s32 @!p1 $0x0;
	s3 =	sadd.s32 @!p1 $0x4, s3;
	[sflag:s2] =	ssyncset.done @p1 $0x0  }
0x268: {  	s7 =	simm.s32 @!p1 $0x200;
	[sflag:s2] =	ssyncadd.s32 @p1 $0xFFFFFFBE;
	s2 =	sshll.u32 @!p1 s3, $0x1A  }
0x269: {  	s3 =	sshll.u32 @!p1 s3, $0xD;
	s2 =	sor.u32 @!p1 s2, s8;
	_ =	swait.eq @!p1 [sflag:s4], $0x1  }
0x26a: {  	s3 =	sor.u32 @!p1 $0x1C04, s3;
	s4 =	simm.s32 @!p1 $0x1C03;
	s2 =	sor.u32 @!p1 $0x80004000, s2  }
0x26b: {  	[spmem:s7], [sflag:s3] =	dma.general @!p1 [spmem:s5], [sflag:s4], length:$0x40, [dreg:$0x0], stride_count:$0x0, ici_dest:s2, dma_misc:DstOpCode:WRITE  }
0x26c: {  	p2 =	slt.s32 s0, $0x2;
	s5 =	simm.s32 @!p1 $0x400;
	s7 =	simm.s32 @!p1 $0x402  }
0x26d: {  	[spmem:s7], [sflag:s3] =	dma.general @!p1 [spmem:s5], [sflag:s4], length:$0x2, [dreg:$0x0], stride_count:$0x0, ici_dest:s2, dma_misc:DstOpCode:WRITE  }
.Ltmp33:
0x26e: {  	s2 =	simm.s32 @!p1 $0x3;
	(pc) =	sbr.rel @p2 .LBB2_44-.Ltmp33, $4  }
0x26f: {  	s3 =	sshll.u32 @!p1 s9, $0xE;
	_ =	swait.ge @!p1 [sflag:s2], $0x42  }
0x270: {  	s4 =	sshll.u32 @!p1 s8, $0x11;
	s3 =	sadd.s32 @!p1 $0x11C3C, s3;
	[sflag:s2] =	ssyncset.done @!p1 $0x0  }
0x271: {  	[sflag:s2] =	ssyncadd.s32 @!p1 $0xFFFFFFBE;
	s2 =	sor.u32 @!p1 s4, s3  }
0x272: {  	s0 =	simm.s32 $0x0;
	[sflag:s2] =	ssyncadd.remote.s32 @!p1 $0xFFFFFFFF  }
0x273: {  	s0 =	simm.s32 $0xE419  }
0x274: {  	v0 =	vld.msk [tilespmem:s0+$0x0], $0x1;
	_ =	sdelay $0x4  }
0x275: {  	(v2sf) =	vpush v0, $0x0;
	_ =	sdelay $0xd  }
0x276: {  	s31 =	sadd.s32 $0xFFFFFFFE, s6  }
0x277: {  	s6 =	simm.s32 $0x0;
	s0 =	sadd.s32 $0xFFFFFFFF, s31;
	s2 =	spop (v2sf)  }
0x278: {  	s3 =	simm.s32 $0xE538;
	p1 =	sne.s32 s0, $0x0;
	p2 =	sgt.u32 s2, $0x4E170  }
.Ltmp34:
0x279: {  	s4 =	simm.s32 $0xE638;
	s5 =	sand.u32 @!p2 $0x7FFF8, s2;
	(pc) =	sbr.rel @!p1 .LBB2_43-.Ltmp34, $4  }
0x27a: {  	s7 =	sadd.s32 @!p2 $0x80, s2;
	s2 =	sand.u32 @!p2 $0x7, s2;
	s6 =	simm.s32 @!p2 $0x400  }
0x27b: {  	s5 =	sadd.s32 @!p2 s1, s5;
	s7 =	sand.u32 @!p2 $0xFFFF8, s7;
	s6 =	sadd.s32 $0x0, s6  }
0x27c: {  	[hbm4b:s5+s2] =	stream.linear.scatter @!p2 [tilespmem:s3], [sflag:$0x5], $0x80, $0x38;
	[tilespmem:$0x1E678] =	vst v63  }
0x27d: {  	s5 =	simm.s32 $0xE41A;
	s3 =	simm.s32 @!p2 $0xE5B8;
	s7 =	sadd.s32 @!p2 s1, s7  }
.LBB2_42:
0x27e: {  	[hbm4b:s7+s2] =	stream.linear.scatter @!p2 [tilespmem:s3], [sflag:$0x5], $0x80, $0x38;
	[tilespmem:$0x1E678] =	vst v63  }
0x27f: {  	s0 =	sadd.s32 $0xFFFFFFFF, s0;
	s3 =	smov.u32 s4;
	v0 =	vld.msk [tilespmem:s5+$0x0], $0x1  }
0x280: {  	p1 =	sne.s32 s0, $0x0;
	_ =	sdelay $0x3  }
0x281: {  	(v2sf) =	vpush v0, $0x0;
	_ =	sdelay $0xe  }
0x282: {  	s4 =	sadd.s32 $0x100, s4;
	s8 =	simm.s32 $0x0;
	s2 =	spop (v2sf)  }
.Ltmp35:
0x283: {  	s5 =	sadd.s32 $0x1, s5;
	p2 =	sgt.u32 s2, $0x4E170;
	(pc) =	sbr.rel @p1 .LBB2_42-.Ltmp35, $4  }
0x284: {  	s8 =	simm.s32 @!p2 $0x400;
	s7 =	sand.u32 @!p2 $0x7FFF8, s2;
	s9 =	sadd.s32 @!p2 $0x80, s2  }
0x285: {  	s2 =	sand.u32 @!p2 $0x7, s2;
	s7 =	sadd.s32 @!p2 s1, s7;
	s9 =	sand.u32 @!p2 $0xFFFF8, s9  }
0x286: {  	[hbm4b:s7+s2] =	stream.linear.scatter @!p2 [tilespmem:s3], [sflag:$0x5], $0x80, $0x38;
	[tilespmem:$0x1E678] =	vst v63  }
0x287: {  	s6 =	sadd.s32 s6, s8;
	s3 =	sadd.s32 @!p2 $0x80, s3;
	s7 =	sadd.s32 @!p2 s1, s9  }
.LBB2_43:
0x288: {  	[hbm4b:s7+s2] =	stream.linear.scatter @!p2 [tilespmem:s3], [sflag:$0x5], $0x80, $0x38;
	[tilespmem:$0x1E678] =	vst v63  }
0x289: {  	s0 =	sshrl.u32 s6, $0x2  }
.LBB2_44:
0x28a: {  	s2 =	simm.s32 $0x5  }
0x28b: {  	_ =	swait.ge [sflag:s2], s0  }
0x28c: {  	s31 =	ssub.s32 $0x0, s0;
	[sflag:s2] =	ssyncset.done $0x0  }
0x28d: {  	[sflag:s2] =	ssyncadd.s32 s31  }
0x28e: {  	[sflag:s2] =	ssyncpa.u1 $0x1  }
.LBB2_45:
0x28f: {  	s0 =	sor.u32 s14, s15  }
0x290: {  	p1 =	sne.s32 s0, $0x0  }
.Ltmp36:
0x291: {  	_ = 	snop;
	(pc) =	sbr.rel @p1 .LBB2_60-.Ltmp36, $3  }
0x292: {  	_ =	sdelay $0x1  }
0x293: {  	[bflag:$0x0] =	sbarrier.arrive $0xFFFF  }
0x294: {  	_ =	sfence  }
0x295: {  	s0 =	simm.s32 $0x7  }
0x296: {  	s2 =	simm.s32 $0x2000;
	s3 =	simm.s32 $0xE418;
	[sflag:s0] =	ssyncpa.u1 $0x0  }
0x297: {  	[tilespmem:s3], [sflag:$0x7] =	stream.linear.gather [spmem:s2], $0x20, $0x38;
	[tilespmem:$0x1E678] =	vst v63  }
0x298: {  	s30 =	simm.s32 $0xE438;
	s2 =	simm.s32 $0x0  }
0x299: {  	[tilespmem:s30], [sflag:$0x7] =	stream.linear.gather [spmem:s2], $0x2000, $0x38;
	[tilespmem:$0x1E678] =	vst v63  }
.Ltmp37:
0x29a: {  	_ = 	snop;
	(pc) =	sbr.rel .LBB2_47-.Ltmp37, $4  }
0x29b: {  	_ =	swait.ge [sflag:s0], $0x2020  }
0x29c: {  	[sflag:s0] =	ssyncset.done $0x0  }
0x29d: {  	s31 =	simm.s32 $0x8;
	[sflag:s0] =	ssyncadd.s32 $0xFFFFDFE0  }
0x29e: {  	s3 =	simm.s32 $0x0;
	[sflag:s31] =	ssyncpa.u1 $0x0  }
.LBB2_53:
0x29f: {  	p1 =	slt.u32 s0, $0x4E171  }
0x2a0: {  	s4 =	sand.u32 @p1 $0x7FFF8, s0;
	s5 =	sand.u32 @p1 $0x7, s0;
	s0 =	sadd.s32 @p1 $0x80, s0  }
0x2a1: {  	s6 =	simm.s32 @p1 $0xE308;
	s4 =	sadd.s32 @p1 s1, s4;
	s0 =	sand.u32 @p1 $0xFFFF8, s0  }
0x2a2: {  	[tilespmem:s6], [sflag:$0x8] =	stream.linear.gather @p1 [hbm4b:s4+s5], $0x80, $0x38;
	[tilespmem:$0x1E678] =	vst v63  }
0x2a3: {  	s0 =	sadd.s32 @p1 s1, s0;
	s4 =	simm.s32 @p1 $0xE388  }
0x2a4: {  	[tilespmem:s4], [sflag:$0x8] =	stream.linear.gather @p1 [hbm4b:s0+s5], $0x80, $0x38;
	[tilespmem:$0x1E678] =	vst v63  }
0x2a5: {  	s0 =	simm.s32 @p1 $0x8  }
0x2a6: {  	_ =	swait.ge @p1 [sflag:s0], $0x100  }
0x2a7: {  	[sflag:s0] =	ssyncset.done @p1 $0x0  }
0x2a8: {  	[sflag:s0] =	ssyncadd.s32 @p1 $0xFFFFFF00  }
0x2a9: {  	v1 =	vld @p1 [tilespmem:$0xE308];
	_ =	sdelay $0x2  }
0x2aa: {  	s0 =	sshll.u32 @p1 s3, $0xA  }
0x2ab: {  	s4 =	sshrl.u32 @p1 s0, $0x2  }
0x2ac: {  	[tilespmem:s4+$0xE438] =	vst.add.f32.msk @p1 $0xffff, v1  }
0x2ad: {  	v1 =	vld @p1 [tilespmem:$0xE318];
	_ =	sdelay $0x4  }
0x2ae: {  	[tilespmem:s4+$0xE448] =	vst.add.f32.msk @p1 $0xffff, v1  }
0x2af: {  	v1 =	vld @p1 [tilespmem:$0xE328];
	_ =	sdelay $0x4  }
0x2b0: {  	[tilespmem:s4+$0xE458] =	vst.add.f32.msk @p1 $0xffff, v1  }
0x2b1: {  	v1 =	vld @p1 [tilespmem:$0xE338];
	_ =	sdelay $0x4  }
0x2b2: {  	[tilespmem:s4+$0xE468] =	vst.add.f32.msk @p1 $0xffff, v1  }
0x2b3: {  	v1 =	vld @p1 [tilespmem:$0xE348];
	_ =	sdelay $0x4  }
0x2b4: {  	[tilespmem:s4+$0xE478] =	vst.add.f32.msk @p1 $0xffff, v1  }
0x2b5: {  	v1 =	vld @p1 [tilespmem:$0xE358];
	_ =	sdelay $0x4  }
0x2b6: {  	[tilespmem:s4+$0xE488] =	vst.add.f32.msk @p1 $0xffff, v1  }
0x2b7: {  	v1 =	vld @p1 [tilespmem:$0xE368];
	_ =	sdelay $0x4  }
0x2b8: {  	[tilespmem:s4+$0xE498] =	vst.add.f32.msk @p1 $0xffff, v1  }
0x2b9: {  	v1 =	vld @p1 [tilespmem:$0xE378];
	_ =	sdelay $0x4  }
0x2ba: {  	[tilespmem:s4+$0xE4A8] =	vst.add.f32.msk @p1 $0xffff, v1  }
0x2bb: {  	v1 =	vld @p1 [tilespmem:$0xE388];
	_ =	sdelay $0x4  }
0x2bc: {  	[tilespmem:s4+$0xE4B8] =	vst.add.f32.msk @p1 $0xffff, v1  }
0x2bd: {  	v1 =	vld @p1 [tilespmem:$0xE398];
	_ =	sdelay $0x4  }
0x2be: {  	[tilespmem:s4+$0xE4C8] =	vst.add.f32.msk @p1 $0xffff, v1  }
0x2bf: {  	v1 =	vld @p1 [tilespmem:$0xE3A8];
	_ =	sdelay $0x4  }
0x2c0: {  	[tilespmem:s4+$0xE4D8] =	vst.add.f32.msk @p1 $0xffff, v1  }
0x2c1: {  	v1 =	vld @p1 [tilespmem:$0xE3B8];
	_ =	sdelay $0x4  }
0x2c2: {  	[tilespmem:s4+$0xE4E8] =	vst.add.f32.msk @p1 $0xffff, v1  }
0x2c3: {  	v1 =	vld @p1 [tilespmem:$0xE3C8];
	_ =	sdelay $0x4  }
0x2c4: {  	[tilespmem:s4+$0xE4F8] =	vst.add.f32.msk @p1 $0xffff, v1  }
0x2c5: {  	v1 =	vld @p1 [tilespmem:$0xE3D8];
	_ =	sdelay $0x4  }
0x2c6: {  	[tilespmem:s4+$0xE508] =	vst.add.f32.msk @p1 $0xffff, v1  }
0x2c7: {  	v1 =	vld @p1 [tilespmem:$0xE3E8];
	_ =	sdelay $0x4  }
0x2c8: {  	[tilespmem:s4+$0xE518] =	vst.add.f32.msk @p1 $0xffff, v1  }
0x2c9: {  	v1 =	vld @p1 [tilespmem:$0xE3F8];
	_ =	sdelay $0x3  }
0x2ca: {  	s5 =	sshll.u32 @!p1 s3, $0xA  }
0x2cb: {  	s5 =	smov.u32 @p1 s0;
	[tilespmem:s4+$0xE528] =	vst.add.f32.msk @p1 $0xffff, v1  }
0x2cc: {  	s0 =	sshrl.u32 s5, $0x2;
	[tilespmem:s2+$0xE418] =	vst.msk $0x1, v0  }
0x2cd: {  	v0 =	vld [tilespmem:s0+$0xE438];
	_ =	sdelay $0x2  }
0x2ce: {  	s31 =	sshll.u32 s2, $0xA  }
0x2cf: {  	s4 =	sshra.s32 s31, $0x2  }
0x2d0: {  	[tilespmem:s4+$0xE438] =	vst v0  }
0x2d1: {  	v0 =	vld [tilespmem:s0+$0xE448];
	_ =	sdelay $0x4  }
0x2d2: {  	[tilespmem:s4+$0xE448] =	vst v0  }
0x2d3: {  	v0 =	vld [tilespmem:s0+$0xE458];
	_ =	sdelay $0x4  }
0x2d4: {  	[tilespmem:s4+$0xE458] =	vst v0  }
0x2d5: {  	v0 =	vld [tilespmem:s0+$0xE468];
	_ =	sdelay $0x4  }
0x2d6: {  	[tilespmem:s4+$0xE468] =	vst v0  }
0x2d7: {  	v0 =	vld [tilespmem:s0+$0xE478];
	_ =	sdelay $0x4  }
0x2d8: {  	[tilespmem:s4+$0xE478] =	vst v0  }
0x2d9: {  	v0 =	vld [tilespmem:s0+$0xE488];
	_ =	sdelay $0x4  }
0x2da: {  	[tilespmem:s4+$0xE488] =	vst v0  }
0x2db: {  	v0 =	vld [tilespmem:s0+$0xE498];
	_ =	sdelay $0x4  }
0x2dc: {  	[tilespmem:s4+$0xE498] =	vst v0  }
0x2dd: {  	v0 =	vld [tilespmem:s0+$0xE4A8];
	_ =	sdelay $0x4  }
0x2de: {  	[tilespmem:s4+$0xE4A8] =	vst v0  }
0x2df: {  	v0 =	vld [tilespmem:s0+$0xE4B8];
	_ =	sdelay $0x4  }
0x2e0: {  	[tilespmem:s4+$0xE4B8] =	vst v0  }
0x2e1: {  	v0 =	vld [tilespmem:s0+$0xE4C8];
	_ =	sdelay $0x4  }
0x2e2: {  	[tilespmem:s4+$0xE4C8] =	vst v0  }
0x2e3: {  	v0 =	vld [tilespmem:s0+$0xE4D8];
	_ =	sdelay $0x4  }
0x2e4: {  	[tilespmem:s4+$0xE4D8] =	vst v0  }
0x2e5: {  	v0 =	vld [tilespmem:s0+$0xE4E8];
	_ =	sdelay $0x4  }
0x2e6: {  	[tilespmem:s4+$0xE4E8] =	vst v0  }
0x2e7: {  	v0 =	vld [tilespmem:s0+$0xE4F8];
	_ =	sdelay $0x4  }
0x2e8: {  	[tilespmem:s4+$0xE4F8] =	vst v0  }
0x2e9: {  	v0 =	vld [tilespmem:s0+$0xE508];
	_ =	sdelay $0x4  }
0x2ea: {  	[tilespmem:s4+$0xE508] =	vst v0  }
0x2eb: {  	v0 =	vld [tilespmem:s0+$0xE518];
	_ =	sdelay $0x4  }
0x2ec: {  	[tilespmem:s4+$0xE518] =	vst v0  }
0x2ed: {  	v0 =	vld [tilespmem:s0+$0xE528];
	_ =	sdelay $0x4  }
0x2ee: {  	s2 =	sadd.s32 $0x1, s2;
	[tilespmem:s4+$0xE528] =	vst v0  }
.LBB2_54:
0x2ef: {  	s3 =	sadd.s32 $0x1, s3  }
0x2f0: {  	p1 =	sne.s32 s3, $0x20  }
.Ltmp38:
0x2f1: {  	_ = 	snop;
	(pc) =	sbr.rel @!p1 .LBB2_55-.Ltmp38, $1  }
0x2f2: {  	_ =	sdelay $0x3  }
.LBB2_47:
0x2f3: {  	v0 =	vld.msk [tilespmem:s3+$0xE418], $0x1;
	_ =	sdelay $0x4  }
0x2f4: {  	(v2sf) =	vpush v0, $0x0;
	_ =	sdelay $0xe  }
0x2f5: {  	s0 =	spop (v2sf)  }
0x2f6: {  	p1 =	seq.s32 s0, $0xFFFFFFFF  }
.Ltmp39:
0x2f7: {  	_ = 	snop;
	(pc) =	sbr.rel @p1 .LBB2_54-.Ltmp39, $1  }
0x2f8: {  	_ =	sdelay $0x3  }
0x2f9: {  	p1 =	slt.s32 s2, $0x1  }
.Ltmp40:
0x2fa: {  	_ = 	snop;
	(pc) =	sbr.rel @p1 .LBB2_53-.Ltmp40, $1  }
0x2fb: {  	_ =	sdelay $0x3  }
0x2fc: {  	s4 =	simm.s32 $0xE418;
	p1 =	por $0x0, $0x0  }
0x2fd: {  	v1 =	vld.msk @!p1 [tilespmem:s4+$0x0], $0x1;
	_ =	sdelay $0x4  }
0x2fe: {  	(v2sf) =	vpush @!p1 v1, $0x0;
	_ =	sdelay $0xd  }
0x2ff: {  	p3 =	sne.s32 s2, $0x1  }
.Ltmp41:
0x300: {  	s5 =	spop @!p1 (v2sf);
	(pc) =	sbr.rel @!p3 .LBB2_51-.Ltmp41, $4  }
0x301: {  	p2 =	seq.s32 @!p1 s0, s5  }
0x302: {  	s5 =	simm.s32 $0x0;
	p2 =	por !p2, p1  }
0x303: {  	s7 =	simm.s32 $0xFFFFFFFF;
	s5 =	simm.s32 @p2 $0xFFFFFFFF  }
0x304: {  	s6 =	simm.s32 $0x1;
	s5 =	smov.u32 @p1 s7  }
.LBB2_50:
0x305: {  	s7 =	smov.u32 s5;
	p1 =	sne.s32 s5, $0xFFFFFFFF  }
0x306: {  	s4 =	sadd.s32 $0x1, s4;
	s5 =	smov.u32 s6;
	s6 =	sadd.s32 $0x1, s6  }
0x307: {  	p2 =	sne.s32 s2, s6;
	v1 =	vld.msk @!p1 [tilespmem:s4+$0x0], $0x1;
	_ =	sdelay $0x4  }
0x308: {  	(v2sf) =	vpush @!p1 v1, $0x0;
	_ =	sdelay $0xe  }
.Ltmp42:
0x309: {  	s8 =	spop @!p1 (v2sf);
	(pc) =	sbr.rel @p2 .LBB2_50-.Ltmp42, $4  }
0x30a: {  	p3 =	seq.s32 @!p1 s0, s8  }
0x30b: {  	p3 =	por !p3, p1  }
0x30c: {  	s5 =	simm.s32 @p3 $0xFFFFFFFF  }
0x30d: {  	s5 =	smov.u32 @p1 s7  }
.LBB2_51:
0x30e: {  	p1 =	seq.s32 s5, $0xFFFFFFFF  }
.Ltmp43:
0x30f: {  	_ = 	snop;
	(pc) =	sbr.rel @p1 .LBB2_53-.Ltmp43, $1  }
0x310: {  	_ =	sdelay $0x3  }
0x311: {  	s0 =	sshll.u32 s3, $0x8  }
0x312: {  	s0 =	sand.u32 $0x3FFFFF00, s0  }
0x313: {  	v0 =	vld [tilespmem:s0+$0xE438];
	_ =	sdelay $0x2  }
0x314: {  	s4 =	sshll.u32 s5, $0xA  }
0x315: {  	s4 =	sshra.s32 s4, $0x2  }
0x316: {  	[tilespmem:s4+$0xE438] =	vst.add.f32.msk $0xffff, v0  }
0x317: {  	v0 =	vld [tilespmem:s0+$0xE448];
	_ =	sdelay $0x4  }
0x318: {  	[tilespmem:s4+$0xE448] =	vst.add.f32.msk $0xffff, v0  }
0x319: {  	v0 =	vld [tilespmem:s0+$0xE458];
	_ =	sdelay $0x4  }
0x31a: {  	[tilespmem:s4+$0xE458] =	vst.add.f32.msk $0xffff, v0  }
0x31b: {  	v0 =	vld [tilespmem:s0+$0xE468];
	_ =	sdelay $0x4  }
0x31c: {  	[tilespmem:s4+$0xE468] =	vst.add.f32.msk $0xffff, v0  }
0x31d: {  	v0 =	vld [tilespmem:s0+$0xE478];
	_ =	sdelay $0x4  }
0x31e: {  	[tilespmem:s4+$0xE478] =	vst.add.f32.msk $0xffff, v0  }
0x31f: {  	v0 =	vld [tilespmem:s0+$0xE488];
	_ =	sdelay $0x4  }
0x320: {  	[tilespmem:s4+$0xE488] =	vst.add.f32.msk $0xffff, v0  }
0x321: {  	v0 =	vld [tilespmem:s0+$0xE498];
	_ =	sdelay $0x4  }
0x322: {  	[tilespmem:s4+$0xE498] =	vst.add.f32.msk $0xffff, v0  }
0x323: {  	v0 =	vld [tilespmem:s0+$0xE4A8];
	_ =	sdelay $0x4  }
0x324: {  	[tilespmem:s4+$0xE4A8] =	vst.add.f32.msk $0xffff, v0  }
0x325: {  	v0 =	vld [tilespmem:s0+$0xE4B8];
	_ =	sdelay $0x4  }
0x326: {  	[tilespmem:s4+$0xE4B8] =	vst.add.f32.msk $0xffff, v0  }
0x327: {  	v0 =	vld [tilespmem:s0+$0xE4C8];
	_ =	sdelay $0x4  }
0x328: {  	[tilespmem:s4+$0xE4C8] =	vst.add.f32.msk $0xffff, v0  }
0x329: {  	v0 =	vld [tilespmem:s0+$0xE4D8];
	_ =	sdelay $0x4  }
0x32a: {  	[tilespmem:s4+$0xE4D8] =	vst.add.f32.msk $0xffff, v0  }
0x32b: {  	v0 =	vld [tilespmem:s0+$0xE4E8];
	_ =	sdelay $0x4  }
0x32c: {  	[tilespmem:s4+$0xE4E8] =	vst.add.f32.msk $0xffff, v0  }
0x32d: {  	v0 =	vld [tilespmem:s0+$0xE4F8];
	_ =	sdelay $0x4  }
0x32e: {  	[tilespmem:s4+$0xE4F8] =	vst.add.f32.msk $0xffff, v0  }
0x32f: {  	v0 =	vld [tilespmem:s0+$0xE508];
	_ =	sdelay $0x4  }
0x330: {  	[tilespmem:s4+$0xE508] =	vst.add.f32.msk $0xffff, v0  }
0x331: {  	v0 =	vld [tilespmem:s0+$0xE518];
	_ =	sdelay $0x4  }
0x332: {  	[tilespmem:s4+$0xE518] =	vst.add.f32.msk $0xffff, v0  }
0x333: {  	v0 =	vld [tilespmem:s0+$0xE528]  }
.Ltmp44:
0x334: {  	_ = 	snop;
	(pc) =	sbr.rel .LBB2_54-.Ltmp44, $2  }
0x335: {  	_ =	sdelay $0x2  }
0x336: {  	[tilespmem:s4+$0xE528] =	vst.add.f32.msk $0xffff, v0  }
.LBB2_55:
0x337: {  	p1 =	slt.s32 s2, $0x1  }
.Ltmp45:
0x338: {  	_ = 	snop;
	(pc) =	sbr.rel @p1 .LBB2_59-.Ltmp45, $3  }
0x339: {  	_ =	sdelay $0x1  }
0x33a: {  	s0 =	simm.s32 $0x8  }
0x33b: {  	s4 =	simm.s32 $0x0;
	[sflag:s0] =	ssyncpa.u1 $0x1  }
0x33c: {  	s0 =	simm.s32 $0xE418  }
0x33d: {  	v0 =	vld.msk [tilespmem:s0+$0x0], $0x1;
	_ =	sdelay $0x4  }
0x33e: {  	(v2sf) =	vpush v0, $0x0;
	_ =	sdelay $0xe  }
0x33f: {  	s0 =	sadd.s32 $0xFFFFFFFF, s2;
	s3 =	spop (v2sf)  }
0x340: {  	s6 =	simm.s32 $0xE438;
	p1 =	sne.s32 s0, $0x0;
	p2 =	sgt.u32 s3, $0x4E170  }
.Ltmp46:
0x341: {  	s2 =	simm.s32 $0xE538;
	s5 =	sand.u32 @!p2 $0x7FFF8, s3;
	(pc) =	sbr.rel @!p1 .LBB2_58-.Ltmp46, $4  }
0x342: {  	s7 =	sadd.s32 @!p2 $0x80, s3;
	s4 =	simm.s32 @!p2 $0x400;
	s8 =	sadd.s32 @!p2 s1, s5  }
0x343: {  	s5 =	sand.u32 @!p2 $0x7, s3;
	s3 =	simm.s32 $0xE419;
	s7 =	sand.u32 @!p2 $0xFFFF8, s7  }
0x344: {  	[hbm4b:s8+s5] =	stream.linear.scatter @!p2 [tilespmem:s6], [sflag:$0x7], $0x80, $0x38;
	[tilespmem:$0x1E678] =	vst v63  }
0x345: {  	s4 =	sadd.s32 $0x0, s4;
	s6 =	simm.s32 @!p2 $0xE4B8;
	s7 =	sadd.s32 @!p2 s1, s7  }
.LBB2_57:
0x346: {  	[hbm4b:s7+s5] =	stream.linear.scatter @!p2 [tilespmem:s6], [sflag:$0x7], $0x80, $0x38;
	[tilespmem:$0x1E678] =	vst v63  }
0x347: {  	s0 =	sadd.s32 $0xFFFFFFFF, s0;
	s6 =	smov.u32 s2;
	v0 =	vld.msk [tilespmem:s3+$0x0], $0x1  }
0x348: {  	p1 =	sne.s32 s0, $0x0;
	_ =	sdelay $0x3  }
0x349: {  	(v2sf) =	vpush v0, $0x0;
	_ =	sdelay $0xe  }
0x34a: {  	s2 =	sadd.s32 $0x100, s2;
	s8 =	simm.s32 $0x0;
	s5 =	spop (v2sf)  }
.Ltmp47:
0x34b: {  	s3 =	sadd.s32 $0x1, s3;
	p2 =	sgt.u32 s5, $0x4E170;
	(pc) =	sbr.rel @p1 .LBB2_57-.Ltmp47, $4  }
0x34c: {  	s8 =	simm.s32 @!p2 $0x400;
	s7 =	sand.u32 @!p2 $0x7FFF8, s5;
	s9 =	sadd.s32 @!p2 $0x80, s5  }
0x34d: {  	s5 =	sand.u32 @!p2 $0x7, s5;
	s7 =	sadd.s32 @!p2 s1, s7;
	s9 =	sand.u32 @!p2 $0xFFFF8, s9  }
0x34e: {  	[hbm4b:s7+s5] =	stream.linear.scatter @!p2 [tilespmem:s6], [sflag:$0x7], $0x80, $0x38;
	[tilespmem:$0x1E678] =	vst v63  }
0x34f: {  	s4 =	sadd.s32 s4, s8;
	s6 =	sadd.s32 @!p2 $0x80, s6;
	s7 =	sadd.s32 @!p2 s1, s9  }
.LBB2_58:
0x350: {  	[hbm4b:s7+s5] =	stream.linear.scatter @!p2 [tilespmem:s6], [sflag:$0x7], $0x80, $0x38;
	[tilespmem:$0x1E678] =	vst v63  }
0x351: {  	s4 =	sshrl.u32 s4, $0x2  }
.LBB2_59:
0x352: {  	s0 =	simm.s32 $0x7  }
0x353: {  	_ =	swait.ge [sflag:s0], s4  }
0x354: {  	s1 =	ssub.s32 $0x0, s4;
	[sflag:s0] =	ssyncset.done $0x0  }
0x355: {  	[sflag:s0] =	ssyncadd.s32 s1  }
0x356: {  	[sflag:s0] =	ssyncpa.u1 $0x1  }
.LBB2_60:
0x357: {  	_ =	sfence;
	s0 =	simm.s32 $0x1  }
0x358: {  	[sflag:s0] =	ssyncpa.u1 $0x1  }
0x359: {  	_ =	strace $0x9000004D  }
0x35a: {  	[bflag:$0x2] =	sbarrier.arrive $0xFFFF  }
0x35b: {  	s0 =	rddreg [dreg:$0x3]  }
0x35c: {  	s0 =	sadd.s32 @!p0 $0x100000, s0  }
0x35d: {  	[sflag:s0] =	ssyncadd.tile.s32 @!p0 $0x1;
	_ =	shalt  }
.Lfunc_end2:
_tile_overlayer_lowered:
.L_overlay_start_2:
0x35e: {  	(tag) =	ssettag $0x2  }
0x35f: {  	s0 =	rddreg [dreg:$0x0];
	s2 =	stileid.u32  }
0x360: {  	s1 =	rddreg [dreg:$0x1];
	p0 =	sne.s32 s2, $0x0  }
0x361: {  	s3 =	rddreg [dreg:$0x2];
	[bflag:$0x3] =	sbarrier.arrive $0xFFFF;
	s2 =	simm.s32 @!p0 $0x1C01  }
0x362: {  	[timem:s3], [sflag:s2] =	dma.local @!p0 [hbm:s0], s1  }
0x363: {  	s0 =	simm.s32 @!p0 $0x1  }
0x364: {  	_ =	swait.ge @!p0 [sflag:s0], s1  }
0x365: {  	s1 =	ssub.s32 @!p0 $0x0, s1;
	[sflag:s0] =	ssyncset.done @!p0 $0x0  }
0x366: {  	[sflag:s0] =	ssyncadd.s32 @!p0 s1  }
0x367: {  	[bflag:$0x3] =	sbarrier.arrive $0xFFFF  }
0x368: {  	_ =	shalt  }

</sc_bundles>
